<compile_context>
chip_gen: v7x
topology: tpu7x:2x2x1
jax: 0.10.2.dev20260603
libtpu: 0.0.44.dev20260713+nightly
codegen_flags: <defaults>
</compile_context>

<pallas_src>
import functools

import jax
import jax.numpy as jnp
from jax import lax
from jax.experimental import pallas as pl
from jax.experimental.pallas import tpu as pltpu
from jax.experimental.pallas import tpu_sc as plsc

_L = 16


@functools.lru_cache(maxsize=None)
def _build(h, w, n):
    info = plsc.get_sparse_core_info()
    nc, ns = info.num_cores, info.num_subcores
    nw = nc * ns
    per_w = n // nw
    c = min(8192, per_w)
    nchunk = per_w // c
    assert nchunk >= 4 and nchunk % 2 == 0
    nvec = c // _L
    mesh = plsc.VectorSubcoreMesh(core_axis_name="c", subcore_axis_name="s")

    @functools.partial(
        pl.kernel,
        mesh=mesh,
        out_type=jax.ShapeDtypeStruct((nw, _L), jnp.float32),
        scratch_types=[
            pltpu.VMEM((c,), jnp.float32),
            pltpu.VMEM((c,), jnp.float32),
            pltpu.VMEM((c,), jnp.float32),
            pltpu.VMEM((c,), jnp.float32),
            pltpu.VMEM((c,), jnp.float32),
            pltpu.VMEM((c,), jnp.float32),
            pltpu.VMEM((c,), jnp.int32),
            pltpu.VMEM((c,), jnp.int32),
            pltpu.VMEM((c,), jnp.int32),
            pltpu.VMEM((c,), jnp.float32),
            pltpu.VMEM((c,), jnp.float32),
            pltpu.VMEM((c,), jnp.float32),
            pltpu.VMEM((_L,), jnp.float32),
            pltpu.SemaphoreType.DMA((3,)),
            pltpu.SemaphoreType.DMA((3,)),
            pltpu.SemaphoreType.DMA((3, 2)),
        ],
    )
    def bouncer(tab, xs, ys, out, xv0, xv1, xv2, yv0, yv1, yv2,
                iv0, iv1, iv2, tv0, tv1, tv2, accv, semx, semy, semt):
        wid = lax.axis_index("s") * nc + lax.axis_index("c")
        base = wid * per_w
        xvs, yvs = (xv0, xv1, xv2), (yv0, yv1, yv2)
        ivs, tvs = (iv0, iv1, iv2), (tv0, tv1, tv2)

        def xy_copies(k, b):
            off = base + k * c
            return (
                pltpu.make_async_copy(xs.at[pl.ds(off, c)], xvs[b], semx.at[b]),
                pltpu.make_async_copy(ys.at[pl.ds(off, c)], yvs[b], semy.at[b]),
            )

        half = c // 2

        def gather_copies(b):
            return tuple(
                pltpu.make_async_copy(
                    tab.at[ivs[b].at[pl.ds(hf * half, half)]],
                    tvs[b].at[pl.ds(hf * half, half)],
                    semt.at[b, hf])
                for hf in range(2)
            )

        def mkidx(b):
            xv, yv, iv = xvs[b], yvs[b], ivs[b]

            def body(i, carry):
                s = pl.ds(pl.multiple_of(i * _L, _L), _L)
                xi = xv[s].astype(jnp.int32)
                yi = yv[s].astype(jnp.int32)
                iv[s] = yi * w + xi
                return carry

            lax.fori_loop(0, nvec, body, 0, unroll=8)

        def accum(b, acc):
            xv, yv, tv = xvs[b], yvs[b], tvs[b]
            mask = jnp.full((_L,), 0xFFF, jnp.int32)

            def body(i, a):
                s = pl.ds(pl.multiple_of(i * _L, _L), _L)
                p = tv[s].astype(jnp.int32)
                ty = (p & mask).astype(jnp.float32)
                tx = lax.shift_right_logical(p, 12).astype(jnp.float32)
                dx = xv[s] - tx
                dy = yv[s] - ty
                return a + dx * dx + dy * dy

            return lax.fori_loop(0, nvec, body, acc, unroll=8)

        for k in range(min(3, nchunk)):
            for cp in xy_copies(k, k % 3):
                cp.start()
        for k in range(min(2, nchunk)):
            for cp in xy_copies(k, k % 3):
                cp.wait()
            mkidx(k % 3)
            for cp in gather_copies(k % 3):
                cp.start()

        acc = jnp.zeros((_L,), jnp.float32)
        for k in range(nchunk):
            b = k % 3
            if k + 2 < nchunk:
                b2 = (k + 2) % 3
                for cp in xy_copies(k + 2, b2):
                    cp.wait()
                mkidx(b2)
                for cp in gather_copies(b2):
                    cp.start()
            for cp in gather_copies(b):
                cp.wait()
            acc = accum(b, acc)
            if k + 3 < nchunk:
                for cp in xy_copies(k + 3, b):
                    cp.start()

        accv[...] = acc
        pltpu.sync_copy(accv, out.at[wid])

    return bouncer


def kernel(dtxy, x, y):
    h, w = dtxy.shape[1], dtxy.shape[2]
    n = x.shape[0]
    tab = dtxy[1].reshape(-1) * 4096.0 + dtxy[0].reshape(-1)
    part = _build(h, w, n)(tab, x, y)
    return jnp.sum(part) / (2.0 * n)

# --- scband reference (transcript-rebuilt; emitter-appended) ---
"""Pipeline reference for scband-bouncer-10488310137327 (READ-ONLY COPY).

The authoritative reference and input builder live on the scoring server;
editing this copy changes nothing except your own understanding.
"""

import jax, jax.numpy as jnp
import numpy as np

H, W = 2048, 2048
N = 2097152

def setup_inputs(seed: int = 0) -> dict:
    key = jax.random.key(seed)
    k1, k2, k3 = jax.random.split(key, 3)
    # dtxy emulates scipy.ndimage.distance_transform_edt(return_indices=True):
    # channel 0 = row (y) index of nearest target pixel, channel 1 = col (x) index.
    dty = jax.random.randint(k1, (H, W), 0, H).astype(jnp.float32)
    dtx = jax.random.randint(jax.random.fold_in(k1, 1), (H, W), 0, W).astype(jnp.float32)
    dtxy = jnp.stack([dty, dtx], axis=0)
    # learned point coordinates (the nn.Parameters self.x, self.y)
    x = jax.random.uniform(k2, (N,), dtype=jnp.float32) * (W - 1)
    y = jax.random.uniform(k3, (N,), dtype=jnp.float32) * (H - 1)
    return {"dtxy": dtxy, "x": x, "y": y}

def reference(dtxy, x, y):
    h, w = dtxy.shape[1], dtxy.shape[2]
    # clamp + long() truncation, then gather target coords (done under no_grad in torch)
    xi = jnp.clip(x, 0, w - 1).astype(jnp.int32)
    yi = jnp.clip(y, 0, h - 1).astype(jnp.int32)
    ty = dtxy[0, yi, xi]
    tx = dtxy[1, yi, xi]
    loss = (jnp.mean((x - tx) ** 2) + jnp.mean((y - ty) ** 2)) / 2.0
    return loss

if __name__ == "__main__":
    import jax
    _d = setup_inputs()
    print(jax.jit(kernel)(*tuple(_d.values())))

</pallas_src>

<mosaic_0001>
#map = affine_map<(d0, d1) -> (0)>
#map1 = affine_map<(d0, d1) -> (0, 0)>
module attributes {stable_mosaic.version = 14 : i64} {
  func.func @bouncer(%arg0: i32, %arg1: i32, %arg2: memref<4194304xf32, #tpu.memory_space<hbm>>, %arg3: memref<2097152xf32, #tpu.memory_space<hbm>>, %arg4: memref<2097152xf32, #tpu.memory_space<hbm>>, %arg5: memref<32x16xf32, #tpu.memory_space<hbm>>, %arg6: memref<8192xf32, #tpu.memory_space<vmem>>, %arg7: memref<8192xf32, #tpu.memory_space<vmem>>, %arg8: memref<8192xf32, #tpu.memory_space<vmem>>, %arg9: memref<8192xf32, #tpu.memory_space<vmem>>, %arg10: memref<8192xf32, #tpu.memory_space<vmem>>, %arg11: memref<8192xf32, #tpu.memory_space<vmem>>, %arg12: memref<8192xi32, #tpu.memory_space<vmem>>, %arg13: memref<8192xi32, #tpu.memory_space<vmem>>, %arg14: memref<8192xi32, #tpu.memory_space<vmem>>, %arg15: memref<8192xf32, #tpu.memory_space<vmem>>, %arg16: memref<8192xf32, #tpu.memory_space<vmem>>, %arg17: memref<8192xf32, #tpu.memory_space<vmem>>, %arg18: memref<16xf32, #tpu.memory_space<vmem>>, %arg19: memref<3x!tpu.dma_semaphore, #tpu.memory_space<semaphore_mem>>, %arg20: memref<3x!tpu.dma_semaphore, #tpu.memory_space<semaphore_mem>>, %arg21: memref<3x2x!tpu.dma_semaphore, #tpu.memory_space<semaphore_mem>>) attributes {dimension_semantics = [#tpu.dimension_semantics<core_parallel>, #tpu.dimension_semantics<subcore_parallel>], iteration_bounds = array<i64: 2, 16>, scalar_prefetch = 0 : i64, scratch_operands = 16 : i64, tpu.core_type = #tpu.core_type<sc_vector_subcore>, window_params = [{transform_indices = #map}, {transform_indices = #map}, {transform_indices = #map}, {transform_indices = #map1}]} {
    %mul3A = arith.constant 2 : i32
    %mul3A_0 = arith.muli %arg1, %mul3A : i32
    %add3A = arith.addi %mul3A_0, %arg0 : i32
    %mul3A_1 = arith.constant 65536 : i32
    %mul3A_2 = arith.muli %add3A, %mul3A_1 : i32
    %add3A_3 = arith.constant 0 : i32
    %add3A_4 = arith.addi %mul3A_2, %add3A_3 : i32
    %dma_start3A = arith.constant 0 : i32
    %dma_start3A_5 = tpu.memref_slice %arg3[%add3A_4] : memref<2097152xf32, #tpu.memory_space<hbm>> -> memref<8192xf32, #tpu.memory_space<hbm>>
    %dma_start3A_6 = tpu.memref_slice %arg19[%dma_start3A] : memref<3x!tpu.dma_semaphore, #tpu.memory_space<semaphore_mem>> -> memref<1x!tpu.dma_semaphore, #tpu.memory_space<semaphore_mem>>
    %dma_start3A_7 = tpu.memref_squeeze %dma_start3A_6 : memref<1x!tpu.dma_semaphore, #tpu.memory_space<semaphore_mem>> -> memref<!tpu.dma_semaphore, #tpu.memory_space<semaphore_mem>>
    %dma_start3A_8 = tpu.memref_slice %arg3[%add3A_4] : memref<2097152xf32, #tpu.memory_space<hbm>> -> memref<8192xf32, #tpu.memory_space<hbm>>
    tpu.enqueue_dma source(%dma_start3A_8 : memref<8192xf32, #tpu.memory_space<hbm>>) target(%arg6 : memref<8192xf32, #tpu.memory_space<vmem>>) target_semaphore(%dma_start3A_7 : memref<!tpu.dma_semaphore, #tpu.memory_space<semaphore_mem>>)
    %dma_start3A_9 = arith.constant 0 : i32
    %dma_start3A_10 = tpu.memref_slice %arg4[%add3A_4] : memref<2097152xf32, #tpu.memory_space<hbm>> -> memref<8192xf32, #tpu.memory_space<hbm>>
    %dma_start3A_11 = tpu.memref_slice %arg20[%dma_start3A_9] : memref<3x!tpu.dma_semaphore, #tpu.memory_space<semaphore_mem>> -> memref<1x!tpu.dma_semaphore, #tpu.memory_space<semaphore_mem>>
    %dma_start3A_12 = tpu.memref_squeeze %dma_start3A_11 : memref<1x!tpu.dma_semaphore, #tpu.memory_space<semaphore_mem>> -> memref<!tpu.dma_semaphore, #tpu.memory_space<semaphore_mem>>
    %dma_start3A_13 = tpu.memref_slice %arg4[%add3A_4] : memref<2097152xf32, #tpu.memory_space<hbm>> -> memref<8192xf32, #tpu.memory_space<hbm>>
    tpu.enqueue_dma source(%dma_start3A_13 : memref<8192xf32, #tpu.memory_space<hbm>>) target(%arg9 : memref<8192xf32, #tpu.memory_space<vmem>>) target_semaphore(%dma_start3A_12 : memref<!tpu.dma_semaphore, #tpu.memory_space<semaphore_mem>>)
    %add3A_14 = arith.constant 8192 : i32
    %add3A_15 = arith.addi %mul3A_2, %add3A_14 : i32
    %dma_start3A_16 = arith.constant 1 : i32
    %dma_start3A_17 = tpu.memref_slice %arg3[%add3A_15] : memref<2097152xf32, #tpu.memory_space<hbm>> -> memref<8192xf32, #tpu.memory_space<hbm>>
    %dma_start3A_18 = tpu.memref_slice %arg19[%dma_start3A_16] : memref<3x!tpu.dma_semaphore, #tpu.memory_space<semaphore_mem>> -> memref<1x!tpu.dma_semaphore, #tpu.memory_space<semaphore_mem>>
    %dma_start3A_19 = tpu.memref_squeeze %dma_start3A_18 : memref<1x!tpu.dma_semaphore, #tpu.memory_space<semaphore_mem>> -> memref<!tpu.dma_semaphore, #tpu.memory_space<semaphore_mem>>
    %dma_start3A_20 = tpu.memref_slice %arg3[%add3A_15] : memref<2097152xf32, #tpu.memory_space<hbm>> -> memref<8192xf32, #tpu.memory_space<hbm>>
    tpu.enqueue_dma source(%dma_start3A_20 : memref<8192xf32, #tpu.memory_space<hbm>>) target(%arg7 : memref<8192xf32, #tpu.memory_space<vmem>>) target_semaphore(%dma_start3A_19 : memref<!tpu.dma_semaphore, #tpu.memory_space<semaphore_mem>>)
    %dma_start3A_21 = arith.constant 1 : i32
    %dma_start3A_22 = tpu.memref_slice %arg4[%add3A_15] : memref<2097152xf32, #tpu.memory_space<hbm>> -> memref<8192xf32, #tpu.memory_space<hbm>>
    %dma_start3A_23 = tpu.memref_slice %arg20[%dma_start3A_21] : memref<3x!tpu.dma_semaphore, #tpu.memory_space<semaphore_mem>> -> memref<1x!tpu.dma_semaphore, #tpu.memory_space<semaphore_mem>>
    %dma_start3A_24 = tpu.memref_squeeze %dma_start3A_23 : memref<1x!tpu.dma_semaphore, #tpu.memory_space<semaphore_mem>> -> memref<!tpu.dma_semaphore, #tpu.memory_space<semaphore_mem>>
    %dma_start3A_25 = tpu.memref_slice %arg4[%add3A_15] : memref<2097152xf32, #tpu.memory_space<hbm>> -> memref<8192xf32, #tpu.memory_space<hbm>>
    tpu.enqueue_dma source(%dma_start3A_25 : memref<8192xf32, #tpu.memory_space<hbm>>) target(%arg10 : memref<8192xf32, #tpu.memory_space<vmem>>) target_semaphore(%dma_start3A_24 : memref<!tpu.dma_semaphore, #tpu.memory_space<semaphore_mem>>)
    %add3A_26 = arith.constant 16384 : i32
    %add3A_27 = arith.addi %mul3A_2, %add3A_26 : i32
    %dma_start3A_28 = arith.constant 2 : i32
    %dma_start3A_29 = tpu.memref_slice %arg3[%add3A_27] : memref<2097152xf32, #tpu.memory_space<hbm>> -> memref<8192xf32, #tpu.memory_space<hbm>>
    %dma_start3A_30 = tpu.memref_slice %arg19[%dma_start3A_28] : memref<3x!tpu.dma_semaphore, #tpu.memory_space<semaphore_mem>> -> memref<1x!tpu.dma_semaphore, #tpu.memory_space<semaphore_mem>>
    %dma_start3A_31 = tpu.memref_squeeze %dma_start3A_30 : memref<1x!tpu.dma_semaphore, #tpu.memory_space<semaphore_mem>> -> memref<!tpu.dma_semaphore, #tpu.memory_space<semaphore_mem>>
    %dma_start3A_32 = tpu.memref_slice %arg3[%add3A_27] : memref<2097152xf32, #tpu.memory_space<hbm>> -> memref<8192xf32, #tpu.memory_space<hbm>>
    tpu.enqueue_dma source(%dma_start3A_32 : memref<8192xf32, #tpu.memory_space<hbm>>) target(%arg8 : memref<8192xf32, #tpu.memory_space<vmem>>) target_semaphore(%dma_start3A_31 : memref<!tpu.dma_semaphore, #tpu.memory_space<semaphore_mem>>)
    %dma_start3A_33 = arith.constant 2 : i32
    %dma_start3A_34 = tpu.memref_slice %arg4[%add3A_27] : memref<2097152xf32, #tpu.memory_space<hbm>> -> memref<8192xf32, #tpu.memory_space<hbm>>
    %dma_start3A_35 = tpu.memref_slice %arg20[%dma_start3A_33] : memref<3x!tpu.dma_semaphore, #tpu.memory_space<semaphore_mem>> -> memref<1x!tpu.dma_semaphore, #tpu.memory_space<semaphore_mem>>
    %dma_start3A_36 = tpu.memref_squeeze %dma_start3A_35 : memref<1x!tpu.dma_semaphore, #tpu.memory_space<semaphore_mem>> -> memref<!tpu.dma_semaphore, #tpu.memory_space<semaphore_mem>>
    %dma_start3A_37 = tpu.memref_slice %arg4[%add3A_27] : memref<2097152xf32, #tpu.memory_space<hbm>> -> memref<8192xf32, #tpu.memory_space<hbm>>
    tpu.enqueue_dma source(%dma_start3A_37 : memref<8192xf32, #tpu.memory_space<hbm>>) target(%arg11 : memref<8192xf32, #tpu.memory_space<vmem>>) target_semaphore(%dma_start3A_36 : memref<!tpu.dma_semaphore, #tpu.memory_space<semaphore_mem>>)
    %add3A_38 = arith.constant 0 : i32
    %add3A_39 = arith.addi %mul3A_2, %add3A_38 : i32
    %dma_wait3A = arith.constant 0 : i32
    %dma_wait3A_40 = tpu.memref_slice %arg3[%add3A_39] : memref<2097152xf32, #tpu.memory_space<hbm>> -> memref<8192xf32, #tpu.memory_space<hbm>>
    %dma_wait3A_41 = tpu.memref_slice %arg19[%dma_wait3A] : memref<3x!tpu.dma_semaphore, #tpu.memory_space<semaphore_mem>> -> memref<1x!tpu.dma_semaphore, #tpu.memory_space<semaphore_mem>>
    %dma_wait3A_42 = tpu.memref_squeeze %dma_wait3A_41 : memref<1x!tpu.dma_semaphore, #tpu.memory_space<semaphore_mem>> -> memref<!tpu.dma_semaphore, #tpu.memory_space<semaphore_mem>>
    %dma_wait3A_43 = tpu.memref_slice %arg3[%add3A_39] : memref<2097152xf32, #tpu.memory_space<hbm>> -> memref<8192xf32, #tpu.memory_space<hbm>>
    tpu.wait_dma2 semaphore(%dma_wait3A_42 : memref<!tpu.dma_semaphore, #tpu.memory_space<semaphore_mem>>) src(%dma_wait3A_43 : memref<8192xf32, #tpu.memory_space<hbm>>) dst(%arg6 : memref<8192xf32, #tpu.memory_space<vmem>>)
    %dma_wait3A_44 = arith.constant 0 : i32
    %dma_wait3A_45 = tpu.memref_slice %arg4[%add3A_39] : memref<2097152xf32, #tpu.memory_space<hbm>> -> memref<8192xf32, #tpu.memory_space<hbm>>
    %dma_wait3A_46 = tpu.memref_slice %arg20[%dma_wait3A_44] : memref<3x!tpu.dma_semaphore, #tpu.memory_space<semaphore_mem>> -> memref<1x!tpu.dma_semaphore, #tpu.memory_space<semaphore_mem>>
    %dma_wait3A_47 = tpu.memref_squeeze %dma_wait3A_46 : memref<1x!tpu.dma_semaphore, #tpu.memory_space<semaphore_mem>> -> memref<!tpu.dma_semaphore, #tpu.memory_space<semaphore_mem>>
    %dma_wait3A_48 = tpu.memref_slice %arg4[%add3A_39] : memref<2097152xf32, #tpu.memory_space<hbm>> -> memref<8192xf32, #tpu.memory_space<hbm>>
    tpu.wait_dma2 semaphore(%dma_wait3A_47 : memref<!tpu.dma_semaphore, #tpu.memory_space<semaphore_mem>>) src(%dma_wait3A_48 : memref<8192xf32, #tpu.memory_space<hbm>>) dst(%arg9 : memref<8192xf32, #tpu.memory_space<vmem>>)
    %scan3A = arith.constant 0 : i32
    %scan3A_49 = arith.constant 0 : i32
    %scan3A_50 = arith.constant 512 : i32
    %scan3A_51 = arith.addi %scan3A_49, %scan3A_50 : i32
    %scan3A_52 = arith.constant 8 : i32
    scf.for %scan3A_628 = %scan3A_49 to %scan3A_51 step %scan3A_52  : i32 {
      %mul3A_629 = arith.constant 16 : i32
      %mul3A_630 = arith.muli %scan3A_628, %mul3A_629 : i32
      %multiple_of3A = tpu.assume_multiple %mul3A_630, 16 : i32
      %get3A = arith.index_cast %multiple_of3A : i32 to index
      %get3A_631 = tpu.vector_load %arg6[%get3A] {strides = array<i32>} : memref<8192xf32, #tpu.memory_space<vmem>>, vector<16xf32>,
      %get3A_632 = vector.shape_cast %get3A_631 : vector<16xf32> to vector<16xf32>
      %convert_element_type3A = arith.fptosi %get3A_632 : vector<16xf32> to vector<16xi32>
      %get3A_633 = arith.index_cast %multiple_of3A : i32 to index
      %get3A_634 = tpu.vector_load %arg9[%get3A_633] {strides = array<i32>} : memref<8192xf32, #tpu.memory_space<vmem>>, vector<16xf32>,
      %get3A_635 = vector.shape_cast %get3A_634 : vector<16xf32> to vector<16xf32>
      %convert_element_type3A_636 = arith.fptosi %get3A_635 : vector<16xf32> to vector<16xi32>
      %mul3A_637 = arith.constant 2048 : i32
      %mul3A_638 = vector.broadcast %mul3A_637 : i32 to vector<16xi32>
      %mul3A_639 = arith.muli %convert_element_type3A_636, %mul3A_638 : vector<16xi32>
      %add3A_640 = arith.addi %mul3A_639, %convert_element_type3A : vector<16xi32>
      %swap3A_641 = arith.index_cast %multiple_of3A : i32 to index
      %swap3A_642 = tpu.vector_load %arg12[%swap3A_641] {strides = array<i32>} : memref<8192xi32, #tpu.memory_space<vmem>>, vector<16xi32>,
      %swap3A_643 = vector.shape_cast %swap3A_642 : vector<16xi32> to vector<16xi32>
      %swap3A_644 = vector.shape_cast %add3A_640 : vector<16xi32> to vector<16xi32>
      tpu.vector_store %arg12[%swap3A_641], %swap3A_644 {strides = array<i32>} : memref<8192xi32, #tpu.memory_space<vmem>>, vector<16xi32>,
      %scan3A_645 = arith.constant 1 : i32
      %scan3A_646 = arith.addi %scan3A_628, %scan3A_645 : i32
      %mul3A_647 = arith.constant 16 : i32
      %mul3A_648 = arith.muli %scan3A_646, %mul3A_647 : i32
      %multiple_of3A_649 = tpu.assume_multiple %mul3A_648, 16 : i32
      %get3A_650 = arith.index_cast %multiple_of3A_649 : i32 to index
      %get3A_651 = tpu.vector_load %arg6[%get3A_650] {strides = array<i32>} : memref<8192xf32, #tpu.memory_space<vmem>>, vector<16xf32>,
      %get3A_652 = vector.shape_cast %get3A_651 : vector<16xf32> to vector<16xf32>
      %convert_element_type3A_653 = arith.fptosi %get3A_652 : vector<16xf32> to vector<16xi32>
      %get3A_654 = arith.index_cast %multiple_of3A_649 : i32 to index
      %get3A_655 = tpu.vector_load %arg9[%get3A_654] {strides = array<i32>} : memref<8192xf32, #tpu.memory_space<vmem>>, vector<16xf32>,
      %get3A_656 = vector.shape_cast %get3A_655 : vector<16xf32> to vector<16xf32>
      %convert_element_type3A_657 = arith.fptosi %get3A_656 : vector<16xf32> to vector<16xi32>
      %mul3A_658 = arith.constant 2048 : i32
      %mul3A_659 = vector.broadcast %mul3A_658 : i32 to vector<16xi32>
      %mul3A_660 = arith.muli %convert_element_type3A_657, %mul3A_659 : vector<16xi32>
      %add3A_661 = arith.addi %mul3A_660, %convert_element_type3A_653 : vector<16xi32>
      %swap3A_662 = arith.index_cast %multiple_of3A_649 : i32 to index
      %swap3A_663 = tpu.vector_load %arg12[%swap3A_662] {strides = array<i32>} : memref<8192xi32, #tpu.memory_space<vmem>>, vector<16xi32>,
      %swap3A_664 = vector.shape_cast %swap3A_663 : vector<16xi32> to vector<16xi32>
      %swap3A_665 = vector.shape_cast %add3A_661 : vector<16xi32> to vector<16xi32>
      tpu.vector_store %arg12[%swap3A_662], %swap3A_665 {strides = array<i32>} : memref<8192xi32, #tpu.memory_space<vmem>>, vector<16xi32>,
      %scan3A_666 = arith.constant 2 : i32
      %scan3A_667 = arith.addi %scan3A_628, %scan3A_666 : i32
      %mul3A_668 = arith.constant 16 : i32
      %mul3A_669 = arith.muli %scan3A_667, %mul3A_668 : i32
      %multiple_of3A_670 = tpu.assume_multiple %mul3A_669, 16 : i32
      %get3A_671 = arith.index_cast %multiple_of3A_670 : i32 to index
      %get3A_672 = tpu.vector_load %arg6[%get3A_671] {strides = array<i32>} : memref<8192xf32, #tpu.memory_space<vmem>>, vector<16xf32>,
      %get3A_673 = vector.shape_cast %get3A_672 : vector<16xf32> to vector<16xf32>
      %convert_element_type3A_674 = arith.fptosi %get3A_673 : vector<16xf32> to vector<16xi32>
      %get3A_675 = arith.index_cast %multiple_of3A_670 : i32 to index
      %get3A_676 = tpu.vector_load %arg9[%get3A_675] {strides = array<i32>} : memref<8192xf32, #tpu.memory_space<vmem>>, vector<16xf32>,
      %get3A_677 = vector.shape_cast %get3A_676 : vector<16xf32> to vector<16xf32>
      %convert_element_type3A_678 = arith.fptosi %get3A_677 : vector<16xf32> to vector<16xi32>
      %mul3A_679 = arith.constant 2048 : i32
      %mul3A_680 = vector.broadcast %mul3A_679 : i32 to vector<16xi32>
      %mul3A_681 = arith.muli %convert_element_type3A_678, %mul3A_680 : vector<16xi32>
      %add3A_682 = arith.addi %mul3A_681, %convert_element_type3A_674 : vector<16xi32>
      %swap3A_683 = arith.index_cast %multiple_of3A_670 : i32 to index
      %swap3A_684 = tpu.vector_load %arg12[%swap3A_683] {strides = array<i32>} : memref<8192xi32, #tpu.memory_space<vmem>>, vector<16xi32>,
      %swap3A_685 = vector.shape_cast %swap3A_684 : vector<16xi32> to vector<16xi32>
      %swap3A_686 = vector.shape_cast %add3A_682 : vector<16xi32> to vector<16xi32>
      tpu.vector_store %arg12[%swap3A_683], %swap3A_686 {strides = array<i32>} : memref<8192xi32, #tpu.memory_space<vmem>>, vector<16xi32>,
      %scan3A_687 = arith.constant 3 : i32
      %scan3A_688 = arith.addi %scan3A_628, %scan3A_687 : i32
      %mul3A_689 = arith.constant 16 : i32
      %mul3A_690 = arith.muli %scan3A_688, %mul3A_689 : i32
      %multiple_of3A_691 = tpu.assume_multiple %mul3A_690, 16 : i32
      %get3A_692 = arith.index_cast %multiple_of3A_691 : i32 to index
      %get3A_693 = tpu.vector_load %arg6[%get3A_692] {strides = array<i32>} : memref<8192xf32, #tpu.memory_space<vmem>>, vector<16xf32>,
      %get3A_694 = vector.shape_cast %get3A_693 : vector<16xf32> to vector<16xf32>
      %convert_element_type3A_695 = arith.fptosi %get3A_694 : vector<16xf32> to vector<16xi32>
      %get3A_696 = arith.index_cast %multiple_of3A_691 : i32 to index
      %get3A_697 = tpu.vector_load %arg9[%get3A_696] {strides = array<i32>} : memref<8192xf32, #tpu.memory_space<vmem>>, vector<16xf32>,
      %get3A_698 = vector.shape_cast %get3A_697 : vector<16xf32> to vector<16xf32>
      %convert_element_type3A_699 = arith.fptosi %get3A_698 : vector<16xf32> to vector<16xi32>
      %mul3A_700 = arith.constant 2048 : i32
      %mul3A_701 = vector.broadcast %mul3A_700 : i32 to vector<16xi32>
      %mul3A_702 = arith.muli %convert_element_type3A_699, %mul3A_701 : vector<16xi32>
      %add3A_703 = arith.addi %mul3A_702, %convert_element_type3A_695 : vector<16xi32>
      %swap3A_704 = arith.index_cast %multiple_of3A_691 : i32 to index
      %swap3A_705 = tpu.vector_load %arg12[%swap3A_704] {strides = array<i32>} : memref<8192xi32, #tpu.memory_space<vmem>>, vector<16xi32>,
      %swap3A_706 = vector.shape_cast %swap3A_705 : vector<16xi32> to vector<16xi32>
      %swap3A_707 = vector.shape_cast %add3A_703 : vector<16xi32> to vector<16xi32>
      tpu.vector_store %arg12[%swap3A_704], %swap3A_707 {strides = array<i32>} : memref<8192xi32, #tpu.memory_space<vmem>>, vector<16xi32>,
      %scan3A_708 = arith.constant 4 : i32
      %scan3A_709 = arith.addi %scan3A_628, %scan3A_708 : i32
      %mul3A_710 = arith.constant 16 : i32
      %mul3A_711 = arith.muli %scan3A_709, %mul3A_710 : i32
      %multiple_of3A_712 = tpu.assume_multiple %mul3A_711, 16 : i32
      %get3A_713 = arith.index_cast %multiple_of3A_712 : i32 to index
      %get3A_714 = tpu.vector_load %arg6[%get3A_713] {strides = array<i32>} : memref<8192xf32, #tpu.memory_space<vmem>>, vector<16xf32>,
      %get3A_715 = vector.shape_cast %get3A_714 : vector<16xf32> to vector<16xf32>
      %convert_element_type3A_716 = arith.fptosi %get3A_715 : vector<16xf32> to vector<16xi32>
      %get3A_717 = arith.index_cast %multiple_of3A_712 : i32 to index
      %get3A_718 = tpu.vector_load %arg9[%get3A_717] {strides = array<i32>} : memref<8192xf32, #tpu.memory_space<vmem>>, vector<16xf32>,
      %get3A_719 = vector.shape_cast %get3A_718 : vector<16xf32> to vector<16xf32>
      %convert_element_type3A_720 = arith.fptosi %get3A_719 : vector<16xf32> to vector<16xi32>
      %mul3A_721 = arith.constant 2048 : i32
      %mul3A_722 = vector.broadcast %mul3A_721 : i32 to vector<16xi32>
      %mul3A_723 = arith.muli %convert_element_type3A_720, %mul3A_722 : vector<16xi32>
      %add3A_724 = arith.addi %mul3A_723, %convert_element_type3A_716 : vector<16xi32>
      %swap3A_725 = arith.index_cast %multiple_of3A_712 : i32 to index
      %swap3A_726 = tpu.vector_load %arg12[%swap3A_725] {strides = array<i32>} : memref<8192xi32, #tpu.memory_space<vmem>>, vector<16xi32>,
      %swap3A_727 = vector.shape_cast %swap3A_726 : vector<16xi32> to vector<16xi32>
      %swap3A_728 = vector.shape_cast %add3A_724 : vector<16xi32> to vector<16xi32>
      tpu.vector_store %arg12[%swap3A_725], %swap3A_728 {strides = array<i32>} : memref<8192xi32, #tpu.memory_space<vmem>>, vector<16xi32>,
      %scan3A_729 = arith.constant 5 : i32
      %scan3A_730 = arith.addi %scan3A_628, %scan3A_729 : i32
      %mul3A_731 = arith.constant 16 : i32
      %mul3A_732 = arith.muli %scan3A_730, %mul3A_731 : i32
      %multiple_of3A_733 = tpu.assume_multiple %mul3A_732, 16 : i32
      %get3A_734 = arith.index_cast %multiple_of3A_733 : i32 to index
      %get3A_735 = tpu.vector_load %arg6[%get3A_734] {strides = array<i32>} : memref<8192xf32, #tpu.memory_space<vmem>>, vector<16xf32>,
      %get3A_736 = vector.shape_cast %get3A_735 : vector<16xf32> to vector<16xf32>
      %convert_element_type3A_737 = arith.fptosi %get3A_736 : vector<16xf32> to vector<16xi32>
      %get3A_738 = arith.index_cast %multiple_of3A_733 : i32 to index
      %get3A_739 = tpu.vector_load %arg9[%get3A_738] {strides = array<i32>} : memref<8192xf32, #tpu.memory_space<vmem>>, vector<16xf32>,
      %get3A_740 = vector.shape_cast %get3A_739 : vector<16xf32> to vector<16xf32>
      %convert_element_type3A_741 = arith.fptosi %get3A_740 : vector<16xf32> to vector<16xi32>
      %mul3A_742 = arith.constant 2048 : i32
      %mul3A_743 = vector.broadcast %mul3A_742 : i32 to vector<16xi32>
      %mul3A_744 = arith.muli %convert_element_type3A_741, %mul3A_743 : vector<16xi32>
      %add3A_745 = arith.addi %mul3A_744, %convert_element_type3A_737 : vector<16xi32>
      %swap3A_746 = arith.index_cast %multiple_of3A_733 : i32 to index
      %swap3A_747 = tpu.vector_load %arg12[%swap3A_746] {strides = array<i32>} : memref<8192xi32, #tpu.memory_space<vmem>>, vector<16xi32>,
      %swap3A_748 = vector.shape_cast %swap3A_747 : vector<16xi32> to vector<16xi32>
      %swap3A_749 = vector.shape_cast %add3A_745 : vector<16xi32> to vector<16xi32>
      tpu.vector_store %arg12[%swap3A_746], %swap3A_749 {strides = array<i32>} : memref<8192xi32, #tpu.memory_space<vmem>>, vector<16xi32>,
      %scan3A_750 = arith.constant 6 : i32
      %scan3A_751 = arith.addi %scan3A_628, %scan3A_750 : i32
      %mul3A_752 = arith.constant 16 : i32
      %mul3A_753 = arith.muli %scan3A_751, %mul3A_752 : i32
      %multiple_of3A_754 = tpu.assume_multiple %mul3A_753, 16 : i32
      %get3A_755 = arith.index_cast %multiple_of3A_754 : i32 to index
      %get3A_756 = tpu.vector_load %arg6[%get3A_755] {strides = array<i32>} : memref<8192xf32, #tpu.memory_space<vmem>>, vector<16xf32>,
      %get3A_757 = vector.shape_cast %get3A_756 : vector<16xf32> to vector<16xf32>
      %convert_element_type3A_758 = arith.fptosi %get3A_757 : vector<16xf32> to vector<16xi32>
      %get3A_759 = arith.index_cast %multiple_of3A_754 : i32 to index
      %get3A_760 = tpu.vector_load %arg9[%get3A_759] {strides = array<i32>} : memref<8192xf32, #tpu.memory_space<vmem>>, vector<16xf32>,
      %get3A_761 = vector.shape_cast %get3A_760 : vector<16xf32> to vector<16xf32>
      %convert_element_type3A_762 = arith.fptosi %get3A_761 : vector<16xf32> to vector<16xi32>
      %mul3A_763 = arith.constant 2048 : i32
      %mul3A_764 = vector.broadcast %mul3A_763 : i32 to vector<16xi32>
      %mul3A_765 = arith.muli %convert_element_type3A_762, %mul3A_764 : vector<16xi32>
      %add3A_766 = arith.addi %mul3A_765, %convert_element_type3A_758 : vector<16xi32>
      %swap3A_767 = arith.index_cast %multiple_of3A_754 : i32 to index
      %swap3A_768 = tpu.vector_load %arg12[%swap3A_767] {strides = array<i32>} : memref<8192xi32, #tpu.memory_space<vmem>>, vector<16xi32>,
      %swap3A_769 = vector.shape_cast %swap3A_768 : vector<16xi32> to vector<16xi32>
      %swap3A_770 = vector.shape_cast %add3A_766 : vector<16xi32> to vector<16xi32>
      tpu.vector_store %arg12[%swap3A_767], %swap3A_770 {strides = array<i32>} : memref<8192xi32, #tpu.memory_space<vmem>>, vector<16xi32>,
      %scan3A_771 = arith.constant 7 : i32
      %scan3A_772 = arith.addi %scan3A_628, %scan3A_771 : i32
      %mul3A_773 = arith.constant 16 : i32
      %mul3A_774 = arith.muli %scan3A_772, %mul3A_773 : i32
      %multiple_of3A_775 = tpu.assume_multiple %mul3A_774, 16 : i32
      %get3A_776 = arith.index_cast %multiple_of3A_775 : i32 to index
      %get3A_777 = tpu.vector_load %arg6[%get3A_776] {strides = array<i32>} : memref<8192xf32, #tpu.memory_space<vmem>>, vector<16xf32>,
      %get3A_778 = vector.shape_cast %get3A_777 : vector<16xf32> to vector<16xf32>
      %convert_element_type3A_779 = arith.fptosi %get3A_778 : vector<16xf32> to vector<16xi32>
      %get3A_780 = arith.index_cast %multiple_of3A_775 : i32 to index
      %get3A_781 = tpu.vector_load %arg9[%get3A_780] {strides = array<i32>} : memref<8192xf32, #tpu.memory_space<vmem>>, vector<16xf32>,
      %get3A_782 = vector.shape_cast %get3A_781 : vector<16xf32> to vector<16xf32>
      %convert_element_type3A_783 = arith.fptosi %get3A_782 : vector<16xf32> to vector<16xi32>
      %mul3A_784 = arith.constant 2048 : i32
      %mul3A_785 = vector.broadcast %mul3A_784 : i32 to vector<16xi32>
      %mul3A_786 = arith.muli %convert_element_type3A_783, %mul3A_785 : vector<16xi32>
      %add3A_787 = arith.addi %mul3A_786, %convert_element_type3A_779 : vector<16xi32>
      %swap3A_788 = arith.index_cast %multiple_of3A_775 : i32 to index
      %swap3A_789 = tpu.vector_load %arg12[%swap3A_788] {strides = array<i32>} : memref<8192xi32, #tpu.memory_space<vmem>>, vector<16xi32>,
      %swap3A_790 = vector.shape_cast %swap3A_789 : vector<16xi32> to vector<16xi32>
      %swap3A_791 = vector.shape_cast %add3A_787 : vector<16xi32> to vector<16xi32>
      tpu.vector_store %arg12[%swap3A_788], %swap3A_791 {strides = array<i32>} : memref<8192xi32, #tpu.memory_space<vmem>>, vector<16xi32>,
    }
    %scan3A_53 = arith.constant 512 : i32
    %dma_start3A_54 = arith.constant 0 : i32
    %dma_start3A_55 = arith.constant 0 : i32
    %dma_start3A_56 = arith.constant 0 : i32
    %dma_start3A_57 = tpu.memref_slice %arg15[%dma_start3A_56] : memref<8192xf32, #tpu.memory_space<vmem>> -> memref<4096xf32, #tpu.memory_space<vmem>>
    %dma_start3A_58 = arith.constant 0 : i32
    %dma_start3A_59 = tpu.memref_slice %arg12[%dma_start3A_58] : memref<8192xi32, #tpu.memory_space<vmem>> -> memref<4096xi32, #tpu.memory_space<vmem>>
    %dma_start3A_60 = arith.constant 0 : i32
    %dma_start3A_61 = tpu.memref_slice %arg2[%dma_start3A_60] : memref<4194304xf32, #tpu.memory_space<hbm>> -> memref<4194304xf32, #tpu.memory_space<hbm>>
    %dma_start3A_62 = tpu.memref_slice %arg21[%dma_start3A_54, %dma_start3A_55] : memref<3x2x!tpu.dma_semaphore, #tpu.memory_space<semaphore_mem>> -> memref<1x1x!tpu.dma_semaphore, #tpu.memory_space<semaphore_mem>>
    %dma_start3A_63 = tpu.memref_squeeze %dma_start3A_62 : memref<1x1x!tpu.dma_semaphore, #tpu.memory_space<semaphore_mem>> -> memref<!tpu.dma_semaphore, #tpu.memory_space<semaphore_mem>>
    tpu.enqueue_indirect_dma source(%dma_start3A_61 : memref<4194304xf32, #tpu.memory_space<hbm>>) target(%dma_start3A_57 : memref<4096xf32, #tpu.memory_space<vmem>>) offsets(%dma_start3A_59 : memref<4096xi32, #tpu.memory_space<vmem>>) semaphore(%dma_start3A_63 : memref<!tpu.dma_semaphore, #tpu.memory_space<semaphore_mem>>)
    %dma_start3A_64 = arith.constant 0 : i32
    %dma_start3A_65 = arith.constant 1 : i32
    %dma_start3A_66 = arith.constant 4096 : i32
    %dma_start3A_67 = tpu.memref_slice %arg15[%dma_start3A_66] : memref<8192xf32, #tpu.memory_space<vmem>> -> memref<4096xf32, #tpu.memory_space<vmem>>
    %dma_start3A_68 = arith.constant 4096 : i32
    %dma_start3A_69 = tpu.memref_slice %arg12[%dma_start3A_68] : memref<8192xi32, #tpu.memory_space<vmem>> -> memref<4096xi32, #tpu.memory_space<vmem>>
    %dma_start3A_70 = arith.constant 0 : i32
    %dma_start3A_71 = tpu.memref_slice %arg2[%dma_start3A_70] : memref<4194304xf32, #tpu.memory_space<hbm>> -> memref<4194304xf32, #tpu.memory_space<hbm>>
    %dma_start3A_72 = tpu.memref_slice %arg21[%dma_start3A_64, %dma_start3A_65] : memref<3x2x!tpu.dma_semaphore, #tpu.memory_space<semaphore_mem>> -> memref<1x1x!tpu.dma_semaphore, #tpu.memory_space<semaphore_mem>>
    %dma_start3A_73 = tpu.memref_squeeze %dma_start3A_72 : memref<1x1x!tpu.dma_semaphore, #tpu.memory_space<semaphore_mem>> -> memref<!tpu.dma_semaphore, #tpu.memory_space<semaphore_mem>>
    tpu.enqueue_indirect_dma source(%dma_start3A_71 : memref<4194304xf32, #tpu.memory_space<hbm>>) target(%dma_start3A_67 : memref<4096xf32, #tpu.memory_space<vmem>>) offsets(%dma_start3A_69 : memref<4096xi32, #tpu.memory_space<vmem>>) semaphore(%dma_start3A_73 : memref<!tpu.dma_semaphore, #tpu.memory_space<semaphore_mem>>)
    %add3A_74 = arith.constant 8192 : i32
    %add3A_75 = arith.addi %mul3A_2, %add3A_74 : i32
    %dma_wait3A_76 = arith.constant 1 : i32
    %dma_wait3A_77 = tpu.memref_slice %arg3[%add3A_75] : memref<2097152xf32, #tpu.memory_space<hbm>> -> memref<8192xf32, #tpu.memory_space<hbm>>
    %dma_wait3A_78 = tpu.memref_slice %arg19[%dma_wait3A_76] : memref<3x!tpu.dma_semaphore, #tpu.memory_space<semaphore_mem>> -> memref<1x!tpu.dma_semaphore, #tpu.memory_space<semaphore_mem>>
    %dma_wait3A_79 = tpu.memref_squeeze %dma_wait3A_78 : memref<1x!tpu.dma_semaphore, #tpu.memory_space<semaphore_mem>> -> memref<!tpu.dma_semaphore, #tpu.memory_space<semaphore_mem>>
    %dma_wait3A_80 = tpu.memref_slice %arg3[%add3A_75] : memref<2097152xf32, #tpu.memory_space<hbm>> -> memref<8192xf32, #tpu.memory_space<hbm>>
    tpu.wait_dma2 semaphore(%dma_wait3A_79 : memref<!tpu.dma_semaphore, #tpu.memory_space<semaphore_mem>>) src(%dma_wait3A_80 : memref<8192xf32, #tpu.memory_space<hbm>>) dst(%arg7 : memref<8192xf32, #tpu.memory_space<vmem>>)
    %dma_wait3A_81 = arith.constant 1 : i32
    %dma_wait3A_82 = tpu.memref_slice %arg4[%add3A_75] : memref<2097152xf32, #tpu.memory_space<hbm>> -> memref<8192xf32, #tpu.memory_space<hbm>>
    %dma_wait3A_83 = tpu.memref_slice %arg20[%dma_wait3A_81] : memref<3x!tpu.dma_semaphore, #tpu.memory_space<semaphore_mem>> -> memref<1x!tpu.dma_semaphore, #tpu.memory_space<semaphore_mem>>
    %dma_wait3A_84 = tpu.memref_squeeze %dma_wait3A_83 : memref<1x!tpu.dma_semaphore, #tpu.memory_space<semaphore_mem>> -> memref<!tpu.dma_semaphore, #tpu.memory_space<semaphore_mem>>
    %dma_wait3A_85 = tpu.memref_slice %arg4[%add3A_75] : memref<2097152xf32, #tpu.memory_space<hbm>> -> memref<8192xf32, #tpu.memory_space<hbm>>
    tpu.wait_dma2 semaphore(%dma_wait3A_84 : memref<!tpu.dma_semaphore, #tpu.memory_space<semaphore_mem>>) src(%dma_wait3A_85 : memref<8192xf32, #tpu.memory_space<hbm>>) dst(%arg10 : memref<8192xf32, #tpu.memory_space<vmem>>)
    %scan3A_86 = arith.constant 0 : i32
    %scan3A_87 = arith.constant 0 : i32
    %scan3A_88 = arith.constant 512 : i32
    %scan3A_89 = arith.addi %scan3A_87, %scan3A_88 : i32
    %scan3A_90 = arith.constant 8 : i32
    scf.for %scan3A_628 = %scan3A_87 to %scan3A_89 step %scan3A_90  : i32 {
      %mul3A_629 = arith.constant 16 : i32
      %mul3A_630 = arith.muli %scan3A_628, %mul3A_629 : i32
      %multiple_of3A = tpu.assume_multiple %mul3A_630, 16 : i32
      %get3A = arith.index_cast %multiple_of3A : i32 to index
      %get3A_631 = tpu.vector_load %arg7[%get3A] {strides = array<i32>} : memref<8192xf32, #tpu.memory_space<vmem>>, vector<16xf32>,
      %get3A_632 = vector.shape_cast %get3A_631 : vector<16xf32> to vector<16xf32>
      %convert_element_type3A = arith.fptosi %get3A_632 : vector<16xf32> to vector<16xi32>
      %get3A_633 = arith.index_cast %multiple_of3A : i32 to index
      %get3A_634 = tpu.vector_load %arg10[%get3A_633] {strides = array<i32>} : memref<8192xf32, #tpu.memory_space<vmem>>, vector<16xf32>,
      %get3A_635 = vector.shape_cast %get3A_634 : vector<16xf32> to vector<16xf32>
      %convert_element_type3A_636 = arith.fptosi %get3A_635 : vector<16xf32> to vector<16xi32>
      %mul3A_637 = arith.constant 2048 : i32
      %mul3A_638 = vector.broadcast %mul3A_637 : i32 to vector<16xi32>
      %mul3A_639 = arith.muli %convert_element_type3A_636, %mul3A_638 : vector<16xi32>
      %add3A_640 = arith.addi %mul3A_639, %convert_element_type3A : vector<16xi32>
      %swap3A_641 = arith.index_cast %multiple_of3A : i32 to index
      %swap3A_642 = tpu.vector_load %arg13[%swap3A_641] {strides = array<i32>} : memref<8192xi32, #tpu.memory_space<vmem>>, vector<16xi32>,
      %swap3A_643 = vector.shape_cast %swap3A_642 : vector<16xi32> to vector<16xi32>
      %swap3A_644 = vector.shape_cast %add3A_640 : vector<16xi32> to vector<16xi32>
      tpu.vector_store %arg13[%swap3A_641], %swap3A_644 {strides = array<i32>} : memref<8192xi32, #tpu.memory_space<vmem>>, vector<16xi32>,
      %scan3A_645 = arith.constant 1 : i32
      %scan3A_646 = arith.addi %scan3A_628, %scan3A_645 : i32
      %mul3A_647 = arith.constant 16 : i32
      %mul3A_648 = arith.muli %scan3A_646, %mul3A_647 : i32
      %multiple_of3A_649 = tpu.assume_multiple %mul3A_648, 16 : i32
      %get3A_650 = arith.index_cast %multiple_of3A_649 : i32 to index
      %get3A_651 = tpu.vector_load %arg7[%get3A_650] {strides = array<i32>} : memref<8192xf32, #tpu.memory_space<vmem>>, vector<16xf32>,
      %get3A_652 = vector.shape_cast %get3A_651 : vector<16xf32> to vector<16xf32>
      %convert_element_type3A_653 = arith.fptosi %get3A_652 : vector<16xf32> to vector<16xi32>
      %get3A_654 = arith.index_cast %multiple_of3A_649 : i32 to index
      %get3A_655 = tpu.vector_load %arg10[%get3A_654] {strides = array<i32>} : memref<8192xf32, #tpu.memory_space<vmem>>, vector<16xf32>,
      %get3A_656 = vector.shape_cast %get3A_655 : vector<16xf32> to vector<16xf32>
      %convert_element_type3A_657 = arith.fptosi %get3A_656 : vector<16xf32> to vector<16xi32>
      %mul3A_658 = arith.constant 2048 : i32
      %mul3A_659 = vector.broadcast %mul3A_658 : i32 to vector<16xi32>
      %mul3A_660 = arith.muli %convert_element_type3A_657, %mul3A_659 : vector<16xi32>
      %add3A_661 = arith.addi %mul3A_660, %convert_element_type3A_653 : vector<16xi32>
      %swap3A_662 = arith.index_cast %multiple_of3A_649 : i32 to index
      %swap3A_663 = tpu.vector_load %arg13[%swap3A_662] {strides = array<i32>} : memref<8192xi32, #tpu.memory_space<vmem>>, vector<16xi32>,
      %swap3A_664 = vector.shape_cast %swap3A_663 : vector<16xi32> to vector<16xi32>
      %swap3A_665 = vector.shape_cast %add3A_661 : vector<16xi32> to vector<16xi32>
      tpu.vector_store %arg13[%swap3A_662], %swap3A_665 {strides = array<i32>} : memref<8192xi32, #tpu.memory_space<vmem>>, vector<16xi32>,
      %scan3A_666 = arith.constant 2 : i32
      %scan3A_667 = arith.addi %scan3A_628, %scan3A_666 : i32
      %mul3A_668 = arith.constant 16 : i32
      %mul3A_669 = arith.muli %scan3A_667, %mul3A_668 : i32
      %multiple_of3A_670 = tpu.assume_multiple %mul3A_669, 16 : i32
      %get3A_671 = arith.index_cast %multiple_of3A_670 : i32 to index
      %get3A_672 = tpu.vector_load %arg7[%get3A_671] {strides = array<i32>} : memref<8192xf32, #tpu.memory_space<vmem>>, vector<16xf32>,
      %get3A_673 = vector.shape_cast %get3A_672 : vector<16xf32> to vector<16xf32>
      %convert_element_type3A_674 = arith.fptosi %get3A_673 : vector<16xf32> to vector<16xi32>
      %get3A_675 = arith.index_cast %multiple_of3A_670 : i32 to index
      %get3A_676 = tpu.vector_load %arg10[%get3A_675] {strides = array<i32>} : memref<8192xf32, #tpu.memory_space<vmem>>, vector<16xf32>,
      %get3A_677 = vector.shape_cast %get3A_676 : vector<16xf32> to vector<16xf32>
      %convert_element_type3A_678 = arith.fptosi %get3A_677 : vector<16xf32> to vector<16xi32>
      %mul3A_679 = arith.constant 2048 : i32
      %mul3A_680 = vector.broadcast %mul3A_679 : i32 to vector<16xi32>
      %mul3A_681 = arith.muli %convert_element_type3A_678, %mul3A_680 : vector<16xi32>
      %add3A_682 = arith.addi %mul3A_681, %convert_element_type3A_674 : vector<16xi32>
      %swap3A_683 = arith.index_cast %multiple_of3A_670 : i32 to index
      %swap3A_684 = tpu.vector_load %arg13[%swap3A_683] {strides = array<i32>} : memref<8192xi32, #tpu.memory_space<vmem>>, vector<16xi32>,
      %swap3A_685 = vector.shape_cast %swap3A_684 : vector<16xi32> to vector<16xi32>
      %swap3A_686 = vector.shape_cast %add3A_682 : vector<16xi32> to vector<16xi32>
      tpu.vector_store %arg13[%swap3A_683], %swap3A_686 {strides = array<i32>} : memref<8192xi32, #tpu.memory_space<vmem>>, vector<16xi32>,
      %scan3A_687 = arith.constant 3 : i32
      %scan3A_688 = arith.addi %scan3A_628, %scan3A_687 : i32
      %mul3A_689 = arith.constant 16 : i32
      %mul3A_690 = arith.muli %scan3A_688, %mul3A_689 : i32
      %multiple_of3A_691 = tpu.assume_multiple %mul3A_690, 16 : i32
      %get3A_692 = arith.index_cast %multiple_of3A_691 : i32 to index
      %get3A_693 = tpu.vector_load %arg7[%get3A_692] {strides = array<i32>} : memref<8192xf32, #tpu.memory_space<vmem>>, vector<16xf32>,
      %get3A_694 = vector.shape_cast %get3A_693 : vector<16xf32> to vector<16xf32>
      %convert_element_type3A_695 = arith.fptosi %get3A_694 : vector<16xf32> to vector<16xi32>
      %get3A_696 = arith.index_cast %multiple_of3A_691 : i32 to index
      %get3A_697 = tpu.vector_load %arg10[%get3A_696] {strides = array<i32>} : memref<8192xf32, #tpu.memory_space<vmem>>, vector<16xf32>,
      %get3A_698 = vector.shape_cast %get3A_697 : vector<16xf32> to vector<16xf32>
      %convert_element_type3A_699 = arith.fptosi %get3A_698 : vector<16xf32> to vector<16xi32>
      %mul3A_700 = arith.constant 2048 : i32
      %mul3A_701 = vector.broadcast %mul3A_700 : i32 to vector<16xi32>
      %mul3A_702 = arith.muli %convert_element_type3A_699, %mul3A_701 : vector<16xi32>
      %add3A_703 = arith.addi %mul3A_702, %convert_element_type3A_695 : vector<16xi32>
      %swap3A_704 = arith.index_cast %multiple_of3A_691 : i32 to index
      %swap3A_705 = tpu.vector_load %arg13[%swap3A_704] {strides = array<i32>} : memref<8192xi32, #tpu.memory_space<vmem>>, vector<16xi32>,
      %swap3A_706 = vector.shape_cast %swap3A_705 : vector<16xi32> to vector<16xi32>
      %swap3A_707 = vector.shape_cast %add3A_703 : vector<16xi32> to vector<16xi32>
      tpu.vector_store %arg13[%swap3A_704], %swap3A_707 {strides = array<i32>} : memref<8192xi32, #tpu.memory_space<vmem>>, vector<16xi32>,
      %scan3A_708 = arith.constant 4 : i32
      %scan3A_709 = arith.addi %scan3A_628, %scan3A_708 : i32
      %mul3A_710 = arith.constant 16 : i32
      %mul3A_711 = arith.muli %scan3A_709, %mul3A_710 : i32
      %multiple_of3A_712 = tpu.assume_multiple %mul3A_711, 16 : i32
      %get3A_713 = arith.index_cast %multiple_of3A_712 : i32 to index
      %get3A_714 = tpu.vector_load %arg7[%get3A_713] {strides = array<i32>} : memref<8192xf32, #tpu.memory_space<vmem>>, vector<16xf32>,
      %get3A_715 = vector.shape_cast %get3A_714 : vector<16xf32> to vector<16xf32>
      %convert_element_type3A_716 = arith.fptosi %get3A_715 : vector<16xf32> to vector<16xi32>
      %get3A_717 = arith.index_cast %multiple_of3A_712 : i32 to index
      %get3A_718 = tpu.vector_load %arg10[%get3A_717] {strides = array<i32>} : memref<8192xf32, #tpu.memory_space<vmem>>, vector<16xf32>,
      %get3A_719 = vector.shape_cast %get3A_718 : vector<16xf32> to vector<16xf32>
      %convert_element_type3A_720 = arith.fptosi %get3A_719 : vector<16xf32> to vector<16xi32>
      %mul3A_721 = arith.constant 2048 : i32
      %mul3A_722 = vector.broadcast %mul3A_721 : i32 to vector<16xi32>
      %mul3A_723 = arith.muli %convert_element_type3A_720, %mul3A_722 : vector<16xi32>
      %add3A_724 = arith.addi %mul3A_723, %convert_element_type3A_716 : vector<16xi32>
      %swap3A_725 = arith.index_cast %multiple_of3A_712 : i32 to index
      %swap3A_726 = tpu.vector_load %arg13[%swap3A_725] {strides = array<i32>} : memref<8192xi32, #tpu.memory_space<vmem>>, vector<16xi32>,
      %swap3A_727 = vector.shape_cast %swap3A_726 : vector<16xi32> to vector<16xi32>
      %swap3A_728 = vector.shape_cast %add3A_724 : vector<16xi32> to vector<16xi32>
      tpu.vector_store %arg13[%swap3A_725], %swap3A_728 {strides = array<i32>} : memref<8192xi32, #tpu.memory_space<vmem>>, vector<16xi32>,
      %scan3A_729 = arith.constant 5 : i32
      %scan3A_730 = arith.addi %scan3A_628, %scan3A_729 : i32
      %mul3A_731 = arith.constant 16 : i32
      %mul3A_732 = arith.muli %scan3A_730, %mul3A_731 : i32
      %multiple_of3A_733 = tpu.assume_multiple %mul3A_732, 16 : i32
      %get3A_734 = arith.index_cast %multiple_of3A_733 : i32 to index
      %get3A_735 = tpu.vector_load %arg7[%get3A_734] {strides = array<i32>} : memref<8192xf32, #tpu.memory_space<vmem>>, vector<16xf32>,
      %get3A_736 = vector.shape_cast %get3A_735 : vector<16xf32> to vector<16xf32>
      %convert_element_type3A_737 = arith.fptosi %get3A_736 : vector<16xf32> to vector<16xi32>
      %get3A_738 = arith.index_cast %multiple_of3A_733 : i32 to index
      %get3A_739 = tpu.vector_load %arg10[%get3A_738] {strides = array<i32>} : memref<8192xf32, #tpu.memory_space<vmem>>, vector<16xf32>,
      %get3A_740 = vector.shape_cast %get3A_739 : vector<16xf32> to vector<16xf32>
      %convert_element_type3A_741 = arith.fptosi %get3A_740 : vector<16xf32> to vector<16xi32>
      %mul3A_742 = arith.constant 2048 : i32
      %mul3A_743 = vector.broadcast %mul3A_742 : i32 to vector<16xi32>
      %mul3A_744 = arith.muli %convert_element_type3A_741, %mul3A_743 : vector<16xi32>
      %add3A_745 = arith.addi %mul3A_744, %convert_element_type3A_737 : vector<16xi32>
      %swap3A_746 = arith.index_cast %multiple_of3A_733 : i32 to index
      %swap3A_747 = tpu.vector_load %arg13[%swap3A_746] {strides = array<i32>} : memref<8192xi32, #tpu.memory_space<vmem>>, vector<16xi32>,
      %swap3A_748 = vector.shape_cast %swap3A_747 : vector<16xi32> to vector<16xi32>
      %swap3A_749 = vector.shape_cast %add3A_745 : vector<16xi32> to vector<16xi32>
      tpu.vector_store %arg13[%swap3A_746], %swap3A_749 {strides = array<i32>} : memref<8192xi32, #tpu.memory_space<vmem>>, vector<16xi32>,
      %scan3A_750 = arith.constant 6 : i32
      %scan3A_751 = arith.addi %scan3A_628, %scan3A_750 : i32
      %mul3A_752 = arith.constant 16 : i32
      %mul3A_753 = arith.muli %scan3A_751, %mul3A_752 : i32
      %multiple_of3A_754 = tpu.assume_multiple %mul3A_753, 16 : i32
      %get3A_755 = arith.index_cast %multiple_of3A_754 : i32 to index
      %get3A_756 = tpu.vector_load %arg7[%get3A_755] {strides = array<i32>} : memref<8192xf32, #tpu.memory_space<vmem>>, vector<16xf32>,
      %get3A_757 = vector.shape_cast %get3A_756 : vector<16xf32> to vector<16xf32>
      %convert_element_type3A_758 = arith.fptosi %get3A_757 : vector<16xf32> to vector<16xi32>
      %get3A_759 = arith.index_cast %multiple_of3A_754 : i32 to index
      %get3A_760 = tpu.vector_load %arg10[%get3A_759] {strides = array<i32>} : memref<8192xf32, #tpu.memory_space<vmem>>, vector<16xf32>,
      %get3A_761 = vector.shape_cast %get3A_760 : vector<16xf32> to vector<16xf32>
      %convert_element_type3A_762 = arith.fptosi %get3A_761 : vector<16xf32> to vector<16xi32>
      %mul3A_763 = arith.constant 2048 : i32
      %mul3A_764 = vector.broadcast %mul3A_763 : i32 to vector<16xi32>
      %mul3A_765 = arith.muli %convert_element_type3A_762, %mul3A_764 : vector<16xi32>
      %add3A_766 = arith.addi %mul3A_765, %convert_element_type3A_758 : vector<16xi32>
      %swap3A_767 = arith.index_cast %multiple_of3A_754 : i32 to index
      %swap3A_768 = tpu.vector_load %arg13[%swap3A_767] {strides = array<i32>} : memref<8192xi32, #tpu.memory_space<vmem>>, vector<16xi32>,
      %swap3A_769 = vector.shape_cast %swap3A_768 : vector<16xi32> to vector<16xi32>
      %swap3A_770 = vector.shape_cast %add3A_766 : vector<16xi32> to vector<16xi32>
      tpu.vector_store %arg13[%swap3A_767], %swap3A_770 {strides = array<i32>} : memref<8192xi32, #tpu.memory_space<vmem>>, vector<16xi32>,
      %scan3A_771 = arith.constant 7 : i32
      %scan3A_772 = arith.addi %scan3A_628, %scan3A_771 : i32
      %mul3A_773 = arith.constant 16 : i32
      %mul3A_774 = arith.muli %scan3A_772, %mul3A_773 : i32
      %multiple_of3A_775 = tpu.assume_multiple %mul3A_774, 16 : i32
      %get3A_776 = arith.index_cast %multiple_of3A_775 : i32 to index
      %get3A_777 = tpu.vector_load %arg7[%get3A_776] {strides = array<i32>} : memref<8192xf32, #tpu.memory_space<vmem>>, vector<16xf32>,
      %get3A_778 = vector.shape_cast %get3A_777 : vector<16xf32> to vector<16xf32>
      %convert_element_type3A_779 = arith.fptosi %get3A_778 : vector<16xf32> to vector<16xi32>
      %get3A_780 = arith.index_cast %multiple_of3A_775 : i32 to index
      %get3A_781 = tpu.vector_load %arg10[%get3A_780] {strides = array<i32>} : memref<8192xf32, #tpu.memory_space<vmem>>, vector<16xf32>,
      %get3A_782 = vector.shape_cast %get3A_781 : vector<16xf32> to vector<16xf32>
      %convert_element_type3A_783 = arith.fptosi %get3A_782 : vector<16xf32> to vector<16xi32>
      %mul3A_784 = arith.constant 2048 : i32
      %mul3A_785 = vector.broadcast %mul3A_784 : i32 to vector<16xi32>
      %mul3A_786 = arith.muli %convert_element_type3A_783, %mul3A_785 : vector<16xi32>
      %add3A_787 = arith.addi %mul3A_786, %convert_element_type3A_779 : vector<16xi32>
      %swap3A_788 = arith.index_cast %multiple_of3A_775 : i32 to index
      %swap3A_789 = tpu.vector_load %arg13[%swap3A_788] {strides = array<i32>} : memref<8192xi32, #tpu.memory_space<vmem>>, vector<16xi32>,
      %swap3A_790 = vector.shape_cast %swap3A_789 : vector<16xi32> to vector<16xi32>
      %swap3A_791 = vector.shape_cast %add3A_787 : vector<16xi32> to vector<16xi32>
      tpu.vector_store %arg13[%swap3A_788], %swap3A_791 {strides = array<i32>} : memref<8192xi32, #tpu.memory_space<vmem>>, vector<16xi32>,
    }
    %scan3A_91 = arith.constant 512 : i32
    %dma_start3A_92 = arith.constant 1 : i32
    %dma_start3A_93 = arith.constant 0 : i32
    %dma_start3A_94 = arith.constant 0 : i32
    %dma_start3A_95 = tpu.memref_slice %arg16[%dma_start3A_94] : memref<8192xf32, #tpu.memory_space<vmem>> -> memref<4096xf32, #tpu.memory_space<vmem>>
    %dma_start3A_96 = arith.constant 0 : i32
    %dma_start3A_97 = tpu.memref_slice %arg13[%dma_start3A_96] : memref<8192xi32, #tpu.memory_space<vmem>> -> memref<4096xi32, #tpu.memory_space<vmem>>
    %dma_start3A_98 = arith.constant 0 : i32
    %dma_start3A_99 = tpu.memref_slice %arg2[%dma_start3A_98] : memref<4194304xf32, #tpu.memory_space<hbm>> -> memref<4194304xf32, #tpu.memory_space<hbm>>
    %dma_start3A_100 = tpu.memref_slice %arg21[%dma_start3A_92, %dma_start3A_93] : memref<3x2x!tpu.dma_semaphore, #tpu.memory_space<semaphore_mem>> -> memref<1x1x!tpu.dma_semaphore, #tpu.memory_space<semaphore_mem>>
    %dma_start3A_101 = tpu.memref_squeeze %dma_start3A_100 : memref<1x1x!tpu.dma_semaphore, #tpu.memory_space<semaphore_mem>> -> memref<!tpu.dma_semaphore, #tpu.memory_space<semaphore_mem>>
    tpu.enqueue_indirect_dma source(%dma_start3A_99 : memref<4194304xf32, #tpu.memory_space<hbm>>) target(%dma_start3A_95 : memref<4096xf32, #tpu.memory_space<vmem>>) offsets(%dma_start3A_97 : memref<4096xi32, #tpu.memory_space<vmem>>) semaphore(%dma_start3A_101 : memref<!tpu.dma_semaphore, #tpu.memory_space<semaphore_mem>>)
    %dma_start3A_102 = arith.constant 1 : i32
    %dma_start3A_103 = arith.constant 1 : i32
    %dma_start3A_104 = arith.constant 4096 : i32
    %dma_start3A_105 = tpu.memref_slice %arg16[%dma_start3A_104] : memref<8192xf32, #tpu.memory_space<vmem>> -> memref<4096xf32, #tpu.memory_space<vmem>>
    %dma_start3A_106 = arith.constant 4096 : i32
    %dma_start3A_107 = tpu.memref_slice %arg13[%dma_start3A_106] : memref<8192xi32, #tpu.memory_space<vmem>> -> memref<4096xi32, #tpu.memory_space<vmem>>
    %dma_start3A_108 = arith.constant 0 : i32
    %dma_start3A_109 = tpu.memref_slice %arg2[%dma_start3A_108] : memref<4194304xf32, #tpu.memory_space<hbm>> -> memref<4194304xf32, #tpu.memory_space<hbm>>
    %dma_start3A_110 = tpu.memref_slice %arg21[%dma_start3A_102, %dma_start3A_103] : memref<3x2x!tpu.dma_semaphore, #tpu.memory_space<semaphore_mem>> -> memref<1x1x!tpu.dma_semaphore, #tpu.memory_space<semaphore_mem>>
    %dma_start3A_111 = tpu.memref_squeeze %dma_start3A_110 : memref<1x1x!tpu.dma_semaphore, #tpu.memory_space<semaphore_mem>> -> memref<!tpu.dma_semaphore, #tpu.memory_space<semaphore_mem>>
    tpu.enqueue_indirect_dma source(%dma_start3A_109 : memref<4194304xf32, #tpu.memory_space<hbm>>) target(%dma_start3A_105 : memref<4096xf32, #tpu.memory_space<vmem>>) offsets(%dma_start3A_107 : memref<4096xi32, #tpu.memory_space<vmem>>) semaphore(%dma_start3A_111 : memref<!tpu.dma_semaphore, #tpu.memory_space<semaphore_mem>>)
    %broadcast_in_dim3A = arith.constant 0.000000e+00 : f32
    %broadcast_in_dim3A_112 = vector.broadcast %broadcast_in_dim3A : f32 to vector<16xf32>
    %add3A_113 = arith.constant 16384 : i32
    %add3A_114 = arith.addi %mul3A_2, %add3A_113 : i32
    %dma_wait3A_115 = arith.constant 2 : i32
    %dma_wait3A_116 = tpu.memref_slice %arg3[%add3A_114] : memref<2097152xf32, #tpu.memory_space<hbm>> -> memref<8192xf32, #tpu.memory_space<hbm>>
    %dma_wait3A_117 = tpu.memref_slice %arg19[%dma_wait3A_115] : memref<3x!tpu.dma_semaphore, #tpu.memory_space<semaphore_mem>> -> memref<1x!tpu.dma_semaphore, #tpu.memory_space<semaphore_mem>>
    %dma_wait3A_118 = tpu.memref_squeeze %dma_wait3A_117 : memref<1x!tpu.dma_semaphore, #tpu.memory_space<semaphore_mem>> -> memref<!tpu.dma_semaphore, #tpu.memory_space<semaphore_mem>>
    %dma_wait3A_119 = tpu.memref_slice %arg3[%add3A_114] : memref<2097152xf32, #tpu.memory_space<hbm>> -> memref<8192xf32, #tpu.memory_space<hbm>>
    tpu.wait_dma2 semaphore(%dma_wait3A_118 : memref<!tpu.dma_semaphore, #tpu.memory_space<semaphore_mem>>) src(%dma_wait3A_119 : memref<8192xf32, #tpu.memory_space<hbm>>) dst(%arg8 : memref<8192xf32, #tpu.memory_space<vmem>>)
    %dma_wait3A_120 = arith.constant 2 : i32
    %dma_wait3A_121 = tpu.memref_slice %arg4[%add3A_114] : memref<2097152xf32, #tpu.memory_space<hbm>> -> memref<8192xf32, #tpu.memory_space<hbm>>
    %dma_wait3A_122 = tpu.memref_slice %arg20[%dma_wait3A_120] : memref<3x!tpu.dma_semaphore, #tpu.memory_space<semaphore_mem>> -> memref<1x!tpu.dma_semaphore, #tpu.memory_space<semaphore_mem>>
    %dma_wait3A_123 = tpu.memref_squeeze %dma_wait3A_122 : memref<1x!tpu.dma_semaphore, #tpu.memory_space<semaphore_mem>> -> memref<!tpu.dma_semaphore, #tpu.memory_space<semaphore_mem>>
    %dma_wait3A_124 = tpu.memref_slice %arg4[%add3A_114] : memref<2097152xf32, #tpu.memory_space<hbm>> -> memref<8192xf32, #tpu.memory_space<hbm>>
    tpu.wait_dma2 semaphore(%dma_wait3A_123 : memref<!tpu.dma_semaphore, #tpu.memory_space<semaphore_mem>>) src(%dma_wait3A_124 : memref<8192xf32, #tpu.memory_space<hbm>>) dst(%arg11 : memref<8192xf32, #tpu.memory_space<vmem>>)
    %scan3A_125 = arith.constant 0 : i32
    %scan3A_126 = arith.constant 0 : i32
    %scan3A_127 = arith.constant 512 : i32
    %scan3A_128 = arith.addi %scan3A_126, %scan3A_127 : i32
    %scan3A_129 = arith.constant 8 : i32
    scf.for %scan3A_628 = %scan3A_126 to %scan3A_128 step %scan3A_129  : i32 {
      %mul3A_629 = arith.constant 16 : i32
      %mul3A_630 = arith.muli %scan3A_628, %mul3A_629 : i32
      %multiple_of3A = tpu.assume_multiple %mul3A_630, 16 : i32
      %get3A = arith.index_cast %multiple_of3A : i32 to index
      %get3A_631 = tpu.vector_load %arg8[%get3A] {strides = array<i32>} : memref<8192xf32, #tpu.memory_space<vmem>>, vector<16xf32>,
      %get3A_632 = vector.shape_cast %get3A_631 : vector<16xf32> to vector<16xf32>
      %convert_element_type3A = arith.fptosi %get3A_632 : vector<16xf32> to vector<16xi32>
      %get3A_633 = arith.index_cast %multiple_of3A : i32 to index
      %get3A_634 = tpu.vector_load %arg11[%get3A_633] {strides = array<i32>} : memref<8192xf32, #tpu.memory_space<vmem>>, vector<16xf32>,
      %get3A_635 = vector.shape_cast %get3A_634 : vector<16xf32> to vector<16xf32>
      %convert_element_type3A_636 = arith.fptosi %get3A_635 : vector<16xf32> to vector<16xi32>
      %mul3A_637 = arith.constant 2048 : i32
      %mul3A_638 = vector.broadcast %mul3A_637 : i32 to vector<16xi32>
      %mul3A_639 = arith.muli %convert_element_type3A_636, %mul3A_638 : vector<16xi32>
      %add3A_640 = arith.addi %mul3A_639, %convert_element_type3A : vector<16xi32>
      %swap3A_641 = arith.index_cast %multiple_of3A : i32 to index
      %swap3A_642 = tpu.vector_load %arg14[%swap3A_641] {strides = array<i32>} : memref<8192xi32, #tpu.memory_space<vmem>>, vector<16xi32>,
      %swap3A_643 = vector.shape_cast %swap3A_642 : vector<16xi32> to vector<16xi32>
      %swap3A_644 = vector.shape_cast %add3A_640 : vector<16xi32> to vector<16xi32>
      tpu.vector_store %arg14[%swap3A_641], %swap3A_644 {strides = array<i32>} : memref<8192xi32, #tpu.memory_space<vmem>>, vector<16xi32>,
      %scan3A_645 = arith.constant 1 : i32
      %scan3A_646 = arith.addi %scan3A_628, %scan3A_645 : i32
      %mul3A_647 = arith.constant 16 : i32
      %mul3A_648 = arith.muli %scan3A_646, %mul3A_647 : i32
      %multiple_of3A_649 = tpu.assume_multiple %mul3A_648, 16 : i32
      %get3A_650 = arith.index_cast %multiple_of3A_649 : i32 to index
      %get3A_651 = tpu.vector_load %arg8[%get3A_650] {strides = array<i32>} : memref<8192xf32, #tpu.memory_space<vmem>>, vector<16xf32>,
      %get3A_652 = vector.shape_cast %get3A_651 : vector<16xf32> to vector<16xf32>
      %convert_element_type3A_653 = arith.fptosi %get3A_652 : vector<16xf32> to vector<16xi32>
      %get3A_654 = arith.index_cast %multiple_of3A_649 : i32 to index
      %get3A_655 = tpu.vector_load %arg11[%get3A_654] {strides = array<i32>} : memref<8192xf32, #tpu.memory_space<vmem>>, vector<16xf32>,
      %get3A_656 = vector.shape_cast %get3A_655 : vector<16xf32> to vector<16xf32>
      %convert_element_type3A_657 = arith.fptosi %get3A_656 : vector<16xf32> to vector<16xi32>
      %mul3A_658 = arith.constant 2048 : i32
      %mul3A_659 = vector.broadcast %mul3A_658 : i32 to vector<16xi32>
      %mul3A_660 = arith.muli %convert_element_type3A_657, %mul3A_659 : vector<16xi32>
      %add3A_661 = arith.addi %mul3A_660, %convert_element_type3A_653 : vector<16xi32>
      %swap3A_662 = arith.index_cast %multiple_of3A_649 : i32 to index
      %swap3A_663 = tpu.vector_load %arg14[%swap3A_662] {strides = array<i32>} : memref<8192xi32, #tpu.memory_space<vmem>>, vector<16xi32>,
      %swap3A_664 = vector.shape_cast %swap3A_663 : vector<16xi32> to vector<16xi32>
      %swap3A_665 = vector.shape_cast %add3A_661 : vector<16xi32> to vector<16xi32>
      tpu.vector_store %arg14[%swap3A_662], %swap3A_665 {strides = array<i32>} : memref<8192xi32, #tpu.memory_space<vmem>>, vector<16xi32>,
      %scan3A_666 = arith.constant 2 : i32
      %scan3A_667 = arith.addi %scan3A_628, %scan3A_666 : i32
      %mul3A_668 = arith.constant 16 : i32
      %mul3A_669 = arith.muli %scan3A_667, %mul3A_668 : i32
      %multiple_of3A_670 = tpu.assume_multiple %mul3A_669, 16 : i32
      %get3A_671 = arith.index_cast %multiple_of3A_670 : i32 to index
      %get3A_672 = tpu.vector_load %arg8[%get3A_671] {strides = array<i32>} : memref<8192xf32, #tpu.memory_space<vmem>>, vector<16xf32>,
      %get3A_673 = vector.shape_cast %get3A_672 : vector<16xf32> to vector<16xf32>
      %convert_element_type3A_674 = arith.fptosi %get3A_673 : vector<16xf32> to vector<16xi32>
      %get3A_675 = arith.index_cast %multiple_of3A_670 : i32 to index
      %get3A_676 = tpu.vector_load %arg11[%get3A_675] {strides = array<i32>} : memref<8192xf32, #tpu.memory_space<vmem>>, vector<16xf32>,
      %get3A_677 = vector.shape_cast %get3A_676 : vector<16xf32> to vector<16xf32>
      %convert_element_type3A_678 = arith.fptosi %get3A_677 : vector<16xf32> to vector<16xi32>
      %mul3A_679 = arith.constant 2048 : i32
      %mul3A_680 = vector.broadcast %mul3A_679 : i32 to vector<16xi32>
      %mul3A_681 = arith.muli %convert_element_type3A_678, %mul3A_680 : vector<16xi32>
      %add3A_682 = arith.addi %mul3A_681, %convert_element_type3A_674 : vector<16xi32>
      %swap3A_683 = arith.index_cast %multiple_of3A_670 : i32 to index
      %swap3A_684 = tpu.vector_load %arg14[%swap3A_683] {strides = array<i32>} : memref<8192xi32, #tpu.memory_space<vmem>>, vector<16xi32>,
      %swap3A_685 = vector.shape_cast %swap3A_684 : vector<16xi32> to vector<16xi32>
      %swap3A_686 = vector.shape_cast %add3A_682 : vector<16xi32> to vector<16xi32>
      tpu.vector_store %arg14[%swap3A_683], %swap3A_686 {strides = array<i32>} : memref<8192xi32, #tpu.memory_space<vmem>>, vector<16xi32>,
      %scan3A_687 = arith.constant 3 : i32
      %scan3A_688 = arith.addi %scan3A_628, %scan3A_687 : i32
      %mul3A_689 = arith.constant 16 : i32
      %mul3A_690 = arith.muli %scan3A_688, %mul3A_689 : i32
      %multiple_of3A_691 = tpu.assume_multiple %mul3A_690, 16 : i32
      %get3A_692 = arith.index_cast %multiple_of3A_691 : i32 to index
      %get3A_693 = tpu.vector_load %arg8[%get3A_692] {strides = array<i32>} : memref<8192xf32, #tpu.memory_space<vmem>>, vector<16xf32>,
      %get3A_694 = vector.shape_cast %get3A_693 : vector<16xf32> to vector<16xf32>
      %convert_element_type3A_695 = arith.fptosi %get3A_694 : vector<16xf32> to vector<16xi32>
      %get3A_696 = arith.index_cast %multiple_of3A_691 : i32 to index
      %get3A_697 = tpu.vector_load %arg11[%get3A_696] {strides = array<i32>} : memref<8192xf32, #tpu.memory_space<vmem>>, vector<16xf32>,
      %get3A_698 = vector.shape_cast %get3A_697 : vector<16xf32> to vector<16xf32>
      %convert_element_type3A_699 = arith.fptosi %get3A_698 : vector<16xf32> to vector<16xi32>
      %mul3A_700 = arith.constant 2048 : i32
      %mul3A_701 = vector.broadcast %mul3A_700 : i32 to vector<16xi32>
      %mul3A_702 = arith.muli %convert_element_type3A_699, %mul3A_701 : vector<16xi32>
      %add3A_703 = arith.addi %mul3A_702, %convert_element_type3A_695 : vector<16xi32>
      %swap3A_704 = arith.index_cast %multiple_of3A_691 : i32 to index
      %swap3A_705 = tpu.vector_load %arg14[%swap3A_704] {strides = array<i32>} : memref<8192xi32, #tpu.memory_space<vmem>>, vector<16xi32>,
      %swap3A_706 = vector.shape_cast %swap3A_705 : vector<16xi32> to vector<16xi32>
      %swap3A_707 = vector.shape_cast %add3A_703 : vector<16xi32> to vector<16xi32>
      tpu.vector_store %arg14[%swap3A_704], %swap3A_707 {strides = array<i32>} : memref<8192xi32, #tpu.memory_space<vmem>>, vector<16xi32>,
      %scan3A_708 = arith.constant 4 : i32
      %scan3A_709 = arith.addi %scan3A_628, %scan3A_708 : i32
      %mul3A_710 = arith.constant 16 : i32
      %mul3A_711 = arith.muli %scan3A_709, %mul3A_710 : i32
      %multiple_of3A_712 = tpu.assume_multiple %mul3A_711, 16 : i32
      %get3A_713 = arith.index_cast %multiple_of3A_712 : i32 to index
      %get3A_714 = tpu.vector_load %arg8[%get3A_713] {strides = array<i32>} : memref<8192xf32, #tpu.memory_space<vmem>>, vector<16xf32>,
      %get3A_715 = vector.shape_cast %get3A_714 : vector<16xf32> to vector<16xf32>
      %convert_element_type3A_716 = arith.fptosi %get3A_715 : vector<16xf32> to vector<16xi32>
      %get3A_717 = arith.index_cast %multiple_of3A_712 : i32 to index
      %get3A_718 = tpu.vector_load %arg11[%get3A_717] {strides = array<i32>} : memref<8192xf32, #tpu.memory_space<vmem>>, vector<16xf32>,
      %get3A_719 = vector.shape_cast %get3A_718 : vector<16xf32> to vector<16xf32>
      %convert_element_type3A_720 = arith.fptosi %get3A_719 : vector<16xf32> to vector<16xi32>
      %mul3A_721 = arith.constant 2048 : i32
      %mul3A_722 = vector.broadcast %mul3A_721 : i32 to vector<16xi32>
      %mul3A_723 = arith.muli %convert_element_type3A_720, %mul3A_722 : vector<16xi32>
      %add3A_724 = arith.addi %mul3A_723, %convert_element_type3A_716 : vector<16xi32>
      %swap3A_725 = arith.index_cast %multiple_of3A_712 : i32 to index
      %swap3A_726 = tpu.vector_load %arg14[%swap3A_725] {strides = array<i32>} : memref<8192xi32, #tpu.memory_space<vmem>>, vector<16xi32>,
      %swap3A_727 = vector.shape_cast %swap3A_726 : vector<16xi32> to vector<16xi32>
      %swap3A_728 = vector.shape_cast %add3A_724 : vector<16xi32> to vector<16xi32>
      tpu.vector_store %arg14[%swap3A_725], %swap3A_728 {strides = array<i32>} : memref<8192xi32, #tpu.memory_space<vmem>>, vector<16xi32>,
      %scan3A_729 = arith.constant 5 : i32
      %scan3A_730 = arith.addi %scan3A_628, %scan3A_729 : i32
      %mul3A_731 = arith.constant 16 : i32
      %mul3A_732 = arith.muli %scan3A_730, %mul3A_731 : i32
      %multiple_of3A_733 = tpu.assume_multiple %mul3A_732, 16 : i32
      %get3A_734 = arith.index_cast %multiple_of3A_733 : i32 to index
      %get3A_735 = tpu.vector_load %arg8[%get3A_734] {strides = array<i32>} : memref<8192xf32, #tpu.memory_space<vmem>>, vector<16xf32>,
      %get3A_736 = vector.shape_cast %get3A_735 : vector<16xf32> to vector<16xf32>
      %convert_element_type3A_737 = arith.fptosi %get3A_736 : vector<16xf32> to vector<16xi32>
      %get3A_738 = arith.index_cast %multiple_of3A_733 : i32 to index
      %get3A_739 = tpu.vector_load %arg11[%get3A_738] {strides = array<i32>} : memref<8192xf32, #tpu.memory_space<vmem>>, vector<16xf32>,
      %get3A_740 = vector.shape_cast %get3A_739 : vector<16xf32> to vector<16xf32>
      %convert_element_type3A_741 = arith.fptosi %get3A_740 : vector<16xf32> to vector<16xi32>
      %mul3A_742 = arith.constant 2048 : i32
      %mul3A_743 = vector.broadcast %mul3A_742 : i32 to vector<16xi32>
      %mul3A_744 = arith.muli %convert_element_type3A_741, %mul3A_743 : vector<16xi32>
      %add3A_745 = arith.addi %mul3A_744, %convert_element_type3A_737 : vector<16xi32>
      %swap3A_746 = arith.index_cast %multiple_of3A_733 : i32 to index
      %swap3A_747 = tpu.vector_load %arg14[%swap3A_746] {strides = array<i32>} : memref<8192xi32, #tpu.memory_space<vmem>>, vector<16xi32>,
      %swap3A_748 = vector.shape_cast %swap3A_747 : vector<16xi32> to vector<16xi32>
      %swap3A_749 = vector.shape_cast %add3A_745 : vector<16xi32> to vector<16xi32>
      tpu.vector_store %arg14[%swap3A_746], %swap3A_749 {strides = array<i32>} : memref<8192xi32, #tpu.memory_space<vmem>>, vector<16xi32>,
      %scan3A_750 = arith.constant 6 : i32
      %scan3A_751 = arith.addi %scan3A_628, %scan3A_750 : i32
      %mul3A_752 = arith.constant 16 : i32
      %mul3A_753 = arith.muli %scan3A_751, %mul3A_752 : i32
      %multiple_of3A_754 = tpu.assume_multiple %mul3A_753, 16 : i32
      %get3A_755 = arith.index_cast %multiple_of3A_754 : i32 to index
      %get3A_756 = tpu.vector_load %arg8[%get3A_755] {strides = array<i32>} : memref<8192xf32, #tpu.memory_space<vmem>>, vector<16xf32>,
      %get3A_757 = vector.shape_cast %get3A_756 : vector<16xf32> to vector<16xf32>
      %convert_element_type3A_758 = arith.fptosi %get3A_757 : vector<16xf32> to vector<16xi32>
      %get3A_759 = arith.index_cast %multiple_of3A_754 : i32 to index
      %get3A_760 = tpu.vector_load %arg11[%get3A_759] {strides = array<i32>} : memref<8192xf32, #tpu.memory_space<vmem>>, vector<16xf32>,
      %get3A_761 = vector.shape_cast %get3A_760 : vector<16xf32> to vector<16xf32>
      %convert_element_type3A_762 = arith.fptosi %get3A_761 : vector<16xf32> to vector<16xi32>
      %mul3A_763 = arith.constant 2048 : i32
      %mul3A_764 = vector.broadcast %mul3A_763 : i32 to vector<16xi32>
      %mul3A_765 = arith.muli %convert_element_type3A_762, %mul3A_764 : vector<16xi32>
      %add3A_766 = arith.addi %mul3A_765, %convert_element_type3A_758 : vector<16xi32>
      %swap3A_767 = arith.index_cast %multiple_of3A_754 : i32 to index
      %swap3A_768 = tpu.vector_load %arg14[%swap3A_767] {strides = array<i32>} : memref<8192xi32, #tpu.memory_space<vmem>>, vector<16xi32>,
      %swap3A_769 = vector.shape_cast %swap3A_768 : vector<16xi32> to vector<16xi32>
      %swap3A_770 = vector.shape_cast %add3A_766 : vector<16xi32> to vector<16xi32>
      tpu.vector_store %arg14[%swap3A_767], %swap3A_770 {strides = array<i32>} : memref<8192xi32, #tpu.memory_space<vmem>>, vector<16xi32>,
      %scan3A_771 = arith.constant 7 : i32
      %scan3A_772 = arith.addi %scan3A_628, %scan3A_771 : i32
      %mul3A_773 = arith.constant 16 : i32
      %mul3A_774 = arith.muli %scan3A_772, %mul3A_773 : i32
      %multiple_of3A_775 = tpu.assume_multiple %mul3A_774, 16 : i32
      %get3A_776 = arith.index_cast %multiple_of3A_775 : i32 to index
      %get3A_777 = tpu.vector_load %arg8[%get3A_776] {strides = array<i32>} : memref<8192xf32, #tpu.memory_space<vmem>>, vector<16xf32>,
      %get3A_778 = vector.shape_cast %get3A_777 : vector<16xf32> to vector<16xf32>
      %convert_element_type3A_779 = arith.fptosi %get3A_778 : vector<16xf32> to vector<16xi32>
      %get3A_780 = arith.index_cast %multiple_of3A_775 : i32 to index
      %get3A_781 = tpu.vector_load %arg11[%get3A_780] {strides = array<i32>} : memref<8192xf32, #tpu.memory_space<vmem>>, vector<16xf32>,
      %get3A_782 = vector.shape_cast %get3A_781 : vector<16xf32> to vector<16xf32>
      %convert_element_type3A_783 = arith.fptosi %get3A_782 : vector<16xf32> to vector<16xi32>
      %mul3A_784 = arith.constant 2048 : i32
      %mul3A_785 = vector.broadcast %mul3A_784 : i32 to vector<16xi32>
      %mul3A_786 = arith.muli %convert_element_type3A_783, %mul3A_785 : vector<16xi32>
      %add3A_787 = arith.addi %mul3A_786, %convert_element_type3A_779 : vector<16xi32>
      %swap3A_788 = arith.index_cast %multiple_of3A_775 : i32 to index
      %swap3A_789 = tpu.vector_load %arg14[%swap3A_788] {strides = array<i32>} : memref<8192xi32, #tpu.memory_space<vmem>>, vector<16xi32>,
      %swap3A_790 = vector.shape_cast %swap3A_789 : vector<16xi32> to vector<16xi32>
      %swap3A_791 = vector.shape_cast %add3A_787 : vector<16xi32> to vector<16xi32>
      tpu.vector_store %arg14[%swap3A_788], %swap3A_791 {strides = array<i32>} : memref<8192xi32, #tpu.memory_space<vmem>>, vector<16xi32>,
    }
    %scan3A_130 = arith.constant 512 : i32
    %dma_start3A_131 = arith.constant 2 : i32
    %dma_start3A_132 = arith.constant 0 : i32
    %dma_start3A_133 = arith.constant 0 : i32
    %dma_start3A_134 = tpu.memref_slice %arg17[%dma_start3A_133] : memref<8192xf32, #tpu.memory_space<vmem>> -> memref<4096xf32, #tpu.memory_space<vmem>>
    %dma_start3A_135 = arith.constant 0 : i32
    %dma_start3A_136 = tpu.memref_slice %arg14[%dma_start3A_135] : memref<8192xi32, #tpu.memory_space<vmem>> -> memref<4096xi32, #tpu.memory_space<vmem>>
    %dma_start3A_137 = arith.constant 0 : i32
    %dma_start3A_138 = tpu.memref_slice %arg2[%dma_start3A_137] : memref<4194304xf32, #tpu.memory_space<hbm>> -> memref<4194304xf32, #tpu.memory_space<hbm>>
    %dma_start3A_139 = tpu.memref_slice %arg21[%dma_start3A_131, %dma_start3A_132] : memref<3x2x!tpu.dma_semaphore, #tpu.memory_space<semaphore_mem>> -> memref<1x1x!tpu.dma_semaphore, #tpu.memory_space<semaphore_mem>>
    %dma_start3A_140 = tpu.memref_squeeze %dma_start3A_139 : memref<1x1x!tpu.dma_semaphore, #tpu.memory_space<semaphore_mem>> -> memref<!tpu.dma_semaphore, #tpu.memory_space<semaphore_mem>>
    tpu.enqueue_indirect_dma source(%dma_start3A_138 : memref<4194304xf32, #tpu.memory_space<hbm>>) target(%dma_start3A_134 : memref<4096xf32, #tpu.memory_space<vmem>>) offsets(%dma_start3A_136 : memref<4096xi32, #tpu.memory_space<vmem>>) semaphore(%dma_start3A_140 : memref<!tpu.dma_semaphore, #tpu.memory_space<semaphore_mem>>)
    %dma_start3A_141 = arith.constant 2 : i32
    %dma_start3A_142 = arith.constant 1 : i32
    %dma_start3A_143 = arith.constant 4096 : i32
    %dma_start3A_144 = tpu.memref_slice %arg17[%dma_start3A_143] : memref<8192xf32, #tpu.memory_space<vmem>> -> memref<4096xf32, #tpu.memory_space<vmem>>
    %dma_start3A_145 = arith.constant 4096 : i32
    %dma_start3A_146 = tpu.memref_slice %arg14[%dma_start3A_145] : memref<8192xi32, #tpu.memory_space<vmem>> -> memref<4096xi32, #tpu.memory_space<vmem>>
    %dma_start3A_147 = arith.constant 0 : i32
    %dma_start3A_148 = tpu.memref_slice %arg2[%dma_start3A_147] : memref<4194304xf32, #tpu.memory_space<hbm>> -> memref<4194304xf32, #tpu.memory_space<hbm>>
    %dma_start3A_149 = tpu.memref_slice %arg21[%dma_start3A_141, %dma_start3A_142] : memref<3x2x!tpu.dma_semaphore, #tpu.memory_space<semaphore_mem>> -> memref<1x1x!tpu.dma_semaphore, #tpu.memory_space<semaphore_mem>>
    %dma_start3A_150 = tpu.memref_squeeze %dma_start3A_149 : memref<1x1x!tpu.dma_semaphore, #tpu.memory_space<semaphore_mem>> -> memref<!tpu.dma_semaphore, #tpu.memory_space<semaphore_mem>>
    tpu.enqueue_indirect_dma source(%dma_start3A_148 : memref<4194304xf32, #tpu.memory_space<hbm>>) target(%dma_start3A_144 : memref<4096xf32, #tpu.memory_space<vmem>>) offsets(%dma_start3A_146 : memref<4096xi32, #tpu.memory_space<vmem>>) semaphore(%dma_start3A_150 : memref<!tpu.dma_semaphore, #tpu.memory_space<semaphore_mem>>)
    %dma_wait3A_151 = arith.constant 0 : i32
    %dma_wait3A_152 = arith.constant 0 : i32
    %dma_wait3A_153 = arith.constant 0 : i32
    %dma_wait3A_154 = tpu.memref_slice %arg15[%dma_wait3A_153] : memref<8192xf32, #tpu.memory_space<vmem>> -> memref<4096xf32, #tpu.memory_space<vmem>>
    %dma_wait3A_155 = arith.constant 0 : i32
    %dma_wait3A_156 = tpu.memref_slice %arg12[%dma_wait3A_155] : memref<8192xi32, #tpu.memory_space<vmem>> -> memref<4096xi32, #tpu.memory_space<vmem>>
    %dma_wait3A_157 = arith.constant 0 : i32
    %dma_wait3A_158 = tpu.memref_slice %arg2[%dma_wait3A_157] : memref<4194304xf32, #tpu.memory_space<hbm>> -> memref<4194304xf32, #tpu.memory_space<hbm>>
    %dma_wait3A_159 = tpu.memref_slice %arg21[%dma_wait3A_151, %dma_wait3A_152] : memref<3x2x!tpu.dma_semaphore, #tpu.memory_space<semaphore_mem>> -> memref<1x1x!tpu.dma_semaphore, #tpu.memory_space<semaphore_mem>>
    %dma_wait3A_160 = tpu.memref_squeeze %dma_wait3A_159 : memref<1x1x!tpu.dma_semaphore, #tpu.memory_space<semaphore_mem>> -> memref<!tpu.dma_semaphore, #tpu.memory_space<semaphore_mem>>
    tpu.wait_indirect_dma semaphore(%dma_wait3A_160 : memref<!tpu.dma_semaphore, #tpu.memory_space<semaphore_mem>>) src(%dma_wait3A_158 : memref<4194304xf32, #tpu.memory_space<hbm>>) dst(%dma_wait3A_154 : memref<4096xf32, #tpu.memory_space<vmem>>)
    %dma_wait3A_161 = arith.constant 0 : i32
    %dma_wait3A_162 = arith.constant 1 : i32
    %dma_wait3A_163 = arith.constant 4096 : i32
    %dma_wait3A_164 = tpu.memref_slice %arg15[%dma_wait3A_163] : memref<8192xf32, #tpu.memory_space<vmem>> -> memref<4096xf32, #tpu.memory_space<vmem>>
    %dma_wait3A_165 = arith.constant 4096 : i32
    %dma_wait3A_166 = tpu.memref_slice %arg12[%dma_wait3A_165] : memref<8192xi32, #tpu.memory_space<vmem>> -> memref<4096xi32, #tpu.memory_space<vmem>>
    %dma_wait3A_167 = arith.constant 0 : i32
    %dma_wait3A_168 = tpu.memref_slice %arg2[%dma_wait3A_167] : memref<4194304xf32, #tpu.memory_space<hbm>> -> memref<4194304xf32, #tpu.memory_space<hbm>>
    %dma_wait3A_169 = tpu.memref_slice %arg21[%dma_wait3A_161, %dma_wait3A_162] : memref<3x2x!tpu.dma_semaphore, #tpu.memory_space<semaphore_mem>> -> memref<1x1x!tpu.dma_semaphore, #tpu.memory_space<semaphore_mem>>
    %dma_wait3A_170 = tpu.memref_squeeze %dma_wait3A_169 : memref<1x1x!tpu.dma_semaphore, #tpu.memory_space<semaphore_mem>> -> memref<!tpu.dma_semaphore, #tpu.memory_space<semaphore_mem>>
    tpu.wait_indirect_dma semaphore(%dma_wait3A_170 : memref<!tpu.dma_semaphore, #tpu.memory_space<semaphore_mem>>) src(%dma_wait3A_168 : memref<4194304xf32, #tpu.memory_space<hbm>>) dst(%dma_wait3A_164 : memref<4096xf32, #tpu.memory_space<vmem>>)
    %broadcast_in_dim3A_171 = arith.constant 4095 : i32
    %broadcast_in_dim3A_172 = vector.broadcast %broadcast_in_dim3A_171 : i32 to vector<16xi32>
    %scan3A_173 = arith.constant 0 : i32
    %scan3A_174 = arith.constant 512 : i32
    %scan3A_175 = arith.addi %scan3A_173, %scan3A_174 : i32
    %scan3A_176 = arith.constant 8 : i32
    %scan3A_177 = scf.for %scan3A_628 = %scan3A_173 to %scan3A_175 step %scan3A_176 iter_args(%scan3A_629 = %broadcast_in_dim3A_112) -> (vector<16xf32>)  : i32 {
      %mul3A_630 = arith.constant 16 : i32
      %mul3A_631 = arith.muli %scan3A_628, %mul3A_630 : i32
      %multiple_of3A = tpu.assume_multiple %mul3A_631, 16 : i32
      %get3A = arith.index_cast %multiple_of3A : i32 to index
      %get3A_632 = tpu.vector_load %arg15[%get3A] {strides = array<i32>} : memref<8192xf32, #tpu.memory_space<vmem>>, vector<16xf32>,
      %get3A_633 = vector.shape_cast %get3A_632 : vector<16xf32> to vector<16xf32>
      %convert_element_type3A = arith.fptosi %get3A_633 : vector<16xf32> to vector<16xi32>
      %and3A = arith.andi %convert_element_type3A, %broadcast_in_dim3A_172 : vector<16xi32>
      %convert_element_type3A_634 = arith.sitofp %and3A : vector<16xi32> to vector<16xf32>
      %shift_right_logical3A = arith.constant 12 : i32
      %shift_right_logical3A_635 = vector.broadcast %shift_right_logical3A : i32 to vector<16xi32>
      %shift_right_logical3A_636 = arith.shrui %convert_element_type3A, %shift_right_logical3A_635 : vector<16xi32>
      %convert_element_type3A_637 = arith.sitofp %shift_right_logical3A_636 : vector<16xi32> to vector<16xf32>
      %get3A_638 = arith.index_cast %multiple_of3A : i32 to index
      %get3A_639 = tpu.vector_load %arg6[%get3A_638] {strides = array<i32>} : memref<8192xf32, #tpu.memory_space<vmem>>, vector<16xf32>,
      %get3A_640 = vector.shape_cast %get3A_639 : vector<16xf32> to vector<16xf32>
      %sub3A = arith.subf %get3A_640, %convert_element_type3A_637 : vector<16xf32>
      %get3A_641 = arith.index_cast %multiple_of3A : i32 to index
      %get3A_642 = tpu.vector_load %arg9[%get3A_641] {strides = array<i32>} : memref<8192xf32, #tpu.memory_space<vmem>>, vector<16xf32>,
      %get3A_643 = vector.shape_cast %get3A_642 : vector<16xf32> to vector<16xf32>
      %sub3A_644 = arith.subf %get3A_643, %convert_element_type3A_634 : vector<16xf32>
      %mul3A_645 = arith.mulf %sub3A, %sub3A : vector<16xf32>
      %add3A_646 = arith.addf %scan3A_629, %mul3A_645 : vector<16xf32>
      %mul3A_647 = arith.mulf %sub3A_644, %sub3A_644 : vector<16xf32>
      %add3A_648 = arith.addf %add3A_646, %mul3A_647 : vector<16xf32>
      %scan3A_649 = arith.constant 1 : i32
      %scan3A_650 = arith.addi %scan3A_628, %scan3A_649 : i32
      %mul3A_651 = arith.constant 16 : i32
      %mul3A_652 = arith.muli %scan3A_650, %mul3A_651 : i32
      %multiple_of3A_653 = tpu.assume_multiple %mul3A_652, 16 : i32
      %get3A_654 = arith.index_cast %multiple_of3A_653 : i32 to index
      %get3A_655 = tpu.vector_load %arg15[%get3A_654] {strides = array<i32>} : memref<8192xf32, #tpu.memory_space<vmem>>, vector<16xf32>,
      %get3A_656 = vector.shape_cast %get3A_655 : vector<16xf32> to vector<16xf32>
      %convert_element_type3A_657 = arith.fptosi %get3A_656 : vector<16xf32> to vector<16xi32>
      %and3A_658 = arith.andi %convert_element_type3A_657, %broadcast_in_dim3A_172 : vector<16xi32>
      %convert_element_type3A_659 = arith.sitofp %and3A_658 : vector<16xi32> to vector<16xf32>
      %shift_right_logical3A_660 = arith.constant 12 : i32
      %shift_right_logical3A_661 = vector.broadcast %shift_right_logical3A_660 : i32 to vector<16xi32>
      %shift_right_logical3A_662 = arith.shrui %convert_element_type3A_657, %shift_right_logical3A_661 : vector<16xi32>
      %convert_element_type3A_663 = arith.sitofp %shift_right_logical3A_662 : vector<16xi32> to vector<16xf32>
      %get3A_664 = arith.index_cast %multiple_of3A_653 : i32 to index
      %get3A_665 = tpu.vector_load %arg6[%get3A_664] {strides = array<i32>} : memref<8192xf32, #tpu.memory_space<vmem>>, vector<16xf32>,
      %get3A_666 = vector.shape_cast %get3A_665 : vector<16xf32> to vector<16xf32>
      %sub3A_667 = arith.subf %get3A_666, %convert_element_type3A_663 : vector<16xf32>
      %get3A_668 = arith.index_cast %multiple_of3A_653 : i32 to index
      %get3A_669 = tpu.vector_load %arg9[%get3A_668] {strides = array<i32>} : memref<8192xf32, #tpu.memory_space<vmem>>, vector<16xf32>,
      %get3A_670 = vector.shape_cast %get3A_669 : vector<16xf32> to vector<16xf32>
      %sub3A_671 = arith.subf %get3A_670, %convert_element_type3A_659 : vector<16xf32>
      %mul3A_672 = arith.mulf %sub3A_667, %sub3A_667 : vector<16xf32>
      %add3A_673 = arith.addf %add3A_648, %mul3A_672 : vector<16xf32>
      %mul3A_674 = arith.mulf %sub3A_671, %sub3A_671 : vector<16xf32>
      %add3A_675 = arith.addf %add3A_673, %mul3A_674 : vector<16xf32>
      %scan3A_676 = arith.constant 2 : i32
      %scan3A_677 = arith.addi %scan3A_628, %scan3A_676 : i32
      %mul3A_678 = arith.constant 16 : i32
      %mul3A_679 = arith.muli %scan3A_677, %mul3A_678 : i32
      %multiple_of3A_680 = tpu.assume_multiple %mul3A_679, 16 : i32
      %get3A_681 = arith.index_cast %multiple_of3A_680 : i32 to index
      %get3A_682 = tpu.vector_load %arg15[%get3A_681] {strides = array<i32>} : memref<8192xf32, #tpu.memory_space<vmem>>, vector<16xf32>,
      %get3A_683 = vector.shape_cast %get3A_682 : vector<16xf32> to vector<16xf32>
      %convert_element_type3A_684 = arith.fptosi %get3A_683 : vector<16xf32> to vector<16xi32>
      %and3A_685 = arith.andi %convert_element_type3A_684, %broadcast_in_dim3A_172 : vector<16xi32>
      %convert_element_type3A_686 = arith.sitofp %and3A_685 : vector<16xi32> to vector<16xf32>
      %shift_right_logical3A_687 = arith.constant 12 : i32
      %shift_right_logical3A_688 = vector.broadcast %shift_right_logical3A_687 : i32 to vector<16xi32>
      %shift_right_logical3A_689 = arith.shrui %convert_element_type3A_684, %shift_right_logical3A_688 : vector<16xi32>
      %convert_element_type3A_690 = arith.sitofp %shift_right_logical3A_689 : vector<16xi32> to vector<16xf32>
      %get3A_691 = arith.index_cast %multiple_of3A_680 : i32 to index
      %get3A_692 = tpu.vector_load %arg6[%get3A_691] {strides = array<i32>} : memref<8192xf32, #tpu.memory_space<vmem>>, vector<16xf32>,
      %get3A_693 = vector.shape_cast %get3A_692 : vector<16xf32> to vector<16xf32>
      %sub3A_694 = arith.subf %get3A_693, %convert_element_type3A_690 : vector<16xf32>
      %get3A_695 = arith.index_cast %multiple_of3A_680 : i32 to index
      %get3A_696 = tpu.vector_load %arg9[%get3A_695] {strides = array<i32>} : memref<8192xf32, #tpu.memory_space<vmem>>, vector<16xf32>,
      %get3A_697 = vector.shape_cast %get3A_696 : vector<16xf32> to vector<16xf32>
      %sub3A_698 = arith.subf %get3A_697, %convert_element_type3A_686 : vector<16xf32>
      %mul3A_699 = arith.mulf %sub3A_694, %sub3A_694 : vector<16xf32>
      %add3A_700 = arith.addf %add3A_675, %mul3A_699 : vector<16xf32>
      %mul3A_701 = arith.mulf %sub3A_698, %sub3A_698 : vector<16xf32>
      %add3A_702 = arith.addf %add3A_700, %mul3A_701 : vector<16xf32>
      %scan3A_703 = arith.constant 3 : i32
      %scan3A_704 = arith.addi %scan3A_628, %scan3A_703 : i32
      %mul3A_705 = arith.constant 16 : i32
      %mul3A_706 = arith.muli %scan3A_704, %mul3A_705 : i32
      %multiple_of3A_707 = tpu.assume_multiple %mul3A_706, 16 : i32
      %get3A_708 = arith.index_cast %multiple_of3A_707 : i32 to index
      %get3A_709 = tpu.vector_load %arg15[%get3A_708] {strides = array<i32>} : memref<8192xf32, #tpu.memory_space<vmem>>, vector<16xf32>,
      %get3A_710 = vector.shape_cast %get3A_709 : vector<16xf32> to vector<16xf32>
      %convert_element_type3A_711 = arith.fptosi %get3A_710 : vector<16xf32> to vector<16xi32>
      %and3A_712 = arith.andi %convert_element_type3A_711, %broadcast_in_dim3A_172 : vector<16xi32>
      %convert_element_type3A_713 = arith.sitofp %and3A_712 : vector<16xi32> to vector<16xf32>
      %shift_right_logical3A_714 = arith.constant 12 : i32
      %shift_right_logical3A_715 = vector.broadcast %shift_right_logical3A_714 : i32 to vector<16xi32>
      %shift_right_logical3A_716 = arith.shrui %convert_element_type3A_711, %shift_right_logical3A_715 : vector<16xi32>
      %convert_element_type3A_717 = arith.sitofp %shift_right_logical3A_716 : vector<16xi32> to vector<16xf32>
      %get3A_718 = arith.index_cast %multiple_of3A_707 : i32 to index
      %get3A_719 = tpu.vector_load %arg6[%get3A_718] {strides = array<i32>} : memref<8192xf32, #tpu.memory_space<vmem>>, vector<16xf32>,
      %get3A_720 = vector.shape_cast %get3A_719 : vector<16xf32> to vector<16xf32>
      %sub3A_721 = arith.subf %get3A_720, %convert_element_type3A_717 : vector<16xf32>
      %get3A_722 = arith.index_cast %multiple_of3A_707 : i32 to index
      %get3A_723 = tpu.vector_load %arg9[%get3A_722] {strides = array<i32>} : memref<8192xf32, #tpu.memory_space<vmem>>, vector<16xf32>,
      %get3A_724 = vector.shape_cast %get3A_723 : vector<16xf32> to vector<16xf32>
      %sub3A_725 = arith.subf %get3A_724, %convert_element_type3A_713 : vector<16xf32>
      %mul3A_726 = arith.mulf %sub3A_721, %sub3A_721 : vector<16xf32>
      %add3A_727 = arith.addf %add3A_702, %mul3A_726 : vector<16xf32>
      %mul3A_728 = arith.mulf %sub3A_725, %sub3A_725 : vector<16xf32>
      %add3A_729 = arith.addf %add3A_727, %mul3A_728 : vector<16xf32>
      %scan3A_730 = arith.constant 4 : i32
      %scan3A_731 = arith.addi %scan3A_628, %scan3A_730 : i32
      %mul3A_732 = arith.constant 16 : i32
      %mul3A_733 = arith.muli %scan3A_731, %mul3A_732 : i32
      %multiple_of3A_734 = tpu.assume_multiple %mul3A_733, 16 : i32
      %get3A_735 = arith.index_cast %multiple_of3A_734 : i32 to index
      %get3A_736 = tpu.vector_load %arg15[%get3A_735] {strides = array<i32>} : memref<8192xf32, #tpu.memory_space<vmem>>, vector<16xf32>,
      %get3A_737 = vector.shape_cast %get3A_736 : vector<16xf32> to vector<16xf32>
      %convert_element_type3A_738 = arith.fptosi %get3A_737 : vector<16xf32> to vector<16xi32>
      %and3A_739 = arith.andi %convert_element_type3A_738, %broadcast_in_dim3A_172 : vector<16xi32>
      %convert_element_type3A_740 = arith.sitofp %and3A_739 : vector<16xi32> to vector<16xf32>
      %shift_right_logical3A_741 = arith.constant 12 : i32
      %shift_right_logical3A_742 = vector.broadcast %shift_right_logical3A_741 : i32 to vector<16xi32>
      %shift_right_logical3A_743 = arith.shrui %convert_element_type3A_738, %shift_right_logical3A_742 : vector<16xi32>
      %convert_element_type3A_744 = arith.sitofp %shift_right_logical3A_743 : vector<16xi32> to vector<16xf32>
      %get3A_745 = arith.index_cast %multiple_of3A_734 : i32 to index
      %get3A_746 = tpu.vector_load %arg6[%get3A_745] {strides = array<i32>} : memref<8192xf32, #tpu.memory_space<vmem>>, vector<16xf32>,
      %get3A_747 = vector.shape_cast %get3A_746 : vector<16xf32> to vector<16xf32>
      %sub3A_748 = arith.subf %get3A_747, %convert_element_type3A_744 : vector<16xf32>
      %get3A_749 = arith.index_cast %multiple_of3A_734 : i32 to index
      %get3A_750 = tpu.vector_load %arg9[%get3A_749] {strides = array<i32>} : memref<8192xf32, #tpu.memory_space<vmem>>, vector<16xf32>,
      %get3A_751 = vector.shape_cast %get3A_750 : vector<16xf32> to vector<16xf32>
      %sub3A_752 = arith.subf %get3A_751, %convert_element_type3A_740 : vector<16xf32>
      %mul3A_753 = arith.mulf %sub3A_748, %sub3A_748 : vector<16xf32>
      %add3A_754 = arith.addf %add3A_729, %mul3A_753 : vector<16xf32>
      %mul3A_755 = arith.mulf %sub3A_752, %sub3A_752 : vector<16xf32>
      %add3A_756 = arith.addf %add3A_754, %mul3A_755 : vector<16xf32>
      %scan3A_757 = arith.constant 5 : i32
      %scan3A_758 = arith.addi %scan3A_628, %scan3A_757 : i32
      %mul3A_759 = arith.constant 16 : i32
      %mul3A_760 = arith.muli %scan3A_758, %mul3A_759 : i32
      %multiple_of3A_761 = tpu.assume_multiple %mul3A_760, 16 : i32
      %get3A_762 = arith.index_cast %multiple_of3A_761 : i32 to index
      %get3A_763 = tpu.vector_load %arg15[%get3A_762] {strides = array<i32>} : memref<8192xf32, #tpu.memory_space<vmem>>, vector<16xf32>,
      %get3A_764 = vector.shape_cast %get3A_763 : vector<16xf32> to vector<16xf32>
      %convert_element_type3A_765 = arith.fptosi %get3A_764 : vector<16xf32> to vector<16xi32>
      %and3A_766 = arith.andi %convert_element_type3A_765, %broadcast_in_dim3A_172 : vector<16xi32>
      %convert_element_type3A_767 = arith.sitofp %and3A_766 : vector<16xi32> to vector<16xf32>
      %shift_right_logical3A_768 = arith.constant 12 : i32
      %shift_right_logical3A_769 = vector.broadcast %shift_right_logical3A_768 : i32 to vector<16xi32>
      %shift_right_logical3A_770 = arith.shrui %convert_element_type3A_765, %shift_right_logical3A_769 : vector<16xi32>
      %convert_element_type3A_771 = arith.sitofp %shift_right_logical3A_770 : vector<16xi32> to vector<16xf32>
      %get3A_772 = arith.index_cast %multiple_of3A_761 : i32 to index
      %get3A_773 = tpu.vector_load %arg6[%get3A_772] {strides = array<i32>} : memref<8192xf32, #tpu.memory_space<vmem>>, vector<16xf32>,
      %get3A_774 = vector.shape_cast %get3A_773 : vector<16xf32> to vector<16xf32>
      %sub3A_775 = arith.subf %get3A_774, %convert_element_type3A_771 : vector<16xf32>
      %get3A_776 = arith.index_cast %multiple_of3A_761 : i32 to index
      %get3A_777 = tpu.vector_load %arg9[%get3A_776] {strides = array<i32>} : memref<8192xf32, #tpu.memory_space<vmem>>, vector<16xf32>,
      %get3A_778 = vector.shape_cast %get3A_777 : vector<16xf32> to vector<16xf32>
      %sub3A_779 = arith.subf %get3A_778, %convert_element_type3A_767 : vector<16xf32>
      %mul3A_780 = arith.mulf %sub3A_775, %sub3A_775 : vector<16xf32>
      %add3A_781 = arith.addf %add3A_756, %mul3A_780 : vector<16xf32>
      %mul3A_782 = arith.mulf %sub3A_779, %sub3A_779 : vector<16xf32>
      %add3A_783 = arith.addf %add3A_781, %mul3A_782 : vector<16xf32>
      %scan3A_784 = arith.constant 6 : i32
      %scan3A_785 = arith.addi %scan3A_628, %scan3A_784 : i32
      %mul3A_786 = arith.constant 16 : i32
      %mul3A_787 = arith.muli %scan3A_785, %mul3A_786 : i32
      %multiple_of3A_788 = tpu.assume_multiple %mul3A_787, 16 : i32
      %get3A_789 = arith.index_cast %multiple_of3A_788 : i32 to index
      %get3A_790 = tpu.vector_load %arg15[%get3A_789] {strides = array<i32>} : memref<8192xf32, #tpu.memory_space<vmem>>, vector<16xf32>,
      %get3A_791 = vector.shape_cast %get3A_790 : vector<16xf32> to vector<16xf32>
      %convert_element_type3A_792 = arith.fptosi %get3A_791 : vector<16xf32> to vector<16xi32>
      %and3A_793 = arith.andi %convert_element_type3A_792, %broadcast_in_dim3A_172 : vector<16xi32>
      %convert_element_type3A_794 = arith.sitofp %and3A_793 : vector<16xi32> to vector<16xf32>
      %shift_right_logical3A_795 = arith.constant 12 : i32
      %shift_right_logical3A_796 = vector.broadcast %shift_right_logical3A_795 : i32 to vector<16xi32>
      %shift_right_logical3A_797 = arith.shrui %convert_element_type3A_792, %shift_right_logical3A_796 : vector<16xi32>
      %convert_element_type3A_798 = arith.sitofp %shift_right_logical3A_797 : vector<16xi32> to vector<16xf32>
      %get3A_799 = arith.index_cast %multiple_of3A_788 : i32 to index
      %get3A_800 = tpu.vector_load %arg6[%get3A_799] {strides = array<i32>} : memref<8192xf32, #tpu.memory_space<vmem>>, vector<16xf32>,
      %get3A_801 = vector.shape_cast %get3A_800 : vector<16xf32> to vector<16xf32>
      %sub3A_802 = arith.subf %get3A_801, %convert_element_type3A_798 : vector<16xf32>
      %get3A_803 = arith.index_cast %multiple_of3A_788 : i32 to index
      %get3A_804 = tpu.vector_load %arg9[%get3A_803] {strides = array<i32>} : memref<8192xf32, #tpu.memory_space<vmem>>, vector<16xf32>,
      %get3A_805 = vector.shape_cast %get3A_804 : vector<16xf32> to vector<16xf32>
      %sub3A_806 = arith.subf %get3A_805, %convert_element_type3A_794 : vector<16xf32>
      %mul3A_807 = arith.mulf %sub3A_802, %sub3A_802 : vector<16xf32>
      %add3A_808 = arith.addf %add3A_783, %mul3A_807 : vector<16xf32>
      %mul3A_809 = arith.mulf %sub3A_806, %sub3A_806 : vector<16xf32>
      %add3A_810 = arith.addf %add3A_808, %mul3A_809 : vector<16xf32>
      %scan3A_811 = arith.constant 7 : i32
      %scan3A_812 = arith.addi %scan3A_628, %scan3A_811 : i32
      %mul3A_813 = arith.constant 16 : i32
      %mul3A_814 = arith.muli %scan3A_812, %mul3A_813 : i32
      %multiple_of3A_815 = tpu.assume_multiple %mul3A_814, 16 : i32
      %get3A_816 = arith.index_cast %multiple_of3A_815 : i32 to index
      %get3A_817 = tpu.vector_load %arg15[%get3A_816] {strides = array<i32>} : memref<8192xf32, #tpu.memory_space<vmem>>, vector<16xf32>,
      %get3A_818 = vector.shape_cast %get3A_817 : vector<16xf32> to vector<16xf32>
      %convert_element_type3A_819 = arith.fptosi %get3A_818 : vector<16xf32> to vector<16xi32>
      %and3A_820 = arith.andi %convert_element_type3A_819, %broadcast_in_dim3A_172 : vector<16xi32>
      %convert_element_type3A_821 = arith.sitofp %and3A_820 : vector<16xi32> to vector<16xf32>
      %shift_right_logical3A_822 = arith.constant 12 : i32
      %shift_right_logical3A_823 = vector.broadcast %shift_right_logical3A_822 : i32 to vector<16xi32>
      %shift_right_logical3A_824 = arith.shrui %convert_element_type3A_819, %shift_right_logical3A_823 : vector<16xi32>
      %convert_element_type3A_825 = arith.sitofp %shift_right_logical3A_824 : vector<16xi32> to vector<16xf32>
      %get3A_826 = arith.index_cast %multiple_of3A_815 : i32 to index
      %get3A_827 = tpu.vector_load %arg6[%get3A_826] {strides = array<i32>} : memref<8192xf32, #tpu.memory_space<vmem>>, vector<16xf32>,
      %get3A_828 = vector.shape_cast %get3A_827 : vector<16xf32> to vector<16xf32>
      %sub3A_829 = arith.subf %get3A_828, %convert_element_type3A_825 : vector<16xf32>
      %get3A_830 = arith.index_cast %multiple_of3A_815 : i32 to index
      %get3A_831 = tpu.vector_load %arg9[%get3A_830] {strides = array<i32>} : memref<8192xf32, #tpu.memory_space<vmem>>, vector<16xf32>,
      %get3A_832 = vector.shape_cast %get3A_831 : vector<16xf32> to vector<16xf32>
      %sub3A_833 = arith.subf %get3A_832, %convert_element_type3A_821 : vector<16xf32>
      %mul3A_834 = arith.mulf %sub3A_829, %sub3A_829 : vector<16xf32>
      %add3A_835 = arith.addf %add3A_810, %mul3A_834 : vector<16xf32>
      %mul3A_836 = arith.mulf %sub3A_833, %sub3A_833 : vector<16xf32>
      %add3A_837 = arith.addf %add3A_835, %mul3A_836 : vector<16xf32>
      scf.yield %add3A_837 : vector<16xf32>
    }
    %scan3A_178 = arith.constant 512 : i32
    %add3A_179 = arith.constant 24576 : i32
    %add3A_180 = arith.addi %mul3A_2, %add3A_179 : i32
    %dma_start3A_181 = arith.constant 0 : i32
    %dma_start3A_182 = tpu.memref_slice %arg3[%add3A_180] : memref<2097152xf32, #tpu.memory_space<hbm>> -> memref<8192xf32, #tpu.memory_space<hbm>>
    %dma_start3A_183 = tpu.memref_slice %arg19[%dma_start3A_181] : memref<3x!tpu.dma_semaphore, #tpu.memory_space<semaphore_mem>> -> memref<1x!tpu.dma_semaphore, #tpu.memory_space<semaphore_mem>>
    %dma_start3A_184 = tpu.memref_squeeze %dma_start3A_183 : memref<1x!tpu.dma_semaphore, #tpu.memory_space<semaphore_mem>> -> memref<!tpu.dma_semaphore, #tpu.memory_space<semaphore_mem>>
    %dma_start3A_185 = tpu.memref_slice %arg3[%add3A_180] : memref<2097152xf32, #tpu.memory_space<hbm>> -> memref<8192xf32, #tpu.memory_space<hbm>>
    tpu.enqueue_dma source(%dma_start3A_185 : memref<8192xf32, #tpu.memory_space<hbm>>) target(%arg6 : memref<8192xf32, #tpu.memory_space<vmem>>) target_semaphore(%dma_start3A_184 : memref<!tpu.dma_semaphore, #tpu.memory_space<semaphore_mem>>)
    %dma_start3A_186 = arith.constant 0 : i32
    %dma_start3A_187 = tpu.memref_slice %arg4[%add3A_180] : memref<2097152xf32, #tpu.memory_space<hbm>> -> memref<8192xf32, #tpu.memory_space<hbm>>
    %dma_start3A_188 = tpu.memref_slice %arg20[%dma_start3A_186] : memref<3x!tpu.dma_semaphore, #tpu.memory_space<semaphore_mem>> -> memref<1x!tpu.dma_semaphore, #tpu.memory_space<semaphore_mem>>
    %dma_start3A_189 = tpu.memref_squeeze %dma_start3A_188 : memref<1x!tpu.dma_semaphore, #tpu.memory_space<semaphore_mem>> -> memref<!tpu.dma_semaphore, #tpu.memory_space<semaphore_mem>>
    %dma_start3A_190 = tpu.memref_slice %arg4[%add3A_180] : memref<2097152xf32, #tpu.memory_space<hbm>> -> memref<8192xf32, #tpu.memory_space<hbm>>
    tpu.enqueue_dma source(%dma_start3A_190 : memref<8192xf32, #tpu.memory_space<hbm>>) target(%arg9 : memref<8192xf32, #tpu.memory_space<vmem>>) target_semaphore(%dma_start3A_189 : memref<!tpu.dma_semaphore, #tpu.memory_space<semaphore_mem>>)
    %add3A_191 = arith.constant 24576 : i32
    %add3A_192 = arith.addi %mul3A_2, %add3A_191 : i32
    %dma_wait3A_193 = arith.constant 0 : i32
    %dma_wait3A_194 = tpu.memref_slice %arg3[%add3A_192] : memref<2097152xf32, #tpu.memory_space<hbm>> -> memref<8192xf32, #tpu.memory_space<hbm>>
    %dma_wait3A_195 = tpu.memref_slice %arg19[%dma_wait3A_193] : memref<3x!tpu.dma_semaphore, #tpu.memory_space<semaphore_mem>> -> memref<1x!tpu.dma_semaphore, #tpu.memory_space<semaphore_mem>>
    %dma_wait3A_196 = tpu.memref_squeeze %dma_wait3A_195 : memref<1x!tpu.dma_semaphore, #tpu.memory_space<semaphore_mem>> -> memref<!tpu.dma_semaphore, #tpu.memory_space<semaphore_mem>>
    %dma_wait3A_197 = tpu.memref_slice %arg3[%add3A_192] : memref<2097152xf32, #tpu.memory_space<hbm>> -> memref<8192xf32, #tpu.memory_space<hbm>>
    tpu.wait_dma2 semaphore(%dma_wait3A_196 : memref<!tpu.dma_semaphore, #tpu.memory_space<semaphore_mem>>) src(%dma_wait3A_197 : memref<8192xf32, #tpu.memory_space<hbm>>) dst(%arg6 : memref<8192xf32, #tpu.memory_space<vmem>>)
    %dma_wait3A_198 = arith.constant 0 : i32
    %dma_wait3A_199 = tpu.memref_slice %arg4[%add3A_192] : memref<2097152xf32, #tpu.memory_space<hbm>> -> memref<8192xf32, #tpu.memory_space<hbm>>
    %dma_wait3A_200 = tpu.memref_slice %arg20[%dma_wait3A_198] : memref<3x!tpu.dma_semaphore, #tpu.memory_space<semaphore_mem>> -> memref<1x!tpu.dma_semaphore, #tpu.memory_space<semaphore_mem>>
    %dma_wait3A_201 = tpu.memref_squeeze %dma_wait3A_200 : memref<1x!tpu.dma_semaphore, #tpu.memory_space<semaphore_mem>> -> memref<!tpu.dma_semaphore, #tpu.memory_space<semaphore_mem>>
    %dma_wait3A_202 = tpu.memref_slice %arg4[%add3A_192] : memref<2097152xf32, #tpu.memory_space<hbm>> -> memref<8192xf32, #tpu.memory_space<hbm>>
    tpu.wait_dma2 semaphore(%dma_wait3A_201 : memref<!tpu.dma_semaphore, #tpu.memory_space<semaphore_mem>>) src(%dma_wait3A_202 : memref<8192xf32, #tpu.memory_space<hbm>>) dst(%arg9 : memref<8192xf32, #tpu.memory_space<vmem>>)
    %scan3A_203 = arith.constant 0 : i32
    %scan3A_204 = arith.constant 0 : i32
    %scan3A_205 = arith.constant 512 : i32
    %scan3A_206 = arith.addi %scan3A_204, %scan3A_205 : i32
    %scan3A_207 = arith.constant 8 : i32
    scf.for %scan3A_628 = %scan3A_204 to %scan3A_206 step %scan3A_207  : i32 {
      %mul3A_629 = arith.constant 16 : i32
      %mul3A_630 = arith.muli %scan3A_628, %mul3A_629 : i32
      %multiple_of3A = tpu.assume_multiple %mul3A_630, 16 : i32
      %get3A = arith.index_cast %multiple_of3A : i32 to index
      %get3A_631 = tpu.vector_load %arg6[%get3A] {strides = array<i32>} : memref<8192xf32, #tpu.memory_space<vmem>>, vector<16xf32>,
      %get3A_632 = vector.shape_cast %get3A_631 : vector<16xf32> to vector<16xf32>
      %convert_element_type3A = arith.fptosi %get3A_632 : vector<16xf32> to vector<16xi32>
      %get3A_633 = arith.index_cast %multiple_of3A : i32 to index
      %get3A_634 = tpu.vector_load %arg9[%get3A_633] {strides = array<i32>} : memref<8192xf32, #tpu.memory_space<vmem>>, vector<16xf32>,
      %get3A_635 = vector.shape_cast %get3A_634 : vector<16xf32> to vector<16xf32>
      %convert_element_type3A_636 = arith.fptosi %get3A_635 : vector<16xf32> to vector<16xi32>
      %mul3A_637 = arith.constant 2048 : i32
      %mul3A_638 = vector.broadcast %mul3A_637 : i32 to vector<16xi32>
      %mul3A_639 = arith.muli %convert_element_type3A_636, %mul3A_638 : vector<16xi32>
      %add3A_640 = arith.addi %mul3A_639, %convert_element_type3A : vector<16xi32>
      %swap3A_641 = arith.index_cast %multiple_of3A : i32 to index
      %swap3A_642 = tpu.vector_load %arg12[%swap3A_641] {strides = array<i32>} : memref<8192xi32, #tpu.memory_space<vmem>>, vector<16xi32>,
      %swap3A_643 = vector.shape_cast %swap3A_642 : vector<16xi32> to vector<16xi32>
      %swap3A_644 = vector.shape_cast %add3A_640 : vector<16xi32> to vector<16xi32>
      tpu.vector_store %arg12[%swap3A_641], %swap3A_644 {strides = array<i32>} : memref<8192xi32, #tpu.memory_space<vmem>>, vector<16xi32>,
      %scan3A_645 = arith.constant 1 : i32
      %scan3A_646 = arith.addi %scan3A_628, %scan3A_645 : i32
      %mul3A_647 = arith.constant 16 : i32
      %mul3A_648 = arith.muli %scan3A_646, %mul3A_647 : i32
      %multiple_of3A_649 = tpu.assume_multiple %mul3A_648, 16 : i32
      %get3A_650 = arith.index_cast %multiple_of3A_649 : i32 to index
      %get3A_651 = tpu.vector_load %arg6[%get3A_650] {strides = array<i32>} : memref<8192xf32, #tpu.memory_space<vmem>>, vector<16xf32>,
      %get3A_652 = vector.shape_cast %get3A_651 : vector<16xf32> to vector<16xf32>
      %convert_element_type3A_653 = arith.fptosi %get3A_652 : vector<16xf32> to vector<16xi32>
      %get3A_654 = arith.index_cast %multiple_of3A_649 : i32 to index
      %get3A_655 = tpu.vector_load %arg9[%get3A_654] {strides = array<i32>} : memref<8192xf32, #tpu.memory_space<vmem>>, vector<16xf32>,
      %get3A_656 = vector.shape_cast %get3A_655 : vector<16xf32> to vector<16xf32>
      %convert_element_type3A_657 = arith.fptosi %get3A_656 : vector<16xf32> to vector<16xi32>
      %mul3A_658 = arith.constant 2048 : i32
      %mul3A_659 = vector.broadcast %mul3A_658 : i32 to vector<16xi32>
      %mul3A_660 = arith.muli %convert_element_type3A_657, %mul3A_659 : vector<16xi32>
      %add3A_661 = arith.addi %mul3A_660, %convert_element_type3A_653 : vector<16xi32>
      %swap3A_662 = arith.index_cast %multiple_of3A_649 : i32 to index
      %swap3A_663 = tpu.vector_load %arg12[%swap3A_662] {strides = array<i32>} : memref<8192xi32, #tpu.memory_space<vmem>>, vector<16xi32>,
      %swap3A_664 = vector.shape_cast %swap3A_663 : vector<16xi32> to vector<16xi32>
      %swap3A_665 = vector.shape_cast %add3A_661 : vector<16xi32> to vector<16xi32>
      tpu.vector_store %arg12[%swap3A_662], %swap3A_665 {strides = array<i32>} : memref<8192xi32, #tpu.memory_space<vmem>>, vector<16xi32>,
      %scan3A_666 = arith.constant 2 : i32
      %scan3A_667 = arith.addi %scan3A_628, %scan3A_666 : i32
      %mul3A_668 = arith.constant 16 : i32
      %mul3A_669 = arith.muli %scan3A_667, %mul3A_668 : i32
      %multiple_of3A_670 = tpu.assume_multiple %mul3A_669, 16 : i32
      %get3A_671 = arith.index_cast %multiple_of3A_670 : i32 to index
      %get3A_672 = tpu.vector_load %arg6[%get3A_671] {strides = array<i32>} : memref<8192xf32, #tpu.memory_space<vmem>>, vector<16xf32>,
      %get3A_673 = vector.shape_cast %get3A_672 : vector<16xf32> to vector<16xf32>
      %convert_element_type3A_674 = arith.fptosi %get3A_673 : vector<16xf32> to vector<16xi32>
      %get3A_675 = arith.index_cast %multiple_of3A_670 : i32 to index
      %get3A_676 = tpu.vector_load %arg9[%get3A_675] {strides = array<i32>} : memref<8192xf32, #tpu.memory_space<vmem>>, vector<16xf32>,
      %get3A_677 = vector.shape_cast %get3A_676 : vector<16xf32> to vector<16xf32>
      %convert_element_type3A_678 = arith.fptosi %get3A_677 : vector<16xf32> to vector<16xi32>
      %mul3A_679 = arith.constant 2048 : i32
      %mul3A_680 = vector.broadcast %mul3A_679 : i32 to vector<16xi32>
      %mul3A_681 = arith.muli %convert_element_type3A_678, %mul3A_680 : vector<16xi32>
      %add3A_682 = arith.addi %mul3A_681, %convert_element_type3A_674 : vector<16xi32>
      %swap3A_683 = arith.index_cast %multiple_of3A_670 : i32 to index
      %swap3A_684 = tpu.vector_load %arg12[%swap3A_683] {strides = array<i32>} : memref<8192xi32, #tpu.memory_space<vmem>>, vector<16xi32>,
      %swap3A_685 = vector.shape_cast %swap3A_684 : vector<16xi32> to vector<16xi32>
      %swap3A_686 = vector.shape_cast %add3A_682 : vector<16xi32> to vector<16xi32>
      tpu.vector_store %arg12[%swap3A_683], %swap3A_686 {strides = array<i32>} : memref<8192xi32, #tpu.memory_space<vmem>>, vector<16xi32>,
      %scan3A_687 = arith.constant 3 : i32
      %scan3A_688 = arith.addi %scan3A_628, %scan3A_687 : i32
      %mul3A_689 = arith.constant 16 : i32
      %mul3A_690 = arith.muli %scan3A_688, %mul3A_689 : i32
      %multiple_of3A_691 = tpu.assume_multiple %mul3A_690, 16 : i32
      %get3A_692 = arith.index_cast %multiple_of3A_691 : i32 to index
      %get3A_693 = tpu.vector_load %arg6[%get3A_692] {strides = array<i32>} : memref<8192xf32, #tpu.memory_space<vmem>>, vector<16xf32>,
      %get3A_694 = vector.shape_cast %get3A_693 : vector<16xf32> to vector<16xf32>
      %convert_element_type3A_695 = arith.fptosi %get3A_694 : vector<16xf32> to vector<16xi32>
      %get3A_696 = arith.index_cast %multiple_of3A_691 : i32 to index
      %get3A_697 = tpu.vector_load %arg9[%get3A_696] {strides = array<i32>} : memref<8192xf32, #tpu.memory_space<vmem>>, vector<16xf32>,
      %get3A_698 = vector.shape_cast %get3A_697 : vector<16xf32> to vector<16xf32>
      %convert_element_type3A_699 = arith.fptosi %get3A_698 : vector<16xf32> to vector<16xi32>
      %mul3A_700 = arith.constant 2048 : i32
      %mul3A_701 = vector.broadcast %mul3A_700 : i32 to vector<16xi32>
      %mul3A_702 = arith.muli %convert_element_type3A_699, %mul3A_701 : vector<16xi32>
      %add3A_703 = arith.addi %mul3A_702, %convert_element_type3A_695 : vector<16xi32>
      %swap3A_704 = arith.index_cast %multiple_of3A_691 : i32 to index
      %swap3A_705 = tpu.vector_load %arg12[%swap3A_704] {strides = array<i32>} : memref<8192xi32, #tpu.memory_space<vmem>>, vector<16xi32>,
      %swap3A_706 = vector.shape_cast %swap3A_705 : vector<16xi32> to vector<16xi32>
      %swap3A_707 = vector.shape_cast %add3A_703 : vector<16xi32> to vector<16xi32>
      tpu.vector_store %arg12[%swap3A_704], %swap3A_707 {strides = array<i32>} : memref<8192xi32, #tpu.memory_space<vmem>>, vector<16xi32>,
      %scan3A_708 = arith.constant 4 : i32
      %scan3A_709 = arith.addi %scan3A_628, %scan3A_708 : i32
      %mul3A_710 = arith.constant 16 : i32
      %mul3A_711 = arith.muli %scan3A_709, %mul3A_710 : i32
      %multiple_of3A_712 = tpu.assume_multiple %mul3A_711, 16 : i32
      %get3A_713 = arith.index_cast %multiple_of3A_712 : i32 to index
      %get3A_714 = tpu.vector_load %arg6[%get3A_713] {strides = array<i32>} : memref<8192xf32, #tpu.memory_space<vmem>>, vector<16xf32>,
      %get3A_715 = vector.shape_cast %get3A_714 : vector<16xf32> to vector<16xf32>
      %convert_element_type3A_716 = arith.fptosi %get3A_715 : vector<16xf32> to vector<16xi32>
      %get3A_717 = arith.index_cast %multiple_of3A_712 : i32 to index
      %get3A_718 = tpu.vector_load %arg9[%get3A_717] {strides = array<i32>} : memref<8192xf32, #tpu.memory_space<vmem>>, vector<16xf32>,
      %get3A_719 = vector.shape_cast %get3A_718 : vector<16xf32> to vector<16xf32>
      %convert_element_type3A_720 = arith.fptosi %get3A_719 : vector<16xf32> to vector<16xi32>
      %mul3A_721 = arith.constant 2048 : i32
      %mul3A_722 = vector.broadcast %mul3A_721 : i32 to vector<16xi32>
      %mul3A_723 = arith.muli %convert_element_type3A_720, %mul3A_722 : vector<16xi32>
      %add3A_724 = arith.addi %mul3A_723, %convert_element_type3A_716 : vector<16xi32>
      %swap3A_725 = arith.index_cast %multiple_of3A_712 : i32 to index
      %swap3A_726 = tpu.vector_load %arg12[%swap3A_725] {strides = array<i32>} : memref<8192xi32, #tpu.memory_space<vmem>>, vector<16xi32>,
      %swap3A_727 = vector.shape_cast %swap3A_726 : vector<16xi32> to vector<16xi32>
      %swap3A_728 = vector.shape_cast %add3A_724 : vector<16xi32> to vector<16xi32>
      tpu.vector_store %arg12[%swap3A_725], %swap3A_728 {strides = array<i32>} : memref<8192xi32, #tpu.memory_space<vmem>>, vector<16xi32>,
      %scan3A_729 = arith.constant 5 : i32
      %scan3A_730 = arith.addi %scan3A_628, %scan3A_729 : i32
      %mul3A_731 = arith.constant 16 : i32
      %mul3A_732 = arith.muli %scan3A_730, %mul3A_731 : i32
      %multiple_of3A_733 = tpu.assume_multiple %mul3A_732, 16 : i32
      %get3A_734 = arith.index_cast %multiple_of3A_733 : i32 to index
      %get3A_735 = tpu.vector_load %arg6[%get3A_734] {strides = array<i32>} : memref<8192xf32, #tpu.memory_space<vmem>>, vector<16xf32>,
      %get3A_736 = vector.shape_cast %get3A_735 : vector<16xf32> to vector<16xf32>
      %convert_element_type3A_737 = arith.fptosi %get3A_736 : vector<16xf32> to vector<16xi32>
      %get3A_738 = arith.index_cast %multiple_of3A_733 : i32 to index
      %get3A_739 = tpu.vector_load %arg9[%get3A_738] {strides = array<i32>} : memref<8192xf32, #tpu.memory_space<vmem>>, vector<16xf32>,
      %get3A_740 = vector.shape_cast %get3A_739 : vector<16xf32> to vector<16xf32>
      %convert_element_type3A_741 = arith.fptosi %get3A_740 : vector<16xf32> to vector<16xi32>
      %mul3A_742 = arith.constant 2048 : i32
      %mul3A_743 = vector.broadcast %mul3A_742 : i32 to vector<16xi32>
      %mul3A_744 = arith.muli %convert_element_type3A_741, %mul3A_743 : vector<16xi32>
      %add3A_745 = arith.addi %mul3A_744, %convert_element_type3A_737 : vector<16xi32>
      %swap3A_746 = arith.index_cast %multiple_of3A_733 : i32 to index
      %swap3A_747 = tpu.vector_load %arg12[%swap3A_746] {strides = array<i32>} : memref<8192xi32, #tpu.memory_space<vmem>>, vector<16xi32>,
      %swap3A_748 = vector.shape_cast %swap3A_747 : vector<16xi32> to vector<16xi32>
      %swap3A_749 = vector.shape_cast %add3A_745 : vector<16xi32> to vector<16xi32>
      tpu.vector_store %arg12[%swap3A_746], %swap3A_749 {strides = array<i32>} : memref<8192xi32, #tpu.memory_space<vmem>>, vector<16xi32>,
      %scan3A_750 = arith.constant 6 : i32
      %scan3A_751 = arith.addi %scan3A_628, %scan3A_750 : i32
      %mul3A_752 = arith.constant 16 : i32
      %mul3A_753 = arith.muli %scan3A_751, %mul3A_752 : i32
      %multiple_of3A_754 = tpu.assume_multiple %mul3A_753, 16 : i32
      %get3A_755 = arith.index_cast %multiple_of3A_754 : i32 to index
      %get3A_756 = tpu.vector_load %arg6[%get3A_755] {strides = array<i32>} : memref<8192xf32, #tpu.memory_space<vmem>>, vector<16xf32>,
      %get3A_757 = vector.shape_cast %get3A_756 : vector<16xf32> to vector<16xf32>
      %convert_element_type3A_758 = arith.fptosi %get3A_757 : vector<16xf32> to vector<16xi32>
      %get3A_759 = arith.index_cast %multiple_of3A_754 : i32 to index
      %get3A_760 = tpu.vector_load %arg9[%get3A_759] {strides = array<i32>} : memref<8192xf32, #tpu.memory_space<vmem>>, vector<16xf32>,
      %get3A_761 = vector.shape_cast %get3A_760 : vector<16xf32> to vector<16xf32>
      %convert_element_type3A_762 = arith.fptosi %get3A_761 : vector<16xf32> to vector<16xi32>
      %mul3A_763 = arith.constant 2048 : i32
      %mul3A_764 = vector.broadcast %mul3A_763 : i32 to vector<16xi32>
      %mul3A_765 = arith.muli %convert_element_type3A_762, %mul3A_764 : vector<16xi32>
      %add3A_766 = arith.addi %mul3A_765, %convert_element_type3A_758 : vector<16xi32>
      %swap3A_767 = arith.index_cast %multiple_of3A_754 : i32 to index
      %swap3A_768 = tpu.vector_load %arg12[%swap3A_767] {strides = array<i32>} : memref<8192xi32, #tpu.memory_space<vmem>>, vector<16xi32>,
      %swap3A_769 = vector.shape_cast %swap3A_768 : vector<16xi32> to vector<16xi32>
      %swap3A_770 = vector.shape_cast %add3A_766 : vector<16xi32> to vector<16xi32>
      tpu.vector_store %arg12[%swap3A_767], %swap3A_770 {strides = array<i32>} : memref<8192xi32, #tpu.memory_space<vmem>>, vector<16xi32>,
      %scan3A_771 = arith.constant 7 : i32
      %scan3A_772 = arith.addi %scan3A_628, %scan3A_771 : i32
      %mul3A_773 = arith.constant 16 : i32
      %mul3A_774 = arith.muli %scan3A_772, %mul3A_773 : i32
      %multiple_of3A_775 = tpu.assume_multiple %mul3A_774, 16 : i32
      %get3A_776 = arith.index_cast %multiple_of3A_775 : i32 to index
      %get3A_777 = tpu.vector_load %arg6[%get3A_776] {strides = array<i32>} : memref<8192xf32, #tpu.memory_space<vmem>>, vector<16xf32>,
      %get3A_778 = vector.shape_cast %get3A_777 : vector<16xf32> to vector<16xf32>
      %convert_element_type3A_779 = arith.fptosi %get3A_778 : vector<16xf32> to vector<16xi32>
      %get3A_780 = arith.index_cast %multiple_of3A_775 : i32 to index
      %get3A_781 = tpu.vector_load %arg9[%get3A_780] {strides = array<i32>} : memref<8192xf32, #tpu.memory_space<vmem>>, vector<16xf32>,
      %get3A_782 = vector.shape_cast %get3A_781 : vector<16xf32> to vector<16xf32>
      %convert_element_type3A_783 = arith.fptosi %get3A_782 : vector<16xf32> to vector<16xi32>
      %mul3A_784 = arith.constant 2048 : i32
      %mul3A_785 = vector.broadcast %mul3A_784 : i32 to vector<16xi32>
      %mul3A_786 = arith.muli %convert_element_type3A_783, %mul3A_785 : vector<16xi32>
      %add3A_787 = arith.addi %mul3A_786, %convert_element_type3A_779 : vector<16xi32>
      %swap3A_788 = arith.index_cast %multiple_of3A_775 : i32 to index
      %swap3A_789 = tpu.vector_load %arg12[%swap3A_788] {strides = array<i32>} : memref<8192xi32, #tpu.memory_space<vmem>>, vector<16xi32>,
      %swap3A_790 = vector.shape_cast %swap3A_789 : vector<16xi32> to vector<16xi32>
      %swap3A_791 = vector.shape_cast %add3A_787 : vector<16xi32> to vector<16xi32>
      tpu.vector_store %arg12[%swap3A_788], %swap3A_791 {strides = array<i32>} : memref<8192xi32, #tpu.memory_space<vmem>>, vector<16xi32>,
    }
    %scan3A_208 = arith.constant 512 : i32
    %dma_start3A_209 = arith.constant 0 : i32
    %dma_start3A_210 = arith.constant 0 : i32
    %dma_start3A_211 = arith.constant 0 : i32
    %dma_start3A_212 = tpu.memref_slice %arg15[%dma_start3A_211] : memref<8192xf32, #tpu.memory_space<vmem>> -> memref<4096xf32, #tpu.memory_space<vmem>>
    %dma_start3A_213 = arith.constant 0 : i32
    %dma_start3A_214 = tpu.memref_slice %arg12[%dma_start3A_213] : memref<8192xi32, #tpu.memory_space<vmem>> -> memref<4096xi32, #tpu.memory_space<vmem>>
    %dma_start3A_215 = arith.constant 0 : i32
    %dma_start3A_216 = tpu.memref_slice %arg2[%dma_start3A_215] : memref<4194304xf32, #tpu.memory_space<hbm>> -> memref<4194304xf32, #tpu.memory_space<hbm>>
    %dma_start3A_217 = tpu.memref_slice %arg21[%dma_start3A_209, %dma_start3A_210] : memref<3x2x!tpu.dma_semaphore, #tpu.memory_space<semaphore_mem>> -> memref<1x1x!tpu.dma_semaphore, #tpu.memory_space<semaphore_mem>>
    %dma_start3A_218 = tpu.memref_squeeze %dma_start3A_217 : memref<1x1x!tpu.dma_semaphore, #tpu.memory_space<semaphore_mem>> -> memref<!tpu.dma_semaphore, #tpu.memory_space<semaphore_mem>>
    tpu.enqueue_indirect_dma source(%dma_start3A_216 : memref<4194304xf32, #tpu.memory_space<hbm>>) target(%dma_start3A_212 : memref<4096xf32, #tpu.memory_space<vmem>>) offsets(%dma_start3A_214 : memref<4096xi32, #tpu.memory_space<vmem>>) semaphore(%dma_start3A_218 : memref<!tpu.dma_semaphore, #tpu.memory_space<semaphore_mem>>)
    %dma_start3A_219 = arith.constant 0 : i32
    %dma_start3A_220 = arith.constant 1 : i32
    %dma_start3A_221 = arith.constant 4096 : i32
    %dma_start3A_222 = tpu.memref_slice %arg15[%dma_start3A_221] : memref<8192xf32, #tpu.memory_space<vmem>> -> memref<4096xf32, #tpu.memory_space<vmem>>
    %dma_start3A_223 = arith.constant 4096 : i32
    %dma_start3A_224 = tpu.memref_slice %arg12[%dma_start3A_223] : memref<8192xi32, #tpu.memory_space<vmem>> -> memref<4096xi32, #tpu.memory_space<vmem>>
    %dma_start3A_225 = arith.constant 0 : i32
    %dma_start3A_226 = tpu.memref_slice %arg2[%dma_start3A_225] : memref<4194304xf32, #tpu.memory_space<hbm>> -> memref<4194304xf32, #tpu.memory_space<hbm>>
    %dma_start3A_227 = tpu.memref_slice %arg21[%dma_start3A_219, %dma_start3A_220] : memref<3x2x!tpu.dma_semaphore, #tpu.memory_space<semaphore_mem>> -> memref<1x1x!tpu.dma_semaphore, #tpu.memory_space<semaphore_mem>>
    %dma_start3A_228 = tpu.memref_squeeze %dma_start3A_227 : memref<1x1x!tpu.dma_semaphore, #tpu.memory_space<semaphore_mem>> -> memref<!tpu.dma_semaphore, #tpu.memory_space<semaphore_mem>>
    tpu.enqueue_indirect_dma source(%dma_start3A_226 : memref<4194304xf32, #tpu.memory_space<hbm>>) target(%dma_start3A_222 : memref<4096xf32, #tpu.memory_space<vmem>>) offsets(%dma_start3A_224 : memref<4096xi32, #tpu.memory_space<vmem>>) semaphore(%dma_start3A_228 : memref<!tpu.dma_semaphore, #tpu.memory_space<semaphore_mem>>)
    %dma_wait3A_229 = arith.constant 1 : i32
    %dma_wait3A_230 = arith.constant 0 : i32
    %dma_wait3A_231 = arith.constant 0 : i32
    %dma_wait3A_232 = tpu.memref_slice %arg16[%dma_wait3A_231] : memref<8192xf32, #tpu.memory_space<vmem>> -> memref<4096xf32, #tpu.memory_space<vmem>>
    %dma_wait3A_233 = arith.constant 0 : i32
    %dma_wait3A_234 = tpu.memref_slice %arg13[%dma_wait3A_233] : memref<8192xi32, #tpu.memory_space<vmem>> -> memref<4096xi32, #tpu.memory_space<vmem>>
    %dma_wait3A_235 = arith.constant 0 : i32
    %dma_wait3A_236 = tpu.memref_slice %arg2[%dma_wait3A_235] : memref<4194304xf32, #tpu.memory_space<hbm>> -> memref<4194304xf32, #tpu.memory_space<hbm>>
    %dma_wait3A_237 = tpu.memref_slice %arg21[%dma_wait3A_229, %dma_wait3A_230] : memref<3x2x!tpu.dma_semaphore, #tpu.memory_space<semaphore_mem>> -> memref<1x1x!tpu.dma_semaphore, #tpu.memory_space<semaphore_mem>>
    %dma_wait3A_238 = tpu.memref_squeeze %dma_wait3A_237 : memref<1x1x!tpu.dma_semaphore, #tpu.memory_space<semaphore_mem>> -> memref<!tpu.dma_semaphore, #tpu.memory_space<semaphore_mem>>
    tpu.wait_indirect_dma semaphore(%dma_wait3A_238 : memref<!tpu.dma_semaphore, #tpu.memory_space<semaphore_mem>>) src(%dma_wait3A_236 : memref<4194304xf32, #tpu.memory_space<hbm>>) dst(%dma_wait3A_232 : memref<4096xf32, #tpu.memory_space<vmem>>)
    %dma_wait3A_239 = arith.constant 1 : i32
    %dma_wait3A_240 = arith.constant 1 : i32
    %dma_wait3A_241 = arith.constant 4096 : i32
    %dma_wait3A_242 = tpu.memref_slice %arg16[%dma_wait3A_241] : memref<8192xf32, #tpu.memory_space<vmem>> -> memref<4096xf32, #tpu.memory_space<vmem>>
    %dma_wait3A_243 = arith.constant 4096 : i32
    %dma_wait3A_244 = tpu.memref_slice %arg13[%dma_wait3A_243] : memref<8192xi32, #tpu.memory_space<vmem>> -> memref<4096xi32, #tpu.memory_space<vmem>>
    %dma_wait3A_245 = arith.constant 0 : i32
    %dma_wait3A_246 = tpu.memref_slice %arg2[%dma_wait3A_245] : memref<4194304xf32, #tpu.memory_space<hbm>> -> memref<4194304xf32, #tpu.memory_space<hbm>>
    %dma_wait3A_247 = tpu.memref_slice %arg21[%dma_wait3A_239, %dma_wait3A_240] : memref<3x2x!tpu.dma_semaphore, #tpu.memory_space<semaphore_mem>> -> memref<1x1x!tpu.dma_semaphore, #tpu.memory_space<semaphore_mem>>
    %dma_wait3A_248 = tpu.memref_squeeze %dma_wait3A_247 : memref<1x1x!tpu.dma_semaphore, #tpu.memory_space<semaphore_mem>> -> memref<!tpu.dma_semaphore, #tpu.memory_space<semaphore_mem>>
    tpu.wait_indirect_dma semaphore(%dma_wait3A_248 : memref<!tpu.dma_semaphore, #tpu.memory_space<semaphore_mem>>) src(%dma_wait3A_246 : memref<4194304xf32, #tpu.memory_space<hbm>>) dst(%dma_wait3A_242 : memref<4096xf32, #tpu.memory_space<vmem>>)
    %broadcast_in_dim3A_249 = arith.constant 4095 : i32
    %broadcast_in_dim3A_250 = vector.broadcast %broadcast_in_dim3A_249 : i32 to vector<16xi32>
    %scan3A_251 = arith.constant 0 : i32
    %scan3A_252 = arith.constant 512 : i32
    %scan3A_253 = arith.addi %scan3A_251, %scan3A_252 : i32
    %scan3A_254 = arith.constant 8 : i32
    %scan3A_255 = scf.for %scan3A_628 = %scan3A_251 to %scan3A_253 step %scan3A_254 iter_args(%scan3A_629 = %scan3A_177) -> (vector<16xf32>)  : i32 {
      %mul3A_630 = arith.constant 16 : i32
      %mul3A_631 = arith.muli %scan3A_628, %mul3A_630 : i32
      %multiple_of3A = tpu.assume_multiple %mul3A_631, 16 : i32
      %get3A = arith.index_cast %multiple_of3A : i32 to index
      %get3A_632 = tpu.vector_load %arg16[%get3A] {strides = array<i32>} : memref<8192xf32, #tpu.memory_space<vmem>>, vector<16xf32>,
      %get3A_633 = vector.shape_cast %get3A_632 : vector<16xf32> to vector<16xf32>
      %convert_element_type3A = arith.fptosi %get3A_633 : vector<16xf32> to vector<16xi32>
      %and3A = arith.andi %convert_element_type3A, %broadcast_in_dim3A_250 : vector<16xi32>
      %convert_element_type3A_634 = arith.sitofp %and3A : vector<16xi32> to vector<16xf32>
      %shift_right_logical3A = arith.constant 12 : i32
      %shift_right_logical3A_635 = vector.broadcast %shift_right_logical3A : i32 to vector<16xi32>
      %shift_right_logical3A_636 = arith.shrui %convert_element_type3A, %shift_right_logical3A_635 : vector<16xi32>
      %convert_element_type3A_637 = arith.sitofp %shift_right_logical3A_636 : vector<16xi32> to vector<16xf32>
      %get3A_638 = arith.index_cast %multiple_of3A : i32 to index
      %get3A_639 = tpu.vector_load %arg7[%get3A_638] {strides = array<i32>} : memref<8192xf32, #tpu.memory_space<vmem>>, vector<16xf32>,
      %get3A_640 = vector.shape_cast %get3A_639 : vector<16xf32> to vector<16xf32>
      %sub3A = arith.subf %get3A_640, %convert_element_type3A_637 : vector<16xf32>
      %get3A_641 = arith.index_cast %multiple_of3A : i32 to index
      %get3A_642 = tpu.vector_load %arg10[%get3A_641] {strides = array<i32>} : memref<8192xf32, #tpu.memory_space<vmem>>, vector<16xf32>,
      %get3A_643 = vector.shape_cast %get3A_642 : vector<16xf32> to vector<16xf32>
      %sub3A_644 = arith.subf %get3A_643, %convert_element_type3A_634 : vector<16xf32>
      %mul3A_645 = arith.mulf %sub3A, %sub3A : vector<16xf32>
      %add3A_646 = arith.addf %scan3A_629, %mul3A_645 : vector<16xf32>
      %mul3A_647 = arith.mulf %sub3A_644, %sub3A_644 : vector<16xf32>
      %add3A_648 = arith.addf %add3A_646, %mul3A_647 : vector<16xf32>
      %scan3A_649 = arith.constant 1 : i32
      %scan3A_650 = arith.addi %scan3A_628, %scan3A_649 : i32
      %mul3A_651 = arith.constant 16 : i32
      %mul3A_652 = arith.muli %scan3A_650, %mul3A_651 : i32
      %multiple_of3A_653 = tpu.assume_multiple %mul3A_652, 16 : i32
      %get3A_654 = arith.index_cast %multiple_of3A_653 : i32 to index
      %get3A_655 = tpu.vector_load %arg16[%get3A_654] {strides = array<i32>} : memref<8192xf32, #tpu.memory_space<vmem>>, vector<16xf32>,
      %get3A_656 = vector.shape_cast %get3A_655 : vector<16xf32> to vector<16xf32>
      %convert_element_type3A_657 = arith.fptosi %get3A_656 : vector<16xf32> to vector<16xi32>
      %and3A_658 = arith.andi %convert_element_type3A_657, %broadcast_in_dim3A_250 : vector<16xi32>
      %convert_element_type3A_659 = arith.sitofp %and3A_658 : vector<16xi32> to vector<16xf32>
      %shift_right_logical3A_660 = arith.constant 12 : i32
      %shift_right_logical3A_661 = vector.broadcast %shift_right_logical3A_660 : i32 to vector<16xi32>
      %shift_right_logical3A_662 = arith.shrui %convert_element_type3A_657, %shift_right_logical3A_661 : vector<16xi32>
      %convert_element_type3A_663 = arith.sitofp %shift_right_logical3A_662 : vector<16xi32> to vector<16xf32>
      %get3A_664 = arith.index_cast %multiple_of3A_653 : i32 to index
      %get3A_665 = tpu.vector_load %arg7[%get3A_664] {strides = array<i32>} : memref<8192xf32, #tpu.memory_space<vmem>>, vector<16xf32>,
      %get3A_666 = vector.shape_cast %get3A_665 : vector<16xf32> to vector<16xf32>
      %sub3A_667 = arith.subf %get3A_666, %convert_element_type3A_663 : vector<16xf32>
      %get3A_668 = arith.index_cast %multiple_of3A_653 : i32 to index
      %get3A_669 = tpu.vector_load %arg10[%get3A_668] {strides = array<i32>} : memref<8192xf32, #tpu.memory_space<vmem>>, vector<16xf32>,
      %get3A_670 = vector.shape_cast %get3A_669 : vector<16xf32> to vector<16xf32>
      %sub3A_671 = arith.subf %get3A_670, %convert_element_type3A_659 : vector<16xf32>
      %mul3A_672 = arith.mulf %sub3A_667, %sub3A_667 : vector<16xf32>
      %add3A_673 = arith.addf %add3A_648, %mul3A_672 : vector<16xf32>
      %mul3A_674 = arith.mulf %sub3A_671, %sub3A_671 : vector<16xf32>
      %add3A_675 = arith.addf %add3A_673, %mul3A_674 : vector<16xf32>
      %scan3A_676 = arith.constant 2 : i32
      %scan3A_677 = arith.addi %scan3A_628, %scan3A_676 : i32
      %mul3A_678 = arith.constant 16 : i32
      %mul3A_679 = arith.muli %scan3A_677, %mul3A_678 : i32
      %multiple_of3A_680 = tpu.assume_multiple %mul3A_679, 16 : i32
      %get3A_681 = arith.index_cast %multiple_of3A_680 : i32 to index
      %get3A_682 = tpu.vector_load %arg16[%get3A_681] {strides = array<i32>} : memref<8192xf32, #tpu.memory_space<vmem>>, vector<16xf32>,
      %get3A_683 = vector.shape_cast %get3A_682 : vector<16xf32> to vector<16xf32>
      %convert_element_type3A_684 = arith.fptosi %get3A_683 : vector<16xf32> to vector<16xi32>
      %and3A_685 = arith.andi %convert_element_type3A_684, %broadcast_in_dim3A_250 : vector<16xi32>
      %convert_element_type3A_686 = arith.sitofp %and3A_685 : vector<16xi32> to vector<16xf32>
      %shift_right_logical3A_687 = arith.constant 12 : i32
      %shift_right_logical3A_688 = vector.broadcast %shift_right_logical3A_687 : i32 to vector<16xi32>
      %shift_right_logical3A_689 = arith.shrui %convert_element_type3A_684, %shift_right_logical3A_688 : vector<16xi32>
      %convert_element_type3A_690 = arith.sitofp %shift_right_logical3A_689 : vector<16xi32> to vector<16xf32>
      %get3A_691 = arith.index_cast %multiple_of3A_680 : i32 to index
      %get3A_692 = tpu.vector_load %arg7[%get3A_691] {strides = array<i32>} : memref<8192xf32, #tpu.memory_space<vmem>>, vector<16xf32>,
      %get3A_693 = vector.shape_cast %get3A_692 : vector<16xf32> to vector<16xf32>
      %sub3A_694 = arith.subf %get3A_693, %convert_element_type3A_690 : vector<16xf32>
      %get3A_695 = arith.index_cast %multiple_of3A_680 : i32 to index
      %get3A_696 = tpu.vector_load %arg10[%get3A_695] {strides = array<i32>} : memref<8192xf32, #tpu.memory_space<vmem>>, vector<16xf32>,
      %get3A_697 = vector.shape_cast %get3A_696 : vector<16xf32> to vector<16xf32>
      %sub3A_698 = arith.subf %get3A_697, %convert_element_type3A_686 : vector<16xf32>
      %mul3A_699 = arith.mulf %sub3A_694, %sub3A_694 : vector<16xf32>
      %add3A_700 = arith.addf %add3A_675, %mul3A_699 : vector<16xf32>
      %mul3A_701 = arith.mulf %sub3A_698, %sub3A_698 : vector<16xf32>
      %add3A_702 = arith.addf %add3A_700, %mul3A_701 : vector<16xf32>
      %scan3A_703 = arith.constant 3 : i32
      %scan3A_704 = arith.addi %scan3A_628, %scan3A_703 : i32
      %mul3A_705 = arith.constant 16 : i32
      %mul3A_706 = arith.muli %scan3A_704, %mul3A_705 : i32
      %multiple_of3A_707 = tpu.assume_multiple %mul3A_706, 16 : i32
      %get3A_708 = arith.index_cast %multiple_of3A_707 : i32 to index
      %get3A_709 = tpu.vector_load %arg16[%get3A_708] {strides = array<i32>} : memref<8192xf32, #tpu.memory_space<vmem>>, vector<16xf32>,
      %get3A_710 = vector.shape_cast %get3A_709 : vector<16xf32> to vector<16xf32>
      %convert_element_type3A_711 = arith.fptosi %get3A_710 : vector<16xf32> to vector<16xi32>
      %and3A_712 = arith.andi %convert_element_type3A_711, %broadcast_in_dim3A_250 : vector<16xi32>
      %convert_element_type3A_713 = arith.sitofp %and3A_712 : vector<16xi32> to vector<16xf32>
      %shift_right_logical3A_714 = arith.constant 12 : i32
      %shift_right_logical3A_715 = vector.broadcast %shift_right_logical3A_714 : i32 to vector<16xi32>
      %shift_right_logical3A_716 = arith.shrui %convert_element_type3A_711, %shift_right_logical3A_715 : vector<16xi32>
      %convert_element_type3A_717 = arith.sitofp %shift_right_logical3A_716 : vector<16xi32> to vector<16xf32>
      %get3A_718 = arith.index_cast %multiple_of3A_707 : i32 to index
      %get3A_719 = tpu.vector_load %arg7[%get3A_718] {strides = array<i32>} : memref<8192xf32, #tpu.memory_space<vmem>>, vector<16xf32>,
      %get3A_720 = vector.shape_cast %get3A_719 : vector<16xf32> to vector<16xf32>
      %sub3A_721 = arith.subf %get3A_720, %convert_element_type3A_717 : vector<16xf32>
      %get3A_722 = arith.index_cast %multiple_of3A_707 : i32 to index
      %get3A_723 = tpu.vector_load %arg10[%get3A_722] {strides = array<i32>} : memref<8192xf32, #tpu.memory_space<vmem>>, vector<16xf32>,
      %get3A_724 = vector.shape_cast %get3A_723 : vector<16xf32> to vector<16xf32>
      %sub3A_725 = arith.subf %get3A_724, %convert_element_type3A_713 : vector<16xf32>
      %mul3A_726 = arith.mulf %sub3A_721, %sub3A_721 : vector<16xf32>
      %add3A_727 = arith.addf %add3A_702, %mul3A_726 : vector<16xf32>
      %mul3A_728 = arith.mulf %sub3A_725, %sub3A_725 : vector<16xf32>
      %add3A_729 = arith.addf %add3A_727, %mul3A_728 : vector<16xf32>
      %scan3A_730 = arith.constant 4 : i32
      %scan3A_731 = arith.addi %scan3A_628, %scan3A_730 : i32
      %mul3A_732 = arith.constant 16 : i32
      %mul3A_733 = arith.muli %scan3A_731, %mul3A_732 : i32
      %multiple_of3A_734 = tpu.assume_multiple %mul3A_733, 16 : i32
      %get3A_735 = arith.index_cast %multiple_of3A_734 : i32 to index
      %get3A_736 = tpu.vector_load %arg16[%get3A_735] {strides = array<i32>} : memref<8192xf32, #tpu.memory_space<vmem>>, vector<16xf32>,
      %get3A_737 = vector.shape_cast %get3A_736 : vector<16xf32> to vector<16xf32>
      %convert_element_type3A_738 = arith.fptosi %get3A_737 : vector<16xf32> to vector<16xi32>
      %and3A_739 = arith.andi %convert_element_type3A_738, %broadcast_in_dim3A_250 : vector<16xi32>
      %convert_element_type3A_740 = arith.sitofp %and3A_739 : vector<16xi32> to vector<16xf32>
      %shift_right_logical3A_741 = arith.constant 12 : i32
      %shift_right_logical3A_742 = vector.broadcast %shift_right_logical3A_741 : i32 to vector<16xi32>
      %shift_right_logical3A_743 = arith.shrui %convert_element_type3A_738, %shift_right_logical3A_742 : vector<16xi32>
      %convert_element_type3A_744 = arith.sitofp %shift_right_logical3A_743 : vector<16xi32> to vector<16xf32>
      %get3A_745 = arith.index_cast %multiple_of3A_734 : i32 to index
      %get3A_746 = tpu.vector_load %arg7[%get3A_745] {strides = array<i32>} : memref<8192xf32, #tpu.memory_space<vmem>>, vector<16xf32>,
      %get3A_747 = vector.shape_cast %get3A_746 : vector<16xf32> to vector<16xf32>
      %sub3A_748 = arith.subf %get3A_747, %convert_element_type3A_744 : vector<16xf32>
      %get3A_749 = arith.index_cast %multiple_of3A_734 : i32 to index
      %get3A_750 = tpu.vector_load %arg10[%get3A_749] {strides = array<i32>} : memref<8192xf32, #tpu.memory_space<vmem>>, vector<16xf32>,
      %get3A_751 = vector.shape_cast %get3A_750 : vector<16xf32> to vector<16xf32>
      %sub3A_752 = arith.subf %get3A_751, %convert_element_type3A_740 : vector<16xf32>
      %mul3A_753 = arith.mulf %sub3A_748, %sub3A_748 : vector<16xf32>
      %add3A_754 = arith.addf %add3A_729, %mul3A_753 : vector<16xf32>
      %mul3A_755 = arith.mulf %sub3A_752, %sub3A_752 : vector<16xf32>
      %add3A_756 = arith.addf %add3A_754, %mul3A_755 : vector<16xf32>
      %scan3A_757 = arith.constant 5 : i32
      %scan3A_758 = arith.addi %scan3A_628, %scan3A_757 : i32
      %mul3A_759 = arith.constant 16 : i32
      %mul3A_760 = arith.muli %scan3A_758, %mul3A_759 : i32
      %multiple_of3A_761 = tpu.assume_multiple %mul3A_760, 16 : i32
      %get3A_762 = arith.index_cast %multiple_of3A_761 : i32 to index
      %get3A_763 = tpu.vector_load %arg16[%get3A_762] {strides = array<i32>} : memref<8192xf32, #tpu.memory_space<vmem>>, vector<16xf32>,
      %get3A_764 = vector.shape_cast %get3A_763 : vector<16xf32> to vector<16xf32>
      %convert_element_type3A_765 = arith.fptosi %get3A_764 : vector<16xf32> to vector<16xi32>
      %and3A_766 = arith.andi %convert_element_type3A_765, %broadcast_in_dim3A_250 : vector<16xi32>
      %convert_element_type3A_767 = arith.sitofp %and3A_766 : vector<16xi32> to vector<16xf32>
      %shift_right_logical3A_768 = arith.constant 12 : i32
      %shift_right_logical3A_769 = vector.broadcast %shift_right_logical3A_768 : i32 to vector<16xi32>
      %shift_right_logical3A_770 = arith.shrui %convert_element_type3A_765, %shift_right_logical3A_769 : vector<16xi32>
      %convert_element_type3A_771 = arith.sitofp %shift_right_logical3A_770 : vector<16xi32> to vector<16xf32>
      %get3A_772 = arith.index_cast %multiple_of3A_761 : i32 to index
      %get3A_773 = tpu.vector_load %arg7[%get3A_772] {strides = array<i32>} : memref<8192xf32, #tpu.memory_space<vmem>>, vector<16xf32>,
      %get3A_774 = vector.shape_cast %get3A_773 : vector<16xf32> to vector<16xf32>
      %sub3A_775 = arith.subf %get3A_774, %convert_element_type3A_771 : vector<16xf32>
      %get3A_776 = arith.index_cast %multiple_of3A_761 : i32 to index
      %get3A_777 = tpu.vector_load %arg10[%get3A_776] {strides = array<i32>} : memref<8192xf32, #tpu.memory_space<vmem>>, vector<16xf32>,
      %get3A_778 = vector.shape_cast %get3A_777 : vector<16xf32> to vector<16xf32>
      %sub3A_779 = arith.subf %get3A_778, %convert_element_type3A_767 : vector<16xf32>
      %mul3A_780 = arith.mulf %sub3A_775, %sub3A_775 : vector<16xf32>
      %add3A_781 = arith.addf %add3A_756, %mul3A_780 : vector<16xf32>
      %mul3A_782 = arith.mulf %sub3A_779, %sub3A_779 : vector<16xf32>
      %add3A_783 = arith.addf %add3A_781, %mul3A_782 : vector<16xf32>
      %scan3A_784 = arith.constant 6 : i32
      %scan3A_785 = arith.addi %scan3A_628, %scan3A_784 : i32
      %mul3A_786 = arith.constant 16 : i32
      %mul3A_787 = arith.muli %scan3A_785, %mul3A_786 : i32
      %multiple_of3A_788 = tpu.assume_multiple %mul3A_787, 16 : i32
      %get3A_789 = arith.index_cast %multiple_of3A_788 : i32 to index
      %get3A_790 = tpu.vector_load %arg16[%get3A_789] {strides = array<i32>} : memref<8192xf32, #tpu.memory_space<vmem>>, vector<16xf32>,
      %get3A_791 = vector.shape_cast %get3A_790 : vector<16xf32> to vector<16xf32>
      %convert_element_type3A_792 = arith.fptosi %get3A_791 : vector<16xf32> to vector<16xi32>
      %and3A_793 = arith.andi %convert_element_type3A_792, %broadcast_in_dim3A_250 : vector<16xi32>
      %convert_element_type3A_794 = arith.sitofp %and3A_793 : vector<16xi32> to vector<16xf32>
      %shift_right_logical3A_795 = arith.constant 12 : i32
      %shift_right_logical3A_796 = vector.broadcast %shift_right_logical3A_795 : i32 to vector<16xi32>
      %shift_right_logical3A_797 = arith.shrui %convert_element_type3A_792, %shift_right_logical3A_796 : vector<16xi32>
      %convert_element_type3A_798 = arith.sitofp %shift_right_logical3A_797 : vector<16xi32> to vector<16xf32>
      %get3A_799 = arith.index_cast %multiple_of3A_788 : i32 to index
      %get3A_800 = tpu.vector_load %arg7[%get3A_799] {strides = array<i32>} : memref<8192xf32, #tpu.memory_space<vmem>>, vector<16xf32>,
      %get3A_801 = vector.shape_cast %get3A_800 : vector<16xf32> to vector<16xf32>
      %sub3A_802 = arith.subf %get3A_801, %convert_element_type3A_798 : vector<16xf32>
      %get3A_803 = arith.index_cast %multiple_of3A_788 : i32 to index
      %get3A_804 = tpu.vector_load %arg10[%get3A_803] {strides = array<i32>} : memref<8192xf32, #tpu.memory_space<vmem>>, vector<16xf32>,
      %get3A_805 = vector.shape_cast %get3A_804 : vector<16xf32> to vector<16xf32>
      %sub3A_806 = arith.subf %get3A_805, %convert_element_type3A_794 : vector<16xf32>
      %mul3A_807 = arith.mulf %sub3A_802, %sub3A_802 : vector<16xf32>
      %add3A_808 = arith.addf %add3A_783, %mul3A_807 : vector<16xf32>
      %mul3A_809 = arith.mulf %sub3A_806, %sub3A_806 : vector<16xf32>
      %add3A_810 = arith.addf %add3A_808, %mul3A_809 : vector<16xf32>
      %scan3A_811 = arith.constant 7 : i32
      %scan3A_812 = arith.addi %scan3A_628, %scan3A_811 : i32
      %mul3A_813 = arith.constant 16 : i32
      %mul3A_814 = arith.muli %scan3A_812, %mul3A_813 : i32
      %multiple_of3A_815 = tpu.assume_multiple %mul3A_814, 16 : i32
      %get3A_816 = arith.index_cast %multiple_of3A_815 : i32 to index
      %get3A_817 = tpu.vector_load %arg16[%get3A_816] {strides = array<i32>} : memref<8192xf32, #tpu.memory_space<vmem>>, vector<16xf32>,
      %get3A_818 = vector.shape_cast %get3A_817 : vector<16xf32> to vector<16xf32>
      %convert_element_type3A_819 = arith.fptosi %get3A_818 : vector<16xf32> to vector<16xi32>
      %and3A_820 = arith.andi %convert_element_type3A_819, %broadcast_in_dim3A_250 : vector<16xi32>
      %convert_element_type3A_821 = arith.sitofp %and3A_820 : vector<16xi32> to vector<16xf32>
      %shift_right_logical3A_822 = arith.constant 12 : i32
      %shift_right_logical3A_823 = vector.broadcast %shift_right_logical3A_822 : i32 to vector<16xi32>
      %shift_right_logical3A_824 = arith.shrui %convert_element_type3A_819, %shift_right_logical3A_823 : vector<16xi32>
      %convert_element_type3A_825 = arith.sitofp %shift_right_logical3A_824 : vector<16xi32> to vector<16xf32>
      %get3A_826 = arith.index_cast %multiple_of3A_815 : i32 to index
      %get3A_827 = tpu.vector_load %arg7[%get3A_826] {strides = array<i32>} : memref<8192xf32, #tpu.memory_space<vmem>>, vector<16xf32>,
      %get3A_828 = vector.shape_cast %get3A_827 : vector<16xf32> to vector<16xf32>
      %sub3A_829 = arith.subf %get3A_828, %convert_element_type3A_825 : vector<16xf32>
      %get3A_830 = arith.index_cast %multiple_of3A_815 : i32 to index
      %get3A_831 = tpu.vector_load %arg10[%get3A_830] {strides = array<i32>} : memref<8192xf32, #tpu.memory_space<vmem>>, vector<16xf32>,
      %get3A_832 = vector.shape_cast %get3A_831 : vector<16xf32> to vector<16xf32>
      %sub3A_833 = arith.subf %get3A_832, %convert_element_type3A_821 : vector<16xf32>
      %mul3A_834 = arith.mulf %sub3A_829, %sub3A_829 : vector<16xf32>
      %add3A_835 = arith.addf %add3A_810, %mul3A_834 : vector<16xf32>
      %mul3A_836 = arith.mulf %sub3A_833, %sub3A_833 : vector<16xf32>
      %add3A_837 = arith.addf %add3A_835, %mul3A_836 : vector<16xf32>
      scf.yield %add3A_837 : vector<16xf32>
    }
    %scan3A_256 = arith.constant 512 : i32
    %add3A_257 = arith.constant 32768 : i32
    %add3A_258 = arith.addi %mul3A_2, %add3A_257 : i32
    %dma_start3A_259 = arith.constant 1 : i32
    %dma_start3A_260 = tpu.memref_slice %arg3[%add3A_258] : memref<2097152xf32, #tpu.memory_space<hbm>> -> memref<8192xf32, #tpu.memory_space<hbm>>
    %dma_start3A_261 = tpu.memref_slice %arg19[%dma_start3A_259] : memref<3x!tpu.dma_semaphore, #tpu.memory_space<semaphore_mem>> -> memref<1x!tpu.dma_semaphore, #tpu.memory_space<semaphore_mem>>
    %dma_start3A_262 = tpu.memref_squeeze %dma_start3A_261 : memref<1x!tpu.dma_semaphore, #tpu.memory_space<semaphore_mem>> -> memref<!tpu.dma_semaphore, #tpu.memory_space<semaphore_mem>>
    %dma_start3A_263 = tpu.memref_slice %arg3[%add3A_258] : memref<2097152xf32, #tpu.memory_space<hbm>> -> memref<8192xf32, #tpu.memory_space<hbm>>
    tpu.enqueue_dma source(%dma_start3A_263 : memref<8192xf32, #tpu.memory_space<hbm>>) target(%arg7 : memref<8192xf32, #tpu.memory_space<vmem>>) target_semaphore(%dma_start3A_262 : memref<!tpu.dma_semaphore, #tpu.memory_space<semaphore_mem>>)
    %dma_start3A_264 = arith.constant 1 : i32
    %dma_start3A_265 = tpu.memref_slice %arg4[%add3A_258] : memref<2097152xf32, #tpu.memory_space<hbm>> -> memref<8192xf32, #tpu.memory_space<hbm>>
    %dma_start3A_266 = tpu.memref_slice %arg20[%dma_start3A_264] : memref<3x!tpu.dma_semaphore, #tpu.memory_space<semaphore_mem>> -> memref<1x!tpu.dma_semaphore, #tpu.memory_space<semaphore_mem>>
    %dma_start3A_267 = tpu.memref_squeeze %dma_start3A_266 : memref<1x!tpu.dma_semaphore, #tpu.memory_space<semaphore_mem>> -> memref<!tpu.dma_semaphore, #tpu.memory_space<semaphore_mem>>
    %dma_start3A_268 = tpu.memref_slice %arg4[%add3A_258] : memref<2097152xf32, #tpu.memory_space<hbm>> -> memref<8192xf32, #tpu.memory_space<hbm>>
    tpu.enqueue_dma source(%dma_start3A_268 : memref<8192xf32, #tpu.memory_space<hbm>>) target(%arg10 : memref<8192xf32, #tpu.memory_space<vmem>>) target_semaphore(%dma_start3A_267 : memref<!tpu.dma_semaphore, #tpu.memory_space<semaphore_mem>>)
    %add3A_269 = arith.constant 32768 : i32
    %add3A_270 = arith.addi %mul3A_2, %add3A_269 : i32
    %dma_wait3A_271 = arith.constant 1 : i32
    %dma_wait3A_272 = tpu.memref_slice %arg3[%add3A_270] : memref<2097152xf32, #tpu.memory_space<hbm>> -> memref<8192xf32, #tpu.memory_space<hbm>>
    %dma_wait3A_273 = tpu.memref_slice %arg19[%dma_wait3A_271] : memref<3x!tpu.dma_semaphore, #tpu.memory_space<semaphore_mem>> -> memref<1x!tpu.dma_semaphore, #tpu.memory_space<semaphore_mem>>
    %dma_wait3A_274 = tpu.memref_squeeze %dma_wait3A_273 : memref<1x!tpu.dma_semaphore, #tpu.memory_space<semaphore_mem>> -> memref<!tpu.dma_semaphore, #tpu.memory_space<semaphore_mem>>
    %dma_wait3A_275 = tpu.memref_slice %arg3[%add3A_270] : memref<2097152xf32, #tpu.memory_space<hbm>> -> memref<8192xf32, #tpu.memory_space<hbm>>
    tpu.wait_dma2 semaphore(%dma_wait3A_274 : memref<!tpu.dma_semaphore, #tpu.memory_space<semaphore_mem>>) src(%dma_wait3A_275 : memref<8192xf32, #tpu.memory_space<hbm>>) dst(%arg7 : memref<8192xf32, #tpu.memory_space<vmem>>)
    %dma_wait3A_276 = arith.constant 1 : i32
    %dma_wait3A_277 = tpu.memref_slice %arg4[%add3A_270] : memref<2097152xf32, #tpu.memory_space<hbm>> -> memref<8192xf32, #tpu.memory_space<hbm>>
    %dma_wait3A_278 = tpu.memref_slice %arg20[%dma_wait3A_276] : memref<3x!tpu.dma_semaphore, #tpu.memory_space<semaphore_mem>> -> memref<1x!tpu.dma_semaphore, #tpu.memory_space<semaphore_mem>>
    %dma_wait3A_279 = tpu.memref_squeeze %dma_wait3A_278 : memref<1x!tpu.dma_semaphore, #tpu.memory_space<semaphore_mem>> -> memref<!tpu.dma_semaphore, #tpu.memory_space<semaphore_mem>>
    %dma_wait3A_280 = tpu.memref_slice %arg4[%add3A_270] : memref<2097152xf32, #tpu.memory_space<hbm>> -> memref<8192xf32, #tpu.memory_space<hbm>>
    tpu.wait_dma2 semaphore(%dma_wait3A_279 : memref<!tpu.dma_semaphore, #tpu.memory_space<semaphore_mem>>) src(%dma_wait3A_280 : memref<8192xf32, #tpu.memory_space<hbm>>) dst(%arg10 : memref<8192xf32, #tpu.memory_space<vmem>>)
    %scan3A_281 = arith.constant 0 : i32
    %scan3A_282 = arith.constant 0 : i32
    %scan3A_283 = arith.constant 512 : i32
    %scan3A_284 = arith.addi %scan3A_282, %scan3A_283 : i32
    %scan3A_285 = arith.constant 8 : i32
    scf.for %scan3A_628 = %scan3A_282 to %scan3A_284 step %scan3A_285  : i32 {
      %mul3A_629 = arith.constant 16 : i32
      %mul3A_630 = arith.muli %scan3A_628, %mul3A_629 : i32
      %multiple_of3A = tpu.assume_multiple %mul3A_630, 16 : i32
      %get3A = arith.index_cast %multiple_of3A : i32 to index
      %get3A_631 = tpu.vector_load %arg7[%get3A] {strides = array<i32>} : memref<8192xf32, #tpu.memory_space<vmem>>, vector<16xf32>,
      %get3A_632 = vector.shape_cast %get3A_631 : vector<16xf32> to vector<16xf32>
      %convert_element_type3A = arith.fptosi %get3A_632 : vector<16xf32> to vector<16xi32>
      %get3A_633 = arith.index_cast %multiple_of3A : i32 to index
      %get3A_634 = tpu.vector_load %arg10[%get3A_633] {strides = array<i32>} : memref<8192xf32, #tpu.memory_space<vmem>>, vector<16xf32>,
      %get3A_635 = vector.shape_cast %get3A_634 : vector<16xf32> to vector<16xf32>
      %convert_element_type3A_636 = arith.fptosi %get3A_635 : vector<16xf32> to vector<16xi32>
      %mul3A_637 = arith.constant 2048 : i32
      %mul3A_638 = vector.broadcast %mul3A_637 : i32 to vector<16xi32>
      %mul3A_639 = arith.muli %convert_element_type3A_636, %mul3A_638 : vector<16xi32>
      %add3A_640 = arith.addi %mul3A_639, %convert_element_type3A : vector<16xi32>
      %swap3A_641 = arith.index_cast %multiple_of3A : i32 to index
      %swap3A_642 = tpu.vector_load %arg13[%swap3A_641] {strides = array<i32>} : memref<8192xi32, #tpu.memory_space<vmem>>, vector<16xi32>,
      %swap3A_643 = vector.shape_cast %swap3A_642 : vector<16xi32> to vector<16xi32>
      %swap3A_644 = vector.shape_cast %add3A_640 : vector<16xi32> to vector<16xi32>
      tpu.vector_store %arg13[%swap3A_641], %swap3A_644 {strides = array<i32>} : memref<8192xi32, #tpu.memory_space<vmem>>, vector<16xi32>,
      %scan3A_645 = arith.constant 1 : i32
      %scan3A_646 = arith.addi %scan3A_628, %scan3A_645 : i32
      %mul3A_647 = arith.constant 16 : i32
      %mul3A_648 = arith.muli %scan3A_646, %mul3A_647 : i32
      %multiple_of3A_649 = tpu.assume_multiple %mul3A_648, 16 : i32
      %get3A_650 = arith.index_cast %multiple_of3A_649 : i32 to index
      %get3A_651 = tpu.vector_load %arg7[%get3A_650] {strides = array<i32>} : memref<8192xf32, #tpu.memory_space<vmem>>, vector<16xf32>,
      %get3A_652 = vector.shape_cast %get3A_651 : vector<16xf32> to vector<16xf32>
      %convert_element_type3A_653 = arith.fptosi %get3A_652 : vector<16xf32> to vector<16xi32>
      %get3A_654 = arith.index_cast %multiple_of3A_649 : i32 to index
      %get3A_655 = tpu.vector_load %arg10[%get3A_654] {strides = array<i32>} : memref<8192xf32, #tpu.memory_space<vmem>>, vector<16xf32>,
      %get3A_656 = vector.shape_cast %get3A_655 : vector<16xf32> to vector<16xf32>
      %convert_element_type3A_657 = arith.fptosi %get3A_656 : vector<16xf32> to vector<16xi32>
      %mul3A_658 = arith.constant 2048 : i32
      %mul3A_659 = vector.broadcast %mul3A_658 : i32 to vector<16xi32>
      %mul3A_660 = arith.muli %convert_element_type3A_657, %mul3A_659 : vector<16xi32>
      %add3A_661 = arith.addi %mul3A_660, %convert_element_type3A_653 : vector<16xi32>
      %swap3A_662 = arith.index_cast %multiple_of3A_649 : i32 to index
      %swap3A_663 = tpu.vector_load %arg13[%swap3A_662] {strides = array<i32>} : memref<8192xi32, #tpu.memory_space<vmem>>, vector<16xi32>,
      %swap3A_664 = vector.shape_cast %swap3A_663 : vector<16xi32> to vector<16xi32>
      %swap3A_665 = vector.shape_cast %add3A_661 : vector<16xi32> to vector<16xi32>
      tpu.vector_store %arg13[%swap3A_662], %swap3A_665 {strides = array<i32>} : memref<8192xi32, #tpu.memory_space<vmem>>, vector<16xi32>,
      %scan3A_666 = arith.constant 2 : i32
      %scan3A_667 = arith.addi %scan3A_628, %scan3A_666 : i32
      %mul3A_668 = arith.constant 16 : i32
      %mul3A_669 = arith.muli %scan3A_667, %mul3A_668 : i32
      %multiple_of3A_670 = tpu.assume_multiple %mul3A_669, 16 : i32
      %get3A_671 = arith.index_cast %multiple_of3A_670 : i32 to index
      %get3A_672 = tpu.vector_load %arg7[%get3A_671] {strides = array<i32>} : memref<8192xf32, #tpu.memory_space<vmem>>, vector<16xf32>,
      %get3A_673 = vector.shape_cast %get3A_672 : vector<16xf32> to vector<16xf32>
      %convert_element_type3A_674 = arith.fptosi %get3A_673 : vector<16xf32> to vector<16xi32>
      %get3A_675 = arith.index_cast %multiple_of3A_670 : i32 to index
      %get3A_676 = tpu.vector_load %arg10[%get3A_675] {strides = array<i32>} : memref<8192xf32, #tpu.memory_space<vmem>>, vector<16xf32>,
      %get3A_677 = vector.shape_cast %get3A_676 : vector<16xf32> to vector<16xf32>
      %convert_element_type3A_678 = arith.fptosi %get3A_677 : vector<16xf32> to vector<16xi32>
      %mul3A_679 = arith.constant 2048 : i32
      %mul3A_680 = vector.broadcast %mul3A_679 : i32 to vector<16xi32>
      %mul3A_681 = arith.muli %convert_element_type3A_678, %mul3A_680 : vector<16xi32>
      %add3A_682 = arith.addi %mul3A_681, %convert_element_type3A_674 : vector<16xi32>
      %swap3A_683 = arith.index_cast %multiple_of3A_670 : i32 to index
      %swap3A_684 = tpu.vector_load %arg13[%swap3A_683] {strides = array<i32>} : memref<8192xi32, #tpu.memory_space<vmem>>, vector<16xi32>,
      %swap3A_685 = vector.shape_cast %swap3A_684 : vector<16xi32> to vector<16xi32>
      %swap3A_686 = vector.shape_cast %add3A_682 : vector<16xi32> to vector<16xi32>
      tpu.vector_store %arg13[%swap3A_683], %swap3A_686 {strides = array<i32>} : memref<8192xi32, #tpu.memory_space<vmem>>, vector<16xi32>,
      %scan3A_687 = arith.constant 3 : i32
      %scan3A_688 = arith.addi %scan3A_628, %scan3A_687 : i32
      %mul3A_689 = arith.constant 16 : i32
      %mul3A_690 = arith.muli %scan3A_688, %mul3A_689 : i32
      %multiple_of3A_691 = tpu.assume_multiple %mul3A_690, 16 : i32
      %get3A_692 = arith.index_cast %multiple_of3A_691 : i32 to index
      %get3A_693 = tpu.vector_load %arg7[%get3A_692] {strides = array<i32>} : memref<8192xf32, #tpu.memory_space<vmem>>, vector<16xf32>,
      %get3A_694 = vector.shape_cast %get3A_693 : vector<16xf32> to vector<16xf32>
      %convert_element_type3A_695 = arith.fptosi %get3A_694 : vector<16xf32> to vector<16xi32>
      %get3A_696 = arith.index_cast %multiple_of3A_691 : i32 to index
      %get3A_697 = tpu.vector_load %arg10[%get3A_696] {strides = array<i32>} : memref<8192xf32, #tpu.memory_space<vmem>>, vector<16xf32>,
      %get3A_698 = vector.shape_cast %get3A_697 : vector<16xf32> to vector<16xf32>
      %convert_element_type3A_699 = arith.fptosi %get3A_698 : vector<16xf32> to vector<16xi32>
      %mul3A_700 = arith.constant 2048 : i32
      %mul3A_701 = vector.broadcast %mul3A_700 : i32 to vector<16xi32>
      %mul3A_702 = arith.muli %convert_element_type3A_699, %mul3A_701 : vector<16xi32>
      %add3A_703 = arith.addi %mul3A_702, %convert_element_type3A_695 : vector<16xi32>
      %swap3A_704 = arith.index_cast %multiple_of3A_691 : i32 to index
      %swap3A_705 = tpu.vector_load %arg13[%swap3A_704] {strides = array<i32>} : memref<8192xi32, #tpu.memory_space<vmem>>, vector<16xi32>,
      %swap3A_706 = vector.shape_cast %swap3A_705 : vector<16xi32> to vector<16xi32>
      %swap3A_707 = vector.shape_cast %add3A_703 : vector<16xi32> to vector<16xi32>
      tpu.vector_store %arg13[%swap3A_704], %swap3A_707 {strides = array<i32>} : memref<8192xi32, #tpu.memory_space<vmem>>, vector<16xi32>,
      %scan3A_708 = arith.constant 4 : i32
      %scan3A_709 = arith.addi %scan3A_628, %scan3A_708 : i32
      %mul3A_710 = arith.constant 16 : i32
      %mul3A_711 = arith.muli %scan3A_709, %mul3A_710 : i32
      %multiple_of3A_712 = tpu.assume_multiple %mul3A_711, 16 : i32
      %get3A_713 = arith.index_cast %multiple_of3A_712 : i32 to index
      %get3A_714 = tpu.vector_load %arg7[%get3A_713] {strides = array<i32>} : memref<8192xf32, #tpu.memory_space<vmem>>, vector<16xf32>,
      %get3A_715 = vector.shape_cast %get3A_714 : vector<16xf32> to vector<16xf32>
      %convert_element_type3A_716 = arith.fptosi %get3A_715 : vector<16xf32> to vector<16xi32>
      %get3A_717 = arith.index_cast %multiple_of3A_712 : i32 to index
      %get3A_718 = tpu.vector_load %arg10[%get3A_717] {strides = array<i32>} : memref<8192xf32, #tpu.memory_space<vmem>>, vector<16xf32>,
      %get3A_719 = vector.shape_cast %get3A_718 : vector<16xf32> to vector<16xf32>
      %convert_element_type3A_720 = arith.fptosi %get3A_719 : vector<16xf32> to vector<16xi32>
      %mul3A_721 = arith.constant 2048 : i32
      %mul3A_722 = vector.broadcast %mul3A_721 : i32 to vector<16xi32>
      %mul3A_723 = arith.muli %convert_element_type3A_720, %mul3A_722 : vector<16xi32>
      %add3A_724 = arith.addi %mul3A_723, %convert_element_type3A_716 : vector<16xi32>
      %swap3A_725 = arith.index_cast %multiple_of3A_712 : i32 to index
      %swap3A_726 = tpu.vector_load %arg13[%swap3A_725] {strides = array<i32>} : memref<8192xi32, #tpu.memory_space<vmem>>, vector<16xi32>,
      %swap3A_727 = vector.shape_cast %swap3A_726 : vector<16xi32> to vector<16xi32>
      %swap3A_728 = vector.shape_cast %add3A_724 : vector<16xi32> to vector<16xi32>
      tpu.vector_store %arg13[%swap3A_725], %swap3A_728 {strides = array<i32>} : memref<8192xi32, #tpu.memory_space<vmem>>, vector<16xi32>,
      %scan3A_729 = arith.constant 5 : i32
      %scan3A_730 = arith.addi %scan3A_628, %scan3A_729 : i32
      %mul3A_731 = arith.constant 16 : i32
      %mul3A_732 = arith.muli %scan3A_730, %mul3A_731 : i32
      %multiple_of3A_733 = tpu.assume_multiple %mul3A_732, 16 : i32
      %get3A_734 = arith.index_cast %multiple_of3A_733 : i32 to index
      %get3A_735 = tpu.vector_load %arg7[%get3A_734] {strides = array<i32>} : memref<8192xf32, #tpu.memory_space<vmem>>, vector<16xf32>,
      %get3A_736 = vector.shape_cast %get3A_735 : vector<16xf32> to vector<16xf32>
      %convert_element_type3A_737 = arith.fptosi %get3A_736 : vector<16xf32> to vector<16xi32>
      %get3A_738 = arith.index_cast %multiple_of3A_733 : i32 to index
      %get3A_739 = tpu.vector_load %arg10[%get3A_738] {strides = array<i32>} : memref<8192xf32, #tpu.memory_space<vmem>>, vector<16xf32>,
      %get3A_740 = vector.shape_cast %get3A_739 : vector<16xf32> to vector<16xf32>
      %convert_element_type3A_741 = arith.fptosi %get3A_740 : vector<16xf32> to vector<16xi32>
      %mul3A_742 = arith.constant 2048 : i32
      %mul3A_743 = vector.broadcast %mul3A_742 : i32 to vector<16xi32>
      %mul3A_744 = arith.muli %convert_element_type3A_741, %mul3A_743 : vector<16xi32>
      %add3A_745 = arith.addi %mul3A_744, %convert_element_type3A_737 : vector<16xi32>
      %swap3A_746 = arith.index_cast %multiple_of3A_733 : i32 to index
      %swap3A_747 = tpu.vector_load %arg13[%swap3A_746] {strides = array<i32>} : memref<8192xi32, #tpu.memory_space<vmem>>, vector<16xi32>,
      %swap3A_748 = vector.shape_cast %swap3A_747 : vector<16xi32> to vector<16xi32>
      %swap3A_749 = vector.shape_cast %add3A_745 : vector<16xi32> to vector<16xi32>
      tpu.vector_store %arg13[%swap3A_746], %swap3A_749 {strides = array<i32>} : memref<8192xi32, #tpu.memory_space<vmem>>, vector<16xi32>,
      %scan3A_750 = arith.constant 6 : i32
      %scan3A_751 = arith.addi %scan3A_628, %scan3A_750 : i32
      %mul3A_752 = arith.constant 16 : i32
      %mul3A_753 = arith.muli %scan3A_751, %mul3A_752 : i32
      %multiple_of3A_754 = tpu.assume_multiple %mul3A_753, 16 : i32
      %get3A_755 = arith.index_cast %multiple_of3A_754 : i32 to index
      %get3A_756 = tpu.vector_load %arg7[%get3A_755] {strides = array<i32>} : memref<8192xf32, #tpu.memory_space<vmem>>, vector<16xf32>,
      %get3A_757 = vector.shape_cast %get3A_756 : vector<16xf32> to vector<16xf32>
      %convert_element_type3A_758 = arith.fptosi %get3A_757 : vector<16xf32> to vector<16xi32>
      %get3A_759 = arith.index_cast %multiple_of3A_754 : i32 to index
      %get3A_760 = tpu.vector_load %arg10[%get3A_759] {strides = array<i32>} : memref<8192xf32, #tpu.memory_space<vmem>>, vector<16xf32>,
      %get3A_761 = vector.shape_cast %get3A_760 : vector<16xf32> to vector<16xf32>
      %convert_element_type3A_762 = arith.fptosi %get3A_761 : vector<16xf32> to vector<16xi32>
      %mul3A_763 = arith.constant 2048 : i32
      %mul3A_764 = vector.broadcast %mul3A_763 : i32 to vector<16xi32>
      %mul3A_765 = arith.muli %convert_element_type3A_762, %mul3A_764 : vector<16xi32>
      %add3A_766 = arith.addi %mul3A_765, %convert_element_type3A_758 : vector<16xi32>
      %swap3A_767 = arith.index_cast %multiple_of3A_754 : i32 to index
      %swap3A_768 = tpu.vector_load %arg13[%swap3A_767] {strides = array<i32>} : memref<8192xi32, #tpu.memory_space<vmem>>, vector<16xi32>,
      %swap3A_769 = vector.shape_cast %swap3A_768 : vector<16xi32> to vector<16xi32>
      %swap3A_770 = vector.shape_cast %add3A_766 : vector<16xi32> to vector<16xi32>
      tpu.vector_store %arg13[%swap3A_767], %swap3A_770 {strides = array<i32>} : memref<8192xi32, #tpu.memory_space<vmem>>, vector<16xi32>,
      %scan3A_771 = arith.constant 7 : i32
      %scan3A_772 = arith.addi %scan3A_628, %scan3A_771 : i32
      %mul3A_773 = arith.constant 16 : i32
      %mul3A_774 = arith.muli %scan3A_772, %mul3A_773 : i32
      %multiple_of3A_775 = tpu.assume_multiple %mul3A_774, 16 : i32
      %get3A_776 = arith.index_cast %multiple_of3A_775 : i32 to index
      %get3A_777 = tpu.vector_load %arg7[%get3A_776] {strides = array<i32>} : memref<8192xf32, #tpu.memory_space<vmem>>, vector<16xf32>,
      %get3A_778 = vector.shape_cast %get3A_777 : vector<16xf32> to vector<16xf32>
      %convert_element_type3A_779 = arith.fptosi %get3A_778 : vector<16xf32> to vector<16xi32>
      %get3A_780 = arith.index_cast %multiple_of3A_775 : i32 to index
      %get3A_781 = tpu.vector_load %arg10[%get3A_780] {strides = array<i32>} : memref<8192xf32, #tpu.memory_space<vmem>>, vector<16xf32>,
      %get3A_782 = vector.shape_cast %get3A_781 : vector<16xf32> to vector<16xf32>
      %convert_element_type3A_783 = arith.fptosi %get3A_782 : vector<16xf32> to vector<16xi32>
      %mul3A_784 = arith.constant 2048 : i32
      %mul3A_785 = vector.broadcast %mul3A_784 : i32 to vector<16xi32>
      %mul3A_786 = arith.muli %convert_element_type3A_783, %mul3A_785 : vector<16xi32>
      %add3A_787 = arith.addi %mul3A_786, %convert_element_type3A_779 : vector<16xi32>
      %swap3A_788 = arith.index_cast %multiple_of3A_775 : i32 to index
      %swap3A_789 = tpu.vector_load %arg13[%swap3A_788] {strides = array<i32>} : memref<8192xi32, #tpu.memory_space<vmem>>, vector<16xi32>,
      %swap3A_790 = vector.shape_cast %swap3A_789 : vector<16xi32> to vector<16xi32>
      %swap3A_791 = vector.shape_cast %add3A_787 : vector<16xi32> to vector<16xi32>
      tpu.vector_store %arg13[%swap3A_788], %swap3A_791 {strides = array<i32>} : memref<8192xi32, #tpu.memory_space<vmem>>, vector<16xi32>,
    }
    %scan3A_286 = arith.constant 512 : i32
    %dma_start3A_287 = arith.constant 1 : i32
    %dma_start3A_288 = arith.constant 0 : i32
    %dma_start3A_289 = arith.constant 0 : i32
    %dma_start3A_290 = tpu.memref_slice %arg16[%dma_start3A_289] : memref<8192xf32, #tpu.memory_space<vmem>> -> memref<4096xf32, #tpu.memory_space<vmem>>
    %dma_start3A_291 = arith.constant 0 : i32
    %dma_start3A_292 = tpu.memref_slice %arg13[%dma_start3A_291] : memref<8192xi32, #tpu.memory_space<vmem>> -> memref<4096xi32, #tpu.memory_space<vmem>>
    %dma_start3A_293 = arith.constant 0 : i32
    %dma_start3A_294 = tpu.memref_slice %arg2[%dma_start3A_293] : memref<4194304xf32, #tpu.memory_space<hbm>> -> memref<4194304xf32, #tpu.memory_space<hbm>>
    %dma_start3A_295 = tpu.memref_slice %arg21[%dma_start3A_287, %dma_start3A_288] : memref<3x2x!tpu.dma_semaphore, #tpu.memory_space<semaphore_mem>> -> memref<1x1x!tpu.dma_semaphore, #tpu.memory_space<semaphore_mem>>
    %dma_start3A_296 = tpu.memref_squeeze %dma_start3A_295 : memref<1x1x!tpu.dma_semaphore, #tpu.memory_space<semaphore_mem>> -> memref<!tpu.dma_semaphore, #tpu.memory_space<semaphore_mem>>
    tpu.enqueue_indirect_dma source(%dma_start3A_294 : memref<4194304xf32, #tpu.memory_space<hbm>>) target(%dma_start3A_290 : memref<4096xf32, #tpu.memory_space<vmem>>) offsets(%dma_start3A_292 : memref<4096xi32, #tpu.memory_space<vmem>>) semaphore(%dma_start3A_296 : memref<!tpu.dma_semaphore, #tpu.memory_space<semaphore_mem>>)
    %dma_start3A_297 = arith.constant 1 : i32
    %dma_start3A_298 = arith.constant 1 : i32
    %dma_start3A_299 = arith.constant 4096 : i32
    %dma_start3A_300 = tpu.memref_slice %arg16[%dma_start3A_299] : memref<8192xf32, #tpu.memory_space<vmem>> -> memref<4096xf32, #tpu.memory_space<vmem>>
    %dma_start3A_301 = arith.constant 4096 : i32
    %dma_start3A_302 = tpu.memref_slice %arg13[%dma_start3A_301] : memref<8192xi32, #tpu.memory_space<vmem>> -> memref<4096xi32, #tpu.memory_space<vmem>>
    %dma_start3A_303 = arith.constant 0 : i32
    %dma_start3A_304 = tpu.memref_slice %arg2[%dma_start3A_303] : memref<4194304xf32, #tpu.memory_space<hbm>> -> memref<4194304xf32, #tpu.memory_space<hbm>>
    %dma_start3A_305 = tpu.memref_slice %arg21[%dma_start3A_297, %dma_start3A_298] : memref<3x2x!tpu.dma_semaphore, #tpu.memory_space<semaphore_mem>> -> memref<1x1x!tpu.dma_semaphore, #tpu.memory_space<semaphore_mem>>
    %dma_start3A_306 = tpu.memref_squeeze %dma_start3A_305 : memref<1x1x!tpu.dma_semaphore, #tpu.memory_space<semaphore_mem>> -> memref<!tpu.dma_semaphore, #tpu.memory_space<semaphore_mem>>
    tpu.enqueue_indirect_dma source(%dma_start3A_304 : memref<4194304xf32, #tpu.memory_space<hbm>>) target(%dma_start3A_300 : memref<4096xf32, #tpu.memory_space<vmem>>) offsets(%dma_start3A_302 : memref<4096xi32, #tpu.memory_space<vmem>>) semaphore(%dma_start3A_306 : memref<!tpu.dma_semaphore, #tpu.memory_space<semaphore_mem>>)
    %dma_wait3A_307 = arith.constant 2 : i32
    %dma_wait3A_308 = arith.constant 0 : i32
    %dma_wait3A_309 = arith.constant 0 : i32
    %dma_wait3A_310 = tpu.memref_slice %arg17[%dma_wait3A_309] : memref<8192xf32, #tpu.memory_space<vmem>> -> memref<4096xf32, #tpu.memory_space<vmem>>
    %dma_wait3A_311 = arith.constant 0 : i32
    %dma_wait3A_312 = tpu.memref_slice %arg14[%dma_wait3A_311] : memref<8192xi32, #tpu.memory_space<vmem>> -> memref<4096xi32, #tpu.memory_space<vmem>>
    %dma_wait3A_313 = arith.constant 0 : i32
    %dma_wait3A_314 = tpu.memref_slice %arg2[%dma_wait3A_313] : memref<4194304xf32, #tpu.memory_space<hbm>> -> memref<4194304xf32, #tpu.memory_space<hbm>>
    %dma_wait3A_315 = tpu.memref_slice %arg21[%dma_wait3A_307, %dma_wait3A_308] : memref<3x2x!tpu.dma_semaphore, #tpu.memory_space<semaphore_mem>> -> memref<1x1x!tpu.dma_semaphore, #tpu.memory_space<semaphore_mem>>
    %dma_wait3A_316 = tpu.memref_squeeze %dma_wait3A_315 : memref<1x1x!tpu.dma_semaphore, #tpu.memory_space<semaphore_mem>> -> memref<!tpu.dma_semaphore, #tpu.memory_space<semaphore_mem>>
    tpu.wait_indirect_dma semaphore(%dma_wait3A_316 : memref<!tpu.dma_semaphore, #tpu.memory_space<semaphore_mem>>) src(%dma_wait3A_314 : memref<4194304xf32, #tpu.memory_space<hbm>>) dst(%dma_wait3A_310 : memref<4096xf32, #tpu.memory_space<vmem>>)
    %dma_wait3A_317 = arith.constant 2 : i32
    %dma_wait3A_318 = arith.constant 1 : i32
    %dma_wait3A_319 = arith.constant 4096 : i32
    %dma_wait3A_320 = tpu.memref_slice %arg17[%dma_wait3A_319] : memref<8192xf32, #tpu.memory_space<vmem>> -> memref<4096xf32, #tpu.memory_space<vmem>>
    %dma_wait3A_321 = arith.constant 4096 : i32
    %dma_wait3A_322 = tpu.memref_slice %arg14[%dma_wait3A_321] : memref<8192xi32, #tpu.memory_space<vmem>> -> memref<4096xi32, #tpu.memory_space<vmem>>
    %dma_wait3A_323 = arith.constant 0 : i32
    %dma_wait3A_324 = tpu.memref_slice %arg2[%dma_wait3A_323] : memref<4194304xf32, #tpu.memory_space<hbm>> -> memref<4194304xf32, #tpu.memory_space<hbm>>
    %dma_wait3A_325 = tpu.memref_slice %arg21[%dma_wait3A_317, %dma_wait3A_318] : memref<3x2x!tpu.dma_semaphore, #tpu.memory_space<semaphore_mem>> -> memref<1x1x!tpu.dma_semaphore, #tpu.memory_space<semaphore_mem>>
    %dma_wait3A_326 = tpu.memref_squeeze %dma_wait3A_325 : memref<1x1x!tpu.dma_semaphore, #tpu.memory_space<semaphore_mem>> -> memref<!tpu.dma_semaphore, #tpu.memory_space<semaphore_mem>>
    tpu.wait_indirect_dma semaphore(%dma_wait3A_326 : memref<!tpu.dma_semaphore, #tpu.memory_space<semaphore_mem>>) src(%dma_wait3A_324 : memref<4194304xf32, #tpu.memory_space<hbm>>) dst(%dma_wait3A_320 : memref<4096xf32, #tpu.memory_space<vmem>>)
    %broadcast_in_dim3A_327 = arith.constant 4095 : i32
    %broadcast_in_dim3A_328 = vector.broadcast %broadcast_in_dim3A_327 : i32 to vector<16xi32>
    %scan3A_329 = arith.constant 0 : i32
    %scan3A_330 = arith.constant 512 : i32
    %scan3A_331 = arith.addi %scan3A_329, %scan3A_330 : i32
    %scan3A_332 = arith.constant 8 : i32
    %scan3A_333 = scf.for %scan3A_628 = %scan3A_329 to %scan3A_331 step %scan3A_332 iter_args(%scan3A_629 = %scan3A_255) -> (vector<16xf32>)  : i32 {
      %mul3A_630 = arith.constant 16 : i32
      %mul3A_631 = arith.muli %scan3A_628, %mul3A_630 : i32
      %multiple_of3A = tpu.assume_multiple %mul3A_631, 16 : i32
      %get3A = arith.index_cast %multiple_of3A : i32 to index
      %get3A_632 = tpu.vector_load %arg17[%get3A] {strides = array<i32>} : memref<8192xf32, #tpu.memory_space<vmem>>, vector<16xf32>,
      %get3A_633 = vector.shape_cast %get3A_632 : vector<16xf32> to vector<16xf32>
      %convert_element_type3A = arith.fptosi %get3A_633 : vector<16xf32> to vector<16xi32>
      %and3A = arith.andi %convert_element_type3A, %broadcast_in_dim3A_328 : vector<16xi32>
      %convert_element_type3A_634 = arith.sitofp %and3A : vector<16xi32> to vector<16xf32>
      %shift_right_logical3A = arith.constant 12 : i32
      %shift_right_logical3A_635 = vector.broadcast %shift_right_logical3A : i32 to vector<16xi32>
      %shift_right_logical3A_636 = arith.shrui %convert_element_type3A, %shift_right_logical3A_635 : vector<16xi32>
      %convert_element_type3A_637 = arith.sitofp %shift_right_logical3A_636 : vector<16xi32> to vector<16xf32>
      %get3A_638 = arith.index_cast %multiple_of3A : i32 to index
      %get3A_639 = tpu.vector_load %arg8[%get3A_638] {strides = array<i32>} : memref<8192xf32, #tpu.memory_space<vmem>>, vector<16xf32>,
      %get3A_640 = vector.shape_cast %get3A_639 : vector<16xf32> to vector<16xf32>
      %sub3A = arith.subf %get3A_640, %convert_element_type3A_637 : vector<16xf32>
      %get3A_641 = arith.index_cast %multiple_of3A : i32 to index
      %get3A_642 = tpu.vector_load %arg11[%get3A_641] {strides = array<i32>} : memref<8192xf32, #tpu.memory_space<vmem>>, vector<16xf32>,
      %get3A_643 = vector.shape_cast %get3A_642 : vector<16xf32> to vector<16xf32>
      %sub3A_644 = arith.subf %get3A_643, %convert_element_type3A_634 : vector<16xf32>
      %mul3A_645 = arith.mulf %sub3A, %sub3A : vector<16xf32>
      %add3A_646 = arith.addf %scan3A_629, %mul3A_645 : vector<16xf32>
      %mul3A_647 = arith.mulf %sub3A_644, %sub3A_644 : vector<16xf32>
      %add3A_648 = arith.addf %add3A_646, %mul3A_647 : vector<16xf32>
      %scan3A_649 = arith.constant 1 : i32
      %scan3A_650 = arith.addi %scan3A_628, %scan3A_649 : i32
      %mul3A_651 = arith.constant 16 : i32
      %mul3A_652 = arith.muli %scan3A_650, %mul3A_651 : i32
      %multiple_of3A_653 = tpu.assume_multiple %mul3A_652, 16 : i32
      %get3A_654 = arith.index_cast %multiple_of3A_653 : i32 to index
      %get3A_655 = tpu.vector_load %arg17[%get3A_654] {strides = array<i32>} : memref<8192xf32, #tpu.memory_space<vmem>>, vector<16xf32>,
      %get3A_656 = vector.shape_cast %get3A_655 : vector<16xf32> to vector<16xf32>
      %convert_element_type3A_657 = arith.fptosi %get3A_656 : vector<16xf32> to vector<16xi32>
      %and3A_658 = arith.andi %convert_element_type3A_657, %broadcast_in_dim3A_328 : vector<16xi32>
      %convert_element_type3A_659 = arith.sitofp %and3A_658 : vector<16xi32> to vector<16xf32>
      %shift_right_logical3A_660 = arith.constant 12 : i32
      %shift_right_logical3A_661 = vector.broadcast %shift_right_logical3A_660 : i32 to vector<16xi32>
      %shift_right_logical3A_662 = arith.shrui %convert_element_type3A_657, %shift_right_logical3A_661 : vector<16xi32>
      %convert_element_type3A_663 = arith.sitofp %shift_right_logical3A_662 : vector<16xi32> to vector<16xf32>
      %get3A_664 = arith.index_cast %multiple_of3A_653 : i32 to index
      %get3A_665 = tpu.vector_load %arg8[%get3A_664] {strides = array<i32>} : memref<8192xf32, #tpu.memory_space<vmem>>, vector<16xf32>,
      %get3A_666 = vector.shape_cast %get3A_665 : vector<16xf32> to vector<16xf32>
      %sub3A_667 = arith.subf %get3A_666, %convert_element_type3A_663 : vector<16xf32>
      %get3A_668 = arith.index_cast %multiple_of3A_653 : i32 to index
      %get3A_669 = tpu.vector_load %arg11[%get3A_668] {strides = array<i32>} : memref<8192xf32, #tpu.memory_space<vmem>>, vector<16xf32>,
      %get3A_670 = vector.shape_cast %get3A_669 : vector<16xf32> to vector<16xf32>
      %sub3A_671 = arith.subf %get3A_670, %convert_element_type3A_659 : vector<16xf32>
      %mul3A_672 = arith.mulf %sub3A_667, %sub3A_667 : vector<16xf32>
      %add3A_673 = arith.addf %add3A_648, %mul3A_672 : vector<16xf32>
      %mul3A_674 = arith.mulf %sub3A_671, %sub3A_671 : vector<16xf32>
      %add3A_675 = arith.addf %add3A_673, %mul3A_674 : vector<16xf32>
      %scan3A_676 = arith.constant 2 : i32
      %scan3A_677 = arith.addi %scan3A_628, %scan3A_676 : i32
      %mul3A_678 = arith.constant 16 : i32
      %mul3A_679 = arith.muli %scan3A_677, %mul3A_678 : i32
      %multiple_of3A_680 = tpu.assume_multiple %mul3A_679, 16 : i32
      %get3A_681 = arith.index_cast %multiple_of3A_680 : i32 to index
      %get3A_682 = tpu.vector_load %arg17[%get3A_681] {strides = array<i32>} : memref<8192xf32, #tpu.memory_space<vmem>>, vector<16xf32>,
      %get3A_683 = vector.shape_cast %get3A_682 : vector<16xf32> to vector<16xf32>
      %convert_element_type3A_684 = arith.fptosi %get3A_683 : vector<16xf32> to vector<16xi32>
      %and3A_685 = arith.andi %convert_element_type3A_684, %broadcast_in_dim3A_328 : vector<16xi32>
      %convert_element_type3A_686 = arith.sitofp %and3A_685 : vector<16xi32> to vector<16xf32>
      %shift_right_logical3A_687 = arith.constant 12 : i32
      %shift_right_logical3A_688 = vector.broadcast %shift_right_logical3A_687 : i32 to vector<16xi32>
      %shift_right_logical3A_689 = arith.shrui %convert_element_type3A_684, %shift_right_logical3A_688 : vector<16xi32>
      %convert_element_type3A_690 = arith.sitofp %shift_right_logical3A_689 : vector<16xi32> to vector<16xf32>
      %get3A_691 = arith.index_cast %multiple_of3A_680 : i32 to index
      %get3A_692 = tpu.vector_load %arg8[%get3A_691] {strides = array<i32>} : memref<8192xf32, #tpu.memory_space<vmem>>, vector<16xf32>,
      %get3A_693 = vector.shape_cast %get3A_692 : vector<16xf32> to vector<16xf32>
      %sub3A_694 = arith.subf %get3A_693, %convert_element_type3A_690 : vector<16xf32>
      %get3A_695 = arith.index_cast %multiple_of3A_680 : i32 to index
      %get3A_696 = tpu.vector_load %arg11[%get3A_695] {strides = array<i32>} : memref<8192xf32, #tpu.memory_space<vmem>>, vector<16xf32>,
      %get3A_697 = vector.shape_cast %get3A_696 : vector<16xf32> to vector<16xf32>
      %sub3A_698 = arith.subf %get3A_697, %convert_element_type3A_686 : vector<16xf32>
      %mul3A_699 = arith.mulf %sub3A_694, %sub3A_694 : vector<16xf32>
      %add3A_700 = arith.addf %add3A_675, %mul3A_699 : vector<16xf32>
      %mul3A_701 = arith.mulf %sub3A_698, %sub3A_698 : vector<16xf32>
      %add3A_702 = arith.addf %add3A_700, %mul3A_701 : vector<16xf32>
      %scan3A_703 = arith.constant 3 : i32
      %scan3A_704 = arith.addi %scan3A_628, %scan3A_703 : i32
      %mul3A_705 = arith.constant 16 : i32
      %mul3A_706 = arith.muli %scan3A_704, %mul3A_705 : i32
      %multiple_of3A_707 = tpu.assume_multiple %mul3A_706, 16 : i32
      %get3A_708 = arith.index_cast %multiple_of3A_707 : i32 to index
      %get3A_709 = tpu.vector_load %arg17[%get3A_708] {strides = array<i32>} : memref<8192xf32, #tpu.memory_space<vmem>>, vector<16xf32>,
      %get3A_710 = vector.shape_cast %get3A_709 : vector<16xf32> to vector<16xf32>
      %convert_element_type3A_711 = arith.fptosi %get3A_710 : vector<16xf32> to vector<16xi32>
      %and3A_712 = arith.andi %convert_element_type3A_711, %broadcast_in_dim3A_328 : vector<16xi32>
      %convert_element_type3A_713 = arith.sitofp %and3A_712 : vector<16xi32> to vector<16xf32>
      %shift_right_logical3A_714 = arith.constant 12 : i32
      %shift_right_logical3A_715 = vector.broadcast %shift_right_logical3A_714 : i32 to vector<16xi32>
      %shift_right_logical3A_716 = arith.shrui %convert_element_type3A_711, %shift_right_logical3A_715 : vector<16xi32>
      %convert_element_type3A_717 = arith.sitofp %shift_right_logical3A_716 : vector<16xi32> to vector<16xf32>
      %get3A_718 = arith.index_cast %multiple_of3A_707 : i32 to index
      %get3A_719 = tpu.vector_load %arg8[%get3A_718] {strides = array<i32>} : memref<8192xf32, #tpu.memory_space<vmem>>, vector<16xf32>,
      %get3A_720 = vector.shape_cast %get3A_719 : vector<16xf32> to vector<16xf32>
      %sub3A_721 = arith.subf %get3A_720, %convert_element_type3A_717 : vector<16xf32>
      %get3A_722 = arith.index_cast %multiple_of3A_707 : i32 to index
      %get3A_723 = tpu.vector_load %arg11[%get3A_722] {strides = array<i32>} : memref<8192xf32, #tpu.memory_space<vmem>>, vector<16xf32>,
      %get3A_724 = vector.shape_cast %get3A_723 : vector<16xf32> to vector<16xf32>
      %sub3A_725 = arith.subf %get3A_724, %convert_element_type3A_713 : vector<16xf32>
      %mul3A_726 = arith.mulf %sub3A_721, %sub3A_721 : vector<16xf32>
      %add3A_727 = arith.addf %add3A_702, %mul3A_726 : vector<16xf32>
      %mul3A_728 = arith.mulf %sub3A_725, %sub3A_725 : vector<16xf32>
      %add3A_729 = arith.addf %add3A_727, %mul3A_728 : vector<16xf32>
      %scan3A_730 = arith.constant 4 : i32
      %scan3A_731 = arith.addi %scan3A_628, %scan3A_730 : i32
      %mul3A_732 = arith.constant 16 : i32
      %mul3A_733 = arith.muli %scan3A_731, %mul3A_732 : i32
      %multiple_of3A_734 = tpu.assume_multiple %mul3A_733, 16 : i32
      %get3A_735 = arith.index_cast %multiple_of3A_734 : i32 to index
      %get3A_736 = tpu.vector_load %arg17[%get3A_735] {strides = array<i32>} : memref<8192xf32, #tpu.memory_space<vmem>>, vector<16xf32>,
      %get3A_737 = vector.shape_cast %get3A_736 : vector<16xf32> to vector<16xf32>
      %convert_element_type3A_738 = arith.fptosi %get3A_737 : vector<16xf32> to vector<16xi32>
      %and3A_739 = arith.andi %convert_element_type3A_738, %broadcast_in_dim3A_328 : vector<16xi32>
      %convert_element_type3A_740 = arith.sitofp %and3A_739 : vector<16xi32> to vector<16xf32>
      %shift_right_logical3A_741 = arith.constant 12 : i32
      %shift_right_logical3A_742 = vector.broadcast %shift_right_logical3A_741 : i32 to vector<16xi32>
      %shift_right_logical3A_743 = arith.shrui %convert_element_type3A_738, %shift_right_logical3A_742 : vector<16xi32>
      %convert_element_type3A_744 = arith.sitofp %shift_right_logical3A_743 : vector<16xi32> to vector<16xf32>
      %get3A_745 = arith.index_cast %multiple_of3A_734 : i32 to index
      %get3A_746 = tpu.vector_load %arg8[%get3A_745] {strides = array<i32>} : memref<8192xf32, #tpu.memory_space<vmem>>, vector<16xf32>,
      %get3A_747 = vector.shape_cast %get3A_746 : vector<16xf32> to vector<16xf32>
      %sub3A_748 = arith.subf %get3A_747, %convert_element_type3A_744 : vector<16xf32>
      %get3A_749 = arith.index_cast %multiple_of3A_734 : i32 to index
      %get3A_750 = tpu.vector_load %arg11[%get3A_749] {strides = array<i32>} : memref<8192xf32, #tpu.memory_space<vmem>>, vector<16xf32>,
      %get3A_751 = vector.shape_cast %get3A_750 : vector<16xf32> to vector<16xf32>
      %sub3A_752 = arith.subf %get3A_751, %convert_element_type3A_740 : vector<16xf32>
      %mul3A_753 = arith.mulf %sub3A_748, %sub3A_748 : vector<16xf32>
      %add3A_754 = arith.addf %add3A_729, %mul3A_753 : vector<16xf32>
      %mul3A_755 = arith.mulf %sub3A_752, %sub3A_752 : vector<16xf32>
      %add3A_756 = arith.addf %add3A_754, %mul3A_755 : vector<16xf32>
      %scan3A_757 = arith.constant 5 : i32
      %scan3A_758 = arith.addi %scan3A_628, %scan3A_757 : i32
      %mul3A_759 = arith.constant 16 : i32
      %mul3A_760 = arith.muli %scan3A_758, %mul3A_759 : i32
      %multiple_of3A_761 = tpu.assume_multiple %mul3A_760, 16 : i32
      %get3A_762 = arith.index_cast %multiple_of3A_761 : i32 to index
      %get3A_763 = tpu.vector_load %arg17[%get3A_762] {strides = array<i32>} : memref<8192xf32, #tpu.memory_space<vmem>>, vector<16xf32>,
      %get3A_764 = vector.shape_cast %get3A_763 : vector<16xf32> to vector<16xf32>
      %convert_element_type3A_765 = arith.fptosi %get3A_764 : vector<16xf32> to vector<16xi32>
      %and3A_766 = arith.andi %convert_element_type3A_765, %broadcast_in_dim3A_328 : vector<16xi32>
      %convert_element_type3A_767 = arith.sitofp %and3A_766 : vector<16xi32> to vector<16xf32>
      %shift_right_logical3A_768 = arith.constant 12 : i32
      %shift_right_logical3A_769 = vector.broadcast %shift_right_logical3A_768 : i32 to vector<16xi32>
      %shift_right_logical3A_770 = arith.shrui %convert_element_type3A_765, %shift_right_logical3A_769 : vector<16xi32>
      %convert_element_type3A_771 = arith.sitofp %shift_right_logical3A_770 : vector<16xi32> to vector<16xf32>
      %get3A_772 = arith.index_cast %multiple_of3A_761 : i32 to index
      %get3A_773 = tpu.vector_load %arg8[%get3A_772] {strides = array<i32>} : memref<8192xf32, #tpu.memory_space<vmem>>, vector<16xf32>,
      %get3A_774 = vector.shape_cast %get3A_773 : vector<16xf32> to vector<16xf32>
      %sub3A_775 = arith.subf %get3A_774, %convert_element_type3A_771 : vector<16xf32>
      %get3A_776 = arith.index_cast %multiple_of3A_761 : i32 to index
      %get3A_777 = tpu.vector_load %arg11[%get3A_776] {strides = array<i32>} : memref<8192xf32, #tpu.memory_space<vmem>>, vector<16xf32>,
      %get3A_778 = vector.shape_cast %get3A_777 : vector<16xf32> to vector<16xf32>
      %sub3A_779 = arith.subf %get3A_778, %convert_element_type3A_767 : vector<16xf32>
      %mul3A_780 = arith.mulf %sub3A_775, %sub3A_775 : vector<16xf32>
      %add3A_781 = arith.addf %add3A_756, %mul3A_780 : vector<16xf32>
      %mul3A_782 = arith.mulf %sub3A_779, %sub3A_779 : vector<16xf32>
      %add3A_783 = arith.addf %add3A_781, %mul3A_782 : vector<16xf32>
      %scan3A_784 = arith.constant 6 : i32
      %scan3A_785 = arith.addi %scan3A_628, %scan3A_784 : i32
      %mul3A_786 = arith.constant 16 : i32
      %mul3A_787 = arith.muli %scan3A_785, %mul3A_786 : i32
      %multiple_of3A_788 = tpu.assume_multiple %mul3A_787, 16 : i32
      %get3A_789 = arith.index_cast %multiple_of3A_788 : i32 to index
      %get3A_790 = tpu.vector_load %arg17[%get3A_789] {strides = array<i32>} : memref<8192xf32, #tpu.memory_space<vmem>>, vector<16xf32>,
      %get3A_791 = vector.shape_cast %get3A_790 : vector<16xf32> to vector<16xf32>
      %convert_element_type3A_792 = arith.fptosi %get3A_791 : vector<16xf32> to vector<16xi32>
      %and3A_793 = arith.andi %convert_element_type3A_792, %broadcast_in_dim3A_328 : vector<16xi32>
      %convert_element_type3A_794 = arith.sitofp %and3A_793 : vector<16xi32> to vector<16xf32>
      %shift_right_logical3A_795 = arith.constant 12 : i32
      %shift_right_logical3A_796 = vector.broadcast %shift_right_logical3A_795 : i32 to vector<16xi32>
      %shift_right_logical3A_797 = arith.shrui %convert_element_type3A_792, %shift_right_logical3A_796 : vector<16xi32>
      %convert_element_type3A_798 = arith.sitofp %shift_right_logical3A_797 : vector<16xi32> to vector<16xf32>
      %get3A_799 = arith.index_cast %multiple_of3A_788 : i32 to index
      %get3A_800 = tpu.vector_load %arg8[%get3A_799] {strides = array<i32>} : memref<8192xf32, #tpu.memory_space<vmem>>, vector<16xf32>,
      %get3A_801 = vector.shape_cast %get3A_800 : vector<16xf32> to vector<16xf32>
      %sub3A_802 = arith.subf %get3A_801, %convert_element_type3A_798 : vector<16xf32>
      %get3A_803 = arith.index_cast %multiple_of3A_788 : i32 to index
      %get3A_804 = tpu.vector_load %arg11[%get3A_803] {strides = array<i32>} : memref<8192xf32, #tpu.memory_space<vmem>>, vector<16xf32>,
      %get3A_805 = vector.shape_cast %get3A_804 : vector<16xf32> to vector<16xf32>
      %sub3A_806 = arith.subf %get3A_805, %convert_element_type3A_794 : vector<16xf32>
      %mul3A_807 = arith.mulf %sub3A_802, %sub3A_802 : vector<16xf32>
      %add3A_808 = arith.addf %add3A_783, %mul3A_807 : vector<16xf32>
      %mul3A_809 = arith.mulf %sub3A_806, %sub3A_806 : vector<16xf32>
      %add3A_810 = arith.addf %add3A_808, %mul3A_809 : vector<16xf32>
      %scan3A_811 = arith.constant 7 : i32
      %scan3A_812 = arith.addi %scan3A_628, %scan3A_811 : i32
      %mul3A_813 = arith.constant 16 : i32
      %mul3A_814 = arith.muli %scan3A_812, %mul3A_813 : i32
      %multiple_of3A_815 = tpu.assume_multiple %mul3A_814, 16 : i32
      %get3A_816 = arith.index_cast %multiple_of3A_815 : i32 to index
      %get3A_817 = tpu.vector_load %arg17[%get3A_816] {strides = array<i32>} : memref<8192xf32, #tpu.memory_space<vmem>>, vector<16xf32>,
      %get3A_818 = vector.shape_cast %get3A_817 : vector<16xf32> to vector<16xf32>
      %convert_element_type3A_819 = arith.fptosi %get3A_818 : vector<16xf32> to vector<16xi32>
      %and3A_820 = arith.andi %convert_element_type3A_819, %broadcast_in_dim3A_328 : vector<16xi32>
      %convert_element_type3A_821 = arith.sitofp %and3A_820 : vector<16xi32> to vector<16xf32>
      %shift_right_logical3A_822 = arith.constant 12 : i32
      %shift_right_logical3A_823 = vector.broadcast %shift_right_logical3A_822 : i32 to vector<16xi32>
      %shift_right_logical3A_824 = arith.shrui %convert_element_type3A_819, %shift_right_logical3A_823 : vector<16xi32>
      %convert_element_type3A_825 = arith.sitofp %shift_right_logical3A_824 : vector<16xi32> to vector<16xf32>
      %get3A_826 = arith.index_cast %multiple_of3A_815 : i32 to index
      %get3A_827 = tpu.vector_load %arg8[%get3A_826] {strides = array<i32>} : memref<8192xf32, #tpu.memory_space<vmem>>, vector<16xf32>,
      %get3A_828 = vector.shape_cast %get3A_827 : vector<16xf32> to vector<16xf32>
      %sub3A_829 = arith.subf %get3A_828, %convert_element_type3A_825 : vector<16xf32>
      %get3A_830 = arith.index_cast %multiple_of3A_815 : i32 to index
      %get3A_831 = tpu.vector_load %arg11[%get3A_830] {strides = array<i32>} : memref<8192xf32, #tpu.memory_space<vmem>>, vector<16xf32>,
      %get3A_832 = vector.shape_cast %get3A_831 : vector<16xf32> to vector<16xf32>
      %sub3A_833 = arith.subf %get3A_832, %convert_element_type3A_821 : vector<16xf32>
      %mul3A_834 = arith.mulf %sub3A_829, %sub3A_829 : vector<16xf32>
      %add3A_835 = arith.addf %add3A_810, %mul3A_834 : vector<16xf32>
      %mul3A_836 = arith.mulf %sub3A_833, %sub3A_833 : vector<16xf32>
      %add3A_837 = arith.addf %add3A_835, %mul3A_836 : vector<16xf32>
      scf.yield %add3A_837 : vector<16xf32>
    }
    %scan3A_334 = arith.constant 512 : i32
    %add3A_335 = arith.constant 40960 : i32
    %add3A_336 = arith.addi %mul3A_2, %add3A_335 : i32
    %dma_start3A_337 = arith.constant 2 : i32
    %dma_start3A_338 = tpu.memref_slice %arg3[%add3A_336] : memref<2097152xf32, #tpu.memory_space<hbm>> -> memref<8192xf32, #tpu.memory_space<hbm>>
    %dma_start3A_339 = tpu.memref_slice %arg19[%dma_start3A_337] : memref<3x!tpu.dma_semaphore, #tpu.memory_space<semaphore_mem>> -> memref<1x!tpu.dma_semaphore, #tpu.memory_space<semaphore_mem>>
    %dma_start3A_340 = tpu.memref_squeeze %dma_start3A_339 : memref<1x!tpu.dma_semaphore, #tpu.memory_space<semaphore_mem>> -> memref<!tpu.dma_semaphore, #tpu.memory_space<semaphore_mem>>
    %dma_start3A_341 = tpu.memref_slice %arg3[%add3A_336] : memref<2097152xf32, #tpu.memory_space<hbm>> -> memref<8192xf32, #tpu.memory_space<hbm>>
    tpu.enqueue_dma source(%dma_start3A_341 : memref<8192xf32, #tpu.memory_space<hbm>>) target(%arg8 : memref<8192xf32, #tpu.memory_space<vmem>>) target_semaphore(%dma_start3A_340 : memref<!tpu.dma_semaphore, #tpu.memory_space<semaphore_mem>>)
    %dma_start3A_342 = arith.constant 2 : i32
    %dma_start3A_343 = tpu.memref_slice %arg4[%add3A_336] : memref<2097152xf32, #tpu.memory_space<hbm>> -> memref<8192xf32, #tpu.memory_space<hbm>>
    %dma_start3A_344 = tpu.memref_slice %arg20[%dma_start3A_342] : memref<3x!tpu.dma_semaphore, #tpu.memory_space<semaphore_mem>> -> memref<1x!tpu.dma_semaphore, #tpu.memory_space<semaphore_mem>>
    %dma_start3A_345 = tpu.memref_squeeze %dma_start3A_344 : memref<1x!tpu.dma_semaphore, #tpu.memory_space<semaphore_mem>> -> memref<!tpu.dma_semaphore, #tpu.memory_space<semaphore_mem>>
    %dma_start3A_346 = tpu.memref_slice %arg4[%add3A_336] : memref<2097152xf32, #tpu.memory_space<hbm>> -> memref<8192xf32, #tpu.memory_space<hbm>>
    tpu.enqueue_dma source(%dma_start3A_346 : memref<8192xf32, #tpu.memory_space<hbm>>) target(%arg11 : memref<8192xf32, #tpu.memory_space<vmem>>) target_semaphore(%dma_start3A_345 : memref<!tpu.dma_semaphore, #tpu.memory_space<semaphore_mem>>)
    %add3A_347 = arith.constant 40960 : i32
    %add3A_348 = arith.addi %mul3A_2, %add3A_347 : i32
    %dma_wait3A_349 = arith.constant 2 : i32
    %dma_wait3A_350 = tpu.memref_slice %arg3[%add3A_348] : memref<2097152xf32, #tpu.memory_space<hbm>> -> memref<8192xf32, #tpu.memory_space<hbm>>
    %dma_wait3A_351 = tpu.memref_slice %arg19[%dma_wait3A_349] : memref<3x!tpu.dma_semaphore, #tpu.memory_space<semaphore_mem>> -> memref<1x!tpu.dma_semaphore, #tpu.memory_space<semaphore_mem>>
    %dma_wait3A_352 = tpu.memref_squeeze %dma_wait3A_351 : memref<1x!tpu.dma_semaphore, #tpu.memory_space<semaphore_mem>> -> memref<!tpu.dma_semaphore, #tpu.memory_space<semaphore_mem>>
    %dma_wait3A_353 = tpu.memref_slice %arg3[%add3A_348] : memref<2097152xf32, #tpu.memory_space<hbm>> -> memref<8192xf32, #tpu.memory_space<hbm>>
    tpu.wait_dma2 semaphore(%dma_wait3A_352 : memref<!tpu.dma_semaphore, #tpu.memory_space<semaphore_mem>>) src(%dma_wait3A_353 : memref<8192xf32, #tpu.memory_space<hbm>>) dst(%arg8 : memref<8192xf32, #tpu.memory_space<vmem>>)
    %dma_wait3A_354 = arith.constant 2 : i32
    %dma_wait3A_355 = tpu.memref_slice %arg4[%add3A_348] : memref<2097152xf32, #tpu.memory_space<hbm>> -> memref<8192xf32, #tpu.memory_space<hbm>>
    %dma_wait3A_356 = tpu.memref_slice %arg20[%dma_wait3A_354] : memref<3x!tpu.dma_semaphore, #tpu.memory_space<semaphore_mem>> -> memref<1x!tpu.dma_semaphore, #tpu.memory_space<semaphore_mem>>
    %dma_wait3A_357 = tpu.memref_squeeze %dma_wait3A_356 : memref<1x!tpu.dma_semaphore, #tpu.memory_space<semaphore_mem>> -> memref<!tpu.dma_semaphore, #tpu.memory_space<semaphore_mem>>
    %dma_wait3A_358 = tpu.memref_slice %arg4[%add3A_348] : memref<2097152xf32, #tpu.memory_space<hbm>> -> memref<8192xf32, #tpu.memory_space<hbm>>
    tpu.wait_dma2 semaphore(%dma_wait3A_357 : memref<!tpu.dma_semaphore, #tpu.memory_space<semaphore_mem>>) src(%dma_wait3A_358 : memref<8192xf32, #tpu.memory_space<hbm>>) dst(%arg11 : memref<8192xf32, #tpu.memory_space<vmem>>)
    %scan3A_359 = arith.constant 0 : i32
    %scan3A_360 = arith.constant 0 : i32
    %scan3A_361 = arith.constant 512 : i32
    %scan3A_362 = arith.addi %scan3A_360, %scan3A_361 : i32
    %scan3A_363 = arith.constant 8 : i32
    scf.for %scan3A_628 = %scan3A_360 to %scan3A_362 step %scan3A_363  : i32 {
      %mul3A_629 = arith.constant 16 : i32
      %mul3A_630 = arith.muli %scan3A_628, %mul3A_629 : i32
      %multiple_of3A = tpu.assume_multiple %mul3A_630, 16 : i32
      %get3A = arith.index_cast %multiple_of3A : i32 to index
      %get3A_631 = tpu.vector_load %arg8[%get3A] {strides = array<i32>} : memref<8192xf32, #tpu.memory_space<vmem>>, vector<16xf32>,
      %get3A_632 = vector.shape_cast %get3A_631 : vector<16xf32> to vector<16xf32>
      %convert_element_type3A = arith.fptosi %get3A_632 : vector<16xf32> to vector<16xi32>
      %get3A_633 = arith.index_cast %multiple_of3A : i32 to index
      %get3A_634 = tpu.vector_load %arg11[%get3A_633] {strides = array<i32>} : memref<8192xf32, #tpu.memory_space<vmem>>, vector<16xf32>,
      %get3A_635 = vector.shape_cast %get3A_634 : vector<16xf32> to vector<16xf32>
      %convert_element_type3A_636 = arith.fptosi %get3A_635 : vector<16xf32> to vector<16xi32>
      %mul3A_637 = arith.constant 2048 : i32
      %mul3A_638 = vector.broadcast %mul3A_637 : i32 to vector<16xi32>
      %mul3A_639 = arith.muli %convert_element_type3A_636, %mul3A_638 : vector<16xi32>
      %add3A_640 = arith.addi %mul3A_639, %convert_element_type3A : vector<16xi32>
      %swap3A_641 = arith.index_cast %multiple_of3A : i32 to index
      %swap3A_642 = tpu.vector_load %arg14[%swap3A_641] {strides = array<i32>} : memref<8192xi32, #tpu.memory_space<vmem>>, vector<16xi32>,
      %swap3A_643 = vector.shape_cast %swap3A_642 : vector<16xi32> to vector<16xi32>
      %swap3A_644 = vector.shape_cast %add3A_640 : vector<16xi32> to vector<16xi32>
      tpu.vector_store %arg14[%swap3A_641], %swap3A_644 {strides = array<i32>} : memref<8192xi32, #tpu.memory_space<vmem>>, vector<16xi32>,
      %scan3A_645 = arith.constant 1 : i32
      %scan3A_646 = arith.addi %scan3A_628, %scan3A_645 : i32
      %mul3A_647 = arith.constant 16 : i32
      %mul3A_648 = arith.muli %scan3A_646, %mul3A_647 : i32
      %multiple_of3A_649 = tpu.assume_multiple %mul3A_648, 16 : i32
      %get3A_650 = arith.index_cast %multiple_of3A_649 : i32 to index
      %get3A_651 = tpu.vector_load %arg8[%get3A_650] {strides = array<i32>} : memref<8192xf32, #tpu.memory_space<vmem>>, vector<16xf32>,
      %get3A_652 = vector.shape_cast %get3A_651 : vector<16xf32> to vector<16xf32>
      %convert_element_type3A_653 = arith.fptosi %get3A_652 : vector<16xf32> to vector<16xi32>
      %get3A_654 = arith.index_cast %multiple_of3A_649 : i32 to index
      %get3A_655 = tpu.vector_load %arg11[%get3A_654] {strides = array<i32>} : memref<8192xf32, #tpu.memory_space<vmem>>, vector<16xf32>,
      %get3A_656 = vector.shape_cast %get3A_655 : vector<16xf32> to vector<16xf32>
      %convert_element_type3A_657 = arith.fptosi %get3A_656 : vector<16xf32> to vector<16xi32>
      %mul3A_658 = arith.constant 2048 : i32
      %mul3A_659 = vector.broadcast %mul3A_658 : i32 to vector<16xi32>
      %mul3A_660 = arith.muli %convert_element_type3A_657, %mul3A_659 : vector<16xi32>
      %add3A_661 = arith.addi %mul3A_660, %convert_element_type3A_653 : vector<16xi32>
      %swap3A_662 = arith.index_cast %multiple_of3A_649 : i32 to index
      %swap3A_663 = tpu.vector_load %arg14[%swap3A_662] {strides = array<i32>} : memref<8192xi32, #tpu.memory_space<vmem>>, vector<16xi32>,
      %swap3A_664 = vector.shape_cast %swap3A_663 : vector<16xi32> to vector<16xi32>
      %swap3A_665 = vector.shape_cast %add3A_661 : vector<16xi32> to vector<16xi32>
      tpu.vector_store %arg14[%swap3A_662], %swap3A_665 {strides = array<i32>} : memref<8192xi32, #tpu.memory_space<vmem>>, vector<16xi32>,
      %scan3A_666 = arith.constant 2 : i32
      %scan3A_667 = arith.addi %scan3A_628, %scan3A_666 : i32
      %mul3A_668 = arith.constant 16 : i32
      %mul3A_669 = arith.muli %scan3A_667, %mul3A_668 : i32
      %multiple_of3A_670 = tpu.assume_multiple %mul3A_669, 16 : i32
      %get3A_671 = arith.index_cast %multiple_of3A_670 : i32 to index
      %get3A_672 = tpu.vector_load %arg8[%get3A_671] {strides = array<i32>} : memref<8192xf32, #tpu.memory_space<vmem>>, vector<16xf32>,
      %get3A_673 = vector.shape_cast %get3A_672 : vector<16xf32> to vector<16xf32>
      %convert_element_type3A_674 = arith.fptosi %get3A_673 : vector<16xf32> to vector<16xi32>
      %get3A_675 = arith.index_cast %multiple_of3A_670 : i32 to index
      %get3A_676 = tpu.vector_load %arg11[%get3A_675] {strides = array<i32>} : memref<8192xf32, #tpu.memory_space<vmem>>, vector<16xf32>,
      %get3A_677 = vector.shape_cast %get3A_676 : vector<16xf32> to vector<16xf32>
      %convert_element_type3A_678 = arith.fptosi %get3A_677 : vector<16xf32> to vector<16xi32>
      %mul3A_679 = arith.constant 2048 : i32
      %mul3A_680 = vector.broadcast %mul3A_679 : i32 to vector<16xi32>
      %mul3A_681 = arith.muli %convert_element_type3A_678, %mul3A_680 : vector<16xi32>
      %add3A_682 = arith.addi %mul3A_681, %convert_element_type3A_674 : vector<16xi32>
      %swap3A_683 = arith.index_cast %multiple_of3A_670 : i32 to index
      %swap3A_684 = tpu.vector_load %arg14[%swap3A_683] {strides = array<i32>} : memref<8192xi32, #tpu.memory_space<vmem>>, vector<16xi32>,
      %swap3A_685 = vector.shape_cast %swap3A_684 : vector<16xi32> to vector<16xi32>
      %swap3A_686 = vector.shape_cast %add3A_682 : vector<16xi32> to vector<16xi32>
      tpu.vector_store %arg14[%swap3A_683], %swap3A_686 {strides = array<i32>} : memref<8192xi32, #tpu.memory_space<vmem>>, vector<16xi32>,
      %scan3A_687 = arith.constant 3 : i32
      %scan3A_688 = arith.addi %scan3A_628, %scan3A_687 : i32
      %mul3A_689 = arith.constant 16 : i32
      %mul3A_690 = arith.muli %scan3A_688, %mul3A_689 : i32
      %multiple_of3A_691 = tpu.assume_multiple %mul3A_690, 16 : i32
      %get3A_692 = arith.index_cast %multiple_of3A_691 : i32 to index
      %get3A_693 = tpu.vector_load %arg8[%get3A_692] {strides = array<i32>} : memref<8192xf32, #tpu.memory_space<vmem>>, vector<16xf32>,
      %get3A_694 = vector.shape_cast %get3A_693 : vector<16xf32> to vector<16xf32>
      %convert_element_type3A_695 = arith.fptosi %get3A_694 : vector<16xf32> to vector<16xi32>
      %get3A_696 = arith.index_cast %multiple_of3A_691 : i32 to index
      %get3A_697 = tpu.vector_load %arg11[%get3A_696] {strides = array<i32>} : memref<8192xf32, #tpu.memory_space<vmem>>, vector<16xf32>,
      %get3A_698 = vector.shape_cast %get3A_697 : vector<16xf32> to vector<16xf32>
      %convert_element_type3A_699 = arith.fptosi %get3A_698 : vector<16xf32> to vector<16xi32>
      %mul3A_700 = arith.constant 2048 : i32
      %mul3A_701 = vector.broadcast %mul3A_700 : i32 to vector<16xi32>
      %mul3A_702 = arith.muli %convert_element_type3A_699, %mul3A_701 : vector<16xi32>
      %add3A_703 = arith.addi %mul3A_702, %convert_element_type3A_695 : vector<16xi32>
      %swap3A_704 = arith.index_cast %multiple_of3A_691 : i32 to index
      %swap3A_705 = tpu.vector_load %arg14[%swap3A_704] {strides = array<i32>} : memref<8192xi32, #tpu.memory_space<vmem>>, vector<16xi32>,
      %swap3A_706 = vector.shape_cast %swap3A_705 : vector<16xi32> to vector<16xi32>
      %swap3A_707 = vector.shape_cast %add3A_703 : vector<16xi32> to vector<16xi32>
      tpu.vector_store %arg14[%swap3A_704], %swap3A_707 {strides = array<i32>} : memref<8192xi32, #tpu.memory_space<vmem>>, vector<16xi32>,
      %scan3A_708 = arith.constant 4 : i32
      %scan3A_709 = arith.addi %scan3A_628, %scan3A_708 : i32
      %mul3A_710 = arith.constant 16 : i32
      %mul3A_711 = arith.muli %scan3A_709, %mul3A_710 : i32
      %multiple_of3A_712 = tpu.assume_multiple %mul3A_711, 16 : i32
      %get3A_713 = arith.index_cast %multiple_of3A_712 : i32 to index
      %get3A_714 = tpu.vector_load %arg8[%get3A_713] {strides = array<i32>} : memref<8192xf32, #tpu.memory_space<vmem>>, vector<16xf32>,
      %get3A_715 = vector.shape_cast %get3A_714 : vector<16xf32> to vector<16xf32>
      %convert_element_type3A_716 = arith.fptosi %get3A_715 : vector<16xf32> to vector<16xi32>
      %get3A_717 = arith.index_cast %multiple_of3A_712 : i32 to index
      %get3A_718 = tpu.vector_load %arg11[%get3A_717] {strides = array<i32>} : memref<8192xf32, #tpu.memory_space<vmem>>, vector<16xf32>,
      %get3A_719 = vector.shape_cast %get3A_718 : vector<16xf32> to vector<16xf32>
      %convert_element_type3A_720 = arith.fptosi %get3A_719 : vector<16xf32> to vector<16xi32>
      %mul3A_721 = arith.constant 2048 : i32
      %mul3A_722 = vector.broadcast %mul3A_721 : i32 to vector<16xi32>
      %mul3A_723 = arith.muli %convert_element_type3A_720, %mul3A_722 : vector<16xi32>
      %add3A_724 = arith.addi %mul3A_723, %convert_element_type3A_716 : vector<16xi32>
      %swap3A_725 = arith.index_cast %multiple_of3A_712 : i32 to index
      %swap3A_726 = tpu.vector_load %arg14[%swap3A_725] {strides = array<i32>} : memref<8192xi32, #tpu.memory_space<vmem>>, vector<16xi32>,
      %swap3A_727 = vector.shape_cast %swap3A_726 : vector<16xi32> to vector<16xi32>
      %swap3A_728 = vector.shape_cast %add3A_724 : vector<16xi32> to vector<16xi32>
      tpu.vector_store %arg14[%swap3A_725], %swap3A_728 {strides = array<i32>} : memref<8192xi32, #tpu.memory_space<vmem>>, vector<16xi32>,
      %scan3A_729 = arith.constant 5 : i32
      %scan3A_730 = arith.addi %scan3A_628, %scan3A_729 : i32
      %mul3A_731 = arith.constant 16 : i32
      %mul3A_732 = arith.muli %scan3A_730, %mul3A_731 : i32
      %multiple_of3A_733 = tpu.assume_multiple %mul3A_732, 16 : i32
      %get3A_734 = arith.index_cast %multiple_of3A_733 : i32 to index
      %get3A_735 = tpu.vector_load %arg8[%get3A_734] {strides = array<i32>} : memref<8192xf32, #tpu.memory_space<vmem>>, vector<16xf32>,
      %get3A_736 = vector.shape_cast %get3A_735 : vector<16xf32> to vector<16xf32>
      %convert_element_type3A_737 = arith.fptosi %get3A_736 : vector<16xf32> to vector<16xi32>
      %get3A_738 = arith.index_cast %multiple_of3A_733 : i32 to index
      %get3A_739 = tpu.vector_load %arg11[%get3A_738] {strides = array<i32>} : memref<8192xf32, #tpu.memory_space<vmem>>, vector<16xf32>,
      %get3A_740 = vector.shape_cast %get3A_739 : vector<16xf32> to vector<16xf32>
      %convert_element_type3A_741 = arith.fptosi %get3A_740 : vector<16xf32> to vector<16xi32>
      %mul3A_742 = arith.constant 2048 : i32
      %mul3A_743 = vector.broadcast %mul3A_742 : i32 to vector<16xi32>
      %mul3A_744 = arith.muli %convert_element_type3A_741, %mul3A_743 : vector<16xi32>
      %add3A_745 = arith.addi %mul3A_744, %convert_element_type3A_737 : vector<16xi32>
      %swap3A_746 = arith.index_cast %multiple_of3A_733 : i32 to index
      %swap3A_747 = tpu.vector_load %arg14[%swap3A_746] {strides = array<i32>} : memref<8192xi32, #tpu.memory_space<vmem>>, vector<16xi32>,
      %swap3A_748 = vector.shape_cast %swap3A_747 : vector<16xi32> to vector<16xi32>
      %swap3A_749 = vector.shape_cast %add3A_745 : vector<16xi32> to vector<16xi32>
      tpu.vector_store %arg14[%swap3A_746], %swap3A_749 {strides = array<i32>} : memref<8192xi32, #tpu.memory_space<vmem>>, vector<16xi32>,
      %scan3A_750 = arith.constant 6 : i32
      %scan3A_751 = arith.addi %scan3A_628, %scan3A_750 : i32
      %mul3A_752 = arith.constant 16 : i32
      %mul3A_753 = arith.muli %scan3A_751, %mul3A_752 : i32
      %multiple_of3A_754 = tpu.assume_multiple %mul3A_753, 16 : i32
      %get3A_755 = arith.index_cast %multiple_of3A_754 : i32 to index
      %get3A_756 = tpu.vector_load %arg8[%get3A_755] {strides = array<i32>} : memref<8192xf32, #tpu.memory_space<vmem>>, vector<16xf32>,
      %get3A_757 = vector.shape_cast %get3A_756 : vector<16xf32> to vector<16xf32>
      %convert_element_type3A_758 = arith.fptosi %get3A_757 : vector<16xf32> to vector<16xi32>
      %get3A_759 = arith.index_cast %multiple_of3A_754 : i32 to index
      %get3A_760 = tpu.vector_load %arg11[%get3A_759] {strides = array<i32>} : memref<8192xf32, #tpu.memory_space<vmem>>, vector<16xf32>,
      %get3A_761 = vector.shape_cast %get3A_760 : vector<16xf32> to vector<16xf32>
      %convert_element_type3A_762 = arith.fptosi %get3A_761 : vector<16xf32> to vector<16xi32>
      %mul3A_763 = arith.constant 2048 : i32
      %mul3A_764 = vector.broadcast %mul3A_763 : i32 to vector<16xi32>
      %mul3A_765 = arith.muli %convert_element_type3A_762, %mul3A_764 : vector<16xi32>
      %add3A_766 = arith.addi %mul3A_765, %convert_element_type3A_758 : vector<16xi32>
      %swap3A_767 = arith.index_cast %multiple_of3A_754 : i32 to index
      %swap3A_768 = tpu.vector_load %arg14[%swap3A_767] {strides = array<i32>} : memref<8192xi32, #tpu.memory_space<vmem>>, vector<16xi32>,
      %swap3A_769 = vector.shape_cast %swap3A_768 : vector<16xi32> to vector<16xi32>
      %swap3A_770 = vector.shape_cast %add3A_766 : vector<16xi32> to vector<16xi32>
      tpu.vector_store %arg14[%swap3A_767], %swap3A_770 {strides = array<i32>} : memref<8192xi32, #tpu.memory_space<vmem>>, vector<16xi32>,
      %scan3A_771 = arith.constant 7 : i32
      %scan3A_772 = arith.addi %scan3A_628, %scan3A_771 : i32
      %mul3A_773 = arith.constant 16 : i32
      %mul3A_774 = arith.muli %scan3A_772, %mul3A_773 : i32
      %multiple_of3A_775 = tpu.assume_multiple %mul3A_774, 16 : i32
      %get3A_776 = arith.index_cast %multiple_of3A_775 : i32 to index
      %get3A_777 = tpu.vector_load %arg8[%get3A_776] {strides = array<i32>} : memref<8192xf32, #tpu.memory_space<vmem>>, vector<16xf32>,
      %get3A_778 = vector.shape_cast %get3A_777 : vector<16xf32> to vector<16xf32>
      %convert_element_type3A_779 = arith.fptosi %get3A_778 : vector<16xf32> to vector<16xi32>
      %get3A_780 = arith.index_cast %multiple_of3A_775 : i32 to index
      %get3A_781 = tpu.vector_load %arg11[%get3A_780] {strides = array<i32>} : memref<8192xf32, #tpu.memory_space<vmem>>, vector<16xf32>,
      %get3A_782 = vector.shape_cast %get3A_781 : vector<16xf32> to vector<16xf32>
      %convert_element_type3A_783 = arith.fptosi %get3A_782 : vector<16xf32> to vector<16xi32>
      %mul3A_784 = arith.constant 2048 : i32
      %mul3A_785 = vector.broadcast %mul3A_784 : i32 to vector<16xi32>
      %mul3A_786 = arith.muli %convert_element_type3A_783, %mul3A_785 : vector<16xi32>
      %add3A_787 = arith.addi %mul3A_786, %convert_element_type3A_779 : vector<16xi32>
      %swap3A_788 = arith.index_cast %multiple_of3A_775 : i32 to index
      %swap3A_789 = tpu.vector_load %arg14[%swap3A_788] {strides = array<i32>} : memref<8192xi32, #tpu.memory_space<vmem>>, vector<16xi32>,
      %swap3A_790 = vector.shape_cast %swap3A_789 : vector<16xi32> to vector<16xi32>
      %swap3A_791 = vector.shape_cast %add3A_787 : vector<16xi32> to vector<16xi32>
      tpu.vector_store %arg14[%swap3A_788], %swap3A_791 {strides = array<i32>} : memref<8192xi32, #tpu.memory_space<vmem>>, vector<16xi32>,
    }
    %scan3A_364 = arith.constant 512 : i32
    %dma_start3A_365 = arith.constant 2 : i32
    %dma_start3A_366 = arith.constant 0 : i32
    %dma_start3A_367 = arith.constant 0 : i32
    %dma_start3A_368 = tpu.memref_slice %arg17[%dma_start3A_367] : memref<8192xf32, #tpu.memory_space<vmem>> -> memref<4096xf32, #tpu.memory_space<vmem>>
    %dma_start3A_369 = arith.constant 0 : i32
    %dma_start3A_370 = tpu.memref_slice %arg14[%dma_start3A_369] : memref<8192xi32, #tpu.memory_space<vmem>> -> memref<4096xi32, #tpu.memory_space<vmem>>
    %dma_start3A_371 = arith.constant 0 : i32
    %dma_start3A_372 = tpu.memref_slice %arg2[%dma_start3A_371] : memref<4194304xf32, #tpu.memory_space<hbm>> -> memref<4194304xf32, #tpu.memory_space<hbm>>
    %dma_start3A_373 = tpu.memref_slice %arg21[%dma_start3A_365, %dma_start3A_366] : memref<3x2x!tpu.dma_semaphore, #tpu.memory_space<semaphore_mem>> -> memref<1x1x!tpu.dma_semaphore, #tpu.memory_space<semaphore_mem>>
    %dma_start3A_374 = tpu.memref_squeeze %dma_start3A_373 : memref<1x1x!tpu.dma_semaphore, #tpu.memory_space<semaphore_mem>> -> memref<!tpu.dma_semaphore, #tpu.memory_space<semaphore_mem>>
    tpu.enqueue_indirect_dma source(%dma_start3A_372 : memref<4194304xf32, #tpu.memory_space<hbm>>) target(%dma_start3A_368 : memref<4096xf32, #tpu.memory_space<vmem>>) offsets(%dma_start3A_370 : memref<4096xi32, #tpu.memory_space<vmem>>) semaphore(%dma_start3A_374 : memref<!tpu.dma_semaphore, #tpu.memory_space<semaphore_mem>>)
    %dma_start3A_375 = arith.constant 2 : i32
    %dma_start3A_376 = arith.constant 1 : i32
    %dma_start3A_377 = arith.constant 4096 : i32
    %dma_start3A_378 = tpu.memref_slice %arg17[%dma_start3A_377] : memref<8192xf32, #tpu.memory_space<vmem>> -> memref<4096xf32, #tpu.memory_space<vmem>>
    %dma_start3A_379 = arith.constant 4096 : i32
    %dma_start3A_380 = tpu.memref_slice %arg14[%dma_start3A_379] : memref<8192xi32, #tpu.memory_space<vmem>> -> memref<4096xi32, #tpu.memory_space<vmem>>
    %dma_start3A_381 = arith.constant 0 : i32
    %dma_start3A_382 = tpu.memref_slice %arg2[%dma_start3A_381] : memref<4194304xf32, #tpu.memory_space<hbm>> -> memref<4194304xf32, #tpu.memory_space<hbm>>
    %dma_start3A_383 = tpu.memref_slice %arg21[%dma_start3A_375, %dma_start3A_376] : memref<3x2x!tpu.dma_semaphore, #tpu.memory_space<semaphore_mem>> -> memref<1x1x!tpu.dma_semaphore, #tpu.memory_space<semaphore_mem>>
    %dma_start3A_384 = tpu.memref_squeeze %dma_start3A_383 : memref<1x1x!tpu.dma_semaphore, #tpu.memory_space<semaphore_mem>> -> memref<!tpu.dma_semaphore, #tpu.memory_space<semaphore_mem>>
    tpu.enqueue_indirect_dma source(%dma_start3A_382 : memref<4194304xf32, #tpu.memory_space<hbm>>) target(%dma_start3A_378 : memref<4096xf32, #tpu.memory_space<vmem>>) offsets(%dma_start3A_380 : memref<4096xi32, #tpu.memory_space<vmem>>) semaphore(%dma_start3A_384 : memref<!tpu.dma_semaphore, #tpu.memory_space<semaphore_mem>>)
    %dma_wait3A_385 = arith.constant 0 : i32
    %dma_wait3A_386 = arith.constant 0 : i32
    %dma_wait3A_387 = arith.constant 0 : i32
    %dma_wait3A_388 = tpu.memref_slice %arg15[%dma_wait3A_387] : memref<8192xf32, #tpu.memory_space<vmem>> -> memref<4096xf32, #tpu.memory_space<vmem>>
    %dma_wait3A_389 = arith.constant 0 : i32
    %dma_wait3A_390 = tpu.memref_slice %arg12[%dma_wait3A_389] : memref<8192xi32, #tpu.memory_space<vmem>> -> memref<4096xi32, #tpu.memory_space<vmem>>
    %dma_wait3A_391 = arith.constant 0 : i32
    %dma_wait3A_392 = tpu.memref_slice %arg2[%dma_wait3A_391] : memref<4194304xf32, #tpu.memory_space<hbm>> -> memref<4194304xf32, #tpu.memory_space<hbm>>
    %dma_wait3A_393 = tpu.memref_slice %arg21[%dma_wait3A_385, %dma_wait3A_386] : memref<3x2x!tpu.dma_semaphore, #tpu.memory_space<semaphore_mem>> -> memref<1x1x!tpu.dma_semaphore, #tpu.memory_space<semaphore_mem>>
    %dma_wait3A_394 = tpu.memref_squeeze %dma_wait3A_393 : memref<1x1x!tpu.dma_semaphore, #tpu.memory_space<semaphore_mem>> -> memref<!tpu.dma_semaphore, #tpu.memory_space<semaphore_mem>>
    tpu.wait_indirect_dma semaphore(%dma_wait3A_394 : memref<!tpu.dma_semaphore, #tpu.memory_space<semaphore_mem>>) src(%dma_wait3A_392 : memref<4194304xf32, #tpu.memory_space<hbm>>) dst(%dma_wait3A_388 : memref<4096xf32, #tpu.memory_space<vmem>>)
    %dma_wait3A_395 = arith.constant 0 : i32
    %dma_wait3A_396 = arith.constant 1 : i32
    %dma_wait3A_397 = arith.constant 4096 : i32
    %dma_wait3A_398 = tpu.memref_slice %arg15[%dma_wait3A_397] : memref<8192xf32, #tpu.memory_space<vmem>> -> memref<4096xf32, #tpu.memory_space<vmem>>
    %dma_wait3A_399 = arith.constant 4096 : i32
    %dma_wait3A_400 = tpu.memref_slice %arg12[%dma_wait3A_399] : memref<8192xi32, #tpu.memory_space<vmem>> -> memref<4096xi32, #tpu.memory_space<vmem>>
    %dma_wait3A_401 = arith.constant 0 : i32
    %dma_wait3A_402 = tpu.memref_slice %arg2[%dma_wait3A_401] : memref<4194304xf32, #tpu.memory_space<hbm>> -> memref<4194304xf32, #tpu.memory_space<hbm>>
    %dma_wait3A_403 = tpu.memref_slice %arg21[%dma_wait3A_395, %dma_wait3A_396] : memref<3x2x!tpu.dma_semaphore, #tpu.memory_space<semaphore_mem>> -> memref<1x1x!tpu.dma_semaphore, #tpu.memory_space<semaphore_mem>>
    %dma_wait3A_404 = tpu.memref_squeeze %dma_wait3A_403 : memref<1x1x!tpu.dma_semaphore, #tpu.memory_space<semaphore_mem>> -> memref<!tpu.dma_semaphore, #tpu.memory_space<semaphore_mem>>
    tpu.wait_indirect_dma semaphore(%dma_wait3A_404 : memref<!tpu.dma_semaphore, #tpu.memory_space<semaphore_mem>>) src(%dma_wait3A_402 : memref<4194304xf32, #tpu.memory_space<hbm>>) dst(%dma_wait3A_398 : memref<4096xf32, #tpu.memory_space<vmem>>)
    %broadcast_in_dim3A_405 = arith.constant 4095 : i32
    %broadcast_in_dim3A_406 = vector.broadcast %broadcast_in_dim3A_405 : i32 to vector<16xi32>
    %scan3A_407 = arith.constant 0 : i32
    %scan3A_408 = arith.constant 512 : i32
    %scan3A_409 = arith.addi %scan3A_407, %scan3A_408 : i32
    %scan3A_410 = arith.constant 8 : i32
    %scan3A_411 = scf.for %scan3A_628 = %scan3A_407 to %scan3A_409 step %scan3A_410 iter_args(%scan3A_629 = %scan3A_333) -> (vector<16xf32>)  : i32 {
      %mul3A_630 = arith.constant 16 : i32
      %mul3A_631 = arith.muli %scan3A_628, %mul3A_630 : i32
      %multiple_of3A = tpu.assume_multiple %mul3A_631, 16 : i32
      %get3A = arith.index_cast %multiple_of3A : i32 to index
      %get3A_632 = tpu.vector_load %arg15[%get3A] {strides = array<i32>} : memref<8192xf32, #tpu.memory_space<vmem>>, vector<16xf32>,
      %get3A_633 = vector.shape_cast %get3A_632 : vector<16xf32> to vector<16xf32>
      %convert_element_type3A = arith.fptosi %get3A_633 : vector<16xf32> to vector<16xi32>
      %and3A = arith.andi %convert_element_type3A, %broadcast_in_dim3A_406 : vector<16xi32>
      %convert_element_type3A_634 = arith.sitofp %and3A : vector<16xi32> to vector<16xf32>
      %shift_right_logical3A = arith.constant 12 : i32
      %shift_right_logical3A_635 = vector.broadcast %shift_right_logical3A : i32 to vector<16xi32>
      %shift_right_logical3A_636 = arith.shrui %convert_element_type3A, %shift_right_logical3A_635 : vector<16xi32>
      %convert_element_type3A_637 = arith.sitofp %shift_right_logical3A_636 : vector<16xi32> to vector<16xf32>
      %get3A_638 = arith.index_cast %multiple_of3A : i32 to index
      %get3A_639 = tpu.vector_load %arg6[%get3A_638] {strides = array<i32>} : memref<8192xf32, #tpu.memory_space<vmem>>, vector<16xf32>,
      %get3A_640 = vector.shape_cast %get3A_639 : vector<16xf32> to vector<16xf32>
      %sub3A = arith.subf %get3A_640, %convert_element_type3A_637 : vector<16xf32>
      %get3A_641 = arith.index_cast %multiple_of3A : i32 to index
      %get3A_642 = tpu.vector_load %arg9[%get3A_641] {strides = array<i32>} : memref<8192xf32, #tpu.memory_space<vmem>>, vector<16xf32>,
      %get3A_643 = vector.shape_cast %get3A_642 : vector<16xf32> to vector<16xf32>
      %sub3A_644 = arith.subf %get3A_643, %convert_element_type3A_634 : vector<16xf32>
      %mul3A_645 = arith.mulf %sub3A, %sub3A : vector<16xf32>
      %add3A_646 = arith.addf %scan3A_629, %mul3A_645 : vector<16xf32>
      %mul3A_647 = arith.mulf %sub3A_644, %sub3A_644 : vector<16xf32>
      %add3A_648 = arith.addf %add3A_646, %mul3A_647 : vector<16xf32>
      %scan3A_649 = arith.constant 1 : i32
      %scan3A_650 = arith.addi %scan3A_628, %scan3A_649 : i32
      %mul3A_651 = arith.constant 16 : i32
      %mul3A_652 = arith.muli %scan3A_650, %mul3A_651 : i32
      %multiple_of3A_653 = tpu.assume_multiple %mul3A_652, 16 : i32
      %get3A_654 = arith.index_cast %multiple_of3A_653 : i32 to index
      %get3A_655 = tpu.vector_load %arg15[%get3A_654] {strides = array<i32>} : memref<8192xf32, #tpu.memory_space<vmem>>, vector<16xf32>,
      %get3A_656 = vector.shape_cast %get3A_655 : vector<16xf32> to vector<16xf32>
      %convert_element_type3A_657 = arith.fptosi %get3A_656 : vector<16xf32> to vector<16xi32>
      %and3A_658 = arith.andi %convert_element_type3A_657, %broadcast_in_dim3A_406 : vector<16xi32>
      %convert_element_type3A_659 = arith.sitofp %and3A_658 : vector<16xi32> to vector<16xf32>
      %shift_right_logical3A_660 = arith.constant 12 : i32
      %shift_right_logical3A_661 = vector.broadcast %shift_right_logical3A_660 : i32 to vector<16xi32>
      %shift_right_logical3A_662 = arith.shrui %convert_element_type3A_657, %shift_right_logical3A_661 : vector<16xi32>
      %convert_element_type3A_663 = arith.sitofp %shift_right_logical3A_662 : vector<16xi32> to vector<16xf32>
      %get3A_664 = arith.index_cast %multiple_of3A_653 : i32 to index
      %get3A_665 = tpu.vector_load %arg6[%get3A_664] {strides = array<i32>} : memref<8192xf32, #tpu.memory_space<vmem>>, vector<16xf32>,
      %get3A_666 = vector.shape_cast %get3A_665 : vector<16xf32> to vector<16xf32>
      %sub3A_667 = arith.subf %get3A_666, %convert_element_type3A_663 : vector<16xf32>
      %get3A_668 = arith.index_cast %multiple_of3A_653 : i32 to index
      %get3A_669 = tpu.vector_load %arg9[%get3A_668] {strides = array<i32>} : memref<8192xf32, #tpu.memory_space<vmem>>, vector<16xf32>,
      %get3A_670 = vector.shape_cast %get3A_669 : vector<16xf32> to vector<16xf32>
      %sub3A_671 = arith.subf %get3A_670, %convert_element_type3A_659 : vector<16xf32>
      %mul3A_672 = arith.mulf %sub3A_667, %sub3A_667 : vector<16xf32>
      %add3A_673 = arith.addf %add3A_648, %mul3A_672 : vector<16xf32>
      %mul3A_674 = arith.mulf %sub3A_671, %sub3A_671 : vector<16xf32>
      %add3A_675 = arith.addf %add3A_673, %mul3A_674 : vector<16xf32>
      %scan3A_676 = arith.constant 2 : i32
      %scan3A_677 = arith.addi %scan3A_628, %scan3A_676 : i32
      %mul3A_678 = arith.constant 16 : i32
      %mul3A_679 = arith.muli %scan3A_677, %mul3A_678 : i32
      %multiple_of3A_680 = tpu.assume_multiple %mul3A_679, 16 : i32
      %get3A_681 = arith.index_cast %multiple_of3A_680 : i32 to index
      %get3A_682 = tpu.vector_load %arg15[%get3A_681] {strides = array<i32>} : memref<8192xf32, #tpu.memory_space<vmem>>, vector<16xf32>,
      %get3A_683 = vector.shape_cast %get3A_682 : vector<16xf32> to vector<16xf32>
      %convert_element_type3A_684 = arith.fptosi %get3A_683 : vector<16xf32> to vector<16xi32>
      %and3A_685 = arith.andi %convert_element_type3A_684, %broadcast_in_dim3A_406 : vector<16xi32>
      %convert_element_type3A_686 = arith.sitofp %and3A_685 : vector<16xi32> to vector<16xf32>
      %shift_right_logical3A_687 = arith.constant 12 : i32
      %shift_right_logical3A_688 = vector.broadcast %shift_right_logical3A_687 : i32 to vector<16xi32>
      %shift_right_logical3A_689 = arith.shrui %convert_element_type3A_684, %shift_right_logical3A_688 : vector<16xi32>
      %convert_element_type3A_690 = arith.sitofp %shift_right_logical3A_689 : vector<16xi32> to vector<16xf32>
      %get3A_691 = arith.index_cast %multiple_of3A_680 : i32 to index
      %get3A_692 = tpu.vector_load %arg6[%get3A_691] {strides = array<i32>} : memref<8192xf32, #tpu.memory_space<vmem>>, vector<16xf32>,
      %get3A_693 = vector.shape_cast %get3A_692 : vector<16xf32> to vector<16xf32>
      %sub3A_694 = arith.subf %get3A_693, %convert_element_type3A_690 : vector<16xf32>
      %get3A_695 = arith.index_cast %multiple_of3A_680 : i32 to index
      %get3A_696 = tpu.vector_load %arg9[%get3A_695] {strides = array<i32>} : memref<8192xf32, #tpu.memory_space<vmem>>, vector<16xf32>,
      %get3A_697 = vector.shape_cast %get3A_696 : vector<16xf32> to vector<16xf32>
      %sub3A_698 = arith.subf %get3A_697, %convert_element_type3A_686 : vector<16xf32>
      %mul3A_699 = arith.mulf %sub3A_694, %sub3A_694 : vector<16xf32>
      %add3A_700 = arith.addf %add3A_675, %mul3A_699 : vector<16xf32>
      %mul3A_701 = arith.mulf %sub3A_698, %sub3A_698 : vector<16xf32>
      %add3A_702 = arith.addf %add3A_700, %mul3A_701 : vector<16xf32>
      %scan3A_703 = arith.constant 3 : i32
      %scan3A_704 = arith.addi %scan3A_628, %scan3A_703 : i32
      %mul3A_705 = arith.constant 16 : i32
      %mul3A_706 = arith.muli %scan3A_704, %mul3A_705 : i32
      %multiple_of3A_707 = tpu.assume_multiple %mul3A_706, 16 : i32
      %get3A_708 = arith.index_cast %multiple_of3A_707 : i32 to index
      %get3A_709 = tpu.vector_load %arg15[%get3A_708] {strides = array<i32>} : memref<8192xf32, #tpu.memory_space<vmem>>, vector<16xf32>,
      %get3A_710 = vector.shape_cast %get3A_709 : vector<16xf32> to vector<16xf32>
      %convert_element_type3A_711 = arith.fptosi %get3A_710 : vector<16xf32> to vector<16xi32>
      %and3A_712 = arith.andi %convert_element_type3A_711, %broadcast_in_dim3A_406 : vector<16xi32>
      %convert_element_type3A_713 = arith.sitofp %and3A_712 : vector<16xi32> to vector<16xf32>
      %shift_right_logical3A_714 = arith.constant 12 : i32
      %shift_right_logical3A_715 = vector.broadcast %shift_right_logical3A_714 : i32 to vector<16xi32>
      %shift_right_logical3A_716 = arith.shrui %convert_element_type3A_711, %shift_right_logical3A_715 : vector<16xi32>
      %convert_element_type3A_717 = arith.sitofp %shift_right_logical3A_716 : vector<16xi32> to vector<16xf32>
      %get3A_718 = arith.index_cast %multiple_of3A_707 : i32 to index
      %get3A_719 = tpu.vector_load %arg6[%get3A_718] {strides = array<i32>} : memref<8192xf32, #tpu.memory_space<vmem>>, vector<16xf32>,
      %get3A_720 = vector.shape_cast %get3A_719 : vector<16xf32> to vector<16xf32>
      %sub3A_721 = arith.subf %get3A_720, %convert_element_type3A_717 : vector<16xf32>
      %get3A_722 = arith.index_cast %multiple_of3A_707 : i32 to index
      %get3A_723 = tpu.vector_load %arg9[%get3A_722] {strides = array<i32>} : memref<8192xf32, #tpu.memory_space<vmem>>, vector<16xf32>,
      %get3A_724 = vector.shape_cast %get3A_723 : vector<16xf32> to vector<16xf32>
      %sub3A_725 = arith.subf %get3A_724, %convert_element_type3A_713 : vector<16xf32>
      %mul3A_726 = arith.mulf %sub3A_721, %sub3A_721 : vector<16xf32>
      %add3A_727 = arith.addf %add3A_702, %mul3A_726 : vector<16xf32>
      %mul3A_728 = arith.mulf %sub3A_725, %sub3A_725 : vector<16xf32>
      %add3A_729 = arith.addf %add3A_727, %mul3A_728 : vector<16xf32>
      %scan3A_730 = arith.constant 4 : i32
      %scan3A_731 = arith.addi %scan3A_628, %scan3A_730 : i32
      %mul3A_732 = arith.constant 16 : i32
      %mul3A_733 = arith.muli %scan3A_731, %mul3A_732 : i32
      %multiple_of3A_734 = tpu.assume_multiple %mul3A_733, 16 : i32
      %get3A_735 = arith.index_cast %multiple_of3A_734 : i32 to index
      %get3A_736 = tpu.vector_load %arg15[%get3A_735] {strides = array<i32>} : memref<8192xf32, #tpu.memory_space<vmem>>, vector<16xf32>,
      %get3A_737 = vector.shape_cast %get3A_736 : vector<16xf32> to vector<16xf32>
      %convert_element_type3A_738 = arith.fptosi %get3A_737 : vector<16xf32> to vector<16xi32>
      %and3A_739 = arith.andi %convert_element_type3A_738, %broadcast_in_dim3A_406 : vector<16xi32>
      %convert_element_type3A_740 = arith.sitofp %and3A_739 : vector<16xi32> to vector<16xf32>
      %shift_right_logical3A_741 = arith.constant 12 : i32
      %shift_right_logical3A_742 = vector.broadcast %shift_right_logical3A_741 : i32 to vector<16xi32>
      %shift_right_logical3A_743 = arith.shrui %convert_element_type3A_738, %shift_right_logical3A_742 : vector<16xi32>
      %convert_element_type3A_744 = arith.sitofp %shift_right_logical3A_743 : vector<16xi32> to vector<16xf32>
      %get3A_745 = arith.index_cast %multiple_of3A_734 : i32 to index
      %get3A_746 = tpu.vector_load %arg6[%get3A_745] {strides = array<i32>} : memref<8192xf32, #tpu.memory_space<vmem>>, vector<16xf32>,
      %get3A_747 = vector.shape_cast %get3A_746 : vector<16xf32> to vector<16xf32>
      %sub3A_748 = arith.subf %get3A_747, %convert_element_type3A_744 : vector<16xf32>
      %get3A_749 = arith.index_cast %multiple_of3A_734 : i32 to index
      %get3A_750 = tpu.vector_load %arg9[%get3A_749] {strides = array<i32>} : memref<8192xf32, #tpu.memory_space<vmem>>, vector<16xf32>,
      %get3A_751 = vector.shape_cast %get3A_750 : vector<16xf32> to vector<16xf32>
      %sub3A_752 = arith.subf %get3A_751, %convert_element_type3A_740 : vector<16xf32>
      %mul3A_753 = arith.mulf %sub3A_748, %sub3A_748 : vector<16xf32>
      %add3A_754 = arith.addf %add3A_729, %mul3A_753 : vector<16xf32>
      %mul3A_755 = arith.mulf %sub3A_752, %sub3A_752 : vector<16xf32>
      %add3A_756 = arith.addf %add3A_754, %mul3A_755 : vector<16xf32>
      %scan3A_757 = arith.constant 5 : i32
      %scan3A_758 = arith.addi %scan3A_628, %scan3A_757 : i32
      %mul3A_759 = arith.constant 16 : i32
      %mul3A_760 = arith.muli %scan3A_758, %mul3A_759 : i32
      %multiple_of3A_761 = tpu.assume_multiple %mul3A_760, 16 : i32
      %get3A_762 = arith.index_cast %multiple_of3A_761 : i32 to index
      %get3A_763 = tpu.vector_load %arg15[%get3A_762] {strides = array<i32>} : memref<8192xf32, #tpu.memory_space<vmem>>, vector<16xf32>,
      %get3A_764 = vector.shape_cast %get3A_763 : vector<16xf32> to vector<16xf32>
      %convert_element_type3A_765 = arith.fptosi %get3A_764 : vector<16xf32> to vector<16xi32>
      %and3A_766 = arith.andi %convert_element_type3A_765, %broadcast_in_dim3A_406 : vector<16xi32>
      %convert_element_type3A_767 = arith.sitofp %and3A_766 : vector<16xi32> to vector<16xf32>
      %shift_right_logical3A_768 = arith.constant 12 : i32
      %shift_right_logical3A_769 = vector.broadcast %shift_right_logical3A_768 : i32 to vector<16xi32>
      %shift_right_logical3A_770 = arith.shrui %convert_element_type3A_765, %shift_right_logical3A_769 : vector<16xi32>
      %convert_element_type3A_771 = arith.sitofp %shift_right_logical3A_770 : vector<16xi32> to vector<16xf32>
      %get3A_772 = arith.index_cast %multiple_of3A_761 : i32 to index
      %get3A_773 = tpu.vector_load %arg6[%get3A_772] {strides = array<i32>} : memref<8192xf32, #tpu.memory_space<vmem>>, vector<16xf32>,
      %get3A_774 = vector.shape_cast %get3A_773 : vector<16xf32> to vector<16xf32>
      %sub3A_775 = arith.subf %get3A_774, %convert_element_type3A_771 : vector<16xf32>
      %get3A_776 = arith.index_cast %multiple_of3A_761 : i32 to index
      %get3A_777 = tpu.vector_load %arg9[%get3A_776] {strides = array<i32>} : memref<8192xf32, #tpu.memory_space<vmem>>, vector<16xf32>,
      %get3A_778 = vector.shape_cast %get3A_777 : vector<16xf32> to vector<16xf32>
      %sub3A_779 = arith.subf %get3A_778, %convert_element_type3A_767 : vector<16xf32>
      %mul3A_780 = arith.mulf %sub3A_775, %sub3A_775 : vector<16xf32>
      %add3A_781 = arith.addf %add3A_756, %mul3A_780 : vector<16xf32>
      %mul3A_782 = arith.mulf %sub3A_779, %sub3A_779 : vector<16xf32>
      %add3A_783 = arith.addf %add3A_781, %mul3A_782 : vector<16xf32>
      %scan3A_784 = arith.constant 6 : i32
      %scan3A_785 = arith.addi %scan3A_628, %scan3A_784 : i32
      %mul3A_786 = arith.constant 16 : i32
      %mul3A_787 = arith.muli %scan3A_785, %mul3A_786 : i32
      %multiple_of3A_788 = tpu.assume_multiple %mul3A_787, 16 : i32
      %get3A_789 = arith.index_cast %multiple_of3A_788 : i32 to index
      %get3A_790 = tpu.vector_load %arg15[%get3A_789] {strides = array<i32>} : memref<8192xf32, #tpu.memory_space<vmem>>, vector<16xf32>,
      %get3A_791 = vector.shape_cast %get3A_790 : vector<16xf32> to vector<16xf32>
      %convert_element_type3A_792 = arith.fptosi %get3A_791 : vector<16xf32> to vector<16xi32>
      %and3A_793 = arith.andi %convert_element_type3A_792, %broadcast_in_dim3A_406 : vector<16xi32>
      %convert_element_type3A_794 = arith.sitofp %and3A_793 : vector<16xi32> to vector<16xf32>
      %shift_right_logical3A_795 = arith.constant 12 : i32
      %shift_right_logical3A_796 = vector.broadcast %shift_right_logical3A_795 : i32 to vector<16xi32>
      %shift_right_logical3A_797 = arith.shrui %convert_element_type3A_792, %shift_right_logical3A_796 : vector<16xi32>
      %convert_element_type3A_798 = arith.sitofp %shift_right_logical3A_797 : vector<16xi32> to vector<16xf32>
      %get3A_799 = arith.index_cast %multiple_of3A_788 : i32 to index
      %get3A_800 = tpu.vector_load %arg6[%get3A_799] {strides = array<i32>} : memref<8192xf32, #tpu.memory_space<vmem>>, vector<16xf32>,
      %get3A_801 = vector.shape_cast %get3A_800 : vector<16xf32> to vector<16xf32>
      %sub3A_802 = arith.subf %get3A_801, %convert_element_type3A_798 : vector<16xf32>
      %get3A_803 = arith.index_cast %multiple_of3A_788 : i32 to index
      %get3A_804 = tpu.vector_load %arg9[%get3A_803] {strides = array<i32>} : memref<8192xf32, #tpu.memory_space<vmem>>, vector<16xf32>,
      %get3A_805 = vector.shape_cast %get3A_804 : vector<16xf32> to vector<16xf32>
      %sub3A_806 = arith.subf %get3A_805, %convert_element_type3A_794 : vector<16xf32>
      %mul3A_807 = arith.mulf %sub3A_802, %sub3A_802 : vector<16xf32>
      %add3A_808 = arith.addf %add3A_783, %mul3A_807 : vector<16xf32>
      %mul3A_809 = arith.mulf %sub3A_806, %sub3A_806 : vector<16xf32>
      %add3A_810 = arith.addf %add3A_808, %mul3A_809 : vector<16xf32>
      %scan3A_811 = arith.constant 7 : i32
      %scan3A_812 = arith.addi %scan3A_628, %scan3A_811 : i32
      %mul3A_813 = arith.constant 16 : i32
      %mul3A_814 = arith.muli %scan3A_812, %mul3A_813 : i32
      %multiple_of3A_815 = tpu.assume_multiple %mul3A_814, 16 : i32
      %get3A_816 = arith.index_cast %multiple_of3A_815 : i32 to index
      %get3A_817 = tpu.vector_load %arg15[%get3A_816] {strides = array<i32>} : memref<8192xf32, #tpu.memory_space<vmem>>, vector<16xf32>,
      %get3A_818 = vector.shape_cast %get3A_817 : vector<16xf32> to vector<16xf32>
      %convert_element_type3A_819 = arith.fptosi %get3A_818 : vector<16xf32> to vector<16xi32>
      %and3A_820 = arith.andi %convert_element_type3A_819, %broadcast_in_dim3A_406 : vector<16xi32>
      %convert_element_type3A_821 = arith.sitofp %and3A_820 : vector<16xi32> to vector<16xf32>
      %shift_right_logical3A_822 = arith.constant 12 : i32
      %shift_right_logical3A_823 = vector.broadcast %shift_right_logical3A_822 : i32 to vector<16xi32>
      %shift_right_logical3A_824 = arith.shrui %convert_element_type3A_819, %shift_right_logical3A_823 : vector<16xi32>
      %convert_element_type3A_825 = arith.sitofp %shift_right_logical3A_824 : vector<16xi32> to vector<16xf32>
      %get3A_826 = arith.index_cast %multiple_of3A_815 : i32 to index
      %get3A_827 = tpu.vector_load %arg6[%get3A_826] {strides = array<i32>} : memref<8192xf32, #tpu.memory_space<vmem>>, vector<16xf32>,
      %get3A_828 = vector.shape_cast %get3A_827 : vector<16xf32> to vector<16xf32>
      %sub3A_829 = arith.subf %get3A_828, %convert_element_type3A_825 : vector<16xf32>
      %get3A_830 = arith.index_cast %multiple_of3A_815 : i32 to index
      %get3A_831 = tpu.vector_load %arg9[%get3A_830] {strides = array<i32>} : memref<8192xf32, #tpu.memory_space<vmem>>, vector<16xf32>,
      %get3A_832 = vector.shape_cast %get3A_831 : vector<16xf32> to vector<16xf32>
      %sub3A_833 = arith.subf %get3A_832, %convert_element_type3A_821 : vector<16xf32>
      %mul3A_834 = arith.mulf %sub3A_829, %sub3A_829 : vector<16xf32>
      %add3A_835 = arith.addf %add3A_810, %mul3A_834 : vector<16xf32>
      %mul3A_836 = arith.mulf %sub3A_833, %sub3A_833 : vector<16xf32>
      %add3A_837 = arith.addf %add3A_835, %mul3A_836 : vector<16xf32>
      scf.yield %add3A_837 : vector<16xf32>
    }
    %scan3A_412 = arith.constant 512 : i32
    %add3A_413 = arith.constant 49152 : i32
    %add3A_414 = arith.addi %mul3A_2, %add3A_413 : i32
    %dma_start3A_415 = arith.constant 0 : i32
    %dma_start3A_416 = tpu.memref_slice %arg3[%add3A_414] : memref<2097152xf32, #tpu.memory_space<hbm>> -> memref<8192xf32, #tpu.memory_space<hbm>>
    %dma_start3A_417 = tpu.memref_slice %arg19[%dma_start3A_415] : memref<3x!tpu.dma_semaphore, #tpu.memory_space<semaphore_mem>> -> memref<1x!tpu.dma_semaphore, #tpu.memory_space<semaphore_mem>>
    %dma_start3A_418 = tpu.memref_squeeze %dma_start3A_417 : memref<1x!tpu.dma_semaphore, #tpu.memory_space<semaphore_mem>> -> memref<!tpu.dma_semaphore, #tpu.memory_space<semaphore_mem>>
    %dma_start3A_419 = tpu.memref_slice %arg3[%add3A_414] : memref<2097152xf32, #tpu.memory_space<hbm>> -> memref<8192xf32, #tpu.memory_space<hbm>>
    tpu.enqueue_dma source(%dma_start3A_419 : memref<8192xf32, #tpu.memory_space<hbm>>) target(%arg6 : memref<8192xf32, #tpu.memory_space<vmem>>) target_semaphore(%dma_start3A_418 : memref<!tpu.dma_semaphore, #tpu.memory_space<semaphore_mem>>)
    %dma_start3A_420 = arith.constant 0 : i32
    %dma_start3A_421 = tpu.memref_slice %arg4[%add3A_414] : memref<2097152xf32, #tpu.memory_space<hbm>> -> memref<8192xf32, #tpu.memory_space<hbm>>
    %dma_start3A_422 = tpu.memref_slice %arg20[%dma_start3A_420] : memref<3x!tpu.dma_semaphore, #tpu.memory_space<semaphore_mem>> -> memref<1x!tpu.dma_semaphore, #tpu.memory_space<semaphore_mem>>
    %dma_start3A_423 = tpu.memref_squeeze %dma_start3A_422 : memref<1x!tpu.dma_semaphore, #tpu.memory_space<semaphore_mem>> -> memref<!tpu.dma_semaphore, #tpu.memory_space<semaphore_mem>>
    %dma_start3A_424 = tpu.memref_slice %arg4[%add3A_414] : memref<2097152xf32, #tpu.memory_space<hbm>> -> memref<8192xf32, #tpu.memory_space<hbm>>
    tpu.enqueue_dma source(%dma_start3A_424 : memref<8192xf32, #tpu.memory_space<hbm>>) target(%arg9 : memref<8192xf32, #tpu.memory_space<vmem>>) target_semaphore(%dma_start3A_423 : memref<!tpu.dma_semaphore, #tpu.memory_space<semaphore_mem>>)
    %add3A_425 = arith.constant 49152 : i32
    %add3A_426 = arith.addi %mul3A_2, %add3A_425 : i32
    %dma_wait3A_427 = arith.constant 0 : i32
    %dma_wait3A_428 = tpu.memref_slice %arg3[%add3A_426] : memref<2097152xf32, #tpu.memory_space<hbm>> -> memref<8192xf32, #tpu.memory_space<hbm>>
    %dma_wait3A_429 = tpu.memref_slice %arg19[%dma_wait3A_427] : memref<3x!tpu.dma_semaphore, #tpu.memory_space<semaphore_mem>> -> memref<1x!tpu.dma_semaphore, #tpu.memory_space<semaphore_mem>>
    %dma_wait3A_430 = tpu.memref_squeeze %dma_wait3A_429 : memref<1x!tpu.dma_semaphore, #tpu.memory_space<semaphore_mem>> -> memref<!tpu.dma_semaphore, #tpu.memory_space<semaphore_mem>>
    %dma_wait3A_431 = tpu.memref_slice %arg3[%add3A_426] : memref<2097152xf32, #tpu.memory_space<hbm>> -> memref<8192xf32, #tpu.memory_space<hbm>>
    tpu.wait_dma2 semaphore(%dma_wait3A_430 : memref<!tpu.dma_semaphore, #tpu.memory_space<semaphore_mem>>) src(%dma_wait3A_431 : memref<8192xf32, #tpu.memory_space<hbm>>) dst(%arg6 : memref<8192xf32, #tpu.memory_space<vmem>>)
    %dma_wait3A_432 = arith.constant 0 : i32
    %dma_wait3A_433 = tpu.memref_slice %arg4[%add3A_426] : memref<2097152xf32, #tpu.memory_space<hbm>> -> memref<8192xf32, #tpu.memory_space<hbm>>
    %dma_wait3A_434 = tpu.memref_slice %arg20[%dma_wait3A_432] : memref<3x!tpu.dma_semaphore, #tpu.memory_space<semaphore_mem>> -> memref<1x!tpu.dma_semaphore, #tpu.memory_space<semaphore_mem>>
    %dma_wait3A_435 = tpu.memref_squeeze %dma_wait3A_434 : memref<1x!tpu.dma_semaphore, #tpu.memory_space<semaphore_mem>> -> memref<!tpu.dma_semaphore, #tpu.memory_space<semaphore_mem>>
    %dma_wait3A_436 = tpu.memref_slice %arg4[%add3A_426] : memref<2097152xf32, #tpu.memory_space<hbm>> -> memref<8192xf32, #tpu.memory_space<hbm>>
    tpu.wait_dma2 semaphore(%dma_wait3A_435 : memref<!tpu.dma_semaphore, #tpu.memory_space<semaphore_mem>>) src(%dma_wait3A_436 : memref<8192xf32, #tpu.memory_space<hbm>>) dst(%arg9 : memref<8192xf32, #tpu.memory_space<vmem>>)
    %scan3A_437 = arith.constant 0 : i32
    %scan3A_438 = arith.constant 0 : i32
    %scan3A_439 = arith.constant 512 : i32
    %scan3A_440 = arith.addi %scan3A_438, %scan3A_439 : i32
    %scan3A_441 = arith.constant 8 : i32
    scf.for %scan3A_628 = %scan3A_438 to %scan3A_440 step %scan3A_441  : i32 {
      %mul3A_629 = arith.constant 16 : i32
      %mul3A_630 = arith.muli %scan3A_628, %mul3A_629 : i32
      %multiple_of3A = tpu.assume_multiple %mul3A_630, 16 : i32
      %get3A = arith.index_cast %multiple_of3A : i32 to index
      %get3A_631 = tpu.vector_load %arg6[%get3A] {strides = array<i32>} : memref<8192xf32, #tpu.memory_space<vmem>>, vector<16xf32>,
      %get3A_632 = vector.shape_cast %get3A_631 : vector<16xf32> to vector<16xf32>
      %convert_element_type3A = arith.fptosi %get3A_632 : vector<16xf32> to vector<16xi32>
      %get3A_633 = arith.index_cast %multiple_of3A : i32 to index
      %get3A_634 = tpu.vector_load %arg9[%get3A_633] {strides = array<i32>} : memref<8192xf32, #tpu.memory_space<vmem>>, vector<16xf32>,
      %get3A_635 = vector.shape_cast %get3A_634 : vector<16xf32> to vector<16xf32>
      %convert_element_type3A_636 = arith.fptosi %get3A_635 : vector<16xf32> to vector<16xi32>
      %mul3A_637 = arith.constant 2048 : i32
      %mul3A_638 = vector.broadcast %mul3A_637 : i32 to vector<16xi32>
      %mul3A_639 = arith.muli %convert_element_type3A_636, %mul3A_638 : vector<16xi32>
      %add3A_640 = arith.addi %mul3A_639, %convert_element_type3A : vector<16xi32>
      %swap3A_641 = arith.index_cast %multiple_of3A : i32 to index
      %swap3A_642 = tpu.vector_load %arg12[%swap3A_641] {strides = array<i32>} : memref<8192xi32, #tpu.memory_space<vmem>>, vector<16xi32>,
      %swap3A_643 = vector.shape_cast %swap3A_642 : vector<16xi32> to vector<16xi32>
      %swap3A_644 = vector.shape_cast %add3A_640 : vector<16xi32> to vector<16xi32>
      tpu.vector_store %arg12[%swap3A_641], %swap3A_644 {strides = array<i32>} : memref<8192xi32, #tpu.memory_space<vmem>>, vector<16xi32>,
      %scan3A_645 = arith.constant 1 : i32
      %scan3A_646 = arith.addi %scan3A_628, %scan3A_645 : i32
      %mul3A_647 = arith.constant 16 : i32
      %mul3A_648 = arith.muli %scan3A_646, %mul3A_647 : i32
      %multiple_of3A_649 = tpu.assume_multiple %mul3A_648, 16 : i32
      %get3A_650 = arith.index_cast %multiple_of3A_649 : i32 to index
      %get3A_651 = tpu.vector_load %arg6[%get3A_650] {strides = array<i32>} : memref<8192xf32, #tpu.memory_space<vmem>>, vector<16xf32>,
      %get3A_652 = vector.shape_cast %get3A_651 : vector<16xf32> to vector<16xf32>
      %convert_element_type3A_653 = arith.fptosi %get3A_652 : vector<16xf32> to vector<16xi32>
      %get3A_654 = arith.index_cast %multiple_of3A_649 : i32 to index
      %get3A_655 = tpu.vector_load %arg9[%get3A_654] {strides = array<i32>} : memref<8192xf32, #tpu.memory_space<vmem>>, vector<16xf32>,
      %get3A_656 = vector.shape_cast %get3A_655 : vector<16xf32> to vector<16xf32>
      %convert_element_type3A_657 = arith.fptosi %get3A_656 : vector<16xf32> to vector<16xi32>
      %mul3A_658 = arith.constant 2048 : i32
      %mul3A_659 = vector.broadcast %mul3A_658 : i32 to vector<16xi32>
      %mul3A_660 = arith.muli %convert_element_type3A_657, %mul3A_659 : vector<16xi32>
      %add3A_661 = arith.addi %mul3A_660, %convert_element_type3A_653 : vector<16xi32>
      %swap3A_662 = arith.index_cast %multiple_of3A_649 : i32 to index
      %swap3A_663 = tpu.vector_load %arg12[%swap3A_662] {strides = array<i32>} : memref<8192xi32, #tpu.memory_space<vmem>>, vector<16xi32>,
      %swap3A_664 = vector.shape_cast %swap3A_663 : vector<16xi32> to vector<16xi32>
      %swap3A_665 = vector.shape_cast %add3A_661 : vector<16xi32> to vector<16xi32>
      tpu.vector_store %arg12[%swap3A_662], %swap3A_665 {strides = array<i32>} : memref<8192xi32, #tpu.memory_space<vmem>>, vector<16xi32>,
      %scan3A_666 = arith.constant 2 : i32
      %scan3A_667 = arith.addi %scan3A_628, %scan3A_666 : i32
      %mul3A_668 = arith.constant 16 : i32
      %mul3A_669 = arith.muli %scan3A_667, %mul3A_668 : i32
      %multiple_of3A_670 = tpu.assume_multiple %mul3A_669, 16 : i32
      %get3A_671 = arith.index_cast %multiple_of3A_670 : i32 to index
      %get3A_672 = tpu.vector_load %arg6[%get3A_671] {strides = array<i32>} : memref<8192xf32, #tpu.memory_space<vmem>>, vector<16xf32>,
      %get3A_673 = vector.shape_cast %get3A_672 : vector<16xf32> to vector<16xf32>
      %convert_element_type3A_674 = arith.fptosi %get3A_673 : vector<16xf32> to vector<16xi32>
      %get3A_675 = arith.index_cast %multiple_of3A_670 : i32 to index
      %get3A_676 = tpu.vector_load %arg9[%get3A_675] {strides = array<i32>} : memref<8192xf32, #tpu.memory_space<vmem>>, vector<16xf32>,
      %get3A_677 = vector.shape_cast %get3A_676 : vector<16xf32> to vector<16xf32>
      %convert_element_type3A_678 = arith.fptosi %get3A_677 : vector<16xf32> to vector<16xi32>
      %mul3A_679 = arith.constant 2048 : i32
      %mul3A_680 = vector.broadcast %mul3A_679 : i32 to vector<16xi32>
      %mul3A_681 = arith.muli %convert_element_type3A_678, %mul3A_680 : vector<16xi32>
      %add3A_682 = arith.addi %mul3A_681, %convert_element_type3A_674 : vector<16xi32>
      %swap3A_683 = arith.index_cast %multiple_of3A_670 : i32 to index
      %swap3A_684 = tpu.vector_load %arg12[%swap3A_683] {strides = array<i32>} : memref<8192xi32, #tpu.memory_space<vmem>>, vector<16xi32>,
      %swap3A_685 = vector.shape_cast %swap3A_684 : vector<16xi32> to vector<16xi32>
      %swap3A_686 = vector.shape_cast %add3A_682 : vector<16xi32> to vector<16xi32>
      tpu.vector_store %arg12[%swap3A_683], %swap3A_686 {strides = array<i32>} : memref<8192xi32, #tpu.memory_space<vmem>>, vector<16xi32>,
      %scan3A_687 = arith.constant 3 : i32
      %scan3A_688 = arith.addi %scan3A_628, %scan3A_687 : i32
      %mul3A_689 = arith.constant 16 : i32
      %mul3A_690 = arith.muli %scan3A_688, %mul3A_689 : i32
      %multiple_of3A_691 = tpu.assume_multiple %mul3A_690, 16 : i32
      %get3A_692 = arith.index_cast %multiple_of3A_691 : i32 to index
      %get3A_693 = tpu.vector_load %arg6[%get3A_692] {strides = array<i32>} : memref<8192xf32, #tpu.memory_space<vmem>>, vector<16xf32>,
      %get3A_694 = vector.shape_cast %get3A_693 : vector<16xf32> to vector<16xf32>
      %convert_element_type3A_695 = arith.fptosi %get3A_694 : vector<16xf32> to vector<16xi32>
      %get3A_696 = arith.index_cast %multiple_of3A_691 : i32 to index
      %get3A_697 = tpu.vector_load %arg9[%get3A_696] {strides = array<i32>} : memref<8192xf32, #tpu.memory_space<vmem>>, vector<16xf32>,
      %get3A_698 = vector.shape_cast %get3A_697 : vector<16xf32> to vector<16xf32>
      %convert_element_type3A_699 = arith.fptosi %get3A_698 : vector<16xf32> to vector<16xi32>
      %mul3A_700 = arith.constant 2048 : i32
      %mul3A_701 = vector.broadcast %mul3A_700 : i32 to vector<16xi32>
      %mul3A_702 = arith.muli %convert_element_type3A_699, %mul3A_701 : vector<16xi32>
      %add3A_703 = arith.addi %mul3A_702, %convert_element_type3A_695 : vector<16xi32>
      %swap3A_704 = arith.index_cast %multiple_of3A_691 : i32 to index
      %swap3A_705 = tpu.vector_load %arg12[%swap3A_704] {strides = array<i32>} : memref<8192xi32, #tpu.memory_space<vmem>>, vector<16xi32>,
      %swap3A_706 = vector.shape_cast %swap3A_705 : vector<16xi32> to vector<16xi32>
      %swap3A_707 = vector.shape_cast %add3A_703 : vector<16xi32> to vector<16xi32>
      tpu.vector_store %arg12[%swap3A_704], %swap3A_707 {strides = array<i32>} : memref<8192xi32, #tpu.memory_space<vmem>>, vector<16xi32>,
      %scan3A_708 = arith.constant 4 : i32
      %scan3A_709 = arith.addi %scan3A_628, %scan3A_708 : i32
      %mul3A_710 = arith.constant 16 : i32
      %mul3A_711 = arith.muli %scan3A_709, %mul3A_710 : i32
      %multiple_of3A_712 = tpu.assume_multiple %mul3A_711, 16 : i32
      %get3A_713 = arith.index_cast %multiple_of3A_712 : i32 to index
      %get3A_714 = tpu.vector_load %arg6[%get3A_713] {strides = array<i32>} : memref<8192xf32, #tpu.memory_space<vmem>>, vector<16xf32>,
      %get3A_715 = vector.shape_cast %get3A_714 : vector<16xf32> to vector<16xf32>
      %convert_element_type3A_716 = arith.fptosi %get3A_715 : vector<16xf32> to vector<16xi32>
      %get3A_717 = arith.index_cast %multiple_of3A_712 : i32 to index
      %get3A_718 = tpu.vector_load %arg9[%get3A_717] {strides = array<i32>} : memref<8192xf32, #tpu.memory_space<vmem>>, vector<16xf32>,
      %get3A_719 = vector.shape_cast %get3A_718 : vector<16xf32> to vector<16xf32>
      %convert_element_type3A_720 = arith.fptosi %get3A_719 : vector<16xf32> to vector<16xi32>
      %mul3A_721 = arith.constant 2048 : i32
      %mul3A_722 = vector.broadcast %mul3A_721 : i32 to vector<16xi32>
      %mul3A_723 = arith.muli %convert_element_type3A_720, %mul3A_722 : vector<16xi32>
      %add3A_724 = arith.addi %mul3A_723, %convert_element_type3A_716 : vector<16xi32>
      %swap3A_725 = arith.index_cast %multiple_of3A_712 : i32 to index
      %swap3A_726 = tpu.vector_load %arg12[%swap3A_725] {strides = array<i32>} : memref<8192xi32, #tpu.memory_space<vmem>>, vector<16xi32>,
      %swap3A_727 = vector.shape_cast %swap3A_726 : vector<16xi32> to vector<16xi32>
      %swap3A_728 = vector.shape_cast %add3A_724 : vector<16xi32> to vector<16xi32>
      tpu.vector_store %arg12[%swap3A_725], %swap3A_728 {strides = array<i32>} : memref<8192xi32, #tpu.memory_space<vmem>>, vector<16xi32>,
      %scan3A_729 = arith.constant 5 : i32
      %scan3A_730 = arith.addi %scan3A_628, %scan3A_729 : i32
      %mul3A_731 = arith.constant 16 : i32
      %mul3A_732 = arith.muli %scan3A_730, %mul3A_731 : i32
      %multiple_of3A_733 = tpu.assume_multiple %mul3A_732, 16 : i32
      %get3A_734 = arith.index_cast %multiple_of3A_733 : i32 to index
      %get3A_735 = tpu.vector_load %arg6[%get3A_734] {strides = array<i32>} : memref<8192xf32, #tpu.memory_space<vmem>>, vector<16xf32>,
      %get3A_736 = vector.shape_cast %get3A_735 : vector<16xf32> to vector<16xf32>
      %convert_element_type3A_737 = arith.fptosi %get3A_736 : vector<16xf32> to vector<16xi32>
      %get3A_738 = arith.index_cast %multiple_of3A_733 : i32 to index
      %get3A_739 = tpu.vector_load %arg9[%get3A_738] {strides = array<i32>} : memref<8192xf32, #tpu.memory_space<vmem>>, vector<16xf32>,
      %get3A_740 = vector.shape_cast %get3A_739 : vector<16xf32> to vector<16xf32>
      %convert_element_type3A_741 = arith.fptosi %get3A_740 : vector<16xf32> to vector<16xi32>
      %mul3A_742 = arith.constant 2048 : i32
      %mul3A_743 = vector.broadcast %mul3A_742 : i32 to vector<16xi32>
      %mul3A_744 = arith.muli %convert_element_type3A_741, %mul3A_743 : vector<16xi32>
      %add3A_745 = arith.addi %mul3A_744, %convert_element_type3A_737 : vector<16xi32>
      %swap3A_746 = arith.index_cast %multiple_of3A_733 : i32 to index
      %swap3A_747 = tpu.vector_load %arg12[%swap3A_746] {strides = array<i32>} : memref<8192xi32, #tpu.memory_space<vmem>>, vector<16xi32>,
      %swap3A_748 = vector.shape_cast %swap3A_747 : vector<16xi32> to vector<16xi32>
      %swap3A_749 = vector.shape_cast %add3A_745 : vector<16xi32> to vector<16xi32>
      tpu.vector_store %arg12[%swap3A_746], %swap3A_749 {strides = array<i32>} : memref<8192xi32, #tpu.memory_space<vmem>>, vector<16xi32>,
      %scan3A_750 = arith.constant 6 : i32
      %scan3A_751 = arith.addi %scan3A_628, %scan3A_750 : i32
      %mul3A_752 = arith.constant 16 : i32
      %mul3A_753 = arith.muli %scan3A_751, %mul3A_752 : i32
      %multiple_of3A_754 = tpu.assume_multiple %mul3A_753, 16 : i32
      %get3A_755 = arith.index_cast %multiple_of3A_754 : i32 to index
      %get3A_756 = tpu.vector_load %arg6[%get3A_755] {strides = array<i32>} : memref<8192xf32, #tpu.memory_space<vmem>>, vector<16xf32>,
      %get3A_757 = vector.shape_cast %get3A_756 : vector<16xf32> to vector<16xf32>
      %convert_element_type3A_758 = arith.fptosi %get3A_757 : vector<16xf32> to vector<16xi32>
      %get3A_759 = arith.index_cast %multiple_of3A_754 : i32 to index
      %get3A_760 = tpu.vector_load %arg9[%get3A_759] {strides = array<i32>} : memref<8192xf32, #tpu.memory_space<vmem>>, vector<16xf32>,
      %get3A_761 = vector.shape_cast %get3A_760 : vector<16xf32> to vector<16xf32>
      %convert_element_type3A_762 = arith.fptosi %get3A_761 : vector<16xf32> to vector<16xi32>
      %mul3A_763 = arith.constant 2048 : i32
      %mul3A_764 = vector.broadcast %mul3A_763 : i32 to vector<16xi32>
      %mul3A_765 = arith.muli %convert_element_type3A_762, %mul3A_764 : vector<16xi32>
      %add3A_766 = arith.addi %mul3A_765, %convert_element_type3A_758 : vector<16xi32>
      %swap3A_767 = arith.index_cast %multiple_of3A_754 : i32 to index
      %swap3A_768 = tpu.vector_load %arg12[%swap3A_767] {strides = array<i32>} : memref<8192xi32, #tpu.memory_space<vmem>>, vector<16xi32>,
      %swap3A_769 = vector.shape_cast %swap3A_768 : vector<16xi32> to vector<16xi32>
      %swap3A_770 = vector.shape_cast %add3A_766 : vector<16xi32> to vector<16xi32>
      tpu.vector_store %arg12[%swap3A_767], %swap3A_770 {strides = array<i32>} : memref<8192xi32, #tpu.memory_space<vmem>>, vector<16xi32>,
      %scan3A_771 = arith.constant 7 : i32
      %scan3A_772 = arith.addi %scan3A_628, %scan3A_771 : i32
      %mul3A_773 = arith.constant 16 : i32
      %mul3A_774 = arith.muli %scan3A_772, %mul3A_773 : i32
      %multiple_of3A_775 = tpu.assume_multiple %mul3A_774, 16 : i32
      %get3A_776 = arith.index_cast %multiple_of3A_775 : i32 to index
      %get3A_777 = tpu.vector_load %arg6[%get3A_776] {strides = array<i32>} : memref<8192xf32, #tpu.memory_space<vmem>>, vector<16xf32>,
      %get3A_778 = vector.shape_cast %get3A_777 : vector<16xf32> to vector<16xf32>
      %convert_element_type3A_779 = arith.fptosi %get3A_778 : vector<16xf32> to vector<16xi32>
      %get3A_780 = arith.index_cast %multiple_of3A_775 : i32 to index
      %get3A_781 = tpu.vector_load %arg9[%get3A_780] {strides = array<i32>} : memref<8192xf32, #tpu.memory_space<vmem>>, vector<16xf32>,
      %get3A_782 = vector.shape_cast %get3A_781 : vector<16xf32> to vector<16xf32>
      %convert_element_type3A_783 = arith.fptosi %get3A_782 : vector<16xf32> to vector<16xi32>
      %mul3A_784 = arith.constant 2048 : i32
      %mul3A_785 = vector.broadcast %mul3A_784 : i32 to vector<16xi32>
      %mul3A_786 = arith.muli %convert_element_type3A_783, %mul3A_785 : vector<16xi32>
      %add3A_787 = arith.addi %mul3A_786, %convert_element_type3A_779 : vector<16xi32>
      %swap3A_788 = arith.index_cast %multiple_of3A_775 : i32 to index
      %swap3A_789 = tpu.vector_load %arg12[%swap3A_788] {strides = array<i32>} : memref<8192xi32, #tpu.memory_space<vmem>>, vector<16xi32>,
      %swap3A_790 = vector.shape_cast %swap3A_789 : vector<16xi32> to vector<16xi32>
      %swap3A_791 = vector.shape_cast %add3A_787 : vector<16xi32> to vector<16xi32>
      tpu.vector_store %arg12[%swap3A_788], %swap3A_791 {strides = array<i32>} : memref<8192xi32, #tpu.memory_space<vmem>>, vector<16xi32>,
    }
    %scan3A_442 = arith.constant 512 : i32
    %dma_start3A_443 = arith.constant 0 : i32
    %dma_start3A_444 = arith.constant 0 : i32
    %dma_start3A_445 = arith.constant 0 : i32
    %dma_start3A_446 = tpu.memref_slice %arg15[%dma_start3A_445] : memref<8192xf32, #tpu.memory_space<vmem>> -> memref<4096xf32, #tpu.memory_space<vmem>>
    %dma_start3A_447 = arith.constant 0 : i32
    %dma_start3A_448 = tpu.memref_slice %arg12[%dma_start3A_447] : memref<8192xi32, #tpu.memory_space<vmem>> -> memref<4096xi32, #tpu.memory_space<vmem>>
    %dma_start3A_449 = arith.constant 0 : i32
    %dma_start3A_450 = tpu.memref_slice %arg2[%dma_start3A_449] : memref<4194304xf32, #tpu.memory_space<hbm>> -> memref<4194304xf32, #tpu.memory_space<hbm>>
    %dma_start3A_451 = tpu.memref_slice %arg21[%dma_start3A_443, %dma_start3A_444] : memref<3x2x!tpu.dma_semaphore, #tpu.memory_space<semaphore_mem>> -> memref<1x1x!tpu.dma_semaphore, #tpu.memory_space<semaphore_mem>>
    %dma_start3A_452 = tpu.memref_squeeze %dma_start3A_451 : memref<1x1x!tpu.dma_semaphore, #tpu.memory_space<semaphore_mem>> -> memref<!tpu.dma_semaphore, #tpu.memory_space<semaphore_mem>>
    tpu.enqueue_indirect_dma source(%dma_start3A_450 : memref<4194304xf32, #tpu.memory_space<hbm>>) target(%dma_start3A_446 : memref<4096xf32, #tpu.memory_space<vmem>>) offsets(%dma_start3A_448 : memref<4096xi32, #tpu.memory_space<vmem>>) semaphore(%dma_start3A_452 : memref<!tpu.dma_semaphore, #tpu.memory_space<semaphore_mem>>)
    %dma_start3A_453 = arith.constant 0 : i32
    %dma_start3A_454 = arith.constant 1 : i32
    %dma_start3A_455 = arith.constant 4096 : i32
    %dma_start3A_456 = tpu.memref_slice %arg15[%dma_start3A_455] : memref<8192xf32, #tpu.memory_space<vmem>> -> memref<4096xf32, #tpu.memory_space<vmem>>
    %dma_start3A_457 = arith.constant 4096 : i32
    %dma_start3A_458 = tpu.memref_slice %arg12[%dma_start3A_457] : memref<8192xi32, #tpu.memory_space<vmem>> -> memref<4096xi32, #tpu.memory_space<vmem>>
    %dma_start3A_459 = arith.constant 0 : i32
    %dma_start3A_460 = tpu.memref_slice %arg2[%dma_start3A_459] : memref<4194304xf32, #tpu.memory_space<hbm>> -> memref<4194304xf32, #tpu.memory_space<hbm>>
    %dma_start3A_461 = tpu.memref_slice %arg21[%dma_start3A_453, %dma_start3A_454] : memref<3x2x!tpu.dma_semaphore, #tpu.memory_space<semaphore_mem>> -> memref<1x1x!tpu.dma_semaphore, #tpu.memory_space<semaphore_mem>>
    %dma_start3A_462 = tpu.memref_squeeze %dma_start3A_461 : memref<1x1x!tpu.dma_semaphore, #tpu.memory_space<semaphore_mem>> -> memref<!tpu.dma_semaphore, #tpu.memory_space<semaphore_mem>>
    tpu.enqueue_indirect_dma source(%dma_start3A_460 : memref<4194304xf32, #tpu.memory_space<hbm>>) target(%dma_start3A_456 : memref<4096xf32, #tpu.memory_space<vmem>>) offsets(%dma_start3A_458 : memref<4096xi32, #tpu.memory_space<vmem>>) semaphore(%dma_start3A_462 : memref<!tpu.dma_semaphore, #tpu.memory_space<semaphore_mem>>)
    %dma_wait3A_463 = arith.constant 1 : i32
    %dma_wait3A_464 = arith.constant 0 : i32
    %dma_wait3A_465 = arith.constant 0 : i32
    %dma_wait3A_466 = tpu.memref_slice %arg16[%dma_wait3A_465] : memref<8192xf32, #tpu.memory_space<vmem>> -> memref<4096xf32, #tpu.memory_space<vmem>>
    %dma_wait3A_467 = arith.constant 0 : i32
    %dma_wait3A_468 = tpu.memref_slice %arg13[%dma_wait3A_467] : memref<8192xi32, #tpu.memory_space<vmem>> -> memref<4096xi32, #tpu.memory_space<vmem>>
    %dma_wait3A_469 = arith.constant 0 : i32
    %dma_wait3A_470 = tpu.memref_slice %arg2[%dma_wait3A_469] : memref<4194304xf32, #tpu.memory_space<hbm>> -> memref<4194304xf32, #tpu.memory_space<hbm>>
    %dma_wait3A_471 = tpu.memref_slice %arg21[%dma_wait3A_463, %dma_wait3A_464] : memref<3x2x!tpu.dma_semaphore, #tpu.memory_space<semaphore_mem>> -> memref<1x1x!tpu.dma_semaphore, #tpu.memory_space<semaphore_mem>>
    %dma_wait3A_472 = tpu.memref_squeeze %dma_wait3A_471 : memref<1x1x!tpu.dma_semaphore, #tpu.memory_space<semaphore_mem>> -> memref<!tpu.dma_semaphore, #tpu.memory_space<semaphore_mem>>
    tpu.wait_indirect_dma semaphore(%dma_wait3A_472 : memref<!tpu.dma_semaphore, #tpu.memory_space<semaphore_mem>>) src(%dma_wait3A_470 : memref<4194304xf32, #tpu.memory_space<hbm>>) dst(%dma_wait3A_466 : memref<4096xf32, #tpu.memory_space<vmem>>)
    %dma_wait3A_473 = arith.constant 1 : i32
    %dma_wait3A_474 = arith.constant 1 : i32
    %dma_wait3A_475 = arith.constant 4096 : i32
    %dma_wait3A_476 = tpu.memref_slice %arg16[%dma_wait3A_475] : memref<8192xf32, #tpu.memory_space<vmem>> -> memref<4096xf32, #tpu.memory_space<vmem>>
    %dma_wait3A_477 = arith.constant 4096 : i32
    %dma_wait3A_478 = tpu.memref_slice %arg13[%dma_wait3A_477] : memref<8192xi32, #tpu.memory_space<vmem>> -> memref<4096xi32, #tpu.memory_space<vmem>>
    %dma_wait3A_479 = arith.constant 0 : i32
    %dma_wait3A_480 = tpu.memref_slice %arg2[%dma_wait3A_479] : memref<4194304xf32, #tpu.memory_space<hbm>> -> memref<4194304xf32, #tpu.memory_space<hbm>>
    %dma_wait3A_481 = tpu.memref_slice %arg21[%dma_wait3A_473, %dma_wait3A_474] : memref<3x2x!tpu.dma_semaphore, #tpu.memory_space<semaphore_mem>> -> memref<1x1x!tpu.dma_semaphore, #tpu.memory_space<semaphore_mem>>
    %dma_wait3A_482 = tpu.memref_squeeze %dma_wait3A_481 : memref<1x1x!tpu.dma_semaphore, #tpu.memory_space<semaphore_mem>> -> memref<!tpu.dma_semaphore, #tpu.memory_space<semaphore_mem>>
    tpu.wait_indirect_dma semaphore(%dma_wait3A_482 : memref<!tpu.dma_semaphore, #tpu.memory_space<semaphore_mem>>) src(%dma_wait3A_480 : memref<4194304xf32, #tpu.memory_space<hbm>>) dst(%dma_wait3A_476 : memref<4096xf32, #tpu.memory_space<vmem>>)
    %broadcast_in_dim3A_483 = arith.constant 4095 : i32
    %broadcast_in_dim3A_484 = vector.broadcast %broadcast_in_dim3A_483 : i32 to vector<16xi32>
    %scan3A_485 = arith.constant 0 : i32
    %scan3A_486 = arith.constant 512 : i32
    %scan3A_487 = arith.addi %scan3A_485, %scan3A_486 : i32
    %scan3A_488 = arith.constant 8 : i32
    %scan3A_489 = scf.for %scan3A_628 = %scan3A_485 to %scan3A_487 step %scan3A_488 iter_args(%scan3A_629 = %scan3A_411) -> (vector<16xf32>)  : i32 {
      %mul3A_630 = arith.constant 16 : i32
      %mul3A_631 = arith.muli %scan3A_628, %mul3A_630 : i32
      %multiple_of3A = tpu.assume_multiple %mul3A_631, 16 : i32
      %get3A = arith.index_cast %multiple_of3A : i32 to index
      %get3A_632 = tpu.vector_load %arg16[%get3A] {strides = array<i32>} : memref<8192xf32, #tpu.memory_space<vmem>>, vector<16xf32>,
      %get3A_633 = vector.shape_cast %get3A_632 : vector<16xf32> to vector<16xf32>
      %convert_element_type3A = arith.fptosi %get3A_633 : vector<16xf32> to vector<16xi32>
      %and3A = arith.andi %convert_element_type3A, %broadcast_in_dim3A_484 : vector<16xi32>
      %convert_element_type3A_634 = arith.sitofp %and3A : vector<16xi32> to vector<16xf32>
      %shift_right_logical3A = arith.constant 12 : i32
      %shift_right_logical3A_635 = vector.broadcast %shift_right_logical3A : i32 to vector<16xi32>
      %shift_right_logical3A_636 = arith.shrui %convert_element_type3A, %shift_right_logical3A_635 : vector<16xi32>
      %convert_element_type3A_637 = arith.sitofp %shift_right_logical3A_636 : vector<16xi32> to vector<16xf32>
      %get3A_638 = arith.index_cast %multiple_of3A : i32 to index
      %get3A_639 = tpu.vector_load %arg7[%get3A_638] {strides = array<i32>} : memref<8192xf32, #tpu.memory_space<vmem>>, vector<16xf32>,
      %get3A_640 = vector.shape_cast %get3A_639 : vector<16xf32> to vector<16xf32>
      %sub3A = arith.subf %get3A_640, %convert_element_type3A_637 : vector<16xf32>
      %get3A_641 = arith.index_cast %multiple_of3A : i32 to index
      %get3A_642 = tpu.vector_load %arg10[%get3A_641] {strides = array<i32>} : memref<8192xf32, #tpu.memory_space<vmem>>, vector<16xf32>,
      %get3A_643 = vector.shape_cast %get3A_642 : vector<16xf32> to vector<16xf32>
      %sub3A_644 = arith.subf %get3A_643, %convert_element_type3A_634 : vector<16xf32>
      %mul3A_645 = arith.mulf %sub3A, %sub3A : vector<16xf32>
      %add3A_646 = arith.addf %scan3A_629, %mul3A_645 : vector<16xf32>
      %mul3A_647 = arith.mulf %sub3A_644, %sub3A_644 : vector<16xf32>
      %add3A_648 = arith.addf %add3A_646, %mul3A_647 : vector<16xf32>
      %scan3A_649 = arith.constant 1 : i32
      %scan3A_650 = arith.addi %scan3A_628, %scan3A_649 : i32
      %mul3A_651 = arith.constant 16 : i32
      %mul3A_652 = arith.muli %scan3A_650, %mul3A_651 : i32
      %multiple_of3A_653 = tpu.assume_multiple %mul3A_652, 16 : i32
      %get3A_654 = arith.index_cast %multiple_of3A_653 : i32 to index
      %get3A_655 = tpu.vector_load %arg16[%get3A_654] {strides = array<i32>} : memref<8192xf32, #tpu.memory_space<vmem>>, vector<16xf32>,
      %get3A_656 = vector.shape_cast %get3A_655 : vector<16xf32> to vector<16xf32>
      %convert_element_type3A_657 = arith.fptosi %get3A_656 : vector<16xf32> to vector<16xi32>
      %and3A_658 = arith.andi %convert_element_type3A_657, %broadcast_in_dim3A_484 : vector<16xi32>
      %convert_element_type3A_659 = arith.sitofp %and3A_658 : vector<16xi32> to vector<16xf32>
      %shift_right_logical3A_660 = arith.constant 12 : i32
      %shift_right_logical3A_661 = vector.broadcast %shift_right_logical3A_660 : i32 to vector<16xi32>
      %shift_right_logical3A_662 = arith.shrui %convert_element_type3A_657, %shift_right_logical3A_661 : vector<16xi32>
      %convert_element_type3A_663 = arith.sitofp %shift_right_logical3A_662 : vector<16xi32> to vector<16xf32>
      %get3A_664 = arith.index_cast %multiple_of3A_653 : i32 to index
      %get3A_665 = tpu.vector_load %arg7[%get3A_664] {strides = array<i32>} : memref<8192xf32, #tpu.memory_space<vmem>>, vector<16xf32>,
      %get3A_666 = vector.shape_cast %get3A_665 : vector<16xf32> to vector<16xf32>
      %sub3A_667 = arith.subf %get3A_666, %convert_element_type3A_663 : vector<16xf32>
      %get3A_668 = arith.index_cast %multiple_of3A_653 : i32 to index
      %get3A_669 = tpu.vector_load %arg10[%get3A_668] {strides = array<i32>} : memref<8192xf32, #tpu.memory_space<vmem>>, vector<16xf32>,
      %get3A_670 = vector.shape_cast %get3A_669 : vector<16xf32> to vector<16xf32>
      %sub3A_671 = arith.subf %get3A_670, %convert_element_type3A_659 : vector<16xf32>
      %mul3A_672 = arith.mulf %sub3A_667, %sub3A_667 : vector<16xf32>
      %add3A_673 = arith.addf %add3A_648, %mul3A_672 : vector<16xf32>
      %mul3A_674 = arith.mulf %sub3A_671, %sub3A_671 : vector<16xf32>
      %add3A_675 = arith.addf %add3A_673, %mul3A_674 : vector<16xf32>
      %scan3A_676 = arith.constant 2 : i32
      %scan3A_677 = arith.addi %scan3A_628, %scan3A_676 : i32
      %mul3A_678 = arith.constant 16 : i32
      %mul3A_679 = arith.muli %scan3A_677, %mul3A_678 : i32
      %multiple_of3A_680 = tpu.assume_multiple %mul3A_679, 16 : i32
      %get3A_681 = arith.index_cast %multiple_of3A_680 : i32 to index
      %get3A_682 = tpu.vector_load %arg16[%get3A_681] {strides = array<i32>} : memref<8192xf32, #tpu.memory_space<vmem>>, vector<16xf32>,
      %get3A_683 = vector.shape_cast %get3A_682 : vector<16xf32> to vector<16xf32>
      %convert_element_type3A_684 = arith.fptosi %get3A_683 : vector<16xf32> to vector<16xi32>
      %and3A_685 = arith.andi %convert_element_type3A_684, %broadcast_in_dim3A_484 : vector<16xi32>
      %convert_element_type3A_686 = arith.sitofp %and3A_685 : vector<16xi32> to vector<16xf32>
      %shift_right_logical3A_687 = arith.constant 12 : i32
      %shift_right_logical3A_688 = vector.broadcast %shift_right_logical3A_687 : i32 to vector<16xi32>
      %shift_right_logical3A_689 = arith.shrui %convert_element_type3A_684, %shift_right_logical3A_688 : vector<16xi32>
      %convert_element_type3A_690 = arith.sitofp %shift_right_logical3A_689 : vector<16xi32> to vector<16xf32>
      %get3A_691 = arith.index_cast %multiple_of3A_680 : i32 to index
      %get3A_692 = tpu.vector_load %arg7[%get3A_691] {strides = array<i32>} : memref<8192xf32, #tpu.memory_space<vmem>>, vector<16xf32>,
      %get3A_693 = vector.shape_cast %get3A_692 : vector<16xf32> to vector<16xf32>
      %sub3A_694 = arith.subf %get3A_693, %convert_element_type3A_690 : vector<16xf32>
      %get3A_695 = arith.index_cast %multiple_of3A_680 : i32 to index
      %get3A_696 = tpu.vector_load %arg10[%get3A_695] {strides = array<i32>} : memref<8192xf32, #tpu.memory_space<vmem>>, vector<16xf32>,
      %get3A_697 = vector.shape_cast %get3A_696 : vector<16xf32> to vector<16xf32>
      %sub3A_698 = arith.subf %get3A_697, %convert_element_type3A_686 : vector<16xf32>
      %mul3A_699 = arith.mulf %sub3A_694, %sub3A_694 : vector<16xf32>
      %add3A_700 = arith.addf %add3A_675, %mul3A_699 : vector<16xf32>
      %mul3A_701 = arith.mulf %sub3A_698, %sub3A_698 : vector<16xf32>
      %add3A_702 = arith.addf %add3A_700, %mul3A_701 : vector<16xf32>
      %scan3A_703 = arith.constant 3 : i32
      %scan3A_704 = arith.addi %scan3A_628, %scan3A_703 : i32
      %mul3A_705 = arith.constant 16 : i32
      %mul3A_706 = arith.muli %scan3A_704, %mul3A_705 : i32
      %multiple_of3A_707 = tpu.assume_multiple %mul3A_706, 16 : i32
      %get3A_708 = arith.index_cast %multiple_of3A_707 : i32 to index
      %get3A_709 = tpu.vector_load %arg16[%get3A_708] {strides = array<i32>} : memref<8192xf32, #tpu.memory_space<vmem>>, vector<16xf32>,
      %get3A_710 = vector.shape_cast %get3A_709 : vector<16xf32> to vector<16xf32>
      %convert_element_type3A_711 = arith.fptosi %get3A_710 : vector<16xf32> to vector<16xi32>
      %and3A_712 = arith.andi %convert_element_type3A_711, %broadcast_in_dim3A_484 : vector<16xi32>
      %convert_element_type3A_713 = arith.sitofp %and3A_712 : vector<16xi32> to vector<16xf32>
      %shift_right_logical3A_714 = arith.constant 12 : i32
      %shift_right_logical3A_715 = vector.broadcast %shift_right_logical3A_714 : i32 to vector<16xi32>
      %shift_right_logical3A_716 = arith.shrui %convert_element_type3A_711, %shift_right_logical3A_715 : vector<16xi32>
      %convert_element_type3A_717 = arith.sitofp %shift_right_logical3A_716 : vector<16xi32> to vector<16xf32>
      %get3A_718 = arith.index_cast %multiple_of3A_707 : i32 to index
      %get3A_719 = tpu.vector_load %arg7[%get3A_718] {strides = array<i32>} : memref<8192xf32, #tpu.memory_space<vmem>>, vector<16xf32>,
      %get3A_720 = vector.shape_cast %get3A_719 : vector<16xf32> to vector<16xf32>
      %sub3A_721 = arith.subf %get3A_720, %convert_element_type3A_717 : vector<16xf32>
      %get3A_722 = arith.index_cast %multiple_of3A_707 : i32 to index
      %get3A_723 = tpu.vector_load %arg10[%get3A_722] {strides = array<i32>} : memref<8192xf32, #tpu.memory_space<vmem>>, vector<16xf32>,
      %get3A_724 = vector.shape_cast %get3A_723 : vector<16xf32> to vector<16xf32>
      %sub3A_725 = arith.subf %get3A_724, %convert_element_type3A_713 : vector<16xf32>
      %mul3A_726 = arith.mulf %sub3A_721, %sub3A_721 : vector<16xf32>
      %add3A_727 = arith.addf %add3A_702, %mul3A_726 : vector<16xf32>
      %mul3A_728 = arith.mulf %sub3A_725, %sub3A_725 : vector<16xf32>
      %add3A_729 = arith.addf %add3A_727, %mul3A_728 : vector<16xf32>
      %scan3A_730 = arith.constant 4 : i32
      %scan3A_731 = arith.addi %scan3A_628, %scan3A_730 : i32
      %mul3A_732 = arith.constant 16 : i32
      %mul3A_733 = arith.muli %scan3A_731, %mul3A_732 : i32
      %multiple_of3A_734 = tpu.assume_multiple %mul3A_733, 16 : i32
      %get3A_735 = arith.index_cast %multiple_of3A_734 : i32 to index
      %get3A_736 = tpu.vector_load %arg16[%get3A_735] {strides = array<i32>} : memref<8192xf32, #tpu.memory_space<vmem>>, vector<16xf32>,
      %get3A_737 = vector.shape_cast %get3A_736 : vector<16xf32> to vector<16xf32>
      %convert_element_type3A_738 = arith.fptosi %get3A_737 : vector<16xf32> to vector<16xi32>
      %and3A_739 = arith.andi %convert_element_type3A_738, %broadcast_in_dim3A_484 : vector<16xi32>
      %convert_element_type3A_740 = arith.sitofp %and3A_739 : vector<16xi32> to vector<16xf32>
      %shift_right_logical3A_741 = arith.constant 12 : i32
      %shift_right_logical3A_742 = vector.broadcast %shift_right_logical3A_741 : i32 to vector<16xi32>
      %shift_right_logical3A_743 = arith.shrui %convert_element_type3A_738, %shift_right_logical3A_742 : vector<16xi32>
      %convert_element_type3A_744 = arith.sitofp %shift_right_logical3A_743 : vector<16xi32> to vector<16xf32>
      %get3A_745 = arith.index_cast %multiple_of3A_734 : i32 to index
      %get3A_746 = tpu.vector_load %arg7[%get3A_745] {strides = array<i32>} : memref<8192xf32, #tpu.memory_space<vmem>>, vector<16xf32>,
      %get3A_747 = vector.shape_cast %get3A_746 : vector<16xf32> to vector<16xf32>
      %sub3A_748 = arith.subf %get3A_747, %convert_element_type3A_744 : vector<16xf32>
      %get3A_749 = arith.index_cast %multiple_of3A_734 : i32 to index
      %get3A_750 = tpu.vector_load %arg10[%get3A_749] {strides = array<i32>} : memref<8192xf32, #tpu.memory_space<vmem>>, vector<16xf32>,
      %get3A_751 = vector.shape_cast %get3A_750 : vector<16xf32> to vector<16xf32>
      %sub3A_752 = arith.subf %get3A_751, %convert_element_type3A_740 : vector<16xf32>
      %mul3A_753 = arith.mulf %sub3A_748, %sub3A_748 : vector<16xf32>
      %add3A_754 = arith.addf %add3A_729, %mul3A_753 : vector<16xf32>
      %mul3A_755 = arith.mulf %sub3A_752, %sub3A_752 : vector<16xf32>
      %add3A_756 = arith.addf %add3A_754, %mul3A_755 : vector<16xf32>
      %scan3A_757 = arith.constant 5 : i32
      %scan3A_758 = arith.addi %scan3A_628, %scan3A_757 : i32
      %mul3A_759 = arith.constant 16 : i32
      %mul3A_760 = arith.muli %scan3A_758, %mul3A_759 : i32
      %multiple_of3A_761 = tpu.assume_multiple %mul3A_760, 16 : i32
      %get3A_762 = arith.index_cast %multiple_of3A_761 : i32 to index
      %get3A_763 = tpu.vector_load %arg16[%get3A_762] {strides = array<i32>} : memref<8192xf32, #tpu.memory_space<vmem>>, vector<16xf32>,
      %get3A_764 = vector.shape_cast %get3A_763 : vector<16xf32> to vector<16xf32>
      %convert_element_type3A_765 = arith.fptosi %get3A_764 : vector<16xf32> to vector<16xi32>
      %and3A_766 = arith.andi %convert_element_type3A_765, %broadcast_in_dim3A_484 : vector<16xi32>
      %convert_element_type3A_767 = arith.sitofp %and3A_766 : vector<16xi32> to vector<16xf32>
      %shift_right_logical3A_768 = arith.constant 12 : i32
      %shift_right_logical3A_769 = vector.broadcast %shift_right_logical3A_768 : i32 to vector<16xi32>
      %shift_right_logical3A_770 = arith.shrui %convert_element_type3A_765, %shift_right_logical3A_769 : vector<16xi32>
      %convert_element_type3A_771 = arith.sitofp %shift_right_logical3A_770 : vector<16xi32> to vector<16xf32>
      %get3A_772 = arith.index_cast %multiple_of3A_761 : i32 to index
      %get3A_773 = tpu.vector_load %arg7[%get3A_772] {strides = array<i32>} : memref<8192xf32, #tpu.memory_space<vmem>>, vector<16xf32>,
      %get3A_774 = vector.shape_cast %get3A_773 : vector<16xf32> to vector<16xf32>
      %sub3A_775 = arith.subf %get3A_774, %convert_element_type3A_771 : vector<16xf32>
      %get3A_776 = arith.index_cast %multiple_of3A_761 : i32 to index
      %get3A_777 = tpu.vector_load %arg10[%get3A_776] {strides = array<i32>} : memref<8192xf32, #tpu.memory_space<vmem>>, vector<16xf32>,
      %get3A_778 = vector.shape_cast %get3A_777 : vector<16xf32> to vector<16xf32>
      %sub3A_779 = arith.subf %get3A_778, %convert_element_type3A_767 : vector<16xf32>
      %mul3A_780 = arith.mulf %sub3A_775, %sub3A_775 : vector<16xf32>
      %add3A_781 = arith.addf %add3A_756, %mul3A_780 : vector<16xf32>
      %mul3A_782 = arith.mulf %sub3A_779, %sub3A_779 : vector<16xf32>
      %add3A_783 = arith.addf %add3A_781, %mul3A_782 : vector<16xf32>
      %scan3A_784 = arith.constant 6 : i32
      %scan3A_785 = arith.addi %scan3A_628, %scan3A_784 : i32
      %mul3A_786 = arith.constant 16 : i32
      %mul3A_787 = arith.muli %scan3A_785, %mul3A_786 : i32
      %multiple_of3A_788 = tpu.assume_multiple %mul3A_787, 16 : i32
      %get3A_789 = arith.index_cast %multiple_of3A_788 : i32 to index
      %get3A_790 = tpu.vector_load %arg16[%get3A_789] {strides = array<i32>} : memref<8192xf32, #tpu.memory_space<vmem>>, vector<16xf32>,
      %get3A_791 = vector.shape_cast %get3A_790 : vector<16xf32> to vector<16xf32>
      %convert_element_type3A_792 = arith.fptosi %get3A_791 : vector<16xf32> to vector<16xi32>
      %and3A_793 = arith.andi %convert_element_type3A_792, %broadcast_in_dim3A_484 : vector<16xi32>
      %convert_element_type3A_794 = arith.sitofp %and3A_793 : vector<16xi32> to vector<16xf32>
      %shift_right_logical3A_795 = arith.constant 12 : i32
      %shift_right_logical3A_796 = vector.broadcast %shift_right_logical3A_795 : i32 to vector<16xi32>
      %shift_right_logical3A_797 = arith.shrui %convert_element_type3A_792, %shift_right_logical3A_796 : vector<16xi32>
      %convert_element_type3A_798 = arith.sitofp %shift_right_logical3A_797 : vector<16xi32> to vector<16xf32>
      %get3A_799 = arith.index_cast %multiple_of3A_788 : i32 to index
      %get3A_800 = tpu.vector_load %arg7[%get3A_799] {strides = array<i32>} : memref<8192xf32, #tpu.memory_space<vmem>>, vector<16xf32>,
      %get3A_801 = vector.shape_cast %get3A_800 : vector<16xf32> to vector<16xf32>
      %sub3A_802 = arith.subf %get3A_801, %convert_element_type3A_798 : vector<16xf32>
      %get3A_803 = arith.index_cast %multiple_of3A_788 : i32 to index
      %get3A_804 = tpu.vector_load %arg10[%get3A_803] {strides = array<i32>} : memref<8192xf32, #tpu.memory_space<vmem>>, vector<16xf32>,
      %get3A_805 = vector.shape_cast %get3A_804 : vector<16xf32> to vector<16xf32>
      %sub3A_806 = arith.subf %get3A_805, %convert_element_type3A_794 : vector<16xf32>
      %mul3A_807 = arith.mulf %sub3A_802, %sub3A_802 : vector<16xf32>
      %add3A_808 = arith.addf %add3A_783, %mul3A_807 : vector<16xf32>
      %mul3A_809 = arith.mulf %sub3A_806, %sub3A_806 : vector<16xf32>
      %add3A_810 = arith.addf %add3A_808, %mul3A_809 : vector<16xf32>
      %scan3A_811 = arith.constant 7 : i32
      %scan3A_812 = arith.addi %scan3A_628, %scan3A_811 : i32
      %mul3A_813 = arith.constant 16 : i32
      %mul3A_814 = arith.muli %scan3A_812, %mul3A_813 : i32
      %multiple_of3A_815 = tpu.assume_multiple %mul3A_814, 16 : i32
      %get3A_816 = arith.index_cast %multiple_of3A_815 : i32 to index
      %get3A_817 = tpu.vector_load %arg16[%get3A_816] {strides = array<i32>} : memref<8192xf32, #tpu.memory_space<vmem>>, vector<16xf32>,
      %get3A_818 = vector.shape_cast %get3A_817 : vector<16xf32> to vector<16xf32>
      %convert_element_type3A_819 = arith.fptosi %get3A_818 : vector<16xf32> to vector<16xi32>
      %and3A_820 = arith.andi %convert_element_type3A_819, %broadcast_in_dim3A_484 : vector<16xi32>
      %convert_element_type3A_821 = arith.sitofp %and3A_820 : vector<16xi32> to vector<16xf32>
      %shift_right_logical3A_822 = arith.constant 12 : i32
      %shift_right_logical3A_823 = vector.broadcast %shift_right_logical3A_822 : i32 to vector<16xi32>
      %shift_right_logical3A_824 = arith.shrui %convert_element_type3A_819, %shift_right_logical3A_823 : vector<16xi32>
      %convert_element_type3A_825 = arith.sitofp %shift_right_logical3A_824 : vector<16xi32> to vector<16xf32>
      %get3A_826 = arith.index_cast %multiple_of3A_815 : i32 to index
      %get3A_827 = tpu.vector_load %arg7[%get3A_826] {strides = array<i32>} : memref<8192xf32, #tpu.memory_space<vmem>>, vector<16xf32>,
      %get3A_828 = vector.shape_cast %get3A_827 : vector<16xf32> to vector<16xf32>
      %sub3A_829 = arith.subf %get3A_828, %convert_element_type3A_825 : vector<16xf32>
      %get3A_830 = arith.index_cast %multiple_of3A_815 : i32 to index
      %get3A_831 = tpu.vector_load %arg10[%get3A_830] {strides = array<i32>} : memref<8192xf32, #tpu.memory_space<vmem>>, vector<16xf32>,
      %get3A_832 = vector.shape_cast %get3A_831 : vector<16xf32> to vector<16xf32>
      %sub3A_833 = arith.subf %get3A_832, %convert_element_type3A_821 : vector<16xf32>
      %mul3A_834 = arith.mulf %sub3A_829, %sub3A_829 : vector<16xf32>
      %add3A_835 = arith.addf %add3A_810, %mul3A_834 : vector<16xf32>
      %mul3A_836 = arith.mulf %sub3A_833, %sub3A_833 : vector<16xf32>
      %add3A_837 = arith.addf %add3A_835, %mul3A_836 : vector<16xf32>
      scf.yield %add3A_837 : vector<16xf32>
    }
    %scan3A_490 = arith.constant 512 : i32
    %add3A_491 = arith.constant 57344 : i32
    %add3A_492 = arith.addi %mul3A_2, %add3A_491 : i32
    %dma_start3A_493 = arith.constant 1 : i32
    %dma_start3A_494 = tpu.memref_slice %arg3[%add3A_492] : memref<2097152xf32, #tpu.memory_space<hbm>> -> memref<8192xf32, #tpu.memory_space<hbm>>
    %dma_start3A_495 = tpu.memref_slice %arg19[%dma_start3A_493] : memref<3x!tpu.dma_semaphore, #tpu.memory_space<semaphore_mem>> -> memref<1x!tpu.dma_semaphore, #tpu.memory_space<semaphore_mem>>
    %dma_start3A_496 = tpu.memref_squeeze %dma_start3A_495 : memref<1x!tpu.dma_semaphore, #tpu.memory_space<semaphore_mem>> -> memref<!tpu.dma_semaphore, #tpu.memory_space<semaphore_mem>>
    %dma_start3A_497 = tpu.memref_slice %arg3[%add3A_492] : memref<2097152xf32, #tpu.memory_space<hbm>> -> memref<8192xf32, #tpu.memory_space<hbm>>
    tpu.enqueue_dma source(%dma_start3A_497 : memref<8192xf32, #tpu.memory_space<hbm>>) target(%arg7 : memref<8192xf32, #tpu.memory_space<vmem>>) target_semaphore(%dma_start3A_496 : memref<!tpu.dma_semaphore, #tpu.memory_space<semaphore_mem>>)
    %dma_start3A_498 = arith.constant 1 : i32
    %dma_start3A_499 = tpu.memref_slice %arg4[%add3A_492] : memref<2097152xf32, #tpu.memory_space<hbm>> -> memref<8192xf32, #tpu.memory_space<hbm>>
    %dma_start3A_500 = tpu.memref_slice %arg20[%dma_start3A_498] : memref<3x!tpu.dma_semaphore, #tpu.memory_space<semaphore_mem>> -> memref<1x!tpu.dma_semaphore, #tpu.memory_space<semaphore_mem>>
    %dma_start3A_501 = tpu.memref_squeeze %dma_start3A_500 : memref<1x!tpu.dma_semaphore, #tpu.memory_space<semaphore_mem>> -> memref<!tpu.dma_semaphore, #tpu.memory_space<semaphore_mem>>
    %dma_start3A_502 = tpu.memref_slice %arg4[%add3A_492] : memref<2097152xf32, #tpu.memory_space<hbm>> -> memref<8192xf32, #tpu.memory_space<hbm>>
    tpu.enqueue_dma source(%dma_start3A_502 : memref<8192xf32, #tpu.memory_space<hbm>>) target(%arg10 : memref<8192xf32, #tpu.memory_space<vmem>>) target_semaphore(%dma_start3A_501 : memref<!tpu.dma_semaphore, #tpu.memory_space<semaphore_mem>>)
    %add3A_503 = arith.constant 57344 : i32
    %add3A_504 = arith.addi %mul3A_2, %add3A_503 : i32
    %dma_wait3A_505 = arith.constant 1 : i32
    %dma_wait3A_506 = tpu.memref_slice %arg3[%add3A_504] : memref<2097152xf32, #tpu.memory_space<hbm>> -> memref<8192xf32, #tpu.memory_space<hbm>>
    %dma_wait3A_507 = tpu.memref_slice %arg19[%dma_wait3A_505] : memref<3x!tpu.dma_semaphore, #tpu.memory_space<semaphore_mem>> -> memref<1x!tpu.dma_semaphore, #tpu.memory_space<semaphore_mem>>
    %dma_wait3A_508 = tpu.memref_squeeze %dma_wait3A_507 : memref<1x!tpu.dma_semaphore, #tpu.memory_space<semaphore_mem>> -> memref<!tpu.dma_semaphore, #tpu.memory_space<semaphore_mem>>
    %dma_wait3A_509 = tpu.memref_slice %arg3[%add3A_504] : memref<2097152xf32, #tpu.memory_space<hbm>> -> memref<8192xf32, #tpu.memory_space<hbm>>
    tpu.wait_dma2 semaphore(%dma_wait3A_508 : memref<!tpu.dma_semaphore, #tpu.memory_space<semaphore_mem>>) src(%dma_wait3A_509 : memref<8192xf32, #tpu.memory_space<hbm>>) dst(%arg7 : memref<8192xf32, #tpu.memory_space<vmem>>)
    %dma_wait3A_510 = arith.constant 1 : i32
    %dma_wait3A_511 = tpu.memref_slice %arg4[%add3A_504] : memref<2097152xf32, #tpu.memory_space<hbm>> -> memref<8192xf32, #tpu.memory_space<hbm>>
    %dma_wait3A_512 = tpu.memref_slice %arg20[%dma_wait3A_510] : memref<3x!tpu.dma_semaphore, #tpu.memory_space<semaphore_mem>> -> memref<1x!tpu.dma_semaphore, #tpu.memory_space<semaphore_mem>>
    %dma_wait3A_513 = tpu.memref_squeeze %dma_wait3A_512 : memref<1x!tpu.dma_semaphore, #tpu.memory_space<semaphore_mem>> -> memref<!tpu.dma_semaphore, #tpu.memory_space<semaphore_mem>>
    %dma_wait3A_514 = tpu.memref_slice %arg4[%add3A_504] : memref<2097152xf32, #tpu.memory_space<hbm>> -> memref<8192xf32, #tpu.memory_space<hbm>>
    tpu.wait_dma2 semaphore(%dma_wait3A_513 : memref<!tpu.dma_semaphore, #tpu.memory_space<semaphore_mem>>) src(%dma_wait3A_514 : memref<8192xf32, #tpu.memory_space<hbm>>) dst(%arg10 : memref<8192xf32, #tpu.memory_space<vmem>>)
    %scan3A_515 = arith.constant 0 : i32
    %scan3A_516 = arith.constant 0 : i32
    %scan3A_517 = arith.constant 512 : i32
    %scan3A_518 = arith.addi %scan3A_516, %scan3A_517 : i32
    %scan3A_519 = arith.constant 8 : i32
    scf.for %scan3A_628 = %scan3A_516 to %scan3A_518 step %scan3A_519  : i32 {
      %mul3A_629 = arith.constant 16 : i32
      %mul3A_630 = arith.muli %scan3A_628, %mul3A_629 : i32
      %multiple_of3A = tpu.assume_multiple %mul3A_630, 16 : i32
      %get3A = arith.index_cast %multiple_of3A : i32 to index
      %get3A_631 = tpu.vector_load %arg7[%get3A] {strides = array<i32>} : memref<8192xf32, #tpu.memory_space<vmem>>, vector<16xf32>,
      %get3A_632 = vector.shape_cast %get3A_631 : vector<16xf32> to vector<16xf32>
      %convert_element_type3A = arith.fptosi %get3A_632 : vector<16xf32> to vector<16xi32>
      %get3A_633 = arith.index_cast %multiple_of3A : i32 to index
      %get3A_634 = tpu.vector_load %arg10[%get3A_633] {strides = array<i32>} : memref<8192xf32, #tpu.memory_space<vmem>>, vector<16xf32>,
      %get3A_635 = vector.shape_cast %get3A_634 : vector<16xf32> to vector<16xf32>
      %convert_element_type3A_636 = arith.fptosi %get3A_635 : vector<16xf32> to vector<16xi32>
      %mul3A_637 = arith.constant 2048 : i32
      %mul3A_638 = vector.broadcast %mul3A_637 : i32 to vector<16xi32>
      %mul3A_639 = arith.muli %convert_element_type3A_636, %mul3A_638 : vector<16xi32>
      %add3A_640 = arith.addi %mul3A_639, %convert_element_type3A : vector<16xi32>
      %swap3A_641 = arith.index_cast %multiple_of3A : i32 to index
      %swap3A_642 = tpu.vector_load %arg13[%swap3A_641] {strides = array<i32>} : memref<8192xi32, #tpu.memory_space<vmem>>, vector<16xi32>,
      %swap3A_643 = vector.shape_cast %swap3A_642 : vector<16xi32> to vector<16xi32>
      %swap3A_644 = vector.shape_cast %add3A_640 : vector<16xi32> to vector<16xi32>
      tpu.vector_store %arg13[%swap3A_641], %swap3A_644 {strides = array<i32>} : memref<8192xi32, #tpu.memory_space<vmem>>, vector<16xi32>,
      %scan3A_645 = arith.constant 1 : i32
      %scan3A_646 = arith.addi %scan3A_628, %scan3A_645 : i32
      %mul3A_647 = arith.constant 16 : i32
      %mul3A_648 = arith.muli %scan3A_646, %mul3A_647 : i32
      %multiple_of3A_649 = tpu.assume_multiple %mul3A_648, 16 : i32
      %get3A_650 = arith.index_cast %multiple_of3A_649 : i32 to index
      %get3A_651 = tpu.vector_load %arg7[%get3A_650] {strides = array<i32>} : memref<8192xf32, #tpu.memory_space<vmem>>, vector<16xf32>,
      %get3A_652 = vector.shape_cast %get3A_651 : vector<16xf32> to vector<16xf32>
      %convert_element_type3A_653 = arith.fptosi %get3A_652 : vector<16xf32> to vector<16xi32>
      %get3A_654 = arith.index_cast %multiple_of3A_649 : i32 to index
      %get3A_655 = tpu.vector_load %arg10[%get3A_654] {strides = array<i32>} : memref<8192xf32, #tpu.memory_space<vmem>>, vector<16xf32>,
      %get3A_656 = vector.shape_cast %get3A_655 : vector<16xf32> to vector<16xf32>
      %convert_element_type3A_657 = arith.fptosi %get3A_656 : vector<16xf32> to vector<16xi32>
      %mul3A_658 = arith.constant 2048 : i32
      %mul3A_659 = vector.broadcast %mul3A_658 : i32 to vector<16xi32>
      %mul3A_660 = arith.muli %convert_element_type3A_657, %mul3A_659 : vector<16xi32>
      %add3A_661 = arith.addi %mul3A_660, %convert_element_type3A_653 : vector<16xi32>
      %swap3A_662 = arith.index_cast %multiple_of3A_649 : i32 to index
      %swap3A_663 = tpu.vector_load %arg13[%swap3A_662] {strides = array<i32>} : memref<8192xi32, #tpu.memory_space<vmem>>, vector<16xi32>,
      %swap3A_664 = vector.shape_cast %swap3A_663 : vector<16xi32> to vector<16xi32>
      %swap3A_665 = vector.shape_cast %add3A_661 : vector<16xi32> to vector<16xi32>
      tpu.vector_store %arg13[%swap3A_662], %swap3A_665 {strides = array<i32>} : memref<8192xi32, #tpu.memory_space<vmem>>, vector<16xi32>,
      %scan3A_666 = arith.constant 2 : i32
      %scan3A_667 = arith.addi %scan3A_628, %scan3A_666 : i32
      %mul3A_668 = arith.constant 16 : i32
      %mul3A_669 = arith.muli %scan3A_667, %mul3A_668 : i32
      %multiple_of3A_670 = tpu.assume_multiple %mul3A_669, 16 : i32
      %get3A_671 = arith.index_cast %multiple_of3A_670 : i32 to index
      %get3A_672 = tpu.vector_load %arg7[%get3A_671] {strides = array<i32>} : memref<8192xf32, #tpu.memory_space<vmem>>, vector<16xf32>,
      %get3A_673 = vector.shape_cast %get3A_672 : vector<16xf32> to vector<16xf32>
      %convert_element_type3A_674 = arith.fptosi %get3A_673 : vector<16xf32> to vector<16xi32>
      %get3A_675 = arith.index_cast %multiple_of3A_670 : i32 to index
      %get3A_676 = tpu.vector_load %arg10[%get3A_675] {strides = array<i32>} : memref<8192xf32, #tpu.memory_space<vmem>>, vector<16xf32>,
      %get3A_677 = vector.shape_cast %get3A_676 : vector<16xf32> to vector<16xf32>
      %convert_element_type3A_678 = arith.fptosi %get3A_677 : vector<16xf32> to vector<16xi32>
      %mul3A_679 = arith.constant 2048 : i32
      %mul3A_680 = vector.broadcast %mul3A_679 : i32 to vector<16xi32>
      %mul3A_681 = arith.muli %convert_element_type3A_678, %mul3A_680 : vector<16xi32>
      %add3A_682 = arith.addi %mul3A_681, %convert_element_type3A_674 : vector<16xi32>
      %swap3A_683 = arith.index_cast %multiple_of3A_670 : i32 to index
      %swap3A_684 = tpu.vector_load %arg13[%swap3A_683] {strides = array<i32>} : memref<8192xi32, #tpu.memory_space<vmem>>, vector<16xi32>,
      %swap3A_685 = vector.shape_cast %swap3A_684 : vector<16xi32> to vector<16xi32>
      %swap3A_686 = vector.shape_cast %add3A_682 : vector<16xi32> to vector<16xi32>
      tpu.vector_store %arg13[%swap3A_683], %swap3A_686 {strides = array<i32>} : memref<8192xi32, #tpu.memory_space<vmem>>, vector<16xi32>,
      %scan3A_687 = arith.constant 3 : i32
      %scan3A_688 = arith.addi %scan3A_628, %scan3A_687 : i32
      %mul3A_689 = arith.constant 16 : i32
      %mul3A_690 = arith.muli %scan3A_688, %mul3A_689 : i32
      %multiple_of3A_691 = tpu.assume_multiple %mul3A_690, 16 : i32
      %get3A_692 = arith.index_cast %multiple_of3A_691 : i32 to index
      %get3A_693 = tpu.vector_load %arg7[%get3A_692] {strides = array<i32>} : memref<8192xf32, #tpu.memory_space<vmem>>, vector<16xf32>,
      %get3A_694 = vector.shape_cast %get3A_693 : vector<16xf32> to vector<16xf32>
      %convert_element_type3A_695 = arith.fptosi %get3A_694 : vector<16xf32> to vector<16xi32>
      %get3A_696 = arith.index_cast %multiple_of3A_691 : i32 to index
      %get3A_697 = tpu.vector_load %arg10[%get3A_696] {strides = array<i32>} : memref<8192xf32, #tpu.memory_space<vmem>>, vector<16xf32>,
      %get3A_698 = vector.shape_cast %get3A_697 : vector<16xf32> to vector<16xf32>
      %convert_element_type3A_699 = arith.fptosi %get3A_698 : vector<16xf32> to vector<16xi32>
      %mul3A_700 = arith.constant 2048 : i32
      %mul3A_701 = vector.broadcast %mul3A_700 : i32 to vector<16xi32>
      %mul3A_702 = arith.muli %convert_element_type3A_699, %mul3A_701 : vector<16xi32>
      %add3A_703 = arith.addi %mul3A_702, %convert_element_type3A_695 : vector<16xi32>
      %swap3A_704 = arith.index_cast %multiple_of3A_691 : i32 to index
      %swap3A_705 = tpu.vector_load %arg13[%swap3A_704] {strides = array<i32>} : memref<8192xi32, #tpu.memory_space<vmem>>, vector<16xi32>,
      %swap3A_706 = vector.shape_cast %swap3A_705 : vector<16xi32> to vector<16xi32>
      %swap3A_707 = vector.shape_cast %add3A_703 : vector<16xi32> to vector<16xi32>
      tpu.vector_store %arg13[%swap3A_704], %swap3A_707 {strides = array<i32>} : memref<8192xi32, #tpu.memory_space<vmem>>, vector<16xi32>,
      %scan3A_708 = arith.constant 4 : i32
      %scan3A_709 = arith.addi %scan3A_628, %scan3A_708 : i32
      %mul3A_710 = arith.constant 16 : i32
      %mul3A_711 = arith.muli %scan3A_709, %mul3A_710 : i32
      %multiple_of3A_712 = tpu.assume_multiple %mul3A_711, 16 : i32
      %get3A_713 = arith.index_cast %multiple_of3A_712 : i32 to index
      %get3A_714 = tpu.vector_load %arg7[%get3A_713] {strides = array<i32>} : memref<8192xf32, #tpu.memory_space<vmem>>, vector<16xf32>,
      %get3A_715 = vector.shape_cast %get3A_714 : vector<16xf32> to vector<16xf32>
      %convert_element_type3A_716 = arith.fptosi %get3A_715 : vector<16xf32> to vector<16xi32>
      %get3A_717 = arith.index_cast %multiple_of3A_712 : i32 to index
      %get3A_718 = tpu.vector_load %arg10[%get3A_717] {strides = array<i32>} : memref<8192xf32, #tpu.memory_space<vmem>>, vector<16xf32>,
      %get3A_719 = vector.shape_cast %get3A_718 : vector<16xf32> to vector<16xf32>
      %convert_element_type3A_720 = arith.fptosi %get3A_719 : vector<16xf32> to vector<16xi32>
      %mul3A_721 = arith.constant 2048 : i32
      %mul3A_722 = vector.broadcast %mul3A_721 : i32 to vector<16xi32>
      %mul3A_723 = arith.muli %convert_element_type3A_720, %mul3A_722 : vector<16xi32>
      %add3A_724 = arith.addi %mul3A_723, %convert_element_type3A_716 : vector<16xi32>
      %swap3A_725 = arith.index_cast %multiple_of3A_712 : i32 to index
      %swap3A_726 = tpu.vector_load %arg13[%swap3A_725] {strides = array<i32>} : memref<8192xi32, #tpu.memory_space<vmem>>, vector<16xi32>,
      %swap3A_727 = vector.shape_cast %swap3A_726 : vector<16xi32> to vector<16xi32>
      %swap3A_728 = vector.shape_cast %add3A_724 : vector<16xi32> to vector<16xi32>
      tpu.vector_store %arg13[%swap3A_725], %swap3A_728 {strides = array<i32>} : memref<8192xi32, #tpu.memory_space<vmem>>, vector<16xi32>,
      %scan3A_729 = arith.constant 5 : i32
      %scan3A_730 = arith.addi %scan3A_628, %scan3A_729 : i32
      %mul3A_731 = arith.constant 16 : i32
      %mul3A_732 = arith.muli %scan3A_730, %mul3A_731 : i32
      %multiple_of3A_733 = tpu.assume_multiple %mul3A_732, 16 : i32
      %get3A_734 = arith.index_cast %multiple_of3A_733 : i32 to index
      %get3A_735 = tpu.vector_load %arg7[%get3A_734] {strides = array<i32>} : memref<8192xf32, #tpu.memory_space<vmem>>, vector<16xf32>,
      %get3A_736 = vector.shape_cast %get3A_735 : vector<16xf32> to vector<16xf32>
      %convert_element_type3A_737 = arith.fptosi %get3A_736 : vector<16xf32> to vector<16xi32>
      %get3A_738 = arith.index_cast %multiple_of3A_733 : i32 to index
      %get3A_739 = tpu.vector_load %arg10[%get3A_738] {strides = array<i32>} : memref<8192xf32, #tpu.memory_space<vmem>>, vector<16xf32>,
      %get3A_740 = vector.shape_cast %get3A_739 : vector<16xf32> to vector<16xf32>
      %convert_element_type3A_741 = arith.fptosi %get3A_740 : vector<16xf32> to vector<16xi32>
      %mul3A_742 = arith.constant 2048 : i32
      %mul3A_743 = vector.broadcast %mul3A_742 : i32 to vector<16xi32>
      %mul3A_744 = arith.muli %convert_element_type3A_741, %mul3A_743 : vector<16xi32>
      %add3A_745 = arith.addi %mul3A_744, %convert_element_type3A_737 : vector<16xi32>
      %swap3A_746 = arith.index_cast %multiple_of3A_733 : i32 to index
      %swap3A_747 = tpu.vector_load %arg13[%swap3A_746] {strides = array<i32>} : memref<8192xi32, #tpu.memory_space<vmem>>, vector<16xi32>,
      %swap3A_748 = vector.shape_cast %swap3A_747 : vector<16xi32> to vector<16xi32>
      %swap3A_749 = vector.shape_cast %add3A_745 : vector<16xi32> to vector<16xi32>
      tpu.vector_store %arg13[%swap3A_746], %swap3A_749 {strides = array<i32>} : memref<8192xi32, #tpu.memory_space<vmem>>, vector<16xi32>,
      %scan3A_750 = arith.constant 6 : i32
      %scan3A_751 = arith.addi %scan3A_628, %scan3A_750 : i32
      %mul3A_752 = arith.constant 16 : i32
      %mul3A_753 = arith.muli %scan3A_751, %mul3A_752 : i32
      %multiple_of3A_754 = tpu.assume_multiple %mul3A_753, 16 : i32
      %get3A_755 = arith.index_cast %multiple_of3A_754 : i32 to index
      %get3A_756 = tpu.vector_load %arg7[%get3A_755] {strides = array<i32>} : memref<8192xf32, #tpu.memory_space<vmem>>, vector<16xf32>,
      %get3A_757 = vector.shape_cast %get3A_756 : vector<16xf32> to vector<16xf32>
      %convert_element_type3A_758 = arith.fptosi %get3A_757 : vector<16xf32> to vector<16xi32>
      %get3A_759 = arith.index_cast %multiple_of3A_754 : i32 to index
      %get3A_760 = tpu.vector_load %arg10[%get3A_759] {strides = array<i32>} : memref<8192xf32, #tpu.memory_space<vmem>>, vector<16xf32>,
      %get3A_761 = vector.shape_cast %get3A_760 : vector<16xf32> to vector<16xf32>
      %convert_element_type3A_762 = arith.fptosi %get3A_761 : vector<16xf32> to vector<16xi32>
      %mul3A_763 = arith.constant 2048 : i32
      %mul3A_764 = vector.broadcast %mul3A_763 : i32 to vector<16xi32>
      %mul3A_765 = arith.muli %convert_element_type3A_762, %mul3A_764 : vector<16xi32>
      %add3A_766 = arith.addi %mul3A_765, %convert_element_type3A_758 : vector<16xi32>
      %swap3A_767 = arith.index_cast %multiple_of3A_754 : i32 to index
      %swap3A_768 = tpu.vector_load %arg13[%swap3A_767] {strides = array<i32>} : memref<8192xi32, #tpu.memory_space<vmem>>, vector<16xi32>,
      %swap3A_769 = vector.shape_cast %swap3A_768 : vector<16xi32> to vector<16xi32>
      %swap3A_770 = vector.shape_cast %add3A_766 : vector<16xi32> to vector<16xi32>
      tpu.vector_store %arg13[%swap3A_767], %swap3A_770 {strides = array<i32>} : memref<8192xi32, #tpu.memory_space<vmem>>, vector<16xi32>,
      %scan3A_771 = arith.constant 7 : i32
      %scan3A_772 = arith.addi %scan3A_628, %scan3A_771 : i32
      %mul3A_773 = arith.constant 16 : i32
      %mul3A_774 = arith.muli %scan3A_772, %mul3A_773 : i32
      %multiple_of3A_775 = tpu.assume_multiple %mul3A_774, 16 : i32
      %get3A_776 = arith.index_cast %multiple_of3A_775 : i32 to index
      %get3A_777 = tpu.vector_load %arg7[%get3A_776] {strides = array<i32>} : memref<8192xf32, #tpu.memory_space<vmem>>, vector<16xf32>,
      %get3A_778 = vector.shape_cast %get3A_777 : vector<16xf32> to vector<16xf32>
      %convert_element_type3A_779 = arith.fptosi %get3A_778 : vector<16xf32> to vector<16xi32>
      %get3A_780 = arith.index_cast %multiple_of3A_775 : i32 to index
      %get3A_781 = tpu.vector_load %arg10[%get3A_780] {strides = array<i32>} : memref<8192xf32, #tpu.memory_space<vmem>>, vector<16xf32>,
      %get3A_782 = vector.shape_cast %get3A_781 : vector<16xf32> to vector<16xf32>
      %convert_element_type3A_783 = arith.fptosi %get3A_782 : vector<16xf32> to vector<16xi32>
      %mul3A_784 = arith.constant 2048 : i32
      %mul3A_785 = vector.broadcast %mul3A_784 : i32 to vector<16xi32>
      %mul3A_786 = arith.muli %convert_element_type3A_783, %mul3A_785 : vector<16xi32>
      %add3A_787 = arith.addi %mul3A_786, %convert_element_type3A_779 : vector<16xi32>
      %swap3A_788 = arith.index_cast %multiple_of3A_775 : i32 to index
      %swap3A_789 = tpu.vector_load %arg13[%swap3A_788] {strides = array<i32>} : memref<8192xi32, #tpu.memory_space<vmem>>, vector<16xi32>,
      %swap3A_790 = vector.shape_cast %swap3A_789 : vector<16xi32> to vector<16xi32>
      %swap3A_791 = vector.shape_cast %add3A_787 : vector<16xi32> to vector<16xi32>
      tpu.vector_store %arg13[%swap3A_788], %swap3A_791 {strides = array<i32>} : memref<8192xi32, #tpu.memory_space<vmem>>, vector<16xi32>,
    }
    %scan3A_520 = arith.constant 512 : i32
    %dma_start3A_521 = arith.constant 1 : i32
    %dma_start3A_522 = arith.constant 0 : i32
    %dma_start3A_523 = arith.constant 0 : i32
    %dma_start3A_524 = tpu.memref_slice %arg16[%dma_start3A_523] : memref<8192xf32, #tpu.memory_space<vmem>> -> memref<4096xf32, #tpu.memory_space<vmem>>
    %dma_start3A_525 = arith.constant 0 : i32
    %dma_start3A_526 = tpu.memref_slice %arg13[%dma_start3A_525] : memref<8192xi32, #tpu.memory_space<vmem>> -> memref<4096xi32, #tpu.memory_space<vmem>>
    %dma_start3A_527 = arith.constant 0 : i32
    %dma_start3A_528 = tpu.memref_slice %arg2[%dma_start3A_527] : memref<4194304xf32, #tpu.memory_space<hbm>> -> memref<4194304xf32, #tpu.memory_space<hbm>>
    %dma_start3A_529 = tpu.memref_slice %arg21[%dma_start3A_521, %dma_start3A_522] : memref<3x2x!tpu.dma_semaphore, #tpu.memory_space<semaphore_mem>> -> memref<1x1x!tpu.dma_semaphore, #tpu.memory_space<semaphore_mem>>
    %dma_start3A_530 = tpu.memref_squeeze %dma_start3A_529 : memref<1x1x!tpu.dma_semaphore, #tpu.memory_space<semaphore_mem>> -> memref<!tpu.dma_semaphore, #tpu.memory_space<semaphore_mem>>
    tpu.enqueue_indirect_dma source(%dma_start3A_528 : memref<4194304xf32, #tpu.memory_space<hbm>>) target(%dma_start3A_524 : memref<4096xf32, #tpu.memory_space<vmem>>) offsets(%dma_start3A_526 : memref<4096xi32, #tpu.memory_space<vmem>>) semaphore(%dma_start3A_530 : memref<!tpu.dma_semaphore, #tpu.memory_space<semaphore_mem>>)
    %dma_start3A_531 = arith.constant 1 : i32
    %dma_start3A_532 = arith.constant 1 : i32
    %dma_start3A_533 = arith.constant 4096 : i32
    %dma_start3A_534 = tpu.memref_slice %arg16[%dma_start3A_533] : memref<8192xf32, #tpu.memory_space<vmem>> -> memref<4096xf32, #tpu.memory_space<vmem>>
    %dma_start3A_535 = arith.constant 4096 : i32
    %dma_start3A_536 = tpu.memref_slice %arg13[%dma_start3A_535] : memref<8192xi32, #tpu.memory_space<vmem>> -> memref<4096xi32, #tpu.memory_space<vmem>>
    %dma_start3A_537 = arith.constant 0 : i32
    %dma_start3A_538 = tpu.memref_slice %arg2[%dma_start3A_537] : memref<4194304xf32, #tpu.memory_space<hbm>> -> memref<4194304xf32, #tpu.memory_space<hbm>>
    %dma_start3A_539 = tpu.memref_slice %arg21[%dma_start3A_531, %dma_start3A_532] : memref<3x2x!tpu.dma_semaphore, #tpu.memory_space<semaphore_mem>> -> memref<1x1x!tpu.dma_semaphore, #tpu.memory_space<semaphore_mem>>
    %dma_start3A_540 = tpu.memref_squeeze %dma_start3A_539 : memref<1x1x!tpu.dma_semaphore, #tpu.memory_space<semaphore_mem>> -> memref<!tpu.dma_semaphore, #tpu.memory_space<semaphore_mem>>
    tpu.enqueue_indirect_dma source(%dma_start3A_538 : memref<4194304xf32, #tpu.memory_space<hbm>>) target(%dma_start3A_534 : memref<4096xf32, #tpu.memory_space<vmem>>) offsets(%dma_start3A_536 : memref<4096xi32, #tpu.memory_space<vmem>>) semaphore(%dma_start3A_540 : memref<!tpu.dma_semaphore, #tpu.memory_space<semaphore_mem>>)
    %dma_wait3A_541 = arith.constant 2 : i32
    %dma_wait3A_542 = arith.constant 0 : i32
    %dma_wait3A_543 = arith.constant 0 : i32
    %dma_wait3A_544 = tpu.memref_slice %arg17[%dma_wait3A_543] : memref<8192xf32, #tpu.memory_space<vmem>> -> memref<4096xf32, #tpu.memory_space<vmem>>
    %dma_wait3A_545 = arith.constant 0 : i32
    %dma_wait3A_546 = tpu.memref_slice %arg14[%dma_wait3A_545] : memref<8192xi32, #tpu.memory_space<vmem>> -> memref<4096xi32, #tpu.memory_space<vmem>>
    %dma_wait3A_547 = arith.constant 0 : i32
    %dma_wait3A_548 = tpu.memref_slice %arg2[%dma_wait3A_547] : memref<4194304xf32, #tpu.memory_space<hbm>> -> memref<4194304xf32, #tpu.memory_space<hbm>>
    %dma_wait3A_549 = tpu.memref_slice %arg21[%dma_wait3A_541, %dma_wait3A_542] : memref<3x2x!tpu.dma_semaphore, #tpu.memory_space<semaphore_mem>> -> memref<1x1x!tpu.dma_semaphore, #tpu.memory_space<semaphore_mem>>
    %dma_wait3A_550 = tpu.memref_squeeze %dma_wait3A_549 : memref<1x1x!tpu.dma_semaphore, #tpu.memory_space<semaphore_mem>> -> memref<!tpu.dma_semaphore, #tpu.memory_space<semaphore_mem>>
    tpu.wait_indirect_dma semaphore(%dma_wait3A_550 : memref<!tpu.dma_semaphore, #tpu.memory_space<semaphore_mem>>) src(%dma_wait3A_548 : memref<4194304xf32, #tpu.memory_space<hbm>>) dst(%dma_wait3A_544 : memref<4096xf32, #tpu.memory_space<vmem>>)
    %dma_wait3A_551 = arith.constant 2 : i32
    %dma_wait3A_552 = arith.constant 1 : i32
    %dma_wait3A_553 = arith.constant 4096 : i32
    %dma_wait3A_554 = tpu.memref_slice %arg17[%dma_wait3A_553] : memref<8192xf32, #tpu.memory_space<vmem>> -> memref<4096xf32, #tpu.memory_space<vmem>>
    %dma_wait3A_555 = arith.constant 4096 : i32
    %dma_wait3A_556 = tpu.memref_slice %arg14[%dma_wait3A_555] : memref<8192xi32, #tpu.memory_space<vmem>> -> memref<4096xi32, #tpu.memory_space<vmem>>
    %dma_wait3A_557 = arith.constant 0 : i32
    %dma_wait3A_558 = tpu.memref_slice %arg2[%dma_wait3A_557] : memref<4194304xf32, #tpu.memory_space<hbm>> -> memref<4194304xf32, #tpu.memory_space<hbm>>
    %dma_wait3A_559 = tpu.memref_slice %arg21[%dma_wait3A_551, %dma_wait3A_552] : memref<3x2x!tpu.dma_semaphore, #tpu.memory_space<semaphore_mem>> -> memref<1x1x!tpu.dma_semaphore, #tpu.memory_space<semaphore_mem>>
    %dma_wait3A_560 = tpu.memref_squeeze %dma_wait3A_559 : memref<1x1x!tpu.dma_semaphore, #tpu.memory_space<semaphore_mem>> -> memref<!tpu.dma_semaphore, #tpu.memory_space<semaphore_mem>>
    tpu.wait_indirect_dma semaphore(%dma_wait3A_560 : memref<!tpu.dma_semaphore, #tpu.memory_space<semaphore_mem>>) src(%dma_wait3A_558 : memref<4194304xf32, #tpu.memory_space<hbm>>) dst(%dma_wait3A_554 : memref<4096xf32, #tpu.memory_space<vmem>>)
    %broadcast_in_dim3A_561 = arith.constant 4095 : i32
    %broadcast_in_dim3A_562 = vector.broadcast %broadcast_in_dim3A_561 : i32 to vector<16xi32>
    %scan3A_563 = arith.constant 0 : i32
    %scan3A_564 = arith.constant 512 : i32
    %scan3A_565 = arith.addi %scan3A_563, %scan3A_564 : i32
    %scan3A_566 = arith.constant 8 : i32
    %scan3A_567 = scf.for %scan3A_628 = %scan3A_563 to %scan3A_565 step %scan3A_566 iter_args(%scan3A_629 = %scan3A_489) -> (vector<16xf32>)  : i32 {
      %mul3A_630 = arith.constant 16 : i32
      %mul3A_631 = arith.muli %scan3A_628, %mul3A_630 : i32
      %multiple_of3A = tpu.assume_multiple %mul3A_631, 16 : i32
      %get3A = arith.index_cast %multiple_of3A : i32 to index
      %get3A_632 = tpu.vector_load %arg17[%get3A] {strides = array<i32>} : memref<8192xf32, #tpu.memory_space<vmem>>, vector<16xf32>,
      %get3A_633 = vector.shape_cast %get3A_632 : vector<16xf32> to vector<16xf32>
      %convert_element_type3A = arith.fptosi %get3A_633 : vector<16xf32> to vector<16xi32>
      %and3A = arith.andi %convert_element_type3A, %broadcast_in_dim3A_562 : vector<16xi32>
      %convert_element_type3A_634 = arith.sitofp %and3A : vector<16xi32> to vector<16xf32>
      %shift_right_logical3A = arith.constant 12 : i32
      %shift_right_logical3A_635 = vector.broadcast %shift_right_logical3A : i32 to vector<16xi32>
      %shift_right_logical3A_636 = arith.shrui %convert_element_type3A, %shift_right_logical3A_635 : vector<16xi32>
      %convert_element_type3A_637 = arith.sitofp %shift_right_logical3A_636 : vector<16xi32> to vector<16xf32>
      %get3A_638 = arith.index_cast %multiple_of3A : i32 to index
      %get3A_639 = tpu.vector_load %arg8[%get3A_638] {strides = array<i32>} : memref<8192xf32, #tpu.memory_space<vmem>>, vector<16xf32>,
      %get3A_640 = vector.shape_cast %get3A_639 : vector<16xf32> to vector<16xf32>
      %sub3A = arith.subf %get3A_640, %convert_element_type3A_637 : vector<16xf32>
      %get3A_641 = arith.index_cast %multiple_of3A : i32 to index
      %get3A_642 = tpu.vector_load %arg11[%get3A_641] {strides = array<i32>} : memref<8192xf32, #tpu.memory_space<vmem>>, vector<16xf32>,
      %get3A_643 = vector.shape_cast %get3A_642 : vector<16xf32> to vector<16xf32>
      %sub3A_644 = arith.subf %get3A_643, %convert_element_type3A_634 : vector<16xf32>
      %mul3A_645 = arith.mulf %sub3A, %sub3A : vector<16xf32>
      %add3A_646 = arith.addf %scan3A_629, %mul3A_645 : vector<16xf32>
      %mul3A_647 = arith.mulf %sub3A_644, %sub3A_644 : vector<16xf32>
      %add3A_648 = arith.addf %add3A_646, %mul3A_647 : vector<16xf32>
      %scan3A_649 = arith.constant 1 : i32
      %scan3A_650 = arith.addi %scan3A_628, %scan3A_649 : i32
      %mul3A_651 = arith.constant 16 : i32
      %mul3A_652 = arith.muli %scan3A_650, %mul3A_651 : i32
      %multiple_of3A_653 = tpu.assume_multiple %mul3A_652, 16 : i32
      %get3A_654 = arith.index_cast %multiple_of3A_653 : i32 to index
      %get3A_655 = tpu.vector_load %arg17[%get3A_654] {strides = array<i32>} : memref<8192xf32, #tpu.memory_space<vmem>>, vector<16xf32>,
      %get3A_656 = vector.shape_cast %get3A_655 : vector<16xf32> to vector<16xf32>
      %convert_element_type3A_657 = arith.fptosi %get3A_656 : vector<16xf32> to vector<16xi32>
      %and3A_658 = arith.andi %convert_element_type3A_657, %broadcast_in_dim3A_562 : vector<16xi32>
      %convert_element_type3A_659 = arith.sitofp %and3A_658 : vector<16xi32> to vector<16xf32>
      %shift_right_logical3A_660 = arith.constant 12 : i32
      %shift_right_logical3A_661 = vector.broadcast %shift_right_logical3A_660 : i32 to vector<16xi32>
      %shift_right_logical3A_662 = arith.shrui %convert_element_type3A_657, %shift_right_logical3A_661 : vector<16xi32>
      %convert_element_type3A_663 = arith.sitofp %shift_right_logical3A_662 : vector<16xi32> to vector<16xf32>
      %get3A_664 = arith.index_cast %multiple_of3A_653 : i32 to index
      %get3A_665 = tpu.vector_load %arg8[%get3A_664] {strides = array<i32>} : memref<8192xf32, #tpu.memory_space<vmem>>, vector<16xf32>,
      %get3A_666 = vector.shape_cast %get3A_665 : vector<16xf32> to vector<16xf32>
      %sub3A_667 = arith.subf %get3A_666, %convert_element_type3A_663 : vector<16xf32>
      %get3A_668 = arith.index_cast %multiple_of3A_653 : i32 to index
      %get3A_669 = tpu.vector_load %arg11[%get3A_668] {strides = array<i32>} : memref<8192xf32, #tpu.memory_space<vmem>>, vector<16xf32>,
      %get3A_670 = vector.shape_cast %get3A_669 : vector<16xf32> to vector<16xf32>
      %sub3A_671 = arith.subf %get3A_670, %convert_element_type3A_659 : vector<16xf32>
      %mul3A_672 = arith.mulf %sub3A_667, %sub3A_667 : vector<16xf32>
      %add3A_673 = arith.addf %add3A_648, %mul3A_672 : vector<16xf32>
      %mul3A_674 = arith.mulf %sub3A_671, %sub3A_671 : vector<16xf32>
      %add3A_675 = arith.addf %add3A_673, %mul3A_674 : vector<16xf32>
      %scan3A_676 = arith.constant 2 : i32
      %scan3A_677 = arith.addi %scan3A_628, %scan3A_676 : i32
      %mul3A_678 = arith.constant 16 : i32
      %mul3A_679 = arith.muli %scan3A_677, %mul3A_678 : i32
      %multiple_of3A_680 = tpu.assume_multiple %mul3A_679, 16 : i32
      %get3A_681 = arith.index_cast %multiple_of3A_680 : i32 to index
      %get3A_682 = tpu.vector_load %arg17[%get3A_681] {strides = array<i32>} : memref<8192xf32, #tpu.memory_space<vmem>>, vector<16xf32>,
      %get3A_683 = vector.shape_cast %get3A_682 : vector<16xf32> to vector<16xf32>
      %convert_element_type3A_684 = arith.fptosi %get3A_683 : vector<16xf32> to vector<16xi32>
      %and3A_685 = arith.andi %convert_element_type3A_684, %broadcast_in_dim3A_562 : vector<16xi32>
      %convert_element_type3A_686 = arith.sitofp %and3A_685 : vector<16xi32> to vector<16xf32>
      %shift_right_logical3A_687 = arith.constant 12 : i32
      %shift_right_logical3A_688 = vector.broadcast %shift_right_logical3A_687 : i32 to vector<16xi32>
      %shift_right_logical3A_689 = arith.shrui %convert_element_type3A_684, %shift_right_logical3A_688 : vector<16xi32>
      %convert_element_type3A_690 = arith.sitofp %shift_right_logical3A_689 : vector<16xi32> to vector<16xf32>
      %get3A_691 = arith.index_cast %multiple_of3A_680 : i32 to index
      %get3A_692 = tpu.vector_load %arg8[%get3A_691] {strides = array<i32>} : memref<8192xf32, #tpu.memory_space<vmem>>, vector<16xf32>,
      %get3A_693 = vector.shape_cast %get3A_692 : vector<16xf32> to vector<16xf32>
      %sub3A_694 = arith.subf %get3A_693, %convert_element_type3A_690 : vector<16xf32>
      %get3A_695 = arith.index_cast %multiple_of3A_680 : i32 to index
      %get3A_696 = tpu.vector_load %arg11[%get3A_695] {strides = array<i32>} : memref<8192xf32, #tpu.memory_space<vmem>>, vector<16xf32>,
      %get3A_697 = vector.shape_cast %get3A_696 : vector<16xf32> to vector<16xf32>
      %sub3A_698 = arith.subf %get3A_697, %convert_element_type3A_686 : vector<16xf32>
      %mul3A_699 = arith.mulf %sub3A_694, %sub3A_694 : vector<16xf32>
      %add3A_700 = arith.addf %add3A_675, %mul3A_699 : vector<16xf32>
      %mul3A_701 = arith.mulf %sub3A_698, %sub3A_698 : vector<16xf32>
      %add3A_702 = arith.addf %add3A_700, %mul3A_701 : vector<16xf32>
      %scan3A_703 = arith.constant 3 : i32
      %scan3A_704 = arith.addi %scan3A_628, %scan3A_703 : i32
      %mul3A_705 = arith.constant 16 : i32
      %mul3A_706 = arith.muli %scan3A_704, %mul3A_705 : i32
      %multiple_of3A_707 = tpu.assume_multiple %mul3A_706, 16 : i32
      %get3A_708 = arith.index_cast %multiple_of3A_707 : i32 to index
      %get3A_709 = tpu.vector_load %arg17[%get3A_708] {strides = array<i32>} : memref<8192xf32, #tpu.memory_space<vmem>>, vector<16xf32>,
      %get3A_710 = vector.shape_cast %get3A_709 : vector<16xf32> to vector<16xf32>
      %convert_element_type3A_711 = arith.fptosi %get3A_710 : vector<16xf32> to vector<16xi32>
      %and3A_712 = arith.andi %convert_element_type3A_711, %broadcast_in_dim3A_562 : vector<16xi32>
      %convert_element_type3A_713 = arith.sitofp %and3A_712 : vector<16xi32> to vector<16xf32>
      %shift_right_logical3A_714 = arith.constant 12 : i32
      %shift_right_logical3A_715 = vector.broadcast %shift_right_logical3A_714 : i32 to vector<16xi32>
      %shift_right_logical3A_716 = arith.shrui %convert_element_type3A_711, %shift_right_logical3A_715 : vector<16xi32>
      %convert_element_type3A_717 = arith.sitofp %shift_right_logical3A_716 : vector<16xi32> to vector<16xf32>
      %get3A_718 = arith.index_cast %multiple_of3A_707 : i32 to index
      %get3A_719 = tpu.vector_load %arg8[%get3A_718] {strides = array<i32>} : memref<8192xf32, #tpu.memory_space<vmem>>, vector<16xf32>,
      %get3A_720 = vector.shape_cast %get3A_719 : vector<16xf32> to vector<16xf32>
      %sub3A_721 = arith.subf %get3A_720, %convert_element_type3A_717 : vector<16xf32>
      %get3A_722 = arith.index_cast %multiple_of3A_707 : i32 to index
      %get3A_723 = tpu.vector_load %arg11[%get3A_722] {strides = array<i32>} : memref<8192xf32, #tpu.memory_space<vmem>>, vector<16xf32>,
      %get3A_724 = vector.shape_cast %get3A_723 : vector<16xf32> to vector<16xf32>
      %sub3A_725 = arith.subf %get3A_724, %convert_element_type3A_713 : vector<16xf32>
      %mul3A_726 = arith.mulf %sub3A_721, %sub3A_721 : vector<16xf32>
      %add3A_727 = arith.addf %add3A_702, %mul3A_726 : vector<16xf32>
      %mul3A_728 = arith.mulf %sub3A_725, %sub3A_725 : vector<16xf32>
      %add3A_729 = arith.addf %add3A_727, %mul3A_728 : vector<16xf32>
      %scan3A_730 = arith.constant 4 : i32
      %scan3A_731 = arith.addi %scan3A_628, %scan3A_730 : i32
      %mul3A_732 = arith.constant 16 : i32
      %mul3A_733 = arith.muli %scan3A_731, %mul3A_732 : i32
      %multiple_of3A_734 = tpu.assume_multiple %mul3A_733, 16 : i32
      %get3A_735 = arith.index_cast %multiple_of3A_734 : i32 to index
      %get3A_736 = tpu.vector_load %arg17[%get3A_735] {strides = array<i32>} : memref<8192xf32, #tpu.memory_space<vmem>>, vector<16xf32>,
      %get3A_737 = vector.shape_cast %get3A_736 : vector<16xf32> to vector<16xf32>
      %convert_element_type3A_738 = arith.fptosi %get3A_737 : vector<16xf32> to vector<16xi32>
      %and3A_739 = arith.andi %convert_element_type3A_738, %broadcast_in_dim3A_562 : vector<16xi32>
      %convert_element_type3A_740 = arith.sitofp %and3A_739 : vector<16xi32> to vector<16xf32>
      %shift_right_logical3A_741 = arith.constant 12 : i32
      %shift_right_logical3A_742 = vector.broadcast %shift_right_logical3A_741 : i32 to vector<16xi32>
      %shift_right_logical3A_743 = arith.shrui %convert_element_type3A_738, %shift_right_logical3A_742 : vector<16xi32>
      %convert_element_type3A_744 = arith.sitofp %shift_right_logical3A_743 : vector<16xi32> to vector<16xf32>
      %get3A_745 = arith.index_cast %multiple_of3A_734 : i32 to index
      %get3A_746 = tpu.vector_load %arg8[%get3A_745] {strides = array<i32>} : memref<8192xf32, #tpu.memory_space<vmem>>, vector<16xf32>,
      %get3A_747 = vector.shape_cast %get3A_746 : vector<16xf32> to vector<16xf32>
      %sub3A_748 = arith.subf %get3A_747, %convert_element_type3A_744 : vector<16xf32>
      %get3A_749 = arith.index_cast %multiple_of3A_734 : i32 to index
      %get3A_750 = tpu.vector_load %arg11[%get3A_749] {strides = array<i32>} : memref<8192xf32, #tpu.memory_space<vmem>>, vector<16xf32>,
      %get3A_751 = vector.shape_cast %get3A_750 : vector<16xf32> to vector<16xf32>
      %sub3A_752 = arith.subf %get3A_751, %convert_element_type3A_740 : vector<16xf32>
      %mul3A_753 = arith.mulf %sub3A_748, %sub3A_748 : vector<16xf32>
      %add3A_754 = arith.addf %add3A_729, %mul3A_753 : vector<16xf32>
      %mul3A_755 = arith.mulf %sub3A_752, %sub3A_752 : vector<16xf32>
      %add3A_756 = arith.addf %add3A_754, %mul3A_755 : vector<16xf32>
      %scan3A_757 = arith.constant 5 : i32
      %scan3A_758 = arith.addi %scan3A_628, %scan3A_757 : i32
      %mul3A_759 = arith.constant 16 : i32
      %mul3A_760 = arith.muli %scan3A_758, %mul3A_759 : i32
      %multiple_of3A_761 = tpu.assume_multiple %mul3A_760, 16 : i32
      %get3A_762 = arith.index_cast %multiple_of3A_761 : i32 to index
      %get3A_763 = tpu.vector_load %arg17[%get3A_762] {strides = array<i32>} : memref<8192xf32, #tpu.memory_space<vmem>>, vector<16xf32>,
      %get3A_764 = vector.shape_cast %get3A_763 : vector<16xf32> to vector<16xf32>
      %convert_element_type3A_765 = arith.fptosi %get3A_764 : vector<16xf32> to vector<16xi32>
      %and3A_766 = arith.andi %convert_element_type3A_765, %broadcast_in_dim3A_562 : vector<16xi32>
      %convert_element_type3A_767 = arith.sitofp %and3A_766 : vector<16xi32> to vector<16xf32>
      %shift_right_logical3A_768 = arith.constant 12 : i32
      %shift_right_logical3A_769 = vector.broadcast %shift_right_logical3A_768 : i32 to vector<16xi32>
      %shift_right_logical3A_770 = arith.shrui %convert_element_type3A_765, %shift_right_logical3A_769 : vector<16xi32>
      %convert_element_type3A_771 = arith.sitofp %shift_right_logical3A_770 : vector<16xi32> to vector<16xf32>
      %get3A_772 = arith.index_cast %multiple_of3A_761 : i32 to index
      %get3A_773 = tpu.vector_load %arg8[%get3A_772] {strides = array<i32>} : memref<8192xf32, #tpu.memory_space<vmem>>, vector<16xf32>,
      %get3A_774 = vector.shape_cast %get3A_773 : vector<16xf32> to vector<16xf32>
      %sub3A_775 = arith.subf %get3A_774, %convert_element_type3A_771 : vector<16xf32>
      %get3A_776 = arith.index_cast %multiple_of3A_761 : i32 to index
      %get3A_777 = tpu.vector_load %arg11[%get3A_776] {strides = array<i32>} : memref<8192xf32, #tpu.memory_space<vmem>>, vector<16xf32>,
      %get3A_778 = vector.shape_cast %get3A_777 : vector<16xf32> to vector<16xf32>
      %sub3A_779 = arith.subf %get3A_778, %convert_element_type3A_767 : vector<16xf32>
      %mul3A_780 = arith.mulf %sub3A_775, %sub3A_775 : vector<16xf32>
      %add3A_781 = arith.addf %add3A_756, %mul3A_780 : vector<16xf32>
      %mul3A_782 = arith.mulf %sub3A_779, %sub3A_779 : vector<16xf32>
      %add3A_783 = arith.addf %add3A_781, %mul3A_782 : vector<16xf32>
      %scan3A_784 = arith.constant 6 : i32
      %scan3A_785 = arith.addi %scan3A_628, %scan3A_784 : i32
      %mul3A_786 = arith.constant 16 : i32
      %mul3A_787 = arith.muli %scan3A_785, %mul3A_786 : i32
      %multiple_of3A_788 = tpu.assume_multiple %mul3A_787, 16 : i32
      %get3A_789 = arith.index_cast %multiple_of3A_788 : i32 to index
      %get3A_790 = tpu.vector_load %arg17[%get3A_789] {strides = array<i32>} : memref<8192xf32, #tpu.memory_space<vmem>>, vector<16xf32>,
      %get3A_791 = vector.shape_cast %get3A_790 : vector<16xf32> to vector<16xf32>
      %convert_element_type3A_792 = arith.fptosi %get3A_791 : vector<16xf32> to vector<16xi32>
      %and3A_793 = arith.andi %convert_element_type3A_792, %broadcast_in_dim3A_562 : vector<16xi32>
      %convert_element_type3A_794 = arith.sitofp %and3A_793 : vector<16xi32> to vector<16xf32>
      %shift_right_logical3A_795 = arith.constant 12 : i32
      %shift_right_logical3A_796 = vector.broadcast %shift_right_logical3A_795 : i32 to vector<16xi32>
      %shift_right_logical3A_797 = arith.shrui %convert_element_type3A_792, %shift_right_logical3A_796 : vector<16xi32>
      %convert_element_type3A_798 = arith.sitofp %shift_right_logical3A_797 : vector<16xi32> to vector<16xf32>
      %get3A_799 = arith.index_cast %multiple_of3A_788 : i32 to index
      %get3A_800 = tpu.vector_load %arg8[%get3A_799] {strides = array<i32>} : memref<8192xf32, #tpu.memory_space<vmem>>, vector<16xf32>,
      %get3A_801 = vector.shape_cast %get3A_800 : vector<16xf32> to vector<16xf32>
      %sub3A_802 = arith.subf %get3A_801, %convert_element_type3A_798 : vector<16xf32>
      %get3A_803 = arith.index_cast %multiple_of3A_788 : i32 to index
      %get3A_804 = tpu.vector_load %arg11[%get3A_803] {strides = array<i32>} : memref<8192xf32, #tpu.memory_space<vmem>>, vector<16xf32>,
      %get3A_805 = vector.shape_cast %get3A_804 : vector<16xf32> to vector<16xf32>
      %sub3A_806 = arith.subf %get3A_805, %convert_element_type3A_794 : vector<16xf32>
      %mul3A_807 = arith.mulf %sub3A_802, %sub3A_802 : vector<16xf32>
      %add3A_808 = arith.addf %add3A_783, %mul3A_807 : vector<16xf32>
      %mul3A_809 = arith.mulf %sub3A_806, %sub3A_806 : vector<16xf32>
      %add3A_810 = arith.addf %add3A_808, %mul3A_809 : vector<16xf32>
      %scan3A_811 = arith.constant 7 : i32
      %scan3A_812 = arith.addi %scan3A_628, %scan3A_811 : i32
      %mul3A_813 = arith.constant 16 : i32
      %mul3A_814 = arith.muli %scan3A_812, %mul3A_813 : i32
      %multiple_of3A_815 = tpu.assume_multiple %mul3A_814, 16 : i32
      %get3A_816 = arith.index_cast %multiple_of3A_815 : i32 to index
      %get3A_817 = tpu.vector_load %arg17[%get3A_816] {strides = array<i32>} : memref<8192xf32, #tpu.memory_space<vmem>>, vector<16xf32>,
      %get3A_818 = vector.shape_cast %get3A_817 : vector<16xf32> to vector<16xf32>
      %convert_element_type3A_819 = arith.fptosi %get3A_818 : vector<16xf32> to vector<16xi32>
      %and3A_820 = arith.andi %convert_element_type3A_819, %broadcast_in_dim3A_562 : vector<16xi32>
      %convert_element_type3A_821 = arith.sitofp %and3A_820 : vector<16xi32> to vector<16xf32>
      %shift_right_logical3A_822 = arith.constant 12 : i32
      %shift_right_logical3A_823 = vector.broadcast %shift_right_logical3A_822 : i32 to vector<16xi32>
      %shift_right_logical3A_824 = arith.shrui %convert_element_type3A_819, %shift_right_logical3A_823 : vector<16xi32>
      %convert_element_type3A_825 = arith.sitofp %shift_right_logical3A_824 : vector<16xi32> to vector<16xf32>
      %get3A_826 = arith.index_cast %multiple_of3A_815 : i32 to index
      %get3A_827 = tpu.vector_load %arg8[%get3A_826] {strides = array<i32>} : memref<8192xf32, #tpu.memory_space<vmem>>, vector<16xf32>,
      %get3A_828 = vector.shape_cast %get3A_827 : vector<16xf32> to vector<16xf32>
      %sub3A_829 = arith.subf %get3A_828, %convert_element_type3A_825 : vector<16xf32>
      %get3A_830 = arith.index_cast %multiple_of3A_815 : i32 to index
      %get3A_831 = tpu.vector_load %arg11[%get3A_830] {strides = array<i32>} : memref<8192xf32, #tpu.memory_space<vmem>>, vector<16xf32>,
      %get3A_832 = vector.shape_cast %get3A_831 : vector<16xf32> to vector<16xf32>
      %sub3A_833 = arith.subf %get3A_832, %convert_element_type3A_821 : vector<16xf32>
      %mul3A_834 = arith.mulf %sub3A_829, %sub3A_829 : vector<16xf32>
      %add3A_835 = arith.addf %add3A_810, %mul3A_834 : vector<16xf32>
      %mul3A_836 = arith.mulf %sub3A_833, %sub3A_833 : vector<16xf32>
      %add3A_837 = arith.addf %add3A_835, %mul3A_836 : vector<16xf32>
      scf.yield %add3A_837 : vector<16xf32>
    }
    %scan3A_568 = arith.constant 512 : i32
    %dma_wait3A_569 = arith.constant 0 : i32
    %dma_wait3A_570 = arith.constant 0 : i32
    %dma_wait3A_571 = arith.constant 0 : i32
    %dma_wait3A_572 = tpu.memref_slice %arg15[%dma_wait3A_571] : memref<8192xf32, #tpu.memory_space<vmem>> -> memref<4096xf32, #tpu.memory_space<vmem>>
    %dma_wait3A_573 = arith.constant 0 : i32
    %dma_wait3A_574 = tpu.memref_slice %arg12[%dma_wait3A_573] : memref<8192xi32, #tpu.memory_space<vmem>> -> memref<4096xi32, #tpu.memory_space<vmem>>
    %dma_wait3A_575 = arith.constant 0 : i32
    %dma_wait3A_576 = tpu.memref_slice %arg2[%dma_wait3A_575] : memref<4194304xf32, #tpu.memory_space<hbm>> -> memref<4194304xf32, #tpu.memory_space<hbm>>
    %dma_wait3A_577 = tpu.memref_slice %arg21[%dma_wait3A_569, %dma_wait3A_570] : memref<3x2x!tpu.dma_semaphore, #tpu.memory_space<semaphore_mem>> -> memref<1x1x!tpu.dma_semaphore, #tpu.memory_space<semaphore_mem>>
    %dma_wait3A_578 = tpu.memref_squeeze %dma_wait3A_577 : memref<1x1x!tpu.dma_semaphore, #tpu.memory_space<semaphore_mem>> -> memref<!tpu.dma_semaphore, #tpu.memory_space<semaphore_mem>>
    tpu.wait_indirect_dma semaphore(%dma_wait3A_578 : memref<!tpu.dma_semaphore, #tpu.memory_space<semaphore_mem>>) src(%dma_wait3A_576 : memref<4194304xf32, #tpu.memory_space<hbm>>) dst(%dma_wait3A_572 : memref<4096xf32, #tpu.memory_space<vmem>>)
    %dma_wait3A_579 = arith.constant 0 : i32
    %dma_wait3A_580 = arith.constant 1 : i32
    %dma_wait3A_581 = arith.constant 4096 : i32
    %dma_wait3A_582 = tpu.memref_slice %arg15[%dma_wait3A_581] : memref<8192xf32, #tpu.memory_space<vmem>> -> memref<4096xf32, #tpu.memory_space<vmem>>
    %dma_wait3A_583 = arith.constant 4096 : i32
    %dma_wait3A_584 = tpu.memref_slice %arg12[%dma_wait3A_583] : memref<8192xi32, #tpu.memory_space<vmem>> -> memref<4096xi32, #tpu.memory_space<vmem>>
    %dma_wait3A_585 = arith.constant 0 : i32
    %dma_wait3A_586 = tpu.memref_slice %arg2[%dma_wait3A_585] : memref<4194304xf32, #tpu.memory_space<hbm>> -> memref<4194304xf32, #tpu.memory_space<hbm>>
    %dma_wait3A_587 = tpu.memref_slice %arg21[%dma_wait3A_579, %dma_wait3A_580] : memref<3x2x!tpu.dma_semaphore, #tpu.memory_space<semaphore_mem>> -> memref<1x1x!tpu.dma_semaphore, #tpu.memory_space<semaphore_mem>>
    %dma_wait3A_588 = tpu.memref_squeeze %dma_wait3A_587 : memref<1x1x!tpu.dma_semaphore, #tpu.memory_space<semaphore_mem>> -> memref<!tpu.dma_semaphore, #tpu.memory_space<semaphore_mem>>
    tpu.wait_indirect_dma semaphore(%dma_wait3A_588 : memref<!tpu.dma_semaphore, #tpu.memory_space<semaphore_mem>>) src(%dma_wait3A_586 : memref<4194304xf32, #tpu.memory_space<hbm>>) dst(%dma_wait3A_582 : memref<4096xf32, #tpu.memory_space<vmem>>)
    %broadcast_in_dim3A_589 = arith.constant 4095 : i32
    %broadcast_in_dim3A_590 = vector.broadcast %broadcast_in_dim3A_589 : i32 to vector<16xi32>
    %scan3A_591 = arith.constant 0 : i32
    %scan3A_592 = arith.constant 512 : i32
    %scan3A_593 = arith.addi %scan3A_591, %scan3A_592 : i32
    %scan3A_594 = arith.constant 8 : i32
    %scan3A_595 = scf.for %scan3A_628 = %scan3A_591 to %scan3A_593 step %scan3A_594 iter_args(%scan3A_629 = %scan3A_567) -> (vector<16xf32>)  : i32 {
      %mul3A_630 = arith.constant 16 : i32
      %mul3A_631 = arith.muli %scan3A_628, %mul3A_630 : i32
      %multiple_of3A = tpu.assume_multiple %mul3A_631, 16 : i32
      %get3A = arith.index_cast %multiple_of3A : i32 to index
      %get3A_632 = tpu.vector_load %arg15[%get3A] {strides = array<i32>} : memref<8192xf32, #tpu.memory_space<vmem>>, vector<16xf32>,
      %get3A_633 = vector.shape_cast %get3A_632 : vector<16xf32> to vector<16xf32>
      %convert_element_type3A = arith.fptosi %get3A_633 : vector<16xf32> to vector<16xi32>
      %and3A = arith.andi %convert_element_type3A, %broadcast_in_dim3A_590 : vector<16xi32>
      %convert_element_type3A_634 = arith.sitofp %and3A : vector<16xi32> to vector<16xf32>
      %shift_right_logical3A = arith.constant 12 : i32
      %shift_right_logical3A_635 = vector.broadcast %shift_right_logical3A : i32 to vector<16xi32>
      %shift_right_logical3A_636 = arith.shrui %convert_element_type3A, %shift_right_logical3A_635 : vector<16xi32>
      %convert_element_type3A_637 = arith.sitofp %shift_right_logical3A_636 : vector<16xi32> to vector<16xf32>
      %get3A_638 = arith.index_cast %multiple_of3A : i32 to index
      %get3A_639 = tpu.vector_load %arg6[%get3A_638] {strides = array<i32>} : memref<8192xf32, #tpu.memory_space<vmem>>, vector<16xf32>,
      %get3A_640 = vector.shape_cast %get3A_639 : vector<16xf32> to vector<16xf32>
      %sub3A = arith.subf %get3A_640, %convert_element_type3A_637 : vector<16xf32>
      %get3A_641 = arith.index_cast %multiple_of3A : i32 to index
      %get3A_642 = tpu.vector_load %arg9[%get3A_641] {strides = array<i32>} : memref<8192xf32, #tpu.memory_space<vmem>>, vector<16xf32>,
      %get3A_643 = vector.shape_cast %get3A_642 : vector<16xf32> to vector<16xf32>
      %sub3A_644 = arith.subf %get3A_643, %convert_element_type3A_634 : vector<16xf32>
      %mul3A_645 = arith.mulf %sub3A, %sub3A : vector<16xf32>
      %add3A_646 = arith.addf %scan3A_629, %mul3A_645 : vector<16xf32>
      %mul3A_647 = arith.mulf %sub3A_644, %sub3A_644 : vector<16xf32>
      %add3A_648 = arith.addf %add3A_646, %mul3A_647 : vector<16xf32>
      %scan3A_649 = arith.constant 1 : i32
      %scan3A_650 = arith.addi %scan3A_628, %scan3A_649 : i32
      %mul3A_651 = arith.constant 16 : i32
      %mul3A_652 = arith.muli %scan3A_650, %mul3A_651 : i32
      %multiple_of3A_653 = tpu.assume_multiple %mul3A_652, 16 : i32
      %get3A_654 = arith.index_cast %multiple_of3A_653 : i32 to index
      %get3A_655 = tpu.vector_load %arg15[%get3A_654] {strides = array<i32>} : memref<8192xf32, #tpu.memory_space<vmem>>, vector<16xf32>,
      %get3A_656 = vector.shape_cast %get3A_655 : vector<16xf32> to vector<16xf32>
      %convert_element_type3A_657 = arith.fptosi %get3A_656 : vector<16xf32> to vector<16xi32>
      %and3A_658 = arith.andi %convert_element_type3A_657, %broadcast_in_dim3A_590 : vector<16xi32>
      %convert_element_type3A_659 = arith.sitofp %and3A_658 : vector<16xi32> to vector<16xf32>
      %shift_right_logical3A_660 = arith.constant 12 : i32
      %shift_right_logical3A_661 = vector.broadcast %shift_right_logical3A_660 : i32 to vector<16xi32>
      %shift_right_logical3A_662 = arith.shrui %convert_element_type3A_657, %shift_right_logical3A_661 : vector<16xi32>
      %convert_element_type3A_663 = arith.sitofp %shift_right_logical3A_662 : vector<16xi32> to vector<16xf32>
      %get3A_664 = arith.index_cast %multiple_of3A_653 : i32 to index
      %get3A_665 = tpu.vector_load %arg6[%get3A_664] {strides = array<i32>} : memref<8192xf32, #tpu.memory_space<vmem>>, vector<16xf32>,
      %get3A_666 = vector.shape_cast %get3A_665 : vector<16xf32> to vector<16xf32>
      %sub3A_667 = arith.subf %get3A_666, %convert_element_type3A_663 : vector<16xf32>
      %get3A_668 = arith.index_cast %multiple_of3A_653 : i32 to index
      %get3A_669 = tpu.vector_load %arg9[%get3A_668] {strides = array<i32>} : memref<8192xf32, #tpu.memory_space<vmem>>, vector<16xf32>,
      %get3A_670 = vector.shape_cast %get3A_669 : vector<16xf32> to vector<16xf32>
      %sub3A_671 = arith.subf %get3A_670, %convert_element_type3A_659 : vector<16xf32>
      %mul3A_672 = arith.mulf %sub3A_667, %sub3A_667 : vector<16xf32>
      %add3A_673 = arith.addf %add3A_648, %mul3A_672 : vector<16xf32>
      %mul3A_674 = arith.mulf %sub3A_671, %sub3A_671 : vector<16xf32>
      %add3A_675 = arith.addf %add3A_673, %mul3A_674 : vector<16xf32>
      %scan3A_676 = arith.constant 2 : i32
      %scan3A_677 = arith.addi %scan3A_628, %scan3A_676 : i32
      %mul3A_678 = arith.constant 16 : i32
      %mul3A_679 = arith.muli %scan3A_677, %mul3A_678 : i32
      %multiple_of3A_680 = tpu.assume_multiple %mul3A_679, 16 : i32
      %get3A_681 = arith.index_cast %multiple_of3A_680 : i32 to index
      %get3A_682 = tpu.vector_load %arg15[%get3A_681] {strides = array<i32>} : memref<8192xf32, #tpu.memory_space<vmem>>, vector<16xf32>,
      %get3A_683 = vector.shape_cast %get3A_682 : vector<16xf32> to vector<16xf32>
      %convert_element_type3A_684 = arith.fptosi %get3A_683 : vector<16xf32> to vector<16xi32>
      %and3A_685 = arith.andi %convert_element_type3A_684, %broadcast_in_dim3A_590 : vector<16xi32>
      %convert_element_type3A_686 = arith.sitofp %and3A_685 : vector<16xi32> to vector<16xf32>
      %shift_right_logical3A_687 = arith.constant 12 : i32
      %shift_right_logical3A_688 = vector.broadcast %shift_right_logical3A_687 : i32 to vector<16xi32>
      %shift_right_logical3A_689 = arith.shrui %convert_element_type3A_684, %shift_right_logical3A_688 : vector<16xi32>
      %convert_element_type3A_690 = arith.sitofp %shift_right_logical3A_689 : vector<16xi32> to vector<16xf32>
      %get3A_691 = arith.index_cast %multiple_of3A_680 : i32 to index
      %get3A_692 = tpu.vector_load %arg6[%get3A_691] {strides = array<i32>} : memref<8192xf32, #tpu.memory_space<vmem>>, vector<16xf32>,
      %get3A_693 = vector.shape_cast %get3A_692 : vector<16xf32> to vector<16xf32>
      %sub3A_694 = arith.subf %get3A_693, %convert_element_type3A_690 : vector<16xf32>
      %get3A_695 = arith.index_cast %multiple_of3A_680 : i32 to index
      %get3A_696 = tpu.vector_load %arg9[%get3A_695] {strides = array<i32>} : memref<8192xf32, #tpu.memory_space<vmem>>, vector<16xf32>,
      %get3A_697 = vector.shape_cast %get3A_696 : vector<16xf32> to vector<16xf32>
      %sub3A_698 = arith.subf %get3A_697, %convert_element_type3A_686 : vector<16xf32>
      %mul3A_699 = arith.mulf %sub3A_694, %sub3A_694 : vector<16xf32>
      %add3A_700 = arith.addf %add3A_675, %mul3A_699 : vector<16xf32>
      %mul3A_701 = arith.mulf %sub3A_698, %sub3A_698 : vector<16xf32>
      %add3A_702 = arith.addf %add3A_700, %mul3A_701 : vector<16xf32>
      %scan3A_703 = arith.constant 3 : i32
      %scan3A_704 = arith.addi %scan3A_628, %scan3A_703 : i32
      %mul3A_705 = arith.constant 16 : i32
      %mul3A_706 = arith.muli %scan3A_704, %mul3A_705 : i32
      %multiple_of3A_707 = tpu.assume_multiple %mul3A_706, 16 : i32
      %get3A_708 = arith.index_cast %multiple_of3A_707 : i32 to index
      %get3A_709 = tpu.vector_load %arg15[%get3A_708] {strides = array<i32>} : memref<8192xf32, #tpu.memory_space<vmem>>, vector<16xf32>,
      %get3A_710 = vector.shape_cast %get3A_709 : vector<16xf32> to vector<16xf32>
      %convert_element_type3A_711 = arith.fptosi %get3A_710 : vector<16xf32> to vector<16xi32>
      %and3A_712 = arith.andi %convert_element_type3A_711, %broadcast_in_dim3A_590 : vector<16xi32>
      %convert_element_type3A_713 = arith.sitofp %and3A_712 : vector<16xi32> to vector<16xf32>
      %shift_right_logical3A_714 = arith.constant 12 : i32
      %shift_right_logical3A_715 = vector.broadcast %shift_right_logical3A_714 : i32 to vector<16xi32>
      %shift_right_logical3A_716 = arith.shrui %convert_element_type3A_711, %shift_right_logical3A_715 : vector<16xi32>
      %convert_element_type3A_717 = arith.sitofp %shift_right_logical3A_716 : vector<16xi32> to vector<16xf32>
      %get3A_718 = arith.index_cast %multiple_of3A_707 : i32 to index
      %get3A_719 = tpu.vector_load %arg6[%get3A_718] {strides = array<i32>} : memref<8192xf32, #tpu.memory_space<vmem>>, vector<16xf32>,
      %get3A_720 = vector.shape_cast %get3A_719 : vector<16xf32> to vector<16xf32>
      %sub3A_721 = arith.subf %get3A_720, %convert_element_type3A_717 : vector<16xf32>
      %get3A_722 = arith.index_cast %multiple_of3A_707 : i32 to index
      %get3A_723 = tpu.vector_load %arg9[%get3A_722] {strides = array<i32>} : memref<8192xf32, #tpu.memory_space<vmem>>, vector<16xf32>,
      %get3A_724 = vector.shape_cast %get3A_723 : vector<16xf32> to vector<16xf32>
      %sub3A_725 = arith.subf %get3A_724, %convert_element_type3A_713 : vector<16xf32>
      %mul3A_726 = arith.mulf %sub3A_721, %sub3A_721 : vector<16xf32>
      %add3A_727 = arith.addf %add3A_702, %mul3A_726 : vector<16xf32>
      %mul3A_728 = arith.mulf %sub3A_725, %sub3A_725 : vector<16xf32>
      %add3A_729 = arith.addf %add3A_727, %mul3A_728 : vector<16xf32>
      %scan3A_730 = arith.constant 4 : i32
      %scan3A_731 = arith.addi %scan3A_628, %scan3A_730 : i32
      %mul3A_732 = arith.constant 16 : i32
      %mul3A_733 = arith.muli %scan3A_731, %mul3A_732 : i32
      %multiple_of3A_734 = tpu.assume_multiple %mul3A_733, 16 : i32
      %get3A_735 = arith.index_cast %multiple_of3A_734 : i32 to index
      %get3A_736 = tpu.vector_load %arg15[%get3A_735] {strides = array<i32>} : memref<8192xf32, #tpu.memory_space<vmem>>, vector<16xf32>,
      %get3A_737 = vector.shape_cast %get3A_736 : vector<16xf32> to vector<16xf32>
      %convert_element_type3A_738 = arith.fptosi %get3A_737 : vector<16xf32> to vector<16xi32>
      %and3A_739 = arith.andi %convert_element_type3A_738, %broadcast_in_dim3A_590 : vector<16xi32>
      %convert_element_type3A_740 = arith.sitofp %and3A_739 : vector<16xi32> to vector<16xf32>
      %shift_right_logical3A_741 = arith.constant 12 : i32
      %shift_right_logical3A_742 = vector.broadcast %shift_right_logical3A_741 : i32 to vector<16xi32>
      %shift_right_logical3A_743 = arith.shrui %convert_element_type3A_738, %shift_right_logical3A_742 : vector<16xi32>
      %convert_element_type3A_744 = arith.sitofp %shift_right_logical3A_743 : vector<16xi32> to vector<16xf32>
      %get3A_745 = arith.index_cast %multiple_of3A_734 : i32 to index
      %get3A_746 = tpu.vector_load %arg6[%get3A_745] {strides = array<i32>} : memref<8192xf32, #tpu.memory_space<vmem>>, vector<16xf32>,
      %get3A_747 = vector.shape_cast %get3A_746 : vector<16xf32> to vector<16xf32>
      %sub3A_748 = arith.subf %get3A_747, %convert_element_type3A_744 : vector<16xf32>
      %get3A_749 = arith.index_cast %multiple_of3A_734 : i32 to index
      %get3A_750 = tpu.vector_load %arg9[%get3A_749] {strides = array<i32>} : memref<8192xf32, #tpu.memory_space<vmem>>, vector<16xf32>,
      %get3A_751 = vector.shape_cast %get3A_750 : vector<16xf32> to vector<16xf32>
      %sub3A_752 = arith.subf %get3A_751, %convert_element_type3A_740 : vector<16xf32>
      %mul3A_753 = arith.mulf %sub3A_748, %sub3A_748 : vector<16xf32>
      %add3A_754 = arith.addf %add3A_729, %mul3A_753 : vector<16xf32>
      %mul3A_755 = arith.mulf %sub3A_752, %sub3A_752 : vector<16xf32>
      %add3A_756 = arith.addf %add3A_754, %mul3A_755 : vector<16xf32>
      %scan3A_757 = arith.constant 5 : i32
      %scan3A_758 = arith.addi %scan3A_628, %scan3A_757 : i32
      %mul3A_759 = arith.constant 16 : i32
      %mul3A_760 = arith.muli %scan3A_758, %mul3A_759 : i32
      %multiple_of3A_761 = tpu.assume_multiple %mul3A_760, 16 : i32
      %get3A_762 = arith.index_cast %multiple_of3A_761 : i32 to index
      %get3A_763 = tpu.vector_load %arg15[%get3A_762] {strides = array<i32>} : memref<8192xf32, #tpu.memory_space<vmem>>, vector<16xf32>,
      %get3A_764 = vector.shape_cast %get3A_763 : vector<16xf32> to vector<16xf32>
      %convert_element_type3A_765 = arith.fptosi %get3A_764 : vector<16xf32> to vector<16xi32>
      %and3A_766 = arith.andi %convert_element_type3A_765, %broadcast_in_dim3A_590 : vector<16xi32>
      %convert_element_type3A_767 = arith.sitofp %and3A_766 : vector<16xi32> to vector<16xf32>
      %shift_right_logical3A_768 = arith.constant 12 : i32
      %shift_right_logical3A_769 = vector.broadcast %shift_right_logical3A_768 : i32 to vector<16xi32>
      %shift_right_logical3A_770 = arith.shrui %convert_element_type3A_765, %shift_right_logical3A_769 : vector<16xi32>
      %convert_element_type3A_771 = arith.sitofp %shift_right_logical3A_770 : vector<16xi32> to vector<16xf32>
      %get3A_772 = arith.index_cast %multiple_of3A_761 : i32 to index
      %get3A_773 = tpu.vector_load %arg6[%get3A_772] {strides = array<i32>} : memref<8192xf32, #tpu.memory_space<vmem>>, vector<16xf32>,
      %get3A_774 = vector.shape_cast %get3A_773 : vector<16xf32> to vector<16xf32>
      %sub3A_775 = arith.subf %get3A_774, %convert_element_type3A_771 : vector<16xf32>
      %get3A_776 = arith.index_cast %multiple_of3A_761 : i32 to index
      %get3A_777 = tpu.vector_load %arg9[%get3A_776] {strides = array<i32>} : memref<8192xf32, #tpu.memory_space<vmem>>, vector<16xf32>,
      %get3A_778 = vector.shape_cast %get3A_777 : vector<16xf32> to vector<16xf32>
      %sub3A_779 = arith.subf %get3A_778, %convert_element_type3A_767 : vector<16xf32>
      %mul3A_780 = arith.mulf %sub3A_775, %sub3A_775 : vector<16xf32>
      %add3A_781 = arith.addf %add3A_756, %mul3A_780 : vector<16xf32>
      %mul3A_782 = arith.mulf %sub3A_779, %sub3A_779 : vector<16xf32>
      %add3A_783 = arith.addf %add3A_781, %mul3A_782 : vector<16xf32>
      %scan3A_784 = arith.constant 6 : i32
      %scan3A_785 = arith.addi %scan3A_628, %scan3A_784 : i32
      %mul3A_786 = arith.constant 16 : i32
      %mul3A_787 = arith.muli %scan3A_785, %mul3A_786 : i32
      %multiple_of3A_788 = tpu.assume_multiple %mul3A_787, 16 : i32
      %get3A_789 = arith.index_cast %multiple_of3A_788 : i32 to index
      %get3A_790 = tpu.vector_load %arg15[%get3A_789] {strides = array<i32>} : memref<8192xf32, #tpu.memory_space<vmem>>, vector<16xf32>,
      %get3A_791 = vector.shape_cast %get3A_790 : vector<16xf32> to vector<16xf32>
      %convert_element_type3A_792 = arith.fptosi %get3A_791 : vector<16xf32> to vector<16xi32>
      %and3A_793 = arith.andi %convert_element_type3A_792, %broadcast_in_dim3A_590 : vector<16xi32>
      %convert_element_type3A_794 = arith.sitofp %and3A_793 : vector<16xi32> to vector<16xf32>
      %shift_right_logical3A_795 = arith.constant 12 : i32
      %shift_right_logical3A_796 = vector.broadcast %shift_right_logical3A_795 : i32 to vector<16xi32>
      %shift_right_logical3A_797 = arith.shrui %convert_element_type3A_792, %shift_right_logical3A_796 : vector<16xi32>
      %convert_element_type3A_798 = arith.sitofp %shift_right_logical3A_797 : vector<16xi32> to vector<16xf32>
      %get3A_799 = arith.index_cast %multiple_of3A_788 : i32 to index
      %get3A_800 = tpu.vector_load %arg6[%get3A_799] {strides = array<i32>} : memref<8192xf32, #tpu.memory_space<vmem>>, vector<16xf32>,
      %get3A_801 = vector.shape_cast %get3A_800 : vector<16xf32> to vector<16xf32>
      %sub3A_802 = arith.subf %get3A_801, %convert_element_type3A_798 : vector<16xf32>
      %get3A_803 = arith.index_cast %multiple_of3A_788 : i32 to index
      %get3A_804 = tpu.vector_load %arg9[%get3A_803] {strides = array<i32>} : memref<8192xf32, #tpu.memory_space<vmem>>, vector<16xf32>,
      %get3A_805 = vector.shape_cast %get3A_804 : vector<16xf32> to vector<16xf32>
      %sub3A_806 = arith.subf %get3A_805, %convert_element_type3A_794 : vector<16xf32>
      %mul3A_807 = arith.mulf %sub3A_802, %sub3A_802 : vector<16xf32>
      %add3A_808 = arith.addf %add3A_783, %mul3A_807 : vector<16xf32>
      %mul3A_809 = arith.mulf %sub3A_806, %sub3A_806 : vector<16xf32>
      %add3A_810 = arith.addf %add3A_808, %mul3A_809 : vector<16xf32>
      %scan3A_811 = arith.constant 7 : i32
      %scan3A_812 = arith.addi %scan3A_628, %scan3A_811 : i32
      %mul3A_813 = arith.constant 16 : i32
      %mul3A_814 = arith.muli %scan3A_812, %mul3A_813 : i32
      %multiple_of3A_815 = tpu.assume_multiple %mul3A_814, 16 : i32
      %get3A_816 = arith.index_cast %multiple_of3A_815 : i32 to index
      %get3A_817 = tpu.vector_load %arg15[%get3A_816] {strides = array<i32>} : memref<8192xf32, #tpu.memory_space<vmem>>, vector<16xf32>,
      %get3A_818 = vector.shape_cast %get3A_817 : vector<16xf32> to vector<16xf32>
      %convert_element_type3A_819 = arith.fptosi %get3A_818 : vector<16xf32> to vector<16xi32>
      %and3A_820 = arith.andi %convert_element_type3A_819, %broadcast_in_dim3A_590 : vector<16xi32>
      %convert_element_type3A_821 = arith.sitofp %and3A_820 : vector<16xi32> to vector<16xf32>
      %shift_right_logical3A_822 = arith.constant 12 : i32
      %shift_right_logical3A_823 = vector.broadcast %shift_right_logical3A_822 : i32 to vector<16xi32>
      %shift_right_logical3A_824 = arith.shrui %convert_element_type3A_819, %shift_right_logical3A_823 : vector<16xi32>
      %convert_element_type3A_825 = arith.sitofp %shift_right_logical3A_824 : vector<16xi32> to vector<16xf32>
      %get3A_826 = arith.index_cast %multiple_of3A_815 : i32 to index
      %get3A_827 = tpu.vector_load %arg6[%get3A_826] {strides = array<i32>} : memref<8192xf32, #tpu.memory_space<vmem>>, vector<16xf32>,
      %get3A_828 = vector.shape_cast %get3A_827 : vector<16xf32> to vector<16xf32>
      %sub3A_829 = arith.subf %get3A_828, %convert_element_type3A_825 : vector<16xf32>
      %get3A_830 = arith.index_cast %multiple_of3A_815 : i32 to index
      %get3A_831 = tpu.vector_load %arg9[%get3A_830] {strides = array<i32>} : memref<8192xf32, #tpu.memory_space<vmem>>, vector<16xf32>,
      %get3A_832 = vector.shape_cast %get3A_831 : vector<16xf32> to vector<16xf32>
      %sub3A_833 = arith.subf %get3A_832, %convert_element_type3A_821 : vector<16xf32>
      %mul3A_834 = arith.mulf %sub3A_829, %sub3A_829 : vector<16xf32>
      %add3A_835 = arith.addf %add3A_810, %mul3A_834 : vector<16xf32>
      %mul3A_836 = arith.mulf %sub3A_833, %sub3A_833 : vector<16xf32>
      %add3A_837 = arith.addf %add3A_835, %mul3A_836 : vector<16xf32>
      scf.yield %add3A_837 : vector<16xf32>
    }
    %scan3A_596 = arith.constant 512 : i32
    %dma_wait3A_597 = arith.constant 1 : i32
    %dma_wait3A_598 = arith.constant 0 : i32
    %dma_wait3A_599 = arith.constant 0 : i32
    %dma_wait3A_600 = tpu.memref_slice %arg16[%dma_wait3A_599] : memref<8192xf32, #tpu.memory_space<vmem>> -> memref<4096xf32, #tpu.memory_space<vmem>>
    %dma_wait3A_601 = arith.constant 0 : i32
    %dma_wait3A_602 = tpu.memref_slice %arg13[%dma_wait3A_601] : memref<8192xi32, #tpu.memory_space<vmem>> -> memref<4096xi32, #tpu.memory_space<vmem>>
    %dma_wait3A_603 = arith.constant 0 : i32
    %dma_wait3A_604 = tpu.memref_slice %arg2[%dma_wait3A_603] : memref<4194304xf32, #tpu.memory_space<hbm>> -> memref<4194304xf32, #tpu.memory_space<hbm>>
    %dma_wait3A_605 = tpu.memref_slice %arg21[%dma_wait3A_597, %dma_wait3A_598] : memref<3x2x!tpu.dma_semaphore, #tpu.memory_space<semaphore_mem>> -> memref<1x1x!tpu.dma_semaphore, #tpu.memory_space<semaphore_mem>>
    %dma_wait3A_606 = tpu.memref_squeeze %dma_wait3A_605 : memref<1x1x!tpu.dma_semaphore, #tpu.memory_space<semaphore_mem>> -> memref<!tpu.dma_semaphore, #tpu.memory_space<semaphore_mem>>
    tpu.wait_indirect_dma semaphore(%dma_wait3A_606 : memref<!tpu.dma_semaphore, #tpu.memory_space<semaphore_mem>>) src(%dma_wait3A_604 : memref<4194304xf32, #tpu.memory_space<hbm>>) dst(%dma_wait3A_600 : memref<4096xf32, #tpu.memory_space<vmem>>)
    %dma_wait3A_607 = arith.constant 1 : i32
    %dma_wait3A_608 = arith.constant 1 : i32
    %dma_wait3A_609 = arith.constant 4096 : i32
    %dma_wait3A_610 = tpu.memref_slice %arg16[%dma_wait3A_609] : memref<8192xf32, #tpu.memory_space<vmem>> -> memref<4096xf32, #tpu.memory_space<vmem>>
    %dma_wait3A_611 = arith.constant 4096 : i32
    %dma_wait3A_612 = tpu.memref_slice %arg13[%dma_wait3A_611] : memref<8192xi32, #tpu.memory_space<vmem>> -> memref<4096xi32, #tpu.memory_space<vmem>>
    %dma_wait3A_613 = arith.constant 0 : i32
    %dma_wait3A_614 = tpu.memref_slice %arg2[%dma_wait3A_613] : memref<4194304xf32, #tpu.memory_space<hbm>> -> memref<4194304xf32, #tpu.memory_space<hbm>>
    %dma_wait3A_615 = tpu.memref_slice %arg21[%dma_wait3A_607, %dma_wait3A_608] : memref<3x2x!tpu.dma_semaphore, #tpu.memory_space<semaphore_mem>> -> memref<1x1x!tpu.dma_semaphore, #tpu.memory_space<semaphore_mem>>
    %dma_wait3A_616 = tpu.memref_squeeze %dma_wait3A_615 : memref<1x1x!tpu.dma_semaphore, #tpu.memory_space<semaphore_mem>> -> memref<!tpu.dma_semaphore, #tpu.memory_space<semaphore_mem>>
    tpu.wait_indirect_dma semaphore(%dma_wait3A_616 : memref<!tpu.dma_semaphore, #tpu.memory_space<semaphore_mem>>) src(%dma_wait3A_614 : memref<4194304xf32, #tpu.memory_space<hbm>>) dst(%dma_wait3A_610 : memref<4096xf32, #tpu.memory_space<vmem>>)
    %broadcast_in_dim3A_617 = arith.constant 4095 : i32
    %broadcast_in_dim3A_618 = vector.broadcast %broadcast_in_dim3A_617 : i32 to vector<16xi32>
    %scan3A_619 = arith.constant 0 : i32
    %scan3A_620 = arith.constant 512 : i32
    %scan3A_621 = arith.addi %scan3A_619, %scan3A_620 : i32
    %scan3A_622 = arith.constant 8 : i32
    %scan3A_623 = scf.for %scan3A_628 = %scan3A_619 to %scan3A_621 step %scan3A_622 iter_args(%scan3A_629 = %scan3A_595) -> (vector<16xf32>)  : i32 {
      %mul3A_630 = arith.constant 16 : i32
      %mul3A_631 = arith.muli %scan3A_628, %mul3A_630 : i32
      %multiple_of3A = tpu.assume_multiple %mul3A_631, 16 : i32
      %get3A = arith.index_cast %multiple_of3A : i32 to index
      %get3A_632 = tpu.vector_load %arg16[%get3A] {strides = array<i32>} : memref<8192xf32, #tpu.memory_space<vmem>>, vector<16xf32>,
      %get3A_633 = vector.shape_cast %get3A_632 : vector<16xf32> to vector<16xf32>
      %convert_element_type3A = arith.fptosi %get3A_633 : vector<16xf32> to vector<16xi32>
      %and3A = arith.andi %convert_element_type3A, %broadcast_in_dim3A_618 : vector<16xi32>
      %convert_element_type3A_634 = arith.sitofp %and3A : vector<16xi32> to vector<16xf32>
      %shift_right_logical3A = arith.constant 12 : i32
      %shift_right_logical3A_635 = vector.broadcast %shift_right_logical3A : i32 to vector<16xi32>
      %shift_right_logical3A_636 = arith.shrui %convert_element_type3A, %shift_right_logical3A_635 : vector<16xi32>
      %convert_element_type3A_637 = arith.sitofp %shift_right_logical3A_636 : vector<16xi32> to vector<16xf32>
      %get3A_638 = arith.index_cast %multiple_of3A : i32 to index
      %get3A_639 = tpu.vector_load %arg7[%get3A_638] {strides = array<i32>} : memref<8192xf32, #tpu.memory_space<vmem>>, vector<16xf32>,
      %get3A_640 = vector.shape_cast %get3A_639 : vector<16xf32> to vector<16xf32>
      %sub3A = arith.subf %get3A_640, %convert_element_type3A_637 : vector<16xf32>
      %get3A_641 = arith.index_cast %multiple_of3A : i32 to index
      %get3A_642 = tpu.vector_load %arg10[%get3A_641] {strides = array<i32>} : memref<8192xf32, #tpu.memory_space<vmem>>, vector<16xf32>,
      %get3A_643 = vector.shape_cast %get3A_642 : vector<16xf32> to vector<16xf32>
      %sub3A_644 = arith.subf %get3A_643, %convert_element_type3A_634 : vector<16xf32>
      %mul3A_645 = arith.mulf %sub3A, %sub3A : vector<16xf32>
      %add3A_646 = arith.addf %scan3A_629, %mul3A_645 : vector<16xf32>
      %mul3A_647 = arith.mulf %sub3A_644, %sub3A_644 : vector<16xf32>
      %add3A_648 = arith.addf %add3A_646, %mul3A_647 : vector<16xf32>
      %scan3A_649 = arith.constant 1 : i32
      %scan3A_650 = arith.addi %scan3A_628, %scan3A_649 : i32
      %mul3A_651 = arith.constant 16 : i32
      %mul3A_652 = arith.muli %scan3A_650, %mul3A_651 : i32
      %multiple_of3A_653 = tpu.assume_multiple %mul3A_652, 16 : i32
      %get3A_654 = arith.index_cast %multiple_of3A_653 : i32 to index
      %get3A_655 = tpu.vector_load %arg16[%get3A_654] {strides = array<i32>} : memref<8192xf32, #tpu.memory_space<vmem>>, vector<16xf32>,
      %get3A_656 = vector.shape_cast %get3A_655 : vector<16xf32> to vector<16xf32>
      %convert_element_type3A_657 = arith.fptosi %get3A_656 : vector<16xf32> to vector<16xi32>
      %and3A_658 = arith.andi %convert_element_type3A_657, %broadcast_in_dim3A_618 : vector<16xi32>
      %convert_element_type3A_659 = arith.sitofp %and3A_658 : vector<16xi32> to vector<16xf32>
      %shift_right_logical3A_660 = arith.constant 12 : i32
      %shift_right_logical3A_661 = vector.broadcast %shift_right_logical3A_660 : i32 to vector<16xi32>
      %shift_right_logical3A_662 = arith.shrui %convert_element_type3A_657, %shift_right_logical3A_661 : vector<16xi32>
      %convert_element_type3A_663 = arith.sitofp %shift_right_logical3A_662 : vector<16xi32> to vector<16xf32>
      %get3A_664 = arith.index_cast %multiple_of3A_653 : i32 to index
      %get3A_665 = tpu.vector_load %arg7[%get3A_664] {strides = array<i32>} : memref<8192xf32, #tpu.memory_space<vmem>>, vector<16xf32>,
      %get3A_666 = vector.shape_cast %get3A_665 : vector<16xf32> to vector<16xf32>
      %sub3A_667 = arith.subf %get3A_666, %convert_element_type3A_663 : vector<16xf32>
      %get3A_668 = arith.index_cast %multiple_of3A_653 : i32 to index
      %get3A_669 = tpu.vector_load %arg10[%get3A_668] {strides = array<i32>} : memref<8192xf32, #tpu.memory_space<vmem>>, vector<16xf32>,
      %get3A_670 = vector.shape_cast %get3A_669 : vector<16xf32> to vector<16xf32>
      %sub3A_671 = arith.subf %get3A_670, %convert_element_type3A_659 : vector<16xf32>
      %mul3A_672 = arith.mulf %sub3A_667, %sub3A_667 : vector<16xf32>
      %add3A_673 = arith.addf %add3A_648, %mul3A_672 : vector<16xf32>
      %mul3A_674 = arith.mulf %sub3A_671, %sub3A_671 : vector<16xf32>
      %add3A_675 = arith.addf %add3A_673, %mul3A_674 : vector<16xf32>
      %scan3A_676 = arith.constant 2 : i32
      %scan3A_677 = arith.addi %scan3A_628, %scan3A_676 : i32
      %mul3A_678 = arith.constant 16 : i32
      %mul3A_679 = arith.muli %scan3A_677, %mul3A_678 : i32
      %multiple_of3A_680 = tpu.assume_multiple %mul3A_679, 16 : i32
      %get3A_681 = arith.index_cast %multiple_of3A_680 : i32 to index
      %get3A_682 = tpu.vector_load %arg16[%get3A_681] {strides = array<i32>} : memref<8192xf32, #tpu.memory_space<vmem>>, vector<16xf32>,
      %get3A_683 = vector.shape_cast %get3A_682 : vector<16xf32> to vector<16xf32>
      %convert_element_type3A_684 = arith.fptosi %get3A_683 : vector<16xf32> to vector<16xi32>
      %and3A_685 = arith.andi %convert_element_type3A_684, %broadcast_in_dim3A_618 : vector<16xi32>
      %convert_element_type3A_686 = arith.sitofp %and3A_685 : vector<16xi32> to vector<16xf32>
      %shift_right_logical3A_687 = arith.constant 12 : i32
      %shift_right_logical3A_688 = vector.broadcast %shift_right_logical3A_687 : i32 to vector<16xi32>
      %shift_right_logical3A_689 = arith.shrui %convert_element_type3A_684, %shift_right_logical3A_688 : vector<16xi32>
      %convert_element_type3A_690 = arith.sitofp %shift_right_logical3A_689 : vector<16xi32> to vector<16xf32>
      %get3A_691 = arith.index_cast %multiple_of3A_680 : i32 to index
      %get3A_692 = tpu.vector_load %arg7[%get3A_691] {strides = array<i32>} : memref<8192xf32, #tpu.memory_space<vmem>>, vector<16xf32>,
      %get3A_693 = vector.shape_cast %get3A_692 : vector<16xf32> to vector<16xf32>
      %sub3A_694 = arith.subf %get3A_693, %convert_element_type3A_690 : vector<16xf32>
      %get3A_695 = arith.index_cast %multiple_of3A_680 : i32 to index
      %get3A_696 = tpu.vector_load %arg10[%get3A_695] {strides = array<i32>} : memref<8192xf32, #tpu.memory_space<vmem>>, vector<16xf32>,
      %get3A_697 = vector.shape_cast %get3A_696 : vector<16xf32> to vector<16xf32>
      %sub3A_698 = arith.subf %get3A_697, %convert_element_type3A_686 : vector<16xf32>
      %mul3A_699 = arith.mulf %sub3A_694, %sub3A_694 : vector<16xf32>
      %add3A_700 = arith.addf %add3A_675, %mul3A_699 : vector<16xf32>
      %mul3A_701 = arith.mulf %sub3A_698, %sub3A_698 : vector<16xf32>
      %add3A_702 = arith.addf %add3A_700, %mul3A_701 : vector<16xf32>
      %scan3A_703 = arith.constant 3 : i32
      %scan3A_704 = arith.addi %scan3A_628, %scan3A_703 : i32
      %mul3A_705 = arith.constant 16 : i32
      %mul3A_706 = arith.muli %scan3A_704, %mul3A_705 : i32
      %multiple_of3A_707 = tpu.assume_multiple %mul3A_706, 16 : i32
      %get3A_708 = arith.index_cast %multiple_of3A_707 : i32 to index
      %get3A_709 = tpu.vector_load %arg16[%get3A_708] {strides = array<i32>} : memref<8192xf32, #tpu.memory_space<vmem>>, vector<16xf32>,
      %get3A_710 = vector.shape_cast %get3A_709 : vector<16xf32> to vector<16xf32>
      %convert_element_type3A_711 = arith.fptosi %get3A_710 : vector<16xf32> to vector<16xi32>
      %and3A_712 = arith.andi %convert_element_type3A_711, %broadcast_in_dim3A_618 : vector<16xi32>
      %convert_element_type3A_713 = arith.sitofp %and3A_712 : vector<16xi32> to vector<16xf32>
      %shift_right_logical3A_714 = arith.constant 12 : i32
      %shift_right_logical3A_715 = vector.broadcast %shift_right_logical3A_714 : i32 to vector<16xi32>
      %shift_right_logical3A_716 = arith.shrui %convert_element_type3A_711, %shift_right_logical3A_715 : vector<16xi32>
      %convert_element_type3A_717 = arith.sitofp %shift_right_logical3A_716 : vector<16xi32> to vector<16xf32>
      %get3A_718 = arith.index_cast %multiple_of3A_707 : i32 to index
      %get3A_719 = tpu.vector_load %arg7[%get3A_718] {strides = array<i32>} : memref<8192xf32, #tpu.memory_space<vmem>>, vector<16xf32>,
      %get3A_720 = vector.shape_cast %get3A_719 : vector<16xf32> to vector<16xf32>
      %sub3A_721 = arith.subf %get3A_720, %convert_element_type3A_717 : vector<16xf32>
      %get3A_722 = arith.index_cast %multiple_of3A_707 : i32 to index
      %get3A_723 = tpu.vector_load %arg10[%get3A_722] {strides = array<i32>} : memref<8192xf32, #tpu.memory_space<vmem>>, vector<16xf32>,
      %get3A_724 = vector.shape_cast %get3A_723 : vector<16xf32> to vector<16xf32>
      %sub3A_725 = arith.subf %get3A_724, %convert_element_type3A_713 : vector<16xf32>
      %mul3A_726 = arith.mulf %sub3A_721, %sub3A_721 : vector<16xf32>
      %add3A_727 = arith.addf %add3A_702, %mul3A_726 : vector<16xf32>
      %mul3A_728 = arith.mulf %sub3A_725, %sub3A_725 : vector<16xf32>
      %add3A_729 = arith.addf %add3A_727, %mul3A_728 : vector<16xf32>
      %scan3A_730 = arith.constant 4 : i32
      %scan3A_731 = arith.addi %scan3A_628, %scan3A_730 : i32
      %mul3A_732 = arith.constant 16 : i32
      %mul3A_733 = arith.muli %scan3A_731, %mul3A_732 : i32
      %multiple_of3A_734 = tpu.assume_multiple %mul3A_733, 16 : i32
      %get3A_735 = arith.index_cast %multiple_of3A_734 : i32 to index
      %get3A_736 = tpu.vector_load %arg16[%get3A_735] {strides = array<i32>} : memref<8192xf32, #tpu.memory_space<vmem>>, vector<16xf32>,
      %get3A_737 = vector.shape_cast %get3A_736 : vector<16xf32> to vector<16xf32>
      %convert_element_type3A_738 = arith.fptosi %get3A_737 : vector<16xf32> to vector<16xi32>
      %and3A_739 = arith.andi %convert_element_type3A_738, %broadcast_in_dim3A_618 : vector<16xi32>
      %convert_element_type3A_740 = arith.sitofp %and3A_739 : vector<16xi32> to vector<16xf32>
      %shift_right_logical3A_741 = arith.constant 12 : i32
      %shift_right_logical3A_742 = vector.broadcast %shift_right_logical3A_741 : i32 to vector<16xi32>
      %shift_right_logical3A_743 = arith.shrui %convert_element_type3A_738, %shift_right_logical3A_742 : vector<16xi32>
      %convert_element_type3A_744 = arith.sitofp %shift_right_logical3A_743 : vector<16xi32> to vector<16xf32>
      %get3A_745 = arith.index_cast %multiple_of3A_734 : i32 to index
      %get3A_746 = tpu.vector_load %arg7[%get3A_745] {strides = array<i32>} : memref<8192xf32, #tpu.memory_space<vmem>>, vector<16xf32>,
      %get3A_747 = vector.shape_cast %get3A_746 : vector<16xf32> to vector<16xf32>
      %sub3A_748 = arith.subf %get3A_747, %convert_element_type3A_744 : vector<16xf32>
      %get3A_749 = arith.index_cast %multiple_of3A_734 : i32 to index
      %get3A_750 = tpu.vector_load %arg10[%get3A_749] {strides = array<i32>} : memref<8192xf32, #tpu.memory_space<vmem>>, vector<16xf32>,
      %get3A_751 = vector.shape_cast %get3A_750 : vector<16xf32> to vector<16xf32>
      %sub3A_752 = arith.subf %get3A_751, %convert_element_type3A_740 : vector<16xf32>
      %mul3A_753 = arith.mulf %sub3A_748, %sub3A_748 : vector<16xf32>
      %add3A_754 = arith.addf %add3A_729, %mul3A_753 : vector<16xf32>
      %mul3A_755 = arith.mulf %sub3A_752, %sub3A_752 : vector<16xf32>
      %add3A_756 = arith.addf %add3A_754, %mul3A_755 : vector<16xf32>
      %scan3A_757 = arith.constant 5 : i32
      %scan3A_758 = arith.addi %scan3A_628, %scan3A_757 : i32
      %mul3A_759 = arith.constant 16 : i32
      %mul3A_760 = arith.muli %scan3A_758, %mul3A_759 : i32
      %multiple_of3A_761 = tpu.assume_multiple %mul3A_760, 16 : i32
      %get3A_762 = arith.index_cast %multiple_of3A_761 : i32 to index
      %get3A_763 = tpu.vector_load %arg16[%get3A_762] {strides = array<i32>} : memref<8192xf32, #tpu.memory_space<vmem>>, vector<16xf32>,
      %get3A_764 = vector.shape_cast %get3A_763 : vector<16xf32> to vector<16xf32>
      %convert_element_type3A_765 = arith.fptosi %get3A_764 : vector<16xf32> to vector<16xi32>
      %and3A_766 = arith.andi %convert_element_type3A_765, %broadcast_in_dim3A_618 : vector<16xi32>
      %convert_element_type3A_767 = arith.sitofp %and3A_766 : vector<16xi32> to vector<16xf32>
      %shift_right_logical3A_768 = arith.constant 12 : i32
      %shift_right_logical3A_769 = vector.broadcast %shift_right_logical3A_768 : i32 to vector<16xi32>
      %shift_right_logical3A_770 = arith.shrui %convert_element_type3A_765, %shift_right_logical3A_769 : vector<16xi32>
      %convert_element_type3A_771 = arith.sitofp %shift_right_logical3A_770 : vector<16xi32> to vector<16xf32>
      %get3A_772 = arith.index_cast %multiple_of3A_761 : i32 to index
      %get3A_773 = tpu.vector_load %arg7[%get3A_772] {strides = array<i32>} : memref<8192xf32, #tpu.memory_space<vmem>>, vector<16xf32>,
      %get3A_774 = vector.shape_cast %get3A_773 : vector<16xf32> to vector<16xf32>
      %sub3A_775 = arith.subf %get3A_774, %convert_element_type3A_771 : vector<16xf32>
      %get3A_776 = arith.index_cast %multiple_of3A_761 : i32 to index
      %get3A_777 = tpu.vector_load %arg10[%get3A_776] {strides = array<i32>} : memref<8192xf32, #tpu.memory_space<vmem>>, vector<16xf32>,
      %get3A_778 = vector.shape_cast %get3A_777 : vector<16xf32> to vector<16xf32>
      %sub3A_779 = arith.subf %get3A_778, %convert_element_type3A_767 : vector<16xf32>
      %mul3A_780 = arith.mulf %sub3A_775, %sub3A_775 : vector<16xf32>
      %add3A_781 = arith.addf %add3A_756, %mul3A_780 : vector<16xf32>
      %mul3A_782 = arith.mulf %sub3A_779, %sub3A_779 : vector<16xf32>
      %add3A_783 = arith.addf %add3A_781, %mul3A_782 : vector<16xf32>
      %scan3A_784 = arith.constant 6 : i32
      %scan3A_785 = arith.addi %scan3A_628, %scan3A_784 : i32
      %mul3A_786 = arith.constant 16 : i32
      %mul3A_787 = arith.muli %scan3A_785, %mul3A_786 : i32
      %multiple_of3A_788 = tpu.assume_multiple %mul3A_787, 16 : i32
      %get3A_789 = arith.index_cast %multiple_of3A_788 : i32 to index
      %get3A_790 = tpu.vector_load %arg16[%get3A_789] {strides = array<i32>} : memref<8192xf32, #tpu.memory_space<vmem>>, vector<16xf32>,
      %get3A_791 = vector.shape_cast %get3A_790 : vector<16xf32> to vector<16xf32>
      %convert_element_type3A_792 = arith.fptosi %get3A_791 : vector<16xf32> to vector<16xi32>
      %and3A_793 = arith.andi %convert_element_type3A_792, %broadcast_in_dim3A_618 : vector<16xi32>
      %convert_element_type3A_794 = arith.sitofp %and3A_793 : vector<16xi32> to vector<16xf32>
      %shift_right_logical3A_795 = arith.constant 12 : i32
      %shift_right_logical3A_796 = vector.broadcast %shift_right_logical3A_795 : i32 to vector<16xi32>
      %shift_right_logical3A_797 = arith.shrui %convert_element_type3A_792, %shift_right_logical3A_796 : vector<16xi32>
      %convert_element_type3A_798 = arith.sitofp %shift_right_logical3A_797 : vector<16xi32> to vector<16xf32>
      %get3A_799 = arith.index_cast %multiple_of3A_788 : i32 to index
      %get3A_800 = tpu.vector_load %arg7[%get3A_799] {strides = array<i32>} : memref<8192xf32, #tpu.memory_space<vmem>>, vector<16xf32>,
      %get3A_801 = vector.shape_cast %get3A_800 : vector<16xf32> to vector<16xf32>
      %sub3A_802 = arith.subf %get3A_801, %convert_element_type3A_798 : vector<16xf32>
      %get3A_803 = arith.index_cast %multiple_of3A_788 : i32 to index
      %get3A_804 = tpu.vector_load %arg10[%get3A_803] {strides = array<i32>} : memref<8192xf32, #tpu.memory_space<vmem>>, vector<16xf32>,
      %get3A_805 = vector.shape_cast %get3A_804 : vector<16xf32> to vector<16xf32>
      %sub3A_806 = arith.subf %get3A_805, %convert_element_type3A_794 : vector<16xf32>
      %mul3A_807 = arith.mulf %sub3A_802, %sub3A_802 : vector<16xf32>
      %add3A_808 = arith.addf %add3A_783, %mul3A_807 : vector<16xf32>
      %mul3A_809 = arith.mulf %sub3A_806, %sub3A_806 : vector<16xf32>
      %add3A_810 = arith.addf %add3A_808, %mul3A_809 : vector<16xf32>
      %scan3A_811 = arith.constant 7 : i32
      %scan3A_812 = arith.addi %scan3A_628, %scan3A_811 : i32
      %mul3A_813 = arith.constant 16 : i32
      %mul3A_814 = arith.muli %scan3A_812, %mul3A_813 : i32
      %multiple_of3A_815 = tpu.assume_multiple %mul3A_814, 16 : i32
      %get3A_816 = arith.index_cast %multiple_of3A_815 : i32 to index
      %get3A_817 = tpu.vector_load %arg16[%get3A_816] {strides = array<i32>} : memref<8192xf32, #tpu.memory_space<vmem>>, vector<16xf32>,
      %get3A_818 = vector.shape_cast %get3A_817 : vector<16xf32> to vector<16xf32>
      %convert_element_type3A_819 = arith.fptosi %get3A_818 : vector<16xf32> to vector<16xi32>
      %and3A_820 = arith.andi %convert_element_type3A_819, %broadcast_in_dim3A_618 : vector<16xi32>
      %convert_element_type3A_821 = arith.sitofp %and3A_820 : vector<16xi32> to vector<16xf32>
      %shift_right_logical3A_822 = arith.constant 12 : i32
      %shift_right_logical3A_823 = vector.broadcast %shift_right_logical3A_822 : i32 to vector<16xi32>
      %shift_right_logical3A_824 = arith.shrui %convert_element_type3A_819, %shift_right_logical3A_823 : vector<16xi32>
      %convert_element_type3A_825 = arith.sitofp %shift_right_logical3A_824 : vector<16xi32> to vector<16xf32>
      %get3A_826 = arith.index_cast %multiple_of3A_815 : i32 to index
      %get3A_827 = tpu.vector_load %arg7[%get3A_826] {strides = array<i32>} : memref<8192xf32, #tpu.memory_space<vmem>>, vector<16xf32>,
      %get3A_828 = vector.shape_cast %get3A_827 : vector<16xf32> to vector<16xf32>
      %sub3A_829 = arith.subf %get3A_828, %convert_element_type3A_825 : vector<16xf32>
      %get3A_830 = arith.index_cast %multiple_of3A_815 : i32 to index
      %get3A_831 = tpu.vector_load %arg10[%get3A_830] {strides = array<i32>} : memref<8192xf32, #tpu.memory_space<vmem>>, vector<16xf32>,
      %get3A_832 = vector.shape_cast %get3A_831 : vector<16xf32> to vector<16xf32>
      %sub3A_833 = arith.subf %get3A_832, %convert_element_type3A_821 : vector<16xf32>
      %mul3A_834 = arith.mulf %sub3A_829, %sub3A_829 : vector<16xf32>
      %add3A_835 = arith.addf %add3A_810, %mul3A_834 : vector<16xf32>
      %mul3A_836 = arith.mulf %sub3A_833, %sub3A_833 : vector<16xf32>
      %add3A_837 = arith.addf %add3A_835, %mul3A_836 : vector<16xf32>
      scf.yield %add3A_837 : vector<16xf32>
    }
    %scan3A_624 = arith.constant 512 : i32
    %swap3A = arith.constant 0 : index
    %swap3A_625 = tpu.vector_load %arg18[%swap3A] {strides = array<i32>} : memref<16xf32, #tpu.memory_space<vmem>>, vector<16xf32>,
    %swap3A_626 = vector.shape_cast %swap3A_625 : vector<16xf32> to vector<16xf32>
    %swap3A_627 = vector.shape_cast %scan3A_623 : vector<16xf32> to vector<16xf32>
    tpu.vector_store %arg18[%swap3A], %swap3A_627 {strides = array<i32>} : memref<16xf32, #tpu.memory_space<vmem>>, vector<16xf32>,
    "tpu.region"() ({
      %run_scoped3A = tpu.sem_alloc : memref<!tpu.dma_semaphore, #tpu.memory_space<semaphore_mem>>
      %dma_start3A_628 = arith.constant 0 : i32
      %dma_start3A_629 = tpu.memref_slice %arg5[%add3A, %dma_start3A_628] : memref<32x16xf32, #tpu.memory_space<hbm>> -> memref<1x16xf32, #tpu.memory_space<hbm>>
      %dma_start3A_630 = tpu.memref_squeeze %dma_start3A_629 : memref<1x16xf32, #tpu.memory_space<hbm>> -> memref<16xf32, #tpu.memory_space<hbm>>
      %dma_start3A_631 = arith.constant 0 : i32
      %dma_start3A_632 = tpu.memref_slice %arg5[%add3A, %dma_start3A_631] : memref<32x16xf32, #tpu.memory_space<hbm>> -> memref<1x16xf32, #tpu.memory_space<hbm>>
      %dma_start3A_633 = tpu.memref_squeeze %dma_start3A_632 : memref<1x16xf32, #tpu.memory_space<hbm>> -> memref<16xf32, #tpu.memory_space<hbm>>
      tpu.enqueue_dma source(%arg18 : memref<16xf32, #tpu.memory_space<vmem>>) target(%dma_start3A_633 : memref<16xf32, #tpu.memory_space<hbm>>) target_semaphore(%run_scoped3A : memref<!tpu.dma_semaphore, #tpu.memory_space<semaphore_mem>>)
      %dma_wait3A_634 = arith.constant 0 : i32
      %dma_wait3A_635 = tpu.memref_slice %arg5[%add3A, %dma_wait3A_634] : memref<32x16xf32, #tpu.memory_space<hbm>> -> memref<1x16xf32, #tpu.memory_space<hbm>>
      %dma_wait3A_636 = tpu.memref_squeeze %dma_wait3A_635 : memref<1x16xf32, #tpu.memory_space<hbm>> -> memref<16xf32, #tpu.memory_space<hbm>>
      %dma_wait3A_637 = arith.constant 0 : i32
      %dma_wait3A_638 = tpu.memref_slice %arg5[%add3A, %dma_wait3A_637] : memref<32x16xf32, #tpu.memory_space<hbm>> -> memref<1x16xf32, #tpu.memory_space<hbm>>
      %dma_wait3A_639 = tpu.memref_squeeze %dma_wait3A_638 : memref<1x16xf32, #tpu.memory_space<hbm>> -> memref<16xf32, #tpu.memory_space<hbm>>
      tpu.wait_dma2 semaphore(%run_scoped3A : memref<!tpu.dma_semaphore, #tpu.memory_space<semaphore_mem>>) src(%arg18 : memref<16xf32, #tpu.memory_space<vmem>>) dst(%dma_wait3A_639 : memref<16xf32, #tpu.memory_space<hbm>>)
      tpu.yield
    }) : () -> ()
    return
  }
}

</mosaic_0001>

<sc_bundles>
// kernel: kernel.3.cloned.1.call-start
scs
__scs_entry_jumppad:
0x0: {  	(pc) =	sbr.rel $0x88, $3  }
0x1: {  	(tag) =	ssettag $0x0;
	lr =	simm.s32 $0x1  }
0x2: {  	[smem:$0x3F9E] =	sst lr;
	_ =	strace $0xD0000000  }
0x3: {  	_ = 	snop  }
0x4: {  	_ = 	snop  }
0x5: {  	_ = 	snop  }
0x6: {  	_ = 	snop  }
0x7: {  	_ = 	snop  }
__scs_overlays_trampoline_lowered:
0x8: {  	[smem:$0x3FAD] =	sst s0  }
0x9: {  	[smem:$0x3FAE] =	sst s1  }
0xa: {  	[smem:$0x3FAF] =	sst s2  }
0xb: {  	[smem:$0x3FB0] =	sst s3  }
0xc: {  	[smem:$0x3FB1] =	sst s4  }
0xd: {  	[smem:$0x3FB2] =	sst s5  }
0xe: {  	[smem:$0x3FB3] =	sst s6  }
0xf: {  	[smem:$0x3FB4] =	sst s7  }
0x10: {  	[smem:$0x3FB5] =	sst s8  }
0x11: {  	[smem:$0x3FB6] =	sst s9;
	s0 =	simm.s32 @!p0 $0x0  }
0x12: {  	s1 =	sld [smem:$0x3F9C];
	s0 =	simm.s32 @p0 $0x1  }
0x13: {  	[smem:$0x3FB7] =	sst s0;
	s0 =	simm.s32 @!p1 $0x0  }
0x14: {  	s2 =	sld [smem:$0x3F9B];
	s0 =	simm.s32 @p1 $0x1  }
0x15: {  	[smem:$0x3FB8] =	sst s0;
	s0 =	simm.s32 @!p2 $0x0  }
0x16: {  	s3 =	sld [smem:$0x3FDB];
	s0 =	simm.s32 @p2 $0x1  }
0x17: {  	s4 =	simm.s32 $0x1BF5;
	[smem:$0x3FBA] =	sst s0  }
0x18: {  	s0 =	sld [smem:$0x3F9D];
	_ =	swait.ge [sflag:s4], $0x0  }
0x19: {  	s7 =	sld [smem:$0x3F9E]  }
0x1a: {  	s8 =	sadd.s32 $0xFFFFE003, lr  }
0x1b: {  	s9 =	sadd.s32 $0xFFFFFEF7, lr;
	s5 =	simm.s32 $0xFFFFFFFF;
	p2 =	slt.u32 s8, $0xFFFFF086  }
0x1c: {  	p1 =	slt.u32 s9, $0xF7A;
	s5 =	simm.s32 @!p2 $0x0  }
0x1d: {  	s5 =	simm.s32 @p1 $0x1;
	p0 =	seq.s32 s7, s2  }
0x1e: {  	s7 =	smul.u32 @!p0 $0xF7A, s2;
	p2 =	seq.s32 @!p0 s5, $0x0  }
0x1f: {  	s9 =	smul.u32 $0xF7A, s1;
	s8 =	simm.s32 @!p0 $0x1BF5;
	p2 =	por !p2, p0  }
0x20: {  	[sflag:s8] =	ssyncset.s32 @!p0 $0xFFFFF086;
	s6 =	sadd.s32 @!p0 s3, s7;
	s7 =	simm.s32 @!p0 $0x108  }
0x21: {  	s3 =	sadd.s32 s3, s9;
	s6 =	sadd.s32 @!p0 $0x88, s6;
	s7 =	simm.s32 @p2 $0x1082  }
0x22: {  	[simem:s7], [sflag:s8] =	dma.local @!p0 [hbm:s6], $0xF7A  }
0x23: {  	s9 =	sor.u32 $0xD0000000, s2;
	s6 =	simm.s32 $0x108;
	_ =	swait.ge @!p0 [sflag:s8], $0x0  }
0x24: {  	s3 =	sadd.s32 $0x88, s3;
	s6 =	simm.s32 @!p1 $0x1082;
	[sflag:s4] =	ssyncset.s32 $0xFFFFF086  }
0x25: {  	[simem:s6], [sflag:s4] =	dma.local [hbm:s3], $0xF7A  }
0x26: {  	[smem:$0x3F9E] =	sst s1;
	(tag) =	ssettag s2;
	_ =	strace s9  }
0x27: {  	s1 =	sld [smem:$0x3FAE]  }
0x28: {  	s2 =	sld [smem:$0x3FAF]  }
0x29: {  	s4 =	sld [smem:$0x3FB1]  }
0x2a: {  	p0 =	seq.s32 s5, $0x0;
	s5 =	sld [smem:$0x3FB2]  }
0x2b: {  	s6 =	sld [smem:$0x3FB3]  }
0x2c: {  	s7 =	sld [smem:$0x3FB4]  }
0x2d: {  	s3 =	simm.s32 $0x108;
	s8 =	sld [smem:$0x3FB5]  }
0x2e: {  	s3 =	simm.s32 @!p0 $0x1082;
	s9 =	sld [smem:$0x3FB6]  }
0x2f: {  	lr =	sadd.s32 s0, s3;
	s0 =	sld [smem:$0x3FAD]  }
0x30: {  	s3 =	sld [smem:$0x3FB0]  }
0x31: {  	[smem:$0x3FB9] =	sst s10  }
0x32: {  	s10 =	sld [smem:$0x3FB7];
	_ =	sdelay $0x3  }
0x33: {  	p0 =	seq.s32 s10, $0x1;
	s10 =	sld [smem:$0x3FB9];
	_ =	sdelay $0x3  }
0x34: {  	[smem:$0x3FB9] =	sst s10  }
0x35: {  	s10 =	sld [smem:$0x3FB8];
	_ =	sdelay $0x3  }
0x36: {  	p1 =	seq.s32 s10, $0x1;
	s10 =	sld [smem:$0x3FB9];
	_ =	sdelay $0x3  }
0x37: {  	[smem:$0x3FB9] =	sst s10  }
0x38: {  	s10 =	sld [smem:$0x3FBA]  }
0x39: {  	_ = 	snop;
	(pc) =	sbr.ind lr, $3  }
0x3a: {  	_ = 	snop  }
0x3b: {  	_ = 	snop  }
0x3c: {  	p2 =	seq.s32 s10, $0x1;
	s10 =	sld [smem:$0x3FB9]  }
0x3d: {  	_ =	shalt  }
0x3e: {  	_ =	shalt  }
0x3f: {  	_ =	shalt  }
0x40: {  	_ =	shalt  }
0x41: {  	_ =	shalt  }
0x42: {  	_ =	shalt  }
0x43: {  	_ =	shalt  }
0x44: {  	_ =	shalt  }
0x45: {  	_ =	shalt  }
0x46: {  	_ =	shalt  }
0x47: {  	_ =	shalt  }
0x48: {  	_ =	shalt  }
0x49: {  	_ =	shalt  }
0x4a: {  	_ =	shalt  }
0x4b: {  	_ =	shalt  }
0x4c: {  	_ =	shalt  }
0x4d: {  	_ =	shalt  }
0x4e: {  	_ =	shalt  }
0x4f: {  	_ =	shalt  }
0x50: {  	_ =	shalt  }
0x51: {  	_ =	shalt  }
0x52: {  	_ =	shalt  }
0x53: {  	_ =	shalt  }
0x54: {  	_ =	shalt  }
0x55: {  	_ =	shalt  }
0x56: {  	_ =	shalt  }
0x57: {  	_ =	shalt  }
0x58: {  	_ =	shalt  }
0x59: {  	_ =	shalt  }
0x5a: {  	_ =	shalt  }
0x5b: {  	_ =	shalt  }
0x5c: {  	_ =	shalt  }
0x5d: {  	_ =	shalt  }
0x5e: {  	_ =	shalt  }
0x5f: {  	_ =	shalt  }
0x60: {  	_ =	shalt  }
0x61: {  	_ =	shalt  }
0x62: {  	_ =	shalt  }
0x63: {  	_ =	shalt  }
0x64: {  	_ =	shalt  }
0x65: {  	_ =	shalt  }
0x66: {  	_ =	shalt  }
0x67: {  	_ =	shalt  }
0x68: {  	_ =	shalt  }
0x69: {  	_ =	shalt  }
0x6a: {  	_ =	shalt  }
0x6b: {  	_ =	shalt  }
0x6c: {  	_ =	shalt  }
0x6d: {  	_ =	shalt  }
0x6e: {  	_ =	shalt  }
0x6f: {  	_ =	shalt  }
0x70: {  	_ =	shalt  }
0x71: {  	_ =	shalt  }
0x72: {  	_ =	shalt  }
0x73: {  	_ =	shalt  }
0x74: {  	_ =	shalt  }
0x75: {  	_ =	shalt  }
0x76: {  	_ =	shalt  }
0x77: {  	_ =	shalt  }
0x78: {  	_ =	shalt  }
0x79: {  	_ =	shalt  }
0x7a: {  	_ =	shalt  }
0x7b: {  	_ =	shalt  }
0x7c: {  	_ =	shalt  }
0x7d: {  	_ =	shalt  }
0x7e: {  	_ =	shalt  }
0x7f: {  	_ =	shalt  }
0x80: {  	_ =	shalt  }
0x81: {  	_ =	shalt  }
0x82: {  	_ =	shalt  }
0x83: {  	_ =	shalt  }
0x84: {  	_ =	shalt  }
0x85: {  	_ =	shalt  }
0x86: {  	_ =	shalt  }
0x87: {  	_ =	shalt  }
.Lfunc_end0:
.L_simem_size_0:
called_computation_lowered:
.L_overlay_start_0:
0x88: {  	s2 =	sld [smem:$0x3FD9]  }
0x89: {  	s3 =	sld [smem:$0x3FFE];
	_ =	sdelay $0x1  }
0x8a: {  	s1 =	srdreg.scid  }
0x8b: {  	s0 =	sand.u32 $0x1, s1  }
0x8c: {  	s17 =	sshll.u32 s0, $0xA;
	s2 =	sadd.s32 s3, s2  }
0x8d: {  	s2 =	sadd.s32 s2, s17  }
0x8e: {  	[smem:$0x3FC5] =	sst s2  }
0x8f: {  	_ = 	snop  }
0x90: {  	s2 =	sld [smem:$0x3FC8]  }
0x91: {  	s18 =	sld [smem:$0x3FC7];
	(tm) =	ssettm $0x1  }
0x92: {  	s4 =	sld [smem:$0x3FFB];
	_ =	sdelay $0x3  }
0x93: {  	_ =	strace s4  }
0x94: {  	s4 =	sld [smem:$0x3FFC];
	_ =	sdelay $0x3  }
0x95: {  	_ =	strace s4  }
0x96: {  	s4 =	sld [smem:$0x3FFD];
	_ =	sdelay $0x3  }
0x97: {  	_ =	strace s4  }
0x98: {  	_ =	strace $0x8FFFFFFF  }
0x99: {  	s19 =	sld [smem:$0x3FDB];
	_ =	sdelay $0x1  }
0x9a: {  	s5 =	simm.s32 $_scs_section_size  }
0x9b: {  	s6 =	simm.s32 $_size__tile_overlayer_lowered;
	s7 =	simm.s32 $_tile_overlayer_lowered  }
0x9c: {  	s22 =	simm.s32 $0x1BFF;
	s21 =	sshll.u32 s7, $0x1;
	s4 =	sadd.s32 s5, s19  }
0x9d: {  	s8 =	simm.s32 $0x0;
	s20 =	sshll.u32 s6, $0x1;
	s6 =	sadd.s32 s21, s4  }
0x9e: {  	[timem:s8], [sflag:s22] =	dma.local [hbm:s6], s20  }
0x9f: {  	_ =	swait.ge [sflag:s22], s20  }
0xa0: {  	s5 =	ssub.s32 $0x0, s20;
	[sflag:s22] =	ssyncset.done $0x0  }
0xa1: {  	[sflag:s22] =	ssyncadd.s32 s5;
	_ =	sdelay $0x1  }
0xa2: {  	s23 =	simm.s32 $0x1B8B  }
0xa3: {  	_ =	swait.ge [sflag:s23], $0x1  }
0xa4: {  	[sflag:s23] =	ssyncset.done $0x0  }
0xa5: {  	s25 =	simm.s32 $0x1B8E;
	s24 =	sld [smem:$0x3FFE];
	[sflag:s23] =	ssyncadd.s32 $0xFFFFFFFF  }
0xa6: {  	s26 =	simm.s32 $execute0_lowered;
	[smem:$0x3FD2] =	sst s25  }
0xa7: {  	s6 =	sshll.u32 s26, $0x1;
	_ =	strace $0x80000046;
	[dreg:$0x1] =	wrdreg $0xFFFFFFFF  }
0xa8: {  	s28 =	simm.s32 $_size_execute0_lowered;
	s4 =	sadd.s32 s4, s6;
	[dreg:$0x0] =	wrdreg $0x0  }
0xa9: {  	s6 =	sshll.u32 s28, $0x1;
	[dreg:$0x2] =	wrdreg s4  }
0xaa: {  	[dreg:$0x3] =	wrdreg s6  }
0xab: {  	[dreg:$0x4] =	wrdreg $0xC0  }
0xac: {  	_ =	task [dreg:s8], $0x5FFFF  }
0xad: {  	[dreg:$0x1] =	wrdreg $0xFFFFFFFF  }
0xae: {  	[dreg:$0x0] =	wrdreg $0x60  }
0xaf: {  	[dreg:$0x2] =	wrdreg s24  }
0xb0: {  	[dreg:$0x3] =	wrdreg s2  }
0xb1: {  	[dreg:$0x4] =	wrdreg s18  }
0xb2: {  	[dreg:$0x5] =	wrdreg $0x9  }
0xb3: {  	_ =	task.clear_ibuf [dreg:s8], $0x6FFFF;
	_ =	strace $0x90000046  }
0xb4: {  	s29 =	simm.s32 $0x9;
	_ =	strace $0x80000048  }
0xb5: {  	_ =	swait.ge [sflag:s29], $0x1  }
0xb6: {  	[sflag:s29] =	ssyncadd.s32 $0xFFFFFFFF  }
0xb7: {  	_ =	strace $0x90000048  }
0xb8: {  	_ =	sfence  }
0xb9: {  	s30 =	sld [smem:$0x0];
	_ =	sdelay $0x2  }
0xba: {  	s31 =	sshll.u32 s1, $0xD;
	s1 =	sshrl.u32 s1, $0x2  }
0xbb: {  	s3 =	sand.u32 $0x4000, s31;
	s1 =	sadd.s32 s1, s30  }
0xbc: {  	s0 =	sor.u32 s3, s0;
	s1 =	sshll.u32 s1, $0x11  }
0xbd: {  	s0 =	sor.u32 s1, s0  }
0xbe: {  	s0 =	sadd.s32 $0x8F2B, s0  }
0xbf: {  	[sflag:s0] =	ssyncadd.remote.s32 $0x1  }
0xc0: {  	_ =	sfence.sel $0xFFFF  }
0xc1: {  	[dreg:$0x0] =	wrdreg $0xFFFFFFFF;
	(pc) =	sbr.abs _section_cstart, $3  }
0xc2: {  	[dreg:$0x1] =	wrdreg $0xFFFFFFFF  }
0xc3: {  	_ =	task.clear_ibuf [dreg:s8], $0x2FFFF;
	_ =	strace $0x9FFFFFFF  }
0xc4: {  	(tm) =	ssettm $0x7FFFFFFF  }
0xc5: {  	_ =	shalt  }
tec
execute0_lowered:
.L_overlay_start_1:
0x0: {  	(tag) =	ssettag $0x1  }
0x1: {  	s1 =	rddreg [dreg:$0x0]  }
0x2: {  	s0 =	rddreg [dreg:$0x1]  }
0x3: {  	s2 =	rddreg [dreg:$0x2]  }
0x4: {  	s3 =	simm.s32 $0x0;
	s4 =	srdreg.scid;
	s5 =	stileid.u32  }
0x5: {  	s28 =	simm.s32 $0x1;
	s29 =	simm.s32 $0x4;
	s30 =	simm.s32 $0x1000  }
0x6: {  	s31 =	simm.s32 $0xC000;
	s4 =	sand.u32 $0x1, s4;
	s5 =	sshll.u32 s5, $0x1  }
0x7: {  	[smem:$0x7FF] =	sst s3;
	s5 =	sor.u32 s4, s5;
	s4 =	ssub.s32 $0x2, s4  }
0x8: {  	_ =	strace $0x80000047;
	s6 =	sshll.u32 s5, $0x4;
	s7 =	sshrl.u32 s4, $0x1  }
0x9: {  	s5 =	sshll.u32 s5, $0xD;
	s6 =	sadd.s32 s6, s1;
	s4 =	ssub.s32 s4, s7  }
0xa: {  	s10 =	sor.u32 $0x400, s5;
	s8 =	sadd.s32 s0, s5;
	s11 =	sadd.s32 s2, s5  }
0xb: {  	s13 =	sor.u32 $0x800, s5;
	s14 =	sor.u32 $0xC00, s5;
	[dreg:$0x4] =	wrdreg s8  }
0xc: {  	s17 =	sor.u32 $0x1000, s5;
	[dreg:$0x5] =	wrdreg s11;
	s12 =	sadd.s32 s0, s10  }
0xd: {  	s18 =	sor.u32 $0x1400, s5;
	s7 =	sadd.s32 s2, s10;
	[dreg:$0x6] =	wrdreg s12  }
0xe: {  	s22 =	sor.u32 $0x1800, s5;
	s9 =	sadd.s32 s0, s13;
	[dreg:$0x7] =	wrdreg s7  }
0xf: {  	s5 =	sor.u32 $0x1C00, s5;
	s15 =	sadd.s32 s0, s14;
	[dreg:$0x8] =	wrdreg s9  }
0x10: {  	s16 =	sadd.s32 s2, s14;
	s19 =	sadd.s32 s0, s17;
	[dreg:$0xa] =	wrdreg s15  }
0x11: {  	s20 =	sadd.s32 s0, s18;
	s21 =	sadd.s32 s2, s18;
	[dreg:$0xb] =	wrdreg s16  }
0x12: {  	s23 =	sadd.s32 s0, s22;
	s0 =	sadd.s32 s0, s5;
	[dreg:$0xc] =	wrdreg s19  }
0x13: {  	s24 =	sadd.s32 s2, s5;
	s25 =	sadd.s32 $0x80000, s6;
	[dreg:$0xe] =	wrdreg s20  }
0x14: {  	s26 =	smax.u32 s4, $0x1;
	s4 =	simm.s32 $0x5;
	[dreg:$0xf] =	wrdreg s21  }
0x15: {  	s5 =	simm.s32 $0xE000;
	s6 =	simm.s32 $0x14000;
	[dreg:$0x10] =	wrdreg s23  }
0x16: {  	s8 =	simm.s32 $0x15000;
	s10 =	simm.s32 $0x6;
	[dreg:$0x12] =	wrdreg s0  }
0x17: {  	s11 =	simm.s32 $0x7;
	s14 =	simm.s32 $0xA;
	[dreg:$0x13] =	wrdreg s24  }
0x18: {  	s18 =	simm.s32 $0x0;
	s7 =	sadd.s32 s2, s13;
	[dreg:$0x14] =	wrdreg s25  }
0x19: {  	[dreg:$0x15] =	wrdreg s26;
	s24 =	simm.s32 $0x8000;
	s0 =	simm.s32 $0x12000  }
0x1a: {  	s25 =	simm.s32 $0x13000;
	s26 =	simm.s32 $0x2;
	s9 =	simm.s32 $0x3  }
0x1b: {  	s12 =	simm.s32 $0x8;
	s13 =	simm.s32 $0x9;
	s15 =	simm.s32 $0xB  }
0x1c: {  	s16 =	simm.s32 $0xC;
	[dreg:$0x9] =	wrdreg s7;
	s7 =	sadd.s32 s2, s17  }
0x1d: {  	s17 =	simm.s32 $0xD;
	[dreg:$0xd] =	wrdreg s7;
	s7 =	sadd.s32 s2, s22  }
0x1e: {  	s2 =	simm.s32 $0xD000;
	[dreg:$0x11] =	wrdreg s7;
	s7 =	simm.s32 $0xF000  }
.LBB2_1:
0x1f: {  	s19 =	rddreg [dreg:$0x4]  }
0x20: {  	[tilespmem:s3], [sflag:$0x1] =	stream.linear.gather [hbm4b:s19+s3], $0x2000, $0x38;
	[tilespmem:$0x18080] =	vst v63  }
0x21: {  	s23 =	rddreg [dreg:$0x5];
	s20 =	simm.s32 $0x6000  }
0x22: {  	[tilespmem:s20], [sflag:$0x4] =	stream.linear.gather [hbm4b:s23+s3], $0x2000, $0x38;
	[tilespmem:$0x18080] =	vst v63  }
0x23: {  	s21 =	rddreg [dreg:$0x6];
	s22 =	simm.s32 $0x2000  }
0x24: {  	[tilespmem:s22], [sflag:$0x2] =	stream.linear.gather [hbm4b:s21+s3], $0x2000, $0x38;
	[tilespmem:$0x18080] =	vst v63  }
0x25: {  	s23 =	rddreg [dreg:$0x7]  }
0x26: {  	[tilespmem:s24], [sflag:$0x5] =	stream.linear.gather [hbm4b:s23+s3], $0x2000, $0x38;
	[tilespmem:$0x18080] =	vst v63  }
0x27: {  	s20 =	rddreg [dreg:$0x8];
	s21 =	simm.s32 $0x4000  }
0x28: {  	[tilespmem:s21], [sflag:$0x3] =	stream.linear.gather [hbm4b:s20+s3], $0x2000, $0x38;
	[tilespmem:$0x18080] =	vst v63  }
0x29: {  	s22 =	rddreg [dreg:$0x9];
	s23 =	simm.s32 $0xA000  }
0x2a: {  	[tilespmem:s23], [sflag:$0x6] =	stream.linear.gather [hbm4b:s22+s3], $0x2000, $0x38;
	[tilespmem:$0x18080] =	vst v63  }
0x2b: {  	_ =	swait.ge [sflag:s28], $0x2000  }
0x2c: {  	[sflag:s28] =	ssyncset.done $0x0  }
0x2d: {  	[sflag:s28] =	ssyncadd.s32 $0xFFFFE000  }
0x2e: {  	_ =	swait.ge [sflag:s29], $0x2000  }
0x2f: {  	[sflag:s29] =	ssyncset.done $0x0  }
0x30: {  	s19 =	simm.s32 $0x6040;
	[sflag:s29] =	ssyncadd.s32 $0xFFFFE000  }
0x31: {  	s20 =	simm.s32 $0x40;
	v0 =	vld [tilespmem:s19+$0xFFFFFFC0]  }
0x32: {  	v1 =	vld [tilespmem:s20+$0xFFFFFFC0];
	_ =	sdelay $0x3  }
0x33: {  	v0 =	vtrunc.f32 v0  }
0x34: {  	v1 =	vtrunc.f32 v1;
	v0 =	vcvt.f32.s32 v0  }
0x35: {  	v1 =	vcvt.f32.s32 v1  }
0x36: {  	v0 =	vshll.u32 v0, $0xB  }
0x37: {  	s21 =	simm.s32 $0xC040;
	v0 =	vadd.s32 v1, v0  }
0x38: {  	[tilespmem:s21+$0xFFFFFFC0] =	vst v0  }
0x39: {  	v0 =	vld [tilespmem:s19+$0xFFFFFFD0]  }
0x3a: {  	v1 =	vld [tilespmem:s20+$0xFFFFFFD0];
	_ =	sdelay $0x3  }
0x3b: {  	v0 =	vtrunc.f32 v0  }
0x3c: {  	v1 =	vtrunc.f32 v1;
	v0 =	vcvt.f32.s32 v0  }
0x3d: {  	v1 =	vcvt.f32.s32 v1  }
0x3e: {  	v0 =	vshll.u32 v0, $0xB  }
0x3f: {  	v0 =	vadd.s32 v1, v0  }
0x40: {  	[tilespmem:s21+$0xFFFFFFD0] =	vst v0  }
0x41: {  	v0 =	vld [tilespmem:s19+$0xFFFFFFE0]  }
0x42: {  	v1 =	vld [tilespmem:s20+$0xFFFFFFE0];
	_ =	sdelay $0x3  }
0x43: {  	v0 =	vtrunc.f32 v0  }
0x44: {  	v1 =	vtrunc.f32 v1;
	v0 =	vcvt.f32.s32 v0  }
0x45: {  	v1 =	vcvt.f32.s32 v1  }
0x46: {  	v0 =	vshll.u32 v0, $0xB  }
0x47: {  	v0 =	vadd.s32 v1, v0  }
0x48: {  	[tilespmem:s21+$0xFFFFFFE0] =	vst v0  }
0x49: {  	v0 =	vld [tilespmem:s19+$0xFFFFFFF0]  }
0x4a: {  	v1 =	vld [tilespmem:s20+$0xFFFFFFF0];
	_ =	sdelay $0x3  }
0x4b: {  	v0 =	vtrunc.f32 v0  }
0x4c: {  	v1 =	vtrunc.f32 v1;
	v0 =	vcvt.f32.s32 v0  }
0x4d: {  	v1 =	vcvt.f32.s32 v1  }
0x4e: {  	v0 =	vshll.u32 v0, $0xB  }
0x4f: {  	v0 =	vadd.s32 v1, v0  }
0x50: {  	[tilespmem:s21+$0xFFFFFFF0] =	vst v0  }
0x51: {  	v0 =	vld [tilespmem:s19+$0x0]  }
0x52: {  	v1 =	vld [tilespmem:s20+$0x0];
	_ =	sdelay $0x3  }
0x53: {  	v0 =	vtrunc.f32 v0  }
0x54: {  	v1 =	vtrunc.f32 v1;
	v0 =	vcvt.f32.s32 v0  }
0x55: {  	v1 =	vcvt.f32.s32 v1  }
0x56: {  	v0 =	vshll.u32 v0, $0xB  }
0x57: {  	v0 =	vadd.s32 v1, v0  }
0x58: {  	[tilespmem:s21+$0x0] =	vst v0  }
0x59: {  	v0 =	vld [tilespmem:s19+$0x10]  }
0x5a: {  	v1 =	vld [tilespmem:s20+$0x10];
	_ =	sdelay $0x3  }
0x5b: {  	v0 =	vtrunc.f32 v0  }
0x5c: {  	v1 =	vtrunc.f32 v1;
	v0 =	vcvt.f32.s32 v0  }
0x5d: {  	v1 =	vcvt.f32.s32 v1  }
0x5e: {  	v0 =	vshll.u32 v0, $0xB  }
0x5f: {  	v0 =	vadd.s32 v1, v0  }
0x60: {  	[tilespmem:s21+$0x10] =	vst v0  }
0x61: {  	v0 =	vld [tilespmem:s19+$0x20]  }
0x62: {  	v1 =	vld [tilespmem:s20+$0x20];
	_ =	sdelay $0x3  }
0x63: {  	v0 =	vtrunc.f32 v0  }
0x64: {  	v1 =	vtrunc.f32 v1;
	v0 =	vcvt.f32.s32 v0  }
0x65: {  	v1 =	vcvt.f32.s32 v1  }
0x66: {  	v0 =	vshll.u32 v0, $0xB  }
0x67: {  	v0 =	vadd.s32 v1, v0  }
0x68: {  	[tilespmem:s21+$0x20] =	vst v0  }
0x69: {  	v0 =	vld [tilespmem:s19+$0x30]  }
0x6a: {  	v1 =	vld [tilespmem:s20+$0x30];
	_ =	sdelay $0x3  }
0x6b: {  	v0 =	vtrunc.f32 v0  }
0x6c: {  	v1 =	vtrunc.f32 v1;
	v0 =	vcvt.f32.s32 v0  }
0x6d: {  	v1 =	vcvt.f32.s32 v1  }
0x6e: {  	v0 =	vshll.u32 v0, $0xB  }
0x6f: {  	s22 =	simm.s32 $0x0;
	s23 =	simm.s32 $0xC0C0;
	v0 =	vadd.s32 v1, v0  }
.LBB2_2:
0x70: {  	s22 =	sadd.s32 $0x8, s22;
	[tilespmem:s21+$0x30] =	vst v0;
	s20 =	sadd.s32 $0x80, s20;
	s19 =	sadd.s32 $0x80, s19  }
0x71: {  	s21 =	smov.u32 s23;
	v0 =	vld [tilespmem:s19+$0xFFFFFFC0];
	p0 =	slt.u32 s22, $0x1F8  }
0x72: {  	v1 =	vld [tilespmem:s20+$0xFFFFFFC0];
	_ =	sdelay $0x3  }
0x73: {  	v0 =	vtrunc.f32 v0  }
0x74: {  	v1 =	vtrunc.f32 v1;
	v0 =	vcvt.f32.s32 v0  }
0x75: {  	v1 =	vcvt.f32.s32 v1  }
0x76: {  	v0 =	vshll.u32 v0, $0xB  }
0x77: {  	v0 =	vadd.s32 v1, v0  }
0x78: {  	[tilespmem:s23+$0xFFFFFFC0] =	vst v0  }
0x79: {  	v0 =	vld [tilespmem:s19+$0xFFFFFFD0]  }
0x7a: {  	v1 =	vld [tilespmem:s20+$0xFFFFFFD0];
	_ =	sdelay $0x3  }
0x7b: {  	v0 =	vtrunc.f32 v0  }
0x7c: {  	v1 =	vtrunc.f32 v1;
	v0 =	vcvt.f32.s32 v0  }
0x7d: {  	v1 =	vcvt.f32.s32 v1  }
0x7e: {  	v0 =	vshll.u32 v0, $0xB  }
0x7f: {  	v0 =	vadd.s32 v1, v0  }
0x80: {  	[tilespmem:s23+$0xFFFFFFD0] =	vst v0  }
0x81: {  	v0 =	vld [tilespmem:s19+$0xFFFFFFE0]  }
0x82: {  	v1 =	vld [tilespmem:s20+$0xFFFFFFE0];
	_ =	sdelay $0x3  }
0x83: {  	v0 =	vtrunc.f32 v0  }
0x84: {  	v1 =	vtrunc.f32 v1;
	v0 =	vcvt.f32.s32 v0  }
0x85: {  	v1 =	vcvt.f32.s32 v1  }
0x86: {  	v0 =	vshll.u32 v0, $0xB  }
0x87: {  	v0 =	vadd.s32 v1, v0  }
0x88: {  	[tilespmem:s23+$0xFFFFFFE0] =	vst v0  }
0x89: {  	v0 =	vld [tilespmem:s19+$0xFFFFFFF0]  }
0x8a: {  	v1 =	vld [tilespmem:s20+$0xFFFFFFF0];
	_ =	sdelay $0x3  }
0x8b: {  	v0 =	vtrunc.f32 v0  }
0x8c: {  	v1 =	vtrunc.f32 v1;
	v0 =	vcvt.f32.s32 v0  }
0x8d: {  	v1 =	vcvt.f32.s32 v1  }
0x8e: {  	v0 =	vshll.u32 v0, $0xB  }
0x8f: {  	v0 =	vadd.s32 v1, v0  }
0x90: {  	[tilespmem:s23+$0xFFFFFFF0] =	vst v0  }
0x91: {  	v0 =	vld [tilespmem:s19+$0x0]  }
0x92: {  	v1 =	vld [tilespmem:s20+$0x0];
	_ =	sdelay $0x3  }
0x93: {  	v0 =	vtrunc.f32 v0  }
0x94: {  	v1 =	vtrunc.f32 v1;
	v0 =	vcvt.f32.s32 v0  }
0x95: {  	v1 =	vcvt.f32.s32 v1  }
0x96: {  	v0 =	vshll.u32 v0, $0xB  }
0x97: {  	v0 =	vadd.s32 v1, v0  }
0x98: {  	[tilespmem:s23+$0x0] =	vst v0  }
0x99: {  	v0 =	vld [tilespmem:s19+$0x10]  }
0x9a: {  	v1 =	vld [tilespmem:s20+$0x10];
	_ =	sdelay $0x3  }
0x9b: {  	v0 =	vtrunc.f32 v0  }
0x9c: {  	v1 =	vtrunc.f32 v1;
	v0 =	vcvt.f32.s32 v0  }
0x9d: {  	v1 =	vcvt.f32.s32 v1  }
0x9e: {  	v0 =	vshll.u32 v0, $0xB  }
0x9f: {  	v0 =	vadd.s32 v1, v0  }
0xa0: {  	[tilespmem:s23+$0x10] =	vst v0  }
0xa1: {  	v0 =	vld [tilespmem:s19+$0x20]  }
0xa2: {  	v1 =	vld [tilespmem:s20+$0x20];
	_ =	sdelay $0x3  }
0xa3: {  	v0 =	vtrunc.f32 v0  }
0xa4: {  	v1 =	vtrunc.f32 v1;
	v0 =	vcvt.f32.s32 v0  }
0xa5: {  	v1 =	vcvt.f32.s32 v1  }
0xa6: {  	v0 =	vshll.u32 v0, $0xB  }
0xa7: {  	v0 =	vadd.s32 v1, v0  }
0xa8: {  	[tilespmem:s23+$0x20] =	vst v0  }
0xa9: {  	v0 =	vld [tilespmem:s19+$0x30]  }
0xaa: {  	v1 =	vld [tilespmem:s20+$0x30];
	_ =	sdelay $0x3  }
.Ltmp0:
0xab: {  	v0 =	vtrunc.f32 v0;
	(pc) =	sbr.rel @p0 .LBB2_2-.Ltmp0, $4  }
0xac: {  	v1 =	vtrunc.f32 v1;
	v0 =	vcvt.f32.s32 v0  }
0xad: {  	v1 =	vcvt.f32.s32 v1  }
0xae: {  	v0 =	vshll.u32 v0, $0xB  }
0xaf: {  	s23 =	sadd.s32 $0x80, s23;
	v0 =	vadd.s32 v1, v0  }
0xb0: {  	[tilespmem:s21+$0x30] =	vst v0  }
0xb1: {  	[tilespmem:s0], [sflag:$0x7] =	stream.indirect.gather [hbm4b:s1+s30], $0x1, s31, s30, $0xb8;
	[tilespmem:$0x18080] =	vst v63  }
0xb2: {  	_ = 	snop  }
0xb3: {  	[tilespmem:s25], [sflag:$0x8] =	stream.indirect.gather [hbm4b:s1+s30], $0x1, s2, s30, $0xb8;
	[tilespmem:$0x18080] =	vst v63  }
0xb4: {  	_ =	swait.ge [sflag:s26], $0x2000  }
0xb5: {  	[sflag:s26] =	ssyncset.done $0x0  }
0xb6: {  	[sflag:s26] =	ssyncadd.s32 $0xFFFFE000  }
0xb7: {  	_ =	swait.ge [sflag:s4], $0x2000  }
0xb8: {  	[sflag:s4] =	ssyncset.done $0x0  }
0xb9: {  	s19 =	simm.s32 $0x8040;
	[sflag:s4] =	ssyncadd.s32 $0xFFFFE000  }
0xba: {  	s20 =	simm.s32 $0x2040;
	v0 =	vld [tilespmem:s19+$0xFFFFFFC0]  }
0xbb: {  	v1 =	vld [tilespmem:s20+$0xFFFFFFC0];
	_ =	sdelay $0x3  }
0xbc: {  	v0 =	vtrunc.f32 v0  }
0xbd: {  	v1 =	vtrunc.f32 v1;
	v0 =	vcvt.f32.s32 v0  }
0xbe: {  	v1 =	vcvt.f32.s32 v1  }
0xbf: {  	v0 =	vshll.u32 v0, $0xB  }
0xc0: {  	s21 =	simm.s32 $0xE040;
	v0 =	vadd.s32 v1, v0  }
0xc1: {  	[tilespmem:s21+$0xFFFFFFC0] =	vst v0  }
0xc2: {  	v0 =	vld [tilespmem:s19+$0xFFFFFFD0]  }
0xc3: {  	v1 =	vld [tilespmem:s20+$0xFFFFFFD0];
	_ =	sdelay $0x3  }
0xc4: {  	v0 =	vtrunc.f32 v0  }
0xc5: {  	v1 =	vtrunc.f32 v1;
	v0 =	vcvt.f32.s32 v0  }
0xc6: {  	v1 =	vcvt.f32.s32 v1  }
0xc7: {  	v0 =	vshll.u32 v0, $0xB  }
0xc8: {  	v0 =	vadd.s32 v1, v0  }
0xc9: {  	[tilespmem:s21+$0xFFFFFFD0] =	vst v0  }
0xca: {  	v0 =	vld [tilespmem:s19+$0xFFFFFFE0]  }
0xcb: {  	v1 =	vld [tilespmem:s20+$0xFFFFFFE0];
	_ =	sdelay $0x3  }
0xcc: {  	v0 =	vtrunc.f32 v0  }
0xcd: {  	v1 =	vtrunc.f32 v1;
	v0 =	vcvt.f32.s32 v0  }
0xce: {  	v1 =	vcvt.f32.s32 v1  }
0xcf: {  	v0 =	vshll.u32 v0, $0xB  }
0xd0: {  	v0 =	vadd.s32 v1, v0  }
0xd1: {  	[tilespmem:s21+$0xFFFFFFE0] =	vst v0  }
0xd2: {  	v0 =	vld [tilespmem:s19+$0xFFFFFFF0]  }
0xd3: {  	v1 =	vld [tilespmem:s20+$0xFFFFFFF0];
	_ =	sdelay $0x3  }
0xd4: {  	v0 =	vtrunc.f32 v0  }
0xd5: {  	v1 =	vtrunc.f32 v1;
	v0 =	vcvt.f32.s32 v0  }
0xd6: {  	v1 =	vcvt.f32.s32 v1  }
0xd7: {  	v0 =	vshll.u32 v0, $0xB  }
0xd8: {  	v0 =	vadd.s32 v1, v0  }
0xd9: {  	[tilespmem:s21+$0xFFFFFFF0] =	vst v0  }
0xda: {  	v0 =	vld [tilespmem:s19+$0x0]  }
0xdb: {  	v1 =	vld [tilespmem:s20+$0x0];
	_ =	sdelay $0x3  }
0xdc: {  	v0 =	vtrunc.f32 v0  }
0xdd: {  	v1 =	vtrunc.f32 v1;
	v0 =	vcvt.f32.s32 v0  }
0xde: {  	v1 =	vcvt.f32.s32 v1  }
0xdf: {  	v0 =	vshll.u32 v0, $0xB  }
0xe0: {  	v0 =	vadd.s32 v1, v0  }
0xe1: {  	[tilespmem:s21+$0x0] =	vst v0  }
0xe2: {  	v0 =	vld [tilespmem:s19+$0x10]  }
0xe3: {  	v1 =	vld [tilespmem:s20+$0x10];
	_ =	sdelay $0x3  }
0xe4: {  	v0 =	vtrunc.f32 v0  }
0xe5: {  	v1 =	vtrunc.f32 v1;
	v0 =	vcvt.f32.s32 v0  }
0xe6: {  	v1 =	vcvt.f32.s32 v1  }
0xe7: {  	v0 =	vshll.u32 v0, $0xB  }
0xe8: {  	v0 =	vadd.s32 v1, v0  }
0xe9: {  	[tilespmem:s21+$0x10] =	vst v0  }
0xea: {  	v0 =	vld [tilespmem:s19+$0x20]  }
0xeb: {  	v1 =	vld [tilespmem:s20+$0x20];
	_ =	sdelay $0x3  }
0xec: {  	v0 =	vtrunc.f32 v0  }
0xed: {  	v1 =	vtrunc.f32 v1;
	v0 =	vcvt.f32.s32 v0  }
0xee: {  	v1 =	vcvt.f32.s32 v1  }
0xef: {  	v0 =	vshll.u32 v0, $0xB  }
0xf0: {  	v0 =	vadd.s32 v1, v0  }
0xf1: {  	[tilespmem:s21+$0x20] =	vst v0  }
0xf2: {  	v0 =	vld [tilespmem:s19+$0x30]  }
0xf3: {  	v1 =	vld [tilespmem:s20+$0x30];
	_ =	sdelay $0x3  }
0xf4: {  	v0 =	vtrunc.f32 v0  }
0xf5: {  	v1 =	vtrunc.f32 v1;
	v0 =	vcvt.f32.s32 v0  }
0xf6: {  	v1 =	vcvt.f32.s32 v1  }
0xf7: {  	v0 =	vshll.u32 v0, $0xB  }
0xf8: {  	s22 =	simm.s32 $0x0;
	s23 =	simm.s32 $0xE0C0;
	v0 =	vadd.s32 v1, v0  }
.LBB2_4:
0xf9: {  	s22 =	sadd.s32 $0x8, s22;
	[tilespmem:s21+$0x30] =	vst v0;
	s20 =	sadd.s32 $0x80, s20;
	s19 =	sadd.s32 $0x80, s19  }
0xfa: {  	s21 =	smov.u32 s23;
	v0 =	vld [tilespmem:s19+$0xFFFFFFC0];
	p0 =	slt.u32 s22, $0x1F8  }
0xfb: {  	v1 =	vld [tilespmem:s20+$0xFFFFFFC0];
	_ =	sdelay $0x3  }
0xfc: {  	v0 =	vtrunc.f32 v0  }
0xfd: {  	v1 =	vtrunc.f32 v1;
	v0 =	vcvt.f32.s32 v0  }
0xfe: {  	v1 =	vcvt.f32.s32 v1  }
0xff: {  	v0 =	vshll.u32 v0, $0xB  }
0x100: {  	v0 =	vadd.s32 v1, v0  }
0x101: {  	[tilespmem:s23+$0xFFFFFFC0] =	vst v0  }
0x102: {  	v0 =	vld [tilespmem:s19+$0xFFFFFFD0]  }
0x103: {  	v1 =	vld [tilespmem:s20+$0xFFFFFFD0];
	_ =	sdelay $0x3  }
0x104: {  	v0 =	vtrunc.f32 v0  }
0x105: {  	v1 =	vtrunc.f32 v1;
	v0 =	vcvt.f32.s32 v0  }
0x106: {  	v1 =	vcvt.f32.s32 v1  }
0x107: {  	v0 =	vshll.u32 v0, $0xB  }
0x108: {  	v0 =	vadd.s32 v1, v0  }
0x109: {  	[tilespmem:s23+$0xFFFFFFD0] =	vst v0  }
0x10a: {  	v0 =	vld [tilespmem:s19+$0xFFFFFFE0]  }
0x10b: {  	v1 =	vld [tilespmem:s20+$0xFFFFFFE0];
	_ =	sdelay $0x3  }
0x10c: {  	v0 =	vtrunc.f32 v0  }
0x10d: {  	v1 =	vtrunc.f32 v1;
	v0 =	vcvt.f32.s32 v0  }
0x10e: {  	v1 =	vcvt.f32.s32 v1  }
0x10f: {  	v0 =	vshll.u32 v0, $0xB  }
0x110: {  	v0 =	vadd.s32 v1, v0  }
0x111: {  	[tilespmem:s23+$0xFFFFFFE0] =	vst v0  }
0x112: {  	v0 =	vld [tilespmem:s19+$0xFFFFFFF0]  }
0x113: {  	v1 =	vld [tilespmem:s20+$0xFFFFFFF0];
	_ =	sdelay $0x3  }
0x114: {  	v0 =	vtrunc.f32 v0  }
0x115: {  	v1 =	vtrunc.f32 v1;
	v0 =	vcvt.f32.s32 v0  }
0x116: {  	v1 =	vcvt.f32.s32 v1  }
0x117: {  	v0 =	vshll.u32 v0, $0xB  }
0x118: {  	v0 =	vadd.s32 v1, v0  }
0x119: {  	[tilespmem:s23+$0xFFFFFFF0] =	vst v0  }
0x11a: {  	v0 =	vld [tilespmem:s19+$0x0]  }
0x11b: {  	v1 =	vld [tilespmem:s20+$0x0];
	_ =	sdelay $0x3  }
0x11c: {  	v0 =	vtrunc.f32 v0  }
0x11d: {  	v1 =	vtrunc.f32 v1;
	v0 =	vcvt.f32.s32 v0  }
0x11e: {  	v1 =	vcvt.f32.s32 v1  }
0x11f: {  	v0 =	vshll.u32 v0, $0xB  }
0x120: {  	v0 =	vadd.s32 v1, v0  }
0x121: {  	[tilespmem:s23+$0x0] =	vst v0  }
0x122: {  	v0 =	vld [tilespmem:s19+$0x10]  }
0x123: {  	v1 =	vld [tilespmem:s20+$0x10];
	_ =	sdelay $0x3  }
0x124: {  	v0 =	vtrunc.f32 v0  }
0x125: {  	v1 =	vtrunc.f32 v1;
	v0 =	vcvt.f32.s32 v0  }
0x126: {  	v1 =	vcvt.f32.s32 v1  }
0x127: {  	v0 =	vshll.u32 v0, $0xB  }
0x128: {  	v0 =	vadd.s32 v1, v0  }
0x129: {  	[tilespmem:s23+$0x10] =	vst v0  }
0x12a: {  	v0 =	vld [tilespmem:s19+$0x20]  }
0x12b: {  	v1 =	vld [tilespmem:s20+$0x20];
	_ =	sdelay $0x3  }
0x12c: {  	v0 =	vtrunc.f32 v0  }
0x12d: {  	v1 =	vtrunc.f32 v1;
	v0 =	vcvt.f32.s32 v0  }
0x12e: {  	v1 =	vcvt.f32.s32 v1  }
0x12f: {  	v0 =	vshll.u32 v0, $0xB  }
0x130: {  	v0 =	vadd.s32 v1, v0  }
0x131: {  	[tilespmem:s23+$0x20] =	vst v0  }
0x132: {  	v0 =	vld [tilespmem:s19+$0x30]  }
0x133: {  	v1 =	vld [tilespmem:s20+$0x30];
	_ =	sdelay $0x3  }
.Ltmp1:
0x134: {  	v0 =	vtrunc.f32 v0;
	(pc) =	sbr.rel @p0 .LBB2_4-.Ltmp1, $4  }
0x135: {  	v1 =	vtrunc.f32 v1;
	v0 =	vcvt.f32.s32 v0  }
0x136: {  	v1 =	vcvt.f32.s32 v1  }
0x137: {  	v0 =	vshll.u32 v0, $0xB  }
0x138: {  	s23 =	sadd.s32 $0x80, s23;
	v0 =	vadd.s32 v1, v0  }
0x139: {  	[tilespmem:s21+$0x30] =	vst v0  }
0x13a: {  	[tilespmem:s6], [sflag:$0x9] =	stream.indirect.gather [hbm4b:s1+s30], $0x1, s5, s30, $0xb8;
	[tilespmem:$0x18080] =	vst v63  }
0x13b: {  	_ = 	snop  }
0x13c: {  	[tilespmem:s8], [sflag:$0xA] =	stream.indirect.gather [hbm4b:s1+s30], $0x1, s7, s30, $0xb8;
	[tilespmem:$0x18080] =	vst v63  }
0x13d: {  	_ =	swait.ge [sflag:s9], $0x2000  }
0x13e: {  	[sflag:s9] =	ssyncset.done $0x0  }
0x13f: {  	[sflag:s9] =	ssyncadd.s32 $0xFFFFE000  }
0x140: {  	_ =	swait.ge [sflag:s10], $0x2000  }
0x141: {  	[sflag:s10] =	ssyncset.done $0x0  }
0x142: {  	s19 =	simm.s32 $0xA040;
	[sflag:s10] =	ssyncadd.s32 $0xFFFFE000  }
0x143: {  	s20 =	simm.s32 $0x4040;
	v0 =	vld [tilespmem:s19+$0xFFFFFFC0]  }
0x144: {  	v1 =	vld [tilespmem:s20+$0xFFFFFFC0];
	_ =	sdelay $0x3  }
0x145: {  	v0 =	vtrunc.f32 v0  }
0x146: {  	v1 =	vtrunc.f32 v1;
	v0 =	vcvt.f32.s32 v0  }
0x147: {  	v1 =	vcvt.f32.s32 v1  }
0x148: {  	v0 =	vshll.u32 v0, $0xB  }
0x149: {  	s21 =	simm.s32 $0x10040;
	v0 =	vadd.s32 v1, v0  }
0x14a: {  	[tilespmem:s21+$0xFFFFFFC0] =	vst v0  }
0x14b: {  	v0 =	vld [tilespmem:s19+$0xFFFFFFD0]  }
0x14c: {  	v1 =	vld [tilespmem:s20+$0xFFFFFFD0];
	_ =	sdelay $0x3  }
0x14d: {  	v0 =	vtrunc.f32 v0  }
0x14e: {  	v1 =	vtrunc.f32 v1;
	v0 =	vcvt.f32.s32 v0  }
0x14f: {  	v1 =	vcvt.f32.s32 v1  }
0x150: {  	v0 =	vshll.u32 v0, $0xB  }
0x151: {  	v0 =	vadd.s32 v1, v0  }
0x152: {  	[tilespmem:s21+$0xFFFFFFD0] =	vst v0  }
0x153: {  	v0 =	vld [tilespmem:s19+$0xFFFFFFE0]  }
0x154: {  	v1 =	vld [tilespmem:s20+$0xFFFFFFE0];
	_ =	sdelay $0x3  }
0x155: {  	v0 =	vtrunc.f32 v0  }
0x156: {  	v1 =	vtrunc.f32 v1;
	v0 =	vcvt.f32.s32 v0  }
0x157: {  	v1 =	vcvt.f32.s32 v1  }
0x158: {  	v0 =	vshll.u32 v0, $0xB  }
0x159: {  	v0 =	vadd.s32 v1, v0  }
0x15a: {  	[tilespmem:s21+$0xFFFFFFE0] =	vst v0  }
0x15b: {  	v0 =	vld [tilespmem:s19+$0xFFFFFFF0]  }
0x15c: {  	v1 =	vld [tilespmem:s20+$0xFFFFFFF0];
	_ =	sdelay $0x3  }
0x15d: {  	v0 =	vtrunc.f32 v0  }
0x15e: {  	v1 =	vtrunc.f32 v1;
	v0 =	vcvt.f32.s32 v0  }
0x15f: {  	v1 =	vcvt.f32.s32 v1  }
0x160: {  	v0 =	vshll.u32 v0, $0xB  }
0x161: {  	v0 =	vadd.s32 v1, v0  }
0x162: {  	[tilespmem:s21+$0xFFFFFFF0] =	vst v0  }
0x163: {  	v0 =	vld [tilespmem:s19+$0x0]  }
0x164: {  	v1 =	vld [tilespmem:s20+$0x0];
	_ =	sdelay $0x3  }
0x165: {  	v0 =	vtrunc.f32 v0  }
0x166: {  	v1 =	vtrunc.f32 v1;
	v0 =	vcvt.f32.s32 v0  }
0x167: {  	v1 =	vcvt.f32.s32 v1  }
0x168: {  	v0 =	vshll.u32 v0, $0xB  }
0x169: {  	v0 =	vadd.s32 v1, v0  }
0x16a: {  	[tilespmem:s21+$0x0] =	vst v0  }
0x16b: {  	v0 =	vld [tilespmem:s19+$0x10]  }
0x16c: {  	v1 =	vld [tilespmem:s20+$0x10];
	_ =	sdelay $0x3  }
0x16d: {  	v0 =	vtrunc.f32 v0  }
0x16e: {  	v1 =	vtrunc.f32 v1;
	v0 =	vcvt.f32.s32 v0  }
0x16f: {  	v1 =	vcvt.f32.s32 v1  }
0x170: {  	v0 =	vshll.u32 v0, $0xB  }
0x171: {  	v0 =	vadd.s32 v1, v0  }
0x172: {  	[tilespmem:s21+$0x10] =	vst v0  }
0x173: {  	v0 =	vld [tilespmem:s19+$0x20]  }
0x174: {  	v1 =	vld [tilespmem:s20+$0x20];
	_ =	sdelay $0x3  }
0x175: {  	v0 =	vtrunc.f32 v0  }
0x176: {  	v1 =	vtrunc.f32 v1;
	v0 =	vcvt.f32.s32 v0  }
0x177: {  	v1 =	vcvt.f32.s32 v1  }
0x178: {  	v0 =	vshll.u32 v0, $0xB  }
0x179: {  	v0 =	vadd.s32 v1, v0  }
0x17a: {  	[tilespmem:s21+$0x20] =	vst v0  }
0x17b: {  	v0 =	vld [tilespmem:s19+$0x30]  }
0x17c: {  	v1 =	vld [tilespmem:s20+$0x30];
	_ =	sdelay $0x3  }
0x17d: {  	v0 =	vtrunc.f32 v0  }
0x17e: {  	v1 =	vtrunc.f32 v1;
	v0 =	vcvt.f32.s32 v0  }
0x17f: {  	v1 =	vcvt.f32.s32 v1  }
0x180: {  	v0 =	vshll.u32 v0, $0xB  }
0x181: {  	s22 =	simm.s32 $0x0;
	s23 =	simm.s32 $0x100C0;
	v0 =	vadd.s32 v1, v0  }
.LBB2_6:
0x182: {  	s22 =	sadd.s32 $0x8, s22;
	[tilespmem:s21+$0x30] =	vst v0;
	s20 =	sadd.s32 $0x80, s20;
	s19 =	sadd.s32 $0x80, s19  }
0x183: {  	s21 =	smov.u32 s23;
	v0 =	vld [tilespmem:s19+$0xFFFFFFC0];
	p0 =	slt.u32 s22, $0x1F8  }
0x184: {  	v1 =	vld [tilespmem:s20+$0xFFFFFFC0];
	_ =	sdelay $0x3  }
0x185: {  	v0 =	vtrunc.f32 v0  }
0x186: {  	v1 =	vtrunc.f32 v1;
	v0 =	vcvt.f32.s32 v0  }
0x187: {  	v1 =	vcvt.f32.s32 v1  }
0x188: {  	v0 =	vshll.u32 v0, $0xB  }
0x189: {  	v0 =	vadd.s32 v1, v0  }
0x18a: {  	[tilespmem:s23+$0xFFFFFFC0] =	vst v0  }
0x18b: {  	v0 =	vld [tilespmem:s19+$0xFFFFFFD0]  }
0x18c: {  	v1 =	vld [tilespmem:s20+$0xFFFFFFD0];
	_ =	sdelay $0x3  }
0x18d: {  	v0 =	vtrunc.f32 v0  }
0x18e: {  	v1 =	vtrunc.f32 v1;
	v0 =	vcvt.f32.s32 v0  }
0x18f: {  	v1 =	vcvt.f32.s32 v1  }
0x190: {  	v0 =	vshll.u32 v0, $0xB  }
0x191: {  	v0 =	vadd.s32 v1, v0  }
0x192: {  	[tilespmem:s23+$0xFFFFFFD0] =	vst v0  }
0x193: {  	v0 =	vld [tilespmem:s19+$0xFFFFFFE0]  }
0x194: {  	v1 =	vld [tilespmem:s20+$0xFFFFFFE0];
	_ =	sdelay $0x3  }
0x195: {  	v0 =	vtrunc.f32 v0  }
0x196: {  	v1 =	vtrunc.f32 v1;
	v0 =	vcvt.f32.s32 v0  }
0x197: {  	v1 =	vcvt.f32.s32 v1  }
0x198: {  	v0 =	vshll.u32 v0, $0xB  }
0x199: {  	v0 =	vadd.s32 v1, v0  }
0x19a: {  	[tilespmem:s23+$0xFFFFFFE0] =	vst v0  }
0x19b: {  	v0 =	vld [tilespmem:s19+$0xFFFFFFF0]  }
0x19c: {  	v1 =	vld [tilespmem:s20+$0xFFFFFFF0];
	_ =	sdelay $0x3  }
0x19d: {  	v0 =	vtrunc.f32 v0  }
0x19e: {  	v1 =	vtrunc.f32 v1;
	v0 =	vcvt.f32.s32 v0  }
0x19f: {  	v1 =	vcvt.f32.s32 v1  }
0x1a0: {  	v0 =	vshll.u32 v0, $0xB  }
0x1a1: {  	v0 =	vadd.s32 v1, v0  }
0x1a2: {  	[tilespmem:s23+$0xFFFFFFF0] =	vst v0  }
0x1a3: {  	v0 =	vld [tilespmem:s19+$0x0]  }
0x1a4: {  	v1 =	vld [tilespmem:s20+$0x0];
	_ =	sdelay $0x3  }
0x1a5: {  	v0 =	vtrunc.f32 v0  }
0x1a6: {  	v1 =	vtrunc.f32 v1;
	v0 =	vcvt.f32.s32 v0  }
0x1a7: {  	v1 =	vcvt.f32.s32 v1  }
0x1a8: {  	v0 =	vshll.u32 v0, $0xB  }
0x1a9: {  	v0 =	vadd.s32 v1, v0  }
0x1aa: {  	[tilespmem:s23+$0x0] =	vst v0  }
0x1ab: {  	v0 =	vld [tilespmem:s19+$0x10]  }
0x1ac: {  	v1 =	vld [tilespmem:s20+$0x10];
	_ =	sdelay $0x3  }
0x1ad: {  	v0 =	vtrunc.f32 v0  }
0x1ae: {  	v1 =	vtrunc.f32 v1;
	v0 =	vcvt.f32.s32 v0  }
0x1af: {  	v1 =	vcvt.f32.s32 v1  }
0x1b0: {  	v0 =	vshll.u32 v0, $0xB  }
0x1b1: {  	v0 =	vadd.s32 v1, v0  }
0x1b2: {  	[tilespmem:s23+$0x10] =	vst v0  }
0x1b3: {  	v0 =	vld [tilespmem:s19+$0x20]  }
0x1b4: {  	v1 =	vld [tilespmem:s20+$0x20];
	_ =	sdelay $0x3  }
0x1b5: {  	v0 =	vtrunc.f32 v0  }
0x1b6: {  	v1 =	vtrunc.f32 v1;
	v0 =	vcvt.f32.s32 v0  }
0x1b7: {  	v1 =	vcvt.f32.s32 v1  }
0x1b8: {  	v0 =	vshll.u32 v0, $0xB  }
0x1b9: {  	v0 =	vadd.s32 v1, v0  }
0x1ba: {  	[tilespmem:s23+$0x20] =	vst v0  }
0x1bb: {  	v0 =	vld [tilespmem:s19+$0x30]  }
0x1bc: {  	v1 =	vld [tilespmem:s20+$0x30];
	_ =	sdelay $0x3  }
.Ltmp2:
0x1bd: {  	v0 =	vtrunc.f32 v0;
	(pc) =	sbr.rel @p0 .LBB2_6-.Ltmp2, $4  }
0x1be: {  	v1 =	vtrunc.f32 v1;
	v0 =	vcvt.f32.s32 v0  }
0x1bf: {  	v1 =	vcvt.f32.s32 v1  }
0x1c0: {  	v0 =	vshll.u32 v0, $0xB  }
0x1c1: {  	s23 =	sadd.s32 $0x80, s23;
	v0 =	vadd.s32 v1, v0  }
0x1c2: {  	[tilespmem:s21+$0x30] =	vst v0;
	s19 =	simm.s32 $0x10000;
	s20 =	simm.s32 $0x16000  }
0x1c3: {  	[tilespmem:s20], [sflag:$0xB] =	stream.indirect.gather [hbm4b:s1+s30], $0x1, s19, s30, $0xb8;
	[tilespmem:$0x18080] =	vst v63  }
0x1c4: {  	s21 =	simm.s32 $0x11000;
	s22 =	simm.s32 $0x17000  }
0x1c5: {  	[tilespmem:s22], [sflag:$0xC] =	stream.indirect.gather [hbm4b:s1+s30], $0x1, s21, s30, $0xb8;
	[tilespmem:$0x18080] =	vst v63  }
0x1c6: {  	_ =	swait.ge [sflag:s11], $0x1000  }
0x1c7: {  	[sflag:s11] =	ssyncset.done $0x0  }
0x1c8: {  	[sflag:s11] =	ssyncadd.s32 $0xFFFFF000  }
0x1c9: {  	_ =	swait.ge [sflag:s12], $0x1000  }
0x1ca: {  	[sflag:s12] =	ssyncset.done $0x0  }
0x1cb: {  	s23 =	simm.s32 $0x12040;
	[sflag:s12] =	ssyncadd.s32 $0xFFFFF000  }
0x1cc: {  	v0 =	vld [tilespmem:s23+$0xFFFFFFC0];
	_ =	sdelay $0x2  }
0x1cd: {  	v1 =	vld [tilespmem:s23+$0xFFFFFFD0]  }
0x1ce: {  	s19 =	simm.s32 $0x40;
	v2 =	vld [tilespmem:s23+$0xFFFFFFE0]  }
0x1cf: {  	v3 =	vld [tilespmem:s19+$0xFFFFFFC0];
	v0 =	vtrunc.f32 v0  }
0x1d0: {  	v6 =	vld [tilespmem:s23+$0xFFFFFFF0];
	v0 =	vcvt.f32.s32 v0  }
0x1d1: {  	s20 =	simm.s32 $0x6040  }
0x1d2: {  	v5 =	vld [tilespmem:s20+$0xFFFFFFC0];
	v4 =	vshrl.u32 v0, $0xC  }
0x1d3: {  	v1 =	vtrunc.f32 v1;
	v4 =	vcvt.s32.f32 v4  }
0x1d4: {  	v8 =	vld [tilespmem:s19+$0xFFFFFFD0];
	v2 =	vtrunc.f32 v2;
	v1 =	vcvt.f32.s32 v1;
	v0 =	vand.u32 $0xFFF, v0  }
0x1d5: {  	v9 =	vld [tilespmem:s20+$0xFFFFFFD0];
	v6 =	vtrunc.f32 v6;
	v0 =	vcvt.s32.f32 v0;
	v3 =	vsub.f32 v3, v4  }
0x1d6: {  	v2 =	vcvt.f32.s32 v2;
	v4 =	vshrl.u32 v1, $0xC;
	v1 =	vand.u32 $0xFFF, v1  }
0x1d7: {  	v0 =	vsub.f32 v5, v0;
	v5 =	vld [tilespmem:s23+$0x0];
	v4 =	vcvt.s32.f32 v4;
	v3 =	vmul.f32 v3, v3  }
0x1d8: {  	v7 =	vimm.f32 $0.0e+00;
	v11 =	vld [tilespmem:s19+$0xFFFFFFE0];
	v6 =	vcvt.f32.s32 v6;
	v1 =	vcvt.s32.f32 v1  }
0x1d9: {  	v0 =	vmul.f32 v0, v0;
	v4 =	vsub.f32 v8, v4;
	v3 =	vadd.f32 v3, v7  }
0x1da: {  	v10 =	vshrl.u32 v2, $0xC;
	v2 =	vand.u32 $0xFFF, v2;
	v8 =	vld [tilespmem:s20+$0xFFFFFFE0];
	v1 =	vsub.f32 v9, v1  }
0x1db: {  	v7 =	vcvt.s32.f32 v10;
	v10 =	vld [tilespmem:s19+$0xFFFFFFF0];
	v0 =	vadd.f32 v3, v0;
	v3 =	vmul.f32 v4, v4  }
0x1dc: {  	v2 =	vcvt.s32.f32 v2;
	v9 =	vshrl.u32 v6, $0xC;
	v5 =	vtrunc.f32 v5;
	v4 =	vld [tilespmem:s23+$0x10]  }
0x1dd: {  	v1 =	vmul.f32 v1, v1;
	v0 =	vadd.f32 v3, v0;
	v3 =	vsub.f32 v11, v7  }
0x1de: {  	v6 =	vand.u32 $0xFFF, v6;
	v5 =	vcvt.f32.s32 v5;
	v7 =	vcvt.s32.f32 v9;
	v9 =	vld [tilespmem:s20+$0xFFFFFFF0]  }
0x1df: {  	v11 =	vld [tilespmem:s19+$0x0];
	v0 =	vadd.f32 v0, v1;
	v1 =	vsub.f32 v8, v2;
	v2 =	vmul.f32 v3, v3  }
0x1e0: {  	v6 =	vcvt.s32.f32 v6;
	v3 =	vld [tilespmem:s23+$0x20];
	v8 =	vshrl.u32 v5, $0xC;
	v7 =	vsub.f32 v10, v7  }
0x1e1: {  	v4 =	vtrunc.f32 v4;
	v0 =	vadd.f32 v2, v0;
	v2 =	vmul.f32 v1, v1  }
0x1e2: {  	v5 =	vand.u32 $0xFFF, v5;
	v12 =	vcvt.s32.f32 v8;
	v4 =	vcvt.f32.s32 v4;
	v1 =	vld [tilespmem:s20+$0x0]  }
0x1e3: {  	v7 =	vmul.f32 v7, v7;
	v6 =	vsub.f32 v9, v6;
	v8 =	vadd.f32 v0, v2;
	v0 =	vld [tilespmem:s23+$0x30]  }
0x1e4: {  	v5 =	vcvt.s32.f32 v5;
	v9 =	vsub.f32 v11, v12;
	v13 =	vshrl.u32 v4, $0xC;
	v2 =	vld [tilespmem:s19+$0x10]  }
0x1e5: {  	v14 =	vtrunc.f32 v3;
	v10 =	vmul.f32 v6, v6;
	v8 =	vadd.f32 v7, v8  }
0x1e6: {  	s21 =	simm.s32 $0x0;
	s22 =	simm.s32 $0x120C0;
	v6 =	vcvt.s32.f32 v13;
	v3 =	vld [tilespmem:s20+$0x10];
	v7 =	vand.u32 $0xFFF, v4;
	v4 =	vcvt.f32.s32 v14  }
.LBB2_8:
0x1e7: {  	v11 =	vld [tilespmem:s22+$0xFFFFFFC0];
	v8 =	vadd.f32 v8, v10;
	v1 =	vsub.f32 v1, v5;
	v5 =	vmul.f32 v9, v9  }
0x1e8: {  	v7 =	vcvt.s32.f32 v7;
	v9 =	vshrl.u32 v4, $0xC;
	v10 =	vld [tilespmem:s19+$0x20];
	v0 =	vtrunc.f32 v0  }
0x1e9: {  	v5 =	vadd.f32 v5, v8;
	v1 =	vmul.f32 v1, v1;
	v2 =	vsub.f32 v2, v6  }
0x1ea: {  	s21 =	sadd.s32 $0x8, s21;
	v4 =	vand.u32 $0xFFF, v4;
	v6 =	vcvt.s32.f32 v9;
	v0 =	vcvt.f32.s32 v0;
	v8 =	vld [tilespmem:s20+$0x20]  }
0x1eb: {  	p0 =	slt.u32 s21, $0x1F8;
	v9 =	vld [tilespmem:s22+$0xFFFFFFD0];
	v1 =	vadd.f32 v5, v1;
	v3 =	vsub.f32 v3, v7;
	v2 =	vmul.f32 v2, v2  }
0x1ec: {  	v4 =	vcvt.s32.f32 v4;
	v7 =	vshrl.u32 v0, $0xC;
	v5 =	vtrunc.f32 v11;
	v11 =	vld [tilespmem:s19+$0x30]  }
0x1ed: {  	v1 =	vadd.f32 v2, v1;
	v2 =	vmul.f32 v3, v3;
	v3 =	vsub.f32 v10, v6  }
0x1ee: {  	v0 =	vand.u32 $0xFFF, v0;
	v5 =	vcvt.f32.s32 v5;
	v6 =	vcvt.s32.f32 v7;
	v7 =	vld [tilespmem:s20+$0x30]  }
0x1ef: {  	s19 =	sadd.s32 $0x80, s19;
	v10 =	vld [tilespmem:s22+$0xFFFFFFE0];
	v1 =	vadd.f32 v1, v2;
	v2 =	vsub.f32 v8, v4;
	v3 =	vmul.f32 v3, v3  }
0x1f0: {  	v0 =	vcvt.s32.f32 v0;
	v4 =	vshrl.u32 v5, $0xC;
	v8 =	vld [tilespmem:s19+$0xFFFFFFC0];
	v9 =	vtrunc.f32 v9  }
0x1f1: {  	s20 =	sadd.s32 $0x80, s20;
	v1 =	vadd.f32 v3, v1;
	v2 =	vmul.f32 v2, v2;
	v3 =	vsub.f32 v11, v6  }
0x1f2: {  	v5 =	vand.u32 $0xFFF, v5;
	v4 =	vcvt.s32.f32 v4;
	v9 =	vcvt.f32.s32 v9;
	v6 =	vld [tilespmem:s20+$0xFFFFFFC0]  }
0x1f3: {  	v11 =	vld [tilespmem:s22+$0xFFFFFFF0];
	v1 =	vadd.f32 v1, v2;
	v0 =	vsub.f32 v7, v0;
	v2 =	vmul.f32 v3, v3  }
0x1f4: {  	v3 =	vcvt.s32.f32 v5;
	v5 =	vshrl.u32 v9, $0xC;
	v7 =	vld [tilespmem:s19+$0xFFFFFFD0];
	v10 =	vtrunc.f32 v10  }
0x1f5: {  	v4 =	vsub.f32 v8, v4;
	v1 =	vadd.f32 v2, v1;
	v0 =	vmul.f32 v0, v0  }
0x1f6: {  	v5 =	vcvt.s32.f32 v5;
	v2 =	vand.u32 $0xFFF, v9;
	v9 =	vcvt.f32.s32 v10;
	v8 =	vld [tilespmem:s20+$0xFFFFFFD0]  }
0x1f7: {  	v3 =	vsub.f32 v6, v3;
	v4 =	vmul.f32 v4, v4;
	v6 =	vld [tilespmem:s22+$0x0];
	v0 =	vadd.f32 v1, v0  }
0x1f8: {  	v1 =	vcvt.s32.f32 v2;
	v2 =	vshrl.u32 v9, $0xC;
	v10 =	vld [tilespmem:s19+$0xFFFFFFE0];
	v11 =	vtrunc.f32 v11  }
0x1f9: {  	v0 =	vadd.f32 v4, v0;
	v3 =	vmul.f32 v3, v3;
	v4 =	vsub.f32 v7, v5  }
0x1fa: {  	v2 =	vcvt.s32.f32 v2;
	v5 =	vand.u32 $0xFFF, v9;
	v9 =	vcvt.f32.s32 v11;
	v7 =	vld [tilespmem:s20+$0xFFFFFFE0]  }
0x1fb: {  	v0 =	vadd.f32 v0, v3;
	v1 =	vsub.f32 v8, v1;
	v3 =	vmul.f32 v4, v4;
	v4 =	vld [tilespmem:s22+$0x10]  }
0x1fc: {  	v5 =	vcvt.s32.f32 v5;
	v8 =	vshrl.u32 v9, $0xC;
	v11 =	vld [tilespmem:s19+$0xFFFFFFF0];
	v6 =	vtrunc.f32 v6  }
0x1fd: {  	v0 =	vadd.f32 v3, v0;
	v1 =	vmul.f32 v1, v1;
	v2 =	vsub.f32 v10, v2  }
0x1fe: {  	v8 =	vcvt.s32.f32 v8;
	v3 =	vand.u32 $0xFFF, v9;
	v6 =	vcvt.f32.s32 v6;
	v9 =	vld [tilespmem:s20+$0xFFFFFFF0]  }
0x1ff: {  	v0 =	vadd.f32 v0, v1;
	v1 =	vsub.f32 v7, v5;
	v2 =	vmul.f32 v2, v2;
	v7 =	vld [tilespmem:s22+$0x20]  }
0x200: {  	v3 =	vcvt.s32.f32 v3;
	v5 =	vshrl.u32 v6, $0xC;
	v12 =	vld [tilespmem:s19+$0x0];
	v4 =	vtrunc.f32 v4  }
0x201: {  	v0 =	vadd.f32 v2, v0;
	v2 =	vmul.f32 v1, v1;
	v8 =	vsub.f32 v11, v8  }
.Ltmp3:
0x202: {  	v6 =	vand.u32 $0xFFF, v6;
	v11 =	vcvt.s32.f32 v5;
	v4 =	vcvt.f32.s32 v4;
	v1 =	vld [tilespmem:s20+$0x0];
	(pc) =	sbr.rel @p0 .LBB2_8-.Ltmp3, $4  }
0x203: {  	v10 =	vadd.f32 v0, v2;
	v3 =	vsub.f32 v9, v3;
	v8 =	vmul.f32 v8, v8;
	v0 =	vld [tilespmem:s22+$0x30]  }
0x204: {  	v5 =	vcvt.s32.f32 v6;
	v6 =	vshrl.u32 v4, $0xC;
	v2 =	vld [tilespmem:s19+$0x10];
	v13 =	vtrunc.f32 v7  }
0x205: {  	v8 =	vadd.f32 v8, v10;
	v10 =	vmul.f32 v3, v3;
	v9 =	vsub.f32 v12, v11  }
0x206: {  	s22 =	sadd.s32 $0x80, s22;
	v7 =	vand.u32 $0xFFF, v4;
	v6 =	vcvt.s32.f32 v6;
	v4 =	vcvt.f32.s32 v13;
	v3 =	vld [tilespmem:s20+$0x10]  }
0x207: {  	v11 =	vld [tilespmem:s19+$0x20]  }
0x208: {  	v12 =	vld [tilespmem:s20+$0x20]  }
0x209: {  	v13 =	vld [tilespmem:s19+$0x30];
	s21 =	rddreg [dreg:$0xa]  }
0x20a: {  	v14 =	vld [tilespmem:s20+$0x30];
	[tilespmem:s3], [sflag:$0x1] =	stream.linear.gather [hbm4b:s21+s3], $0x2000, $0x38  }
0x20b: {  	s22 =	rddreg [dreg:$0xb];
	s23 =	simm.s32 $0x6000  }
0x20c: {  	[tilespmem:s23], [sflag:$0x4] =	stream.linear.gather [hbm4b:s22+s3], $0x2000, $0x38;
	[tilespmem:$0x18080] =	vst v63  }
0x20d: {  	_ =	swait.ge [sflag:s28], $0x2000  }
0x20e: {  	[sflag:s28] =	ssyncset.done $0x0  }
0x20f: {  	[sflag:s28] =	ssyncadd.s32 $0xFFFFE000  }
0x210: {  	_ =	swait.ge [sflag:s29], $0x2000  }
0x211: {  	[sflag:s29] =	ssyncset.done $0x0  }
0x212: {  	s19 =	simm.s32 $0x6040;
	[sflag:s29] =	ssyncadd.s32 $0xFFFFE000  }
0x213: {  	s20 =	simm.s32 $0x40;
	v15 =	vld [tilespmem:s19+$0xFFFFFFC0]  }
0x214: {  	v16 =	vld [tilespmem:s20+$0xFFFFFFC0];
	_ =	sdelay $0x3  }
0x215: {  	v15 =	vtrunc.f32 v15  }
0x216: {  	v16 =	vtrunc.f32 v16;
	v15 =	vcvt.f32.s32 v15  }
0x217: {  	v16 =	vcvt.f32.s32 v16  }
0x218: {  	v15 =	vshll.u32 v15, $0xB  }
0x219: {  	s21 =	simm.s32 $0xC040;
	v15 =	vadd.s32 v16, v15  }
0x21a: {  	[tilespmem:s21+$0xFFFFFFC0] =	vst v15  }
0x21b: {  	v15 =	vld [tilespmem:s19+$0xFFFFFFD0]  }
0x21c: {  	v49 =	vld [tilespmem:s20+$0xFFFFFFD0];
	_ =	sdelay $0x3  }
0x21d: {  	v15 =	vtrunc.f32 v15  }
0x21e: {  	v16 =	vtrunc.f32 v49;
	v15 =	vcvt.f32.s32 v15  }
0x21f: {  	v16 =	vcvt.f32.s32 v16  }
0x220: {  	v15 =	vshll.u32 v15, $0xB  }
0x221: {  	v15 =	vadd.s32 v16, v15  }
0x222: {  	[tilespmem:s21+$0xFFFFFFD0] =	vst v15  }
0x223: {  	v15 =	vld [tilespmem:s19+$0xFFFFFFE0]  }
0x224: {  	v50 =	vld [tilespmem:s20+$0xFFFFFFE0];
	_ =	sdelay $0x3  }
0x225: {  	v15 =	vtrunc.f32 v15  }
0x226: {  	v16 =	vtrunc.f32 v50;
	v15 =	vcvt.f32.s32 v15  }
0x227: {  	v16 =	vcvt.f32.s32 v16  }
0x228: {  	v15 =	vshll.u32 v15, $0xB  }
0x229: {  	v15 =	vadd.s32 v16, v15  }
0x22a: {  	[tilespmem:s21+$0xFFFFFFE0] =	vst v15  }
0x22b: {  	v15 =	vld [tilespmem:s19+$0xFFFFFFF0]  }
0x22c: {  	v51 =	vld [tilespmem:s20+$0xFFFFFFF0];
	_ =	sdelay $0x3  }
0x22d: {  	v15 =	vtrunc.f32 v15  }
0x22e: {  	v16 =	vtrunc.f32 v51;
	v15 =	vcvt.f32.s32 v15  }
0x22f: {  	v16 =	vcvt.f32.s32 v16  }
0x230: {  	v15 =	vshll.u32 v15, $0xB  }
0x231: {  	v15 =	vadd.s32 v16, v15  }
0x232: {  	[tilespmem:s21+$0xFFFFFFF0] =	vst v15  }
0x233: {  	v15 =	vld [tilespmem:s19+$0x0]  }
0x234: {  	v52 =	vld [tilespmem:s20+$0x0];
	_ =	sdelay $0x3  }
0x235: {  	v15 =	vtrunc.f32 v15  }
0x236: {  	v16 =	vtrunc.f32 v52;
	v15 =	vcvt.f32.s32 v15  }
0x237: {  	v16 =	vcvt.f32.s32 v16  }
0x238: {  	v15 =	vshll.u32 v15, $0xB  }
0x239: {  	v15 =	vadd.s32 v16, v15  }
0x23a: {  	[tilespmem:s21+$0x0] =	vst v15  }
0x23b: {  	v15 =	vld [tilespmem:s19+$0x10]  }
0x23c: {  	v53 =	vld [tilespmem:s20+$0x10];
	_ =	sdelay $0x3  }
0x23d: {  	v15 =	vtrunc.f32 v15  }
0x23e: {  	v16 =	vtrunc.f32 v53;
	v15 =	vcvt.f32.s32 v15  }
0x23f: {  	v16 =	vcvt.f32.s32 v16  }
0x240: {  	v15 =	vshll.u32 v15, $0xB  }
0x241: {  	v15 =	vadd.s32 v16, v15  }
0x242: {  	v8 =	vadd.f32 v8, v10;
	v1 =	vsub.f32 v1, v5;
	v54 =	vmul.f32 v9, v9;
	[tilespmem:s21+$0x10] =	vst v15  }
0x243: {  	v55 =	vld [tilespmem:s19+$0x20]  }
0x244: {  	v5 =	vadd.f32 v54, v8;
	v1 =	vmul.f32 v1, v1;
	v2 =	vsub.f32 v2, v6;
	v56 =	vld [tilespmem:s20+$0x20];
	_ =	sdelay $0x1  }
0x245: {  	v1 =	vadd.f32 v5, v1;
	v2 =	vmul.f32 v2, v2  }
0x246: {  	v7 =	vcvt.s32.f32 v7  }
0x247: {  	v0 =	vtrunc.f32 v0;
	v1 =	vadd.f32 v2, v1;
	v2 =	vtrunc.f32 v55  }
0x248: {  	v57 =	vshrl.u32 v4, $0xC;
	v6 =	vtrunc.f32 v56;
	v2 =	vcvt.f32.s32 v2  }
0x249: {  	v58 =	vand.u32 $0xFFF, v4;
	v0 =	vcvt.f32.s32 v0;
	v6 =	vcvt.f32.s32 v6  }
0x24a: {  	v3 =	vsub.f32 v3, v7;
	v5 =	vcvt.s32.f32 v57;
	v2 =	vshll.u32 v2, $0xB  }
0x24b: {  	v4 =	vcvt.s32.f32 v58;
	v2 =	vadd.s32 v6, v2  }
0x24c: {  	v59 =	vshrl.u32 v0, $0xC;
	v3 =	vmul.f32 v3, v3;
	v5 =	vsub.f32 v11, v5;
	[tilespmem:s21+$0x20] =	vst v2  }
0x24d: {  	v0 =	vand.u32 $0xFFF, v0;
	v61 =	vcvt.s32.f32 v59;
	v60 =	vld [tilespmem:s19+$0x30]  }
0x24e: {  	v1 =	vadd.f32 v1, v3;
	v3 =	vmul.f32 v5, v5;
	v2 =	vsub.f32 v12, v4;
	v62 =	vld [tilespmem:s20+$0x30]  }
0x24f: {  	v0 =	vcvt.s32.f32 v0  }
0x250: {  	v1 =	vadd.f32 v3, v1;
	v3 =	vsub.f32 v13, v61;
	v2 =	vmul.f32 v2, v2  }
0x251: {  	v0 =	vsub.f32 v14, v0  }
0x252: {  	v1 =	vadd.f32 v1, v2;
	v2 =	vmul.f32 v3, v3;
	v3 =	vtrunc.f32 v60  }
0x253: {  	v63 =	vtrunc.f32 v62;
	v3 =	vcvt.f32.s32 v3  }
0x254: {  	v0 =	vmul.f32 v0, v0;
	v1 =	vadd.f32 v2, v1;
	v2 =	vcvt.f32.s32 v63  }
0x255: {  	v3 =	vshll.u32 v3, $0xB  }
0x256: {  	s22 =	simm.s32 $0x0;
	s23 =	simm.s32 $0xC0C0;
	v0 =	vadd.f32 v1, v0;
	v1 =	vadd.s32 v2, v3  }
.LBB2_10:
0x257: {  	s22 =	sadd.s32 $0x8, s22;
	[tilespmem:s21+$0x30] =	vst v1;
	s20 =	sadd.s32 $0x80, s20;
	s19 =	sadd.s32 $0x80, s19  }
0x258: {  	s21 =	smov.u32 s23;
	v1 =	vld [tilespmem:s19+$0xFFFFFFC0];
	p0 =	slt.u32 s22, $0x1F8  }
0x259: {  	v2 =	vld [tilespmem:s20+$0xFFFFFFC0];
	_ =	sdelay $0x3  }
0x25a: {  	v1 =	vtrunc.f32 v1  }
0x25b: {  	v2 =	vtrunc.f32 v2;
	v1 =	vcvt.f32.s32 v1  }
0x25c: {  	v2 =	vcvt.f32.s32 v2  }
0x25d: {  	v1 =	vshll.u32 v1, $0xB  }
0x25e: {  	v1 =	vadd.s32 v2, v1  }
0x25f: {  	[tilespmem:s23+$0xFFFFFFC0] =	vst v1  }
0x260: {  	v1 =	vld [tilespmem:s19+$0xFFFFFFD0]  }
0x261: {  	v2 =	vld [tilespmem:s20+$0xFFFFFFD0];
	_ =	sdelay $0x3  }
0x262: {  	v1 =	vtrunc.f32 v1  }
0x263: {  	v2 =	vtrunc.f32 v2;
	v1 =	vcvt.f32.s32 v1  }
0x264: {  	v2 =	vcvt.f32.s32 v2  }
0x265: {  	v1 =	vshll.u32 v1, $0xB  }
0x266: {  	v1 =	vadd.s32 v2, v1  }
0x267: {  	[tilespmem:s23+$0xFFFFFFD0] =	vst v1  }
0x268: {  	v1 =	vld [tilespmem:s19+$0xFFFFFFE0]  }
0x269: {  	v2 =	vld [tilespmem:s20+$0xFFFFFFE0];
	_ =	sdelay $0x3  }
0x26a: {  	v1 =	vtrunc.f32 v1  }
0x26b: {  	v2 =	vtrunc.f32 v2;
	v1 =	vcvt.f32.s32 v1  }
0x26c: {  	v2 =	vcvt.f32.s32 v2  }
0x26d: {  	v1 =	vshll.u32 v1, $0xB  }
0x26e: {  	v1 =	vadd.s32 v2, v1  }
0x26f: {  	[tilespmem:s23+$0xFFFFFFE0] =	vst v1  }
0x270: {  	v1 =	vld [tilespmem:s19+$0xFFFFFFF0]  }
0x271: {  	v2 =	vld [tilespmem:s20+$0xFFFFFFF0];
	_ =	sdelay $0x3  }
0x272: {  	v1 =	vtrunc.f32 v1  }
0x273: {  	v2 =	vtrunc.f32 v2;
	v1 =	vcvt.f32.s32 v1  }
0x274: {  	v2 =	vcvt.f32.s32 v2  }
0x275: {  	v1 =	vshll.u32 v1, $0xB  }
0x276: {  	v1 =	vadd.s32 v2, v1  }
0x277: {  	[tilespmem:s23+$0xFFFFFFF0] =	vst v1  }
0x278: {  	v1 =	vld [tilespmem:s19+$0x0]  }
0x279: {  	v2 =	vld [tilespmem:s20+$0x0];
	_ =	sdelay $0x3  }
0x27a: {  	v1 =	vtrunc.f32 v1  }
0x27b: {  	v2 =	vtrunc.f32 v2;
	v1 =	vcvt.f32.s32 v1  }
0x27c: {  	v2 =	vcvt.f32.s32 v2  }
0x27d: {  	v1 =	vshll.u32 v1, $0xB  }
0x27e: {  	v1 =	vadd.s32 v2, v1  }
0x27f: {  	[tilespmem:s23+$0x0] =	vst v1  }
0x280: {  	v1 =	vld [tilespmem:s19+$0x10]  }
0x281: {  	v2 =	vld [tilespmem:s20+$0x10];
	_ =	sdelay $0x3  }
0x282: {  	v1 =	vtrunc.f32 v1  }
0x283: {  	v2 =	vtrunc.f32 v2;
	v1 =	vcvt.f32.s32 v1  }
0x284: {  	v2 =	vcvt.f32.s32 v2  }
0x285: {  	v1 =	vshll.u32 v1, $0xB  }
0x286: {  	v1 =	vadd.s32 v2, v1  }
0x287: {  	[tilespmem:s23+$0x10] =	vst v1  }
0x288: {  	v1 =	vld [tilespmem:s19+$0x20]  }
0x289: {  	v2 =	vld [tilespmem:s20+$0x20];
	_ =	sdelay $0x3  }
0x28a: {  	v1 =	vtrunc.f32 v1  }
0x28b: {  	v2 =	vtrunc.f32 v2;
	v1 =	vcvt.f32.s32 v1  }
0x28c: {  	v2 =	vcvt.f32.s32 v2  }
0x28d: {  	v1 =	vshll.u32 v1, $0xB  }
0x28e: {  	v1 =	vadd.s32 v2, v1  }
0x28f: {  	[tilespmem:s23+$0x20] =	vst v1  }
0x290: {  	v1 =	vld [tilespmem:s19+$0x30]  }
0x291: {  	v2 =	vld [tilespmem:s20+$0x30];
	_ =	sdelay $0x3  }
.Ltmp4:
0x292: {  	v1 =	vtrunc.f32 v1;
	(pc) =	sbr.rel @p0 .LBB2_10-.Ltmp4, $4  }
0x293: {  	v2 =	vtrunc.f32 v2;
	v1 =	vcvt.f32.s32 v1  }
0x294: {  	v2 =	vcvt.f32.s32 v2  }
0x295: {  	v1 =	vshll.u32 v1, $0xB  }
0x296: {  	s23 =	sadd.s32 $0x80, s23;
	v1 =	vadd.s32 v2, v1  }
0x297: {  	[tilespmem:s21+$0x30] =	vst v1  }
0x298: {  	[tilespmem:s0], [sflag:$0x7] =	stream.indirect.gather [hbm4b:s1+s30], $0x1, s31, s30, $0xb8;
	[tilespmem:$0x18080] =	vst v63  }
0x299: {  	_ = 	snop  }
0x29a: {  	[tilespmem:s25], [sflag:$0x8] =	stream.indirect.gather [hbm4b:s1+s30], $0x1, s2, s30, $0xb8;
	[tilespmem:$0x18080] =	vst v63  }
0x29b: {  	_ =	swait.ge [sflag:s13], $0x1000  }
0x29c: {  	[sflag:s13] =	ssyncset.done $0x0  }
0x29d: {  	[sflag:s13] =	ssyncadd.s32 $0xFFFFF000  }
0x29e: {  	_ =	swait.ge [sflag:s14], $0x1000  }
0x29f: {  	[sflag:s14] =	ssyncset.done $0x0  }
0x2a0: {  	s23 =	simm.s32 $0x14040;
	[sflag:s14] =	ssyncadd.s32 $0xFFFFF000  }
0x2a1: {  	v1 =	vld [tilespmem:s23+$0xFFFFFFC0];
	_ =	sdelay $0x3  }
0x2a2: {  	v2 =	vld [tilespmem:s23+$0xFFFFFFD0]  }
0x2a3: {  	s19 =	simm.s32 $0x2040;
	v3 =	vld [tilespmem:s23+$0xFFFFFFE0];
	v1 =	vtrunc.f32 v1  }
0x2a4: {  	v4 =	vld [tilespmem:s19+$0xFFFFFFC0];
	v1 =	vcvt.f32.s32 v1  }
0x2a5: {  	s20 =	simm.s32 $0x8040  }
0x2a6: {  	v6 =	vld [tilespmem:s20+$0xFFFFFFC0];
	v5 =	vshrl.u32 v1, $0xC  }
0x2a7: {  	v7 =	vld [tilespmem:s23+$0xFFFFFFF0];
	v2 =	vtrunc.f32 v2;
	v5 =	vcvt.s32.f32 v5  }
0x2a8: {  	v8 =	vld [tilespmem:s19+$0xFFFFFFD0];
	v2 =	vcvt.f32.s32 v2;
	v1 =	vand.u32 $0xFFF, v1  }
0x2a9: {  	v3 =	vtrunc.f32 v3;
	v1 =	vcvt.s32.f32 v1;
	v4 =	vsub.f32 v4, v5  }
0x2aa: {  	v9 =	vld [tilespmem:s20+$0xFFFFFFD0];
	v3 =	vcvt.f32.s32 v3;
	v5 =	vshrl.u32 v2, $0xC;
	v2 =	vand.u32 $0xFFF, v2  }
0x2ab: {  	v1 =	vsub.f32 v6, v1;
	v6 =	vld [tilespmem:s23+$0x0];
	v5 =	vcvt.s32.f32 v5;
	v4 =	vmul.f32 v4, v4  }
0x2ac: {  	v11 =	vld [tilespmem:s19+$0xFFFFFFE0];
	v7 =	vtrunc.f32 v7;
	v10 =	vshrl.u32 v3, $0xC;
	v2 =	vcvt.s32.f32 v2  }
0x2ad: {  	v1 =	vmul.f32 v1, v1;
	v0 =	vadd.f32 v4, v0;
	v4 =	vsub.f32 v8, v5  }
0x2ae: {  	v7 =	vcvt.f32.s32 v7;
	v3 =	vand.u32 $0xFFF, v3;
	v5 =	vcvt.s32.f32 v10;
	v8 =	vld [tilespmem:s20+$0xFFFFFFE0]  }
0x2af: {  	v10 =	vld [tilespmem:s19+$0xFFFFFFF0];
	v0 =	vadd.f32 v0, v1;
	v1 =	vsub.f32 v9, v2;
	v2 =	vmul.f32 v4, v4  }
0x2b0: {  	v3 =	vcvt.s32.f32 v3;
	v6 =	vtrunc.f32 v6;
	v4 =	vld [tilespmem:s23+$0x10];
	v9 =	vshrl.u32 v7, $0xC  }
0x2b1: {  	v0 =	vadd.f32 v2, v0;
	v1 =	vmul.f32 v1, v1;
	v2 =	vsub.f32 v11, v5  }
0x2b2: {  	v6 =	vcvt.f32.s32 v6;
	v5 =	vand.u32 $0xFFF, v7;
	v7 =	vcvt.s32.f32 v9;
	v9 =	vld [tilespmem:s20+$0xFFFFFFF0]  }
0x2b3: {  	v0 =	vadd.f32 v0, v1;
	v1 =	vsub.f32 v8, v3;
	v2 =	vmul.f32 v2, v2;
	v3 =	vld [tilespmem:s23+$0x20]  }
0x2b4: {  	v11 =	vld [tilespmem:s19+$0x0];
	v5 =	vcvt.s32.f32 v5;
	v8 =	vshrl.u32 v6, $0xC;
	v7 =	vsub.f32 v10, v7  }
0x2b5: {  	v4 =	vtrunc.f32 v4;
	v0 =	vadd.f32 v2, v0;
	v2 =	vmul.f32 v1, v1  }
0x2b6: {  	v6 =	vand.u32 $0xFFF, v6;
	v12 =	vcvt.s32.f32 v8;
	v4 =	vcvt.f32.s32 v4;
	v1 =	vld [tilespmem:s20+$0x0]  }
0x2b7: {  	v7 =	vmul.f32 v7, v7;
	v9 =	vsub.f32 v9, v5;
	v8 =	vadd.f32 v0, v2;
	v0 =	vld [tilespmem:s23+$0x30]  }
0x2b8: {  	v5 =	vcvt.s32.f32 v6;
	v6 =	vshrl.u32 v4, $0xC;
	v2 =	vld [tilespmem:s19+$0x10];
	v13 =	vtrunc.f32 v3  }
0x2b9: {  	v10 =	vmul.f32 v9, v9;
	v9 =	vsub.f32 v11, v12;
	v8 =	vadd.f32 v7, v8  }
0x2ba: {  	s21 =	simm.s32 $0x0;
	s22 =	simm.s32 $0x140C0;
	v6 =	vcvt.s32.f32 v6;
	v3 =	vld [tilespmem:s20+$0x10];
	v7 =	vand.u32 $0xFFF, v4;
	v4 =	vcvt.f32.s32 v13  }
.LBB2_12:
0x2bb: {  	v11 =	vld [tilespmem:s22+$0xFFFFFFC0];
	v8 =	vadd.f32 v8, v10;
	v1 =	vsub.f32 v1, v5;
	v5 =	vmul.f32 v9, v9  }
0x2bc: {  	v7 =	vcvt.s32.f32 v7;
	v9 =	vshrl.u32 v4, $0xC;
	v10 =	vld [tilespmem:s19+$0x20];
	v0 =	vtrunc.f32 v0  }
0x2bd: {  	v5 =	vadd.f32 v5, v8;
	v1 =	vmul.f32 v1, v1;
	v2 =	vsub.f32 v2, v6  }
0x2be: {  	s21 =	sadd.s32 $0x8, s21;
	v4 =	vand.u32 $0xFFF, v4;
	v6 =	vcvt.s32.f32 v9;
	v0 =	vcvt.f32.s32 v0;
	v8 =	vld [tilespmem:s20+$0x20]  }
0x2bf: {  	p0 =	slt.u32 s21, $0x1F8;
	v9 =	vld [tilespmem:s22+$0xFFFFFFD0];
	v1 =	vadd.f32 v5, v1;
	v3 =	vsub.f32 v3, v7;
	v2 =	vmul.f32 v2, v2  }
0x2c0: {  	v4 =	vcvt.s32.f32 v4;
	v7 =	vshrl.u32 v0, $0xC;
	v5 =	vtrunc.f32 v11;
	v11 =	vld [tilespmem:s19+$0x30]  }
0x2c1: {  	v1 =	vadd.f32 v2, v1;
	v2 =	vmul.f32 v3, v3;
	v3 =	vsub.f32 v10, v6  }
0x2c2: {  	v0 =	vand.u32 $0xFFF, v0;
	v5 =	vcvt.f32.s32 v5;
	v6 =	vcvt.s32.f32 v7;
	v7 =	vld [tilespmem:s20+$0x30]  }
0x2c3: {  	s19 =	sadd.s32 $0x80, s19;
	v10 =	vld [tilespmem:s22+$0xFFFFFFE0];
	v1 =	vadd.f32 v1, v2;
	v2 =	vsub.f32 v8, v4;
	v3 =	vmul.f32 v3, v3  }
0x2c4: {  	v0 =	vcvt.s32.f32 v0;
	v4 =	vshrl.u32 v5, $0xC;
	v8 =	vld [tilespmem:s19+$0xFFFFFFC0];
	v9 =	vtrunc.f32 v9  }
0x2c5: {  	s20 =	sadd.s32 $0x80, s20;
	v1 =	vadd.f32 v3, v1;
	v2 =	vmul.f32 v2, v2;
	v3 =	vsub.f32 v11, v6  }
0x2c6: {  	v5 =	vand.u32 $0xFFF, v5;
	v4 =	vcvt.s32.f32 v4;
	v9 =	vcvt.f32.s32 v9;
	v6 =	vld [tilespmem:s20+$0xFFFFFFC0]  }
0x2c7: {  	v11 =	vld [tilespmem:s22+$0xFFFFFFF0];
	v1 =	vadd.f32 v1, v2;
	v0 =	vsub.f32 v7, v0;
	v2 =	vmul.f32 v3, v3  }
0x2c8: {  	v3 =	vcvt.s32.f32 v5;
	v5 =	vshrl.u32 v9, $0xC;
	v7 =	vld [tilespmem:s19+$0xFFFFFFD0];
	v10 =	vtrunc.f32 v10  }
0x2c9: {  	v4 =	vsub.f32 v8, v4;
	v1 =	vadd.f32 v2, v1;
	v0 =	vmul.f32 v0, v0  }
0x2ca: {  	v5 =	vcvt.s32.f32 v5;
	v2 =	vand.u32 $0xFFF, v9;
	v9 =	vcvt.f32.s32 v10;
	v8 =	vld [tilespmem:s20+$0xFFFFFFD0]  }
0x2cb: {  	v3 =	vsub.f32 v6, v3;
	v4 =	vmul.f32 v4, v4;
	v6 =	vld [tilespmem:s22+$0x0];
	v0 =	vadd.f32 v1, v0  }
0x2cc: {  	v1 =	vcvt.s32.f32 v2;
	v2 =	vshrl.u32 v9, $0xC;
	v10 =	vld [tilespmem:s19+$0xFFFFFFE0];
	v11 =	vtrunc.f32 v11  }
0x2cd: {  	v0 =	vadd.f32 v4, v0;
	v3 =	vmul.f32 v3, v3;
	v4 =	vsub.f32 v7, v5  }
0x2ce: {  	v2 =	vcvt.s32.f32 v2;
	v5 =	vand.u32 $0xFFF, v9;
	v9 =	vcvt.f32.s32 v11;
	v7 =	vld [tilespmem:s20+$0xFFFFFFE0]  }
0x2cf: {  	v0 =	vadd.f32 v0, v3;
	v1 =	vsub.f32 v8, v1;
	v3 =	vmul.f32 v4, v4;
	v4 =	vld [tilespmem:s22+$0x10]  }
0x2d0: {  	v5 =	vcvt.s32.f32 v5;
	v8 =	vshrl.u32 v9, $0xC;
	v11 =	vld [tilespmem:s19+$0xFFFFFFF0];
	v6 =	vtrunc.f32 v6  }
0x2d1: {  	v0 =	vadd.f32 v3, v0;
	v1 =	vmul.f32 v1, v1;
	v2 =	vsub.f32 v10, v2  }
0x2d2: {  	v8 =	vcvt.s32.f32 v8;
	v3 =	vand.u32 $0xFFF, v9;
	v6 =	vcvt.f32.s32 v6;
	v9 =	vld [tilespmem:s20+$0xFFFFFFF0]  }
0x2d3: {  	v0 =	vadd.f32 v0, v1;
	v1 =	vsub.f32 v7, v5;
	v2 =	vmul.f32 v2, v2;
	v7 =	vld [tilespmem:s22+$0x20]  }
0x2d4: {  	v3 =	vcvt.s32.f32 v3;
	v5 =	vshrl.u32 v6, $0xC;
	v12 =	vld [tilespmem:s19+$0x0];
	v4 =	vtrunc.f32 v4  }
0x2d5: {  	v0 =	vadd.f32 v2, v0;
	v2 =	vmul.f32 v1, v1;
	v8 =	vsub.f32 v11, v8  }
.Ltmp5:
0x2d6: {  	v6 =	vand.u32 $0xFFF, v6;
	v11 =	vcvt.s32.f32 v5;
	v4 =	vcvt.f32.s32 v4;
	v1 =	vld [tilespmem:s20+$0x0];
	(pc) =	sbr.rel @p0 .LBB2_12-.Ltmp5, $4  }
0x2d7: {  	v10 =	vadd.f32 v0, v2;
	v3 =	vsub.f32 v9, v3;
	v8 =	vmul.f32 v8, v8;
	v0 =	vld [tilespmem:s22+$0x30]  }
0x2d8: {  	v5 =	vcvt.s32.f32 v6;
	v6 =	vshrl.u32 v4, $0xC;
	v2 =	vld [tilespmem:s19+$0x10];
	v13 =	vtrunc.f32 v7  }
0x2d9: {  	v8 =	vadd.f32 v8, v10;
	v10 =	vmul.f32 v3, v3;
	v9 =	vsub.f32 v12, v11  }
0x2da: {  	s22 =	sadd.s32 $0x80, s22;
	v7 =	vand.u32 $0xFFF, v4;
	v6 =	vcvt.s32.f32 v6;
	v4 =	vcvt.f32.s32 v13;
	v3 =	vld [tilespmem:s20+$0x10]  }
0x2db: {  	v11 =	vld [tilespmem:s19+$0x20]  }
0x2dc: {  	v12 =	vld [tilespmem:s20+$0x20]  }
0x2dd: {  	v13 =	vld [tilespmem:s19+$0x30];
	s21 =	rddreg [dreg:$0xc];
	s22 =	simm.s32 $0x2000  }
0x2de: {  	v14 =	vld [tilespmem:s20+$0x30];
	[tilespmem:s22], [sflag:$0x2] =	stream.linear.gather [hbm4b:s21+s3], $0x2000, $0x38  }
0x2df: {  	s23 =	rddreg [dreg:$0xd]  }
0x2e0: {  	[tilespmem:s24], [sflag:$0x5] =	stream.linear.gather [hbm4b:s23+s3], $0x2000, $0x38;
	[tilespmem:$0x18080] =	vst v63  }
0x2e1: {  	_ =	swait.ge [sflag:s26], $0x2000  }
0x2e2: {  	[sflag:s26] =	ssyncset.done $0x0  }
0x2e3: {  	[sflag:s26] =	ssyncadd.s32 $0xFFFFE000  }
0x2e4: {  	_ =	swait.ge [sflag:s4], $0x2000  }
0x2e5: {  	[sflag:s4] =	ssyncset.done $0x0  }
0x2e6: {  	s19 =	simm.s32 $0x8040;
	[sflag:s4] =	ssyncadd.s32 $0xFFFFE000  }
0x2e7: {  	s20 =	simm.s32 $0x2040;
	v15 =	vld [tilespmem:s19+$0xFFFFFFC0]  }
0x2e8: {  	v16 =	vld [tilespmem:s20+$0xFFFFFFC0];
	_ =	sdelay $0x3  }
0x2e9: {  	v15 =	vtrunc.f32 v15  }
0x2ea: {  	v16 =	vtrunc.f32 v16;
	v15 =	vcvt.f32.s32 v15  }
0x2eb: {  	v16 =	vcvt.f32.s32 v16  }
0x2ec: {  	v15 =	vshll.u32 v15, $0xB  }
0x2ed: {  	s21 =	simm.s32 $0xE040;
	v15 =	vadd.s32 v16, v15  }
0x2ee: {  	[tilespmem:s21+$0xFFFFFFC0] =	vst v15  }
0x2ef: {  	v15 =	vld [tilespmem:s19+$0xFFFFFFD0]  }
0x2f0: {  	v49 =	vld [tilespmem:s20+$0xFFFFFFD0];
	_ =	sdelay $0x3  }
0x2f1: {  	v15 =	vtrunc.f32 v15  }
0x2f2: {  	v16 =	vtrunc.f32 v49;
	v15 =	vcvt.f32.s32 v15  }
0x2f3: {  	v16 =	vcvt.f32.s32 v16  }
0x2f4: {  	v15 =	vshll.u32 v15, $0xB  }
0x2f5: {  	v15 =	vadd.s32 v16, v15  }
0x2f6: {  	[tilespmem:s21+$0xFFFFFFD0] =	vst v15  }
0x2f7: {  	v15 =	vld [tilespmem:s19+$0xFFFFFFE0]  }
0x2f8: {  	v50 =	vld [tilespmem:s20+$0xFFFFFFE0];
	_ =	sdelay $0x3  }
0x2f9: {  	v15 =	vtrunc.f32 v15  }
0x2fa: {  	v16 =	vtrunc.f32 v50;
	v15 =	vcvt.f32.s32 v15  }
0x2fb: {  	v16 =	vcvt.f32.s32 v16  }
0x2fc: {  	v15 =	vshll.u32 v15, $0xB  }
0x2fd: {  	v15 =	vadd.s32 v16, v15  }
0x2fe: {  	[tilespmem:s21+$0xFFFFFFE0] =	vst v15  }
0x2ff: {  	v15 =	vld [tilespmem:s19+$0xFFFFFFF0]  }
0x300: {  	v51 =	vld [tilespmem:s20+$0xFFFFFFF0];
	_ =	sdelay $0x3  }
0x301: {  	v15 =	vtrunc.f32 v15  }
0x302: {  	v16 =	vtrunc.f32 v51;
	v15 =	vcvt.f32.s32 v15  }
0x303: {  	v16 =	vcvt.f32.s32 v16  }
0x304: {  	v15 =	vshll.u32 v15, $0xB  }
0x305: {  	v15 =	vadd.s32 v16, v15  }
0x306: {  	[tilespmem:s21+$0xFFFFFFF0] =	vst v15  }
0x307: {  	v15 =	vld [tilespmem:s19+$0x0]  }
0x308: {  	v52 =	vld [tilespmem:s20+$0x0];
	_ =	sdelay $0x3  }
0x309: {  	v15 =	vtrunc.f32 v15  }
0x30a: {  	v16 =	vtrunc.f32 v52;
	v15 =	vcvt.f32.s32 v15  }
0x30b: {  	v16 =	vcvt.f32.s32 v16  }
0x30c: {  	v15 =	vshll.u32 v15, $0xB  }
0x30d: {  	v15 =	vadd.s32 v16, v15  }
0x30e: {  	[tilespmem:s21+$0x0] =	vst v15  }
0x30f: {  	v15 =	vld [tilespmem:s19+$0x10]  }
0x310: {  	v53 =	vld [tilespmem:s20+$0x10];
	_ =	sdelay $0x3  }
0x311: {  	v15 =	vtrunc.f32 v15  }
0x312: {  	v16 =	vtrunc.f32 v53;
	v15 =	vcvt.f32.s32 v15  }
0x313: {  	v16 =	vcvt.f32.s32 v16  }
0x314: {  	v15 =	vshll.u32 v15, $0xB  }
0x315: {  	v15 =	vadd.s32 v16, v15  }
0x316: {  	v8 =	vadd.f32 v8, v10;
	v1 =	vsub.f32 v1, v5;
	v54 =	vmul.f32 v9, v9;
	[tilespmem:s21+$0x10] =	vst v15  }
0x317: {  	v55 =	vld [tilespmem:s19+$0x20]  }
0x318: {  	v5 =	vadd.f32 v54, v8;
	v1 =	vmul.f32 v1, v1;
	v2 =	vsub.f32 v2, v6;
	v56 =	vld [tilespmem:s20+$0x20];
	_ =	sdelay $0x1  }
0x319: {  	v1 =	vadd.f32 v5, v1;
	v2 =	vmul.f32 v2, v2  }
0x31a: {  	v7 =	vcvt.s32.f32 v7  }
0x31b: {  	v0 =	vtrunc.f32 v0;
	v1 =	vadd.f32 v2, v1;
	v2 =	vtrunc.f32 v55  }
0x31c: {  	v57 =	vshrl.u32 v4, $0xC;
	v6 =	vtrunc.f32 v56;
	v2 =	vcvt.f32.s32 v2  }
0x31d: {  	v58 =	vand.u32 $0xFFF, v4;
	v0 =	vcvt.f32.s32 v0;
	v6 =	vcvt.f32.s32 v6  }
0x31e: {  	v3 =	vsub.f32 v3, v7;
	v5 =	vcvt.s32.f32 v57;
	v2 =	vshll.u32 v2, $0xB  }
0x31f: {  	v4 =	vcvt.s32.f32 v58;
	v2 =	vadd.s32 v6, v2  }
0x320: {  	v59 =	vshrl.u32 v0, $0xC;
	v3 =	vmul.f32 v3, v3;
	v5 =	vsub.f32 v11, v5;
	[tilespmem:s21+$0x20] =	vst v2  }
0x321: {  	v0 =	vand.u32 $0xFFF, v0;
	v61 =	vcvt.s32.f32 v59;
	v60 =	vld [tilespmem:s19+$0x30]  }
0x322: {  	v1 =	vadd.f32 v1, v3;
	v3 =	vmul.f32 v5, v5;
	v2 =	vsub.f32 v12, v4;
	v62 =	vld [tilespmem:s20+$0x30]  }
0x323: {  	v0 =	vcvt.s32.f32 v0  }
0x324: {  	v1 =	vadd.f32 v3, v1;
	v3 =	vsub.f32 v13, v61;
	v2 =	vmul.f32 v2, v2  }
0x325: {  	v0 =	vsub.f32 v14, v0  }
0x326: {  	v1 =	vadd.f32 v1, v2;
	v2 =	vmul.f32 v3, v3;
	v3 =	vtrunc.f32 v60  }
0x327: {  	v63 =	vtrunc.f32 v62;
	v3 =	vcvt.f32.s32 v3  }
0x328: {  	v0 =	vmul.f32 v0, v0;
	v1 =	vadd.f32 v2, v1;
	v2 =	vcvt.f32.s32 v63  }
0x329: {  	v3 =	vshll.u32 v3, $0xB  }
0x32a: {  	s22 =	simm.s32 $0x0;
	s23 =	simm.s32 $0xE0C0;
	v0 =	vadd.f32 v1, v0;
	v1 =	vadd.s32 v2, v3  }
.LBB2_14:
0x32b: {  	s22 =	sadd.s32 $0x8, s22;
	[tilespmem:s21+$0x30] =	vst v1;
	s20 =	sadd.s32 $0x80, s20;
	s19 =	sadd.s32 $0x80, s19  }
0x32c: {  	s21 =	smov.u32 s23;
	v1 =	vld [tilespmem:s19+$0xFFFFFFC0];
	p0 =	slt.u32 s22, $0x1F8  }
0x32d: {  	v2 =	vld [tilespmem:s20+$0xFFFFFFC0];
	_ =	sdelay $0x3  }
0x32e: {  	v1 =	vtrunc.f32 v1  }
0x32f: {  	v2 =	vtrunc.f32 v2;
	v1 =	vcvt.f32.s32 v1  }
0x330: {  	v2 =	vcvt.f32.s32 v2  }
0x331: {  	v1 =	vshll.u32 v1, $0xB  }
0x332: {  	v1 =	vadd.s32 v2, v1  }
0x333: {  	[tilespmem:s23+$0xFFFFFFC0] =	vst v1  }
0x334: {  	v1 =	vld [tilespmem:s19+$0xFFFFFFD0]  }
0x335: {  	v2 =	vld [tilespmem:s20+$0xFFFFFFD0];
	_ =	sdelay $0x3  }
0x336: {  	v1 =	vtrunc.f32 v1  }
0x337: {  	v2 =	vtrunc.f32 v2;
	v1 =	vcvt.f32.s32 v1  }
0x338: {  	v2 =	vcvt.f32.s32 v2  }
0x339: {  	v1 =	vshll.u32 v1, $0xB  }
0x33a: {  	v1 =	vadd.s32 v2, v1  }
0x33b: {  	[tilespmem:s23+$0xFFFFFFD0] =	vst v1  }
0x33c: {  	v1 =	vld [tilespmem:s19+$0xFFFFFFE0]  }
0x33d: {  	v2 =	vld [tilespmem:s20+$0xFFFFFFE0];
	_ =	sdelay $0x3  }
0x33e: {  	v1 =	vtrunc.f32 v1  }
0x33f: {  	v2 =	vtrunc.f32 v2;
	v1 =	vcvt.f32.s32 v1  }
0x340: {  	v2 =	vcvt.f32.s32 v2  }
0x341: {  	v1 =	vshll.u32 v1, $0xB  }
0x342: {  	v1 =	vadd.s32 v2, v1  }
0x343: {  	[tilespmem:s23+$0xFFFFFFE0] =	vst v1  }
0x344: {  	v1 =	vld [tilespmem:s19+$0xFFFFFFF0]  }
0x345: {  	v2 =	vld [tilespmem:s20+$0xFFFFFFF0];
	_ =	sdelay $0x3  }
0x346: {  	v1 =	vtrunc.f32 v1  }
0x347: {  	v2 =	vtrunc.f32 v2;
	v1 =	vcvt.f32.s32 v1  }
0x348: {  	v2 =	vcvt.f32.s32 v2  }
0x349: {  	v1 =	vshll.u32 v1, $0xB  }
0x34a: {  	v1 =	vadd.s32 v2, v1  }
0x34b: {  	[tilespmem:s23+$0xFFFFFFF0] =	vst v1  }
0x34c: {  	v1 =	vld [tilespmem:s19+$0x0]  }
0x34d: {  	v2 =	vld [tilespmem:s20+$0x0];
	_ =	sdelay $0x3  }
0x34e: {  	v1 =	vtrunc.f32 v1  }
0x34f: {  	v2 =	vtrunc.f32 v2;
	v1 =	vcvt.f32.s32 v1  }
0x350: {  	v2 =	vcvt.f32.s32 v2  }
0x351: {  	v1 =	vshll.u32 v1, $0xB  }
0x352: {  	v1 =	vadd.s32 v2, v1  }
0x353: {  	[tilespmem:s23+$0x0] =	vst v1  }
0x354: {  	v1 =	vld [tilespmem:s19+$0x10]  }
0x355: {  	v2 =	vld [tilespmem:s20+$0x10];
	_ =	sdelay $0x3  }
0x356: {  	v1 =	vtrunc.f32 v1  }
0x357: {  	v2 =	vtrunc.f32 v2;
	v1 =	vcvt.f32.s32 v1  }
0x358: {  	v2 =	vcvt.f32.s32 v2  }
0x359: {  	v1 =	vshll.u32 v1, $0xB  }
0x35a: {  	v1 =	vadd.s32 v2, v1  }
0x35b: {  	[tilespmem:s23+$0x10] =	vst v1  }
0x35c: {  	v1 =	vld [tilespmem:s19+$0x20]  }
0x35d: {  	v2 =	vld [tilespmem:s20+$0x20];
	_ =	sdelay $0x3  }
0x35e: {  	v1 =	vtrunc.f32 v1  }
0x35f: {  	v2 =	vtrunc.f32 v2;
	v1 =	vcvt.f32.s32 v1  }
0x360: {  	v2 =	vcvt.f32.s32 v2  }
0x361: {  	v1 =	vshll.u32 v1, $0xB  }
0x362: {  	v1 =	vadd.s32 v2, v1  }
0x363: {  	[tilespmem:s23+$0x20] =	vst v1  }
0x364: {  	v1 =	vld [tilespmem:s19+$0x30]  }
0x365: {  	v2 =	vld [tilespmem:s20+$0x30];
	_ =	sdelay $0x3  }
.Ltmp6:
0x366: {  	v1 =	vtrunc.f32 v1;
	(pc) =	sbr.rel @p0 .LBB2_14-.Ltmp6, $4  }
0x367: {  	v2 =	vtrunc.f32 v2;
	v1 =	vcvt.f32.s32 v1  }
0x368: {  	v2 =	vcvt.f32.s32 v2  }
0x369: {  	v1 =	vshll.u32 v1, $0xB  }
0x36a: {  	s23 =	sadd.s32 $0x80, s23;
	v1 =	vadd.s32 v2, v1  }
0x36b: {  	[tilespmem:s21+$0x30] =	vst v1  }
0x36c: {  	[tilespmem:s6], [sflag:$0x9] =	stream.indirect.gather [hbm4b:s1+s30], $0x1, s5, s30, $0xb8;
	[tilespmem:$0x18080] =	vst v63  }
0x36d: {  	_ = 	snop  }
0x36e: {  	[tilespmem:s8], [sflag:$0xA] =	stream.indirect.gather [hbm4b:s1+s30], $0x1, s7, s30, $0xb8;
	[tilespmem:$0x18080] =	vst v63  }
0x36f: {  	_ =	swait.ge [sflag:s15], $0x1000  }
0x370: {  	[sflag:s15] =	ssyncset.done $0x0  }
0x371: {  	[sflag:s15] =	ssyncadd.s32 $0xFFFFF000  }
0x372: {  	_ =	swait.ge [sflag:s16], $0x1000  }
0x373: {  	[sflag:s16] =	ssyncset.done $0x0  }
0x374: {  	s23 =	simm.s32 $0x16040;
	[sflag:s16] =	ssyncadd.s32 $0xFFFFF000  }
0x375: {  	v1 =	vld [tilespmem:s23+$0xFFFFFFC0];
	_ =	sdelay $0x3  }
0x376: {  	v2 =	vld [tilespmem:s23+$0xFFFFFFD0]  }
0x377: {  	s19 =	simm.s32 $0x4040;
	v3 =	vld [tilespmem:s23+$0xFFFFFFE0];
	v1 =	vtrunc.f32 v1  }
0x378: {  	v4 =	vld [tilespmem:s19+$0xFFFFFFC0];
	v1 =	vcvt.f32.s32 v1  }
0x379: {  	s20 =	simm.s32 $0xA040  }
0x37a: {  	v6 =	vld [tilespmem:s20+$0xFFFFFFC0];
	v5 =	vshrl.u32 v1, $0xC  }
0x37b: {  	v7 =	vld [tilespmem:s23+$0xFFFFFFF0];
	v2 =	vtrunc.f32 v2;
	v5 =	vcvt.s32.f32 v5  }
0x37c: {  	v8 =	vld [tilespmem:s19+$0xFFFFFFD0];
	v2 =	vcvt.f32.s32 v2;
	v1 =	vand.u32 $0xFFF, v1  }
0x37d: {  	v3 =	vtrunc.f32 v3;
	v1 =	vcvt.s32.f32 v1;
	v4 =	vsub.f32 v4, v5  }
0x37e: {  	v9 =	vld [tilespmem:s20+$0xFFFFFFD0];
	v3 =	vcvt.f32.s32 v3;
	v5 =	vshrl.u32 v2, $0xC;
	v2 =	vand.u32 $0xFFF, v2  }
0x37f: {  	v1 =	vsub.f32 v6, v1;
	v6 =	vld [tilespmem:s23+$0x0];
	v5 =	vcvt.s32.f32 v5;
	v4 =	vmul.f32 v4, v4  }
0x380: {  	v11 =	vld [tilespmem:s19+$0xFFFFFFE0];
	v7 =	vtrunc.f32 v7;
	v10 =	vshrl.u32 v3, $0xC;
	v2 =	vcvt.s32.f32 v2  }
0x381: {  	v1 =	vmul.f32 v1, v1;
	v0 =	vadd.f32 v4, v0;
	v4 =	vsub.f32 v8, v5  }
0x382: {  	v7 =	vcvt.f32.s32 v7;
	v3 =	vand.u32 $0xFFF, v3;
	v5 =	vcvt.s32.f32 v10;
	v8 =	vld [tilespmem:s20+$0xFFFFFFE0]  }
0x383: {  	v10 =	vld [tilespmem:s19+$0xFFFFFFF0];
	v0 =	vadd.f32 v0, v1;
	v1 =	vsub.f32 v9, v2;
	v2 =	vmul.f32 v4, v4  }
0x384: {  	v3 =	vcvt.s32.f32 v3;
	v6 =	vtrunc.f32 v6;
	v4 =	vld [tilespmem:s23+$0x10];
	v9 =	vshrl.u32 v7, $0xC  }
0x385: {  	v0 =	vadd.f32 v2, v0;
	v1 =	vmul.f32 v1, v1;
	v2 =	vsub.f32 v11, v5  }
0x386: {  	v6 =	vcvt.f32.s32 v6;
	v5 =	vand.u32 $0xFFF, v7;
	v7 =	vcvt.s32.f32 v9;
	v9 =	vld [tilespmem:s20+$0xFFFFFFF0]  }
0x387: {  	v0 =	vadd.f32 v0, v1;
	v1 =	vsub.f32 v8, v3;
	v2 =	vmul.f32 v2, v2;
	v3 =	vld [tilespmem:s23+$0x20]  }
0x388: {  	v11 =	vld [tilespmem:s19+$0x0];
	v5 =	vcvt.s32.f32 v5;
	v8 =	vshrl.u32 v6, $0xC;
	v7 =	vsub.f32 v10, v7  }
0x389: {  	v4 =	vtrunc.f32 v4;
	v0 =	vadd.f32 v2, v0;
	v2 =	vmul.f32 v1, v1  }
0x38a: {  	v6 =	vand.u32 $0xFFF, v6;
	v12 =	vcvt.s32.f32 v8;
	v4 =	vcvt.f32.s32 v4;
	v1 =	vld [tilespmem:s20+$0x0]  }
0x38b: {  	v7 =	vmul.f32 v7, v7;
	v9 =	vsub.f32 v9, v5;
	v8 =	vadd.f32 v0, v2;
	v0 =	vld [tilespmem:s23+$0x30]  }
0x38c: {  	v5 =	vcvt.s32.f32 v6;
	v6 =	vshrl.u32 v4, $0xC;
	v2 =	vld [tilespmem:s19+$0x10];
	v13 =	vtrunc.f32 v3  }
0x38d: {  	v10 =	vmul.f32 v9, v9;
	v9 =	vsub.f32 v11, v12;
	v8 =	vadd.f32 v7, v8  }
0x38e: {  	s21 =	simm.s32 $0x0;
	s22 =	simm.s32 $0x160C0;
	v6 =	vcvt.s32.f32 v6;
	v3 =	vld [tilespmem:s20+$0x10];
	v7 =	vand.u32 $0xFFF, v4;
	v4 =	vcvt.f32.s32 v13  }
.LBB2_16:
0x38f: {  	v11 =	vld [tilespmem:s22+$0xFFFFFFC0];
	v8 =	vadd.f32 v8, v10;
	v1 =	vsub.f32 v1, v5;
	v5 =	vmul.f32 v9, v9  }
0x390: {  	v7 =	vcvt.s32.f32 v7;
	v9 =	vshrl.u32 v4, $0xC;
	v10 =	vld [tilespmem:s19+$0x20];
	v0 =	vtrunc.f32 v0  }
0x391: {  	v5 =	vadd.f32 v5, v8;
	v1 =	vmul.f32 v1, v1;
	v2 =	vsub.f32 v2, v6  }
0x392: {  	s21 =	sadd.s32 $0x8, s21;
	v4 =	vand.u32 $0xFFF, v4;
	v6 =	vcvt.s32.f32 v9;
	v0 =	vcvt.f32.s32 v0;
	v8 =	vld [tilespmem:s20+$0x20]  }
0x393: {  	p0 =	slt.u32 s21, $0x1F8;
	v9 =	vld [tilespmem:s22+$0xFFFFFFD0];
	v1 =	vadd.f32 v5, v1;
	v3 =	vsub.f32 v3, v7;
	v2 =	vmul.f32 v2, v2  }
0x394: {  	v4 =	vcvt.s32.f32 v4;
	v7 =	vshrl.u32 v0, $0xC;
	v5 =	vtrunc.f32 v11;
	v11 =	vld [tilespmem:s19+$0x30]  }
0x395: {  	v1 =	vadd.f32 v2, v1;
	v2 =	vmul.f32 v3, v3;
	v3 =	vsub.f32 v10, v6  }
0x396: {  	v0 =	vand.u32 $0xFFF, v0;
	v5 =	vcvt.f32.s32 v5;
	v6 =	vcvt.s32.f32 v7;
	v7 =	vld [tilespmem:s20+$0x30]  }
0x397: {  	s19 =	sadd.s32 $0x80, s19;
	v10 =	vld [tilespmem:s22+$0xFFFFFFE0];
	v1 =	vadd.f32 v1, v2;
	v2 =	vsub.f32 v8, v4;
	v3 =	vmul.f32 v3, v3  }
0x398: {  	v0 =	vcvt.s32.f32 v0;
	v4 =	vshrl.u32 v5, $0xC;
	v8 =	vld [tilespmem:s19+$0xFFFFFFC0];
	v9 =	vtrunc.f32 v9  }
0x399: {  	s20 =	sadd.s32 $0x80, s20;
	v1 =	vadd.f32 v3, v1;
	v2 =	vmul.f32 v2, v2;
	v3 =	vsub.f32 v11, v6  }
0x39a: {  	v5 =	vand.u32 $0xFFF, v5;
	v4 =	vcvt.s32.f32 v4;
	v9 =	vcvt.f32.s32 v9;
	v6 =	vld [tilespmem:s20+$0xFFFFFFC0]  }
0x39b: {  	v11 =	vld [tilespmem:s22+$0xFFFFFFF0];
	v1 =	vadd.f32 v1, v2;
	v0 =	vsub.f32 v7, v0;
	v2 =	vmul.f32 v3, v3  }
0x39c: {  	v3 =	vcvt.s32.f32 v5;
	v5 =	vshrl.u32 v9, $0xC;
	v7 =	vld [tilespmem:s19+$0xFFFFFFD0];
	v10 =	vtrunc.f32 v10  }
0x39d: {  	v4 =	vsub.f32 v8, v4;
	v1 =	vadd.f32 v2, v1;
	v0 =	vmul.f32 v0, v0  }
0x39e: {  	v5 =	vcvt.s32.f32 v5;
	v2 =	vand.u32 $0xFFF, v9;
	v9 =	vcvt.f32.s32 v10;
	v8 =	vld [tilespmem:s20+$0xFFFFFFD0]  }
0x39f: {  	v3 =	vsub.f32 v6, v3;
	v4 =	vmul.f32 v4, v4;
	v6 =	vld [tilespmem:s22+$0x0];
	v0 =	vadd.f32 v1, v0  }
0x3a0: {  	v1 =	vcvt.s32.f32 v2;
	v2 =	vshrl.u32 v9, $0xC;
	v10 =	vld [tilespmem:s19+$0xFFFFFFE0];
	v11 =	vtrunc.f32 v11  }
0x3a1: {  	v0 =	vadd.f32 v4, v0;
	v3 =	vmul.f32 v3, v3;
	v4 =	vsub.f32 v7, v5  }
0x3a2: {  	v2 =	vcvt.s32.f32 v2;
	v5 =	vand.u32 $0xFFF, v9;
	v9 =	vcvt.f32.s32 v11;
	v7 =	vld [tilespmem:s20+$0xFFFFFFE0]  }
0x3a3: {  	v0 =	vadd.f32 v0, v3;
	v1 =	vsub.f32 v8, v1;
	v3 =	vmul.f32 v4, v4;
	v4 =	vld [tilespmem:s22+$0x10]  }
0x3a4: {  	v5 =	vcvt.s32.f32 v5;
	v8 =	vshrl.u32 v9, $0xC;
	v11 =	vld [tilespmem:s19+$0xFFFFFFF0];
	v6 =	vtrunc.f32 v6  }
0x3a5: {  	v0 =	vadd.f32 v3, v0;
	v1 =	vmul.f32 v1, v1;
	v2 =	vsub.f32 v10, v2  }
0x3a6: {  	v8 =	vcvt.s32.f32 v8;
	v3 =	vand.u32 $0xFFF, v9;
	v6 =	vcvt.f32.s32 v6;
	v9 =	vld [tilespmem:s20+$0xFFFFFFF0]  }
0x3a7: {  	v0 =	vadd.f32 v0, v1;
	v1 =	vsub.f32 v7, v5;
	v2 =	vmul.f32 v2, v2;
	v7 =	vld [tilespmem:s22+$0x20]  }
0x3a8: {  	v3 =	vcvt.s32.f32 v3;
	v5 =	vshrl.u32 v6, $0xC;
	v12 =	vld [tilespmem:s19+$0x0];
	v4 =	vtrunc.f32 v4  }
0x3a9: {  	v0 =	vadd.f32 v2, v0;
	v2 =	vmul.f32 v1, v1;
	v8 =	vsub.f32 v11, v8  }
.Ltmp7:
0x3aa: {  	v6 =	vand.u32 $0xFFF, v6;
	v11 =	vcvt.s32.f32 v5;
	v4 =	vcvt.f32.s32 v4;
	v1 =	vld [tilespmem:s20+$0x0];
	(pc) =	sbr.rel @p0 .LBB2_16-.Ltmp7, $4  }
0x3ab: {  	v10 =	vadd.f32 v0, v2;
	v3 =	vsub.f32 v9, v3;
	v8 =	vmul.f32 v8, v8;
	v0 =	vld [tilespmem:s22+$0x30]  }
0x3ac: {  	v5 =	vcvt.s32.f32 v6;
	v6 =	vshrl.u32 v4, $0xC;
	v2 =	vld [tilespmem:s19+$0x10];
	v13 =	vtrunc.f32 v7  }
0x3ad: {  	v8 =	vadd.f32 v8, v10;
	v10 =	vmul.f32 v3, v3;
	v9 =	vsub.f32 v12, v11  }
0x3ae: {  	s22 =	sadd.s32 $0x80, s22;
	v7 =	vand.u32 $0xFFF, v4;
	v6 =	vcvt.s32.f32 v6;
	v4 =	vcvt.f32.s32 v13;
	v3 =	vld [tilespmem:s20+$0x10]  }
0x3af: {  	v11 =	vld [tilespmem:s19+$0x20]  }
0x3b0: {  	v12 =	vld [tilespmem:s20+$0x20]  }
0x3b1: {  	v14 =	vld [tilespmem:s20+$0x30];
	s20 =	rddreg [dreg:$0xe];
	s21 =	simm.s32 $0x4000  }
0x3b2: {  	v13 =	vld [tilespmem:s19+$0x30];
	[tilespmem:s21], [sflag:$0x3] =	stream.linear.gather [hbm4b:s20+s3], $0x2000, $0x38  }
0x3b3: {  	s22 =	rddreg [dreg:$0xf];
	s23 =	simm.s32 $0xA000  }
0x3b4: {  	[tilespmem:s23], [sflag:$0x6] =	stream.linear.gather [hbm4b:s22+s3], $0x2000, $0x38;
	[tilespmem:$0x18080] =	vst v63  }
0x3b5: {  	_ =	swait.ge [sflag:s9], $0x2000  }
0x3b6: {  	[sflag:s9] =	ssyncset.done $0x0  }
0x3b7: {  	[sflag:s9] =	ssyncadd.s32 $0xFFFFE000  }
0x3b8: {  	_ =	swait.ge [sflag:s10], $0x2000  }
0x3b9: {  	[sflag:s10] =	ssyncset.done $0x0  }
0x3ba: {  	s19 =	simm.s32 $0xA040;
	[sflag:s10] =	ssyncadd.s32 $0xFFFFE000  }
0x3bb: {  	s20 =	simm.s32 $0x4040;
	v15 =	vld [tilespmem:s19+$0xFFFFFFC0]  }
0x3bc: {  	v16 =	vld [tilespmem:s20+$0xFFFFFFC0];
	_ =	sdelay $0x3  }
0x3bd: {  	v15 =	vtrunc.f32 v15  }
0x3be: {  	v16 =	vtrunc.f32 v16;
	v15 =	vcvt.f32.s32 v15  }
0x3bf: {  	v16 =	vcvt.f32.s32 v16  }
0x3c0: {  	v15 =	vshll.u32 v15, $0xB  }
0x3c1: {  	s21 =	simm.s32 $0x10040;
	v15 =	vadd.s32 v16, v15  }
0x3c2: {  	[tilespmem:s21+$0xFFFFFFC0] =	vst v15  }
0x3c3: {  	v15 =	vld [tilespmem:s19+$0xFFFFFFD0]  }
0x3c4: {  	v49 =	vld [tilespmem:s20+$0xFFFFFFD0];
	_ =	sdelay $0x3  }
0x3c5: {  	v15 =	vtrunc.f32 v15  }
0x3c6: {  	v16 =	vtrunc.f32 v49;
	v15 =	vcvt.f32.s32 v15  }
0x3c7: {  	v16 =	vcvt.f32.s32 v16  }
0x3c8: {  	v15 =	vshll.u32 v15, $0xB  }
0x3c9: {  	v15 =	vadd.s32 v16, v15  }
0x3ca: {  	[tilespmem:s21+$0xFFFFFFD0] =	vst v15  }
0x3cb: {  	v15 =	vld [tilespmem:s19+$0xFFFFFFE0]  }
0x3cc: {  	v50 =	vld [tilespmem:s20+$0xFFFFFFE0];
	_ =	sdelay $0x3  }
0x3cd: {  	v15 =	vtrunc.f32 v15  }
0x3ce: {  	v16 =	vtrunc.f32 v50;
	v15 =	vcvt.f32.s32 v15  }
0x3cf: {  	v16 =	vcvt.f32.s32 v16  }
0x3d0: {  	v15 =	vshll.u32 v15, $0xB  }
0x3d1: {  	v15 =	vadd.s32 v16, v15  }
0x3d2: {  	[tilespmem:s21+$0xFFFFFFE0] =	vst v15  }
0x3d3: {  	v15 =	vld [tilespmem:s19+$0xFFFFFFF0]  }
0x3d4: {  	v51 =	vld [tilespmem:s20+$0xFFFFFFF0];
	_ =	sdelay $0x3  }
0x3d5: {  	v15 =	vtrunc.f32 v15  }
0x3d6: {  	v16 =	vtrunc.f32 v51;
	v15 =	vcvt.f32.s32 v15  }
0x3d7: {  	v16 =	vcvt.f32.s32 v16  }
0x3d8: {  	v15 =	vshll.u32 v15, $0xB  }
0x3d9: {  	v15 =	vadd.s32 v16, v15  }
0x3da: {  	[tilespmem:s21+$0xFFFFFFF0] =	vst v15  }
0x3db: {  	v15 =	vld [tilespmem:s19+$0x0]  }
0x3dc: {  	v52 =	vld [tilespmem:s20+$0x0];
	_ =	sdelay $0x3  }
0x3dd: {  	v15 =	vtrunc.f32 v15  }
0x3de: {  	v16 =	vtrunc.f32 v52;
	v15 =	vcvt.f32.s32 v15  }
0x3df: {  	v16 =	vcvt.f32.s32 v16  }
0x3e0: {  	v15 =	vshll.u32 v15, $0xB  }
0x3e1: {  	v15 =	vadd.s32 v16, v15  }
0x3e2: {  	[tilespmem:s21+$0x0] =	vst v15  }
0x3e3: {  	v15 =	vld [tilespmem:s19+$0x10]  }
0x3e4: {  	v53 =	vld [tilespmem:s20+$0x10];
	_ =	sdelay $0x3  }
0x3e5: {  	v15 =	vtrunc.f32 v15  }
0x3e6: {  	v16 =	vtrunc.f32 v53;
	v15 =	vcvt.f32.s32 v15  }
0x3e7: {  	v16 =	vcvt.f32.s32 v16  }
0x3e8: {  	v15 =	vshll.u32 v15, $0xB  }
0x3e9: {  	v15 =	vadd.s32 v16, v15  }
0x3ea: {  	v8 =	vadd.f32 v8, v10;
	v1 =	vsub.f32 v1, v5;
	v54 =	vmul.f32 v9, v9;
	[tilespmem:s21+$0x10] =	vst v15  }
0x3eb: {  	v55 =	vld [tilespmem:s19+$0x20]  }
0x3ec: {  	v5 =	vadd.f32 v54, v8;
	v1 =	vmul.f32 v1, v1;
	v2 =	vsub.f32 v2, v6;
	v56 =	vld [tilespmem:s20+$0x20];
	_ =	sdelay $0x1  }
0x3ed: {  	v1 =	vadd.f32 v5, v1;
	v2 =	vmul.f32 v2, v2  }
0x3ee: {  	v7 =	vcvt.s32.f32 v7  }
0x3ef: {  	v0 =	vtrunc.f32 v0;
	v1 =	vadd.f32 v2, v1;
	v2 =	vtrunc.f32 v55  }
0x3f0: {  	v57 =	vshrl.u32 v4, $0xC;
	v6 =	vtrunc.f32 v56;
	v2 =	vcvt.f32.s32 v2  }
0x3f1: {  	v58 =	vand.u32 $0xFFF, v4;
	v0 =	vcvt.f32.s32 v0;
	v6 =	vcvt.f32.s32 v6  }
0x3f2: {  	v3 =	vsub.f32 v3, v7;
	v5 =	vcvt.s32.f32 v57;
	v2 =	vshll.u32 v2, $0xB  }
0x3f3: {  	v4 =	vcvt.s32.f32 v58;
	v2 =	vadd.s32 v6, v2  }
0x3f4: {  	v59 =	vshrl.u32 v0, $0xC;
	v3 =	vmul.f32 v3, v3;
	v5 =	vsub.f32 v11, v5;
	[tilespmem:s21+$0x20] =	vst v2  }
0x3f5: {  	v0 =	vand.u32 $0xFFF, v0;
	v61 =	vcvt.s32.f32 v59;
	v60 =	vld [tilespmem:s19+$0x30]  }
0x3f6: {  	v1 =	vadd.f32 v1, v3;
	v3 =	vmul.f32 v5, v5;
	v2 =	vsub.f32 v12, v4;
	v62 =	vld [tilespmem:s20+$0x30]  }
0x3f7: {  	v0 =	vcvt.s32.f32 v0  }
0x3f8: {  	v1 =	vadd.f32 v3, v1;
	v3 =	vsub.f32 v13, v61;
	v2 =	vmul.f32 v2, v2  }
0x3f9: {  	v0 =	vsub.f32 v14, v0  }
0x3fa: {  	v1 =	vadd.f32 v1, v2;
	v2 =	vmul.f32 v3, v3;
	v3 =	vtrunc.f32 v60  }
0x3fb: {  	v63 =	vtrunc.f32 v62;
	v3 =	vcvt.f32.s32 v3  }
0x3fc: {  	v0 =	vmul.f32 v0, v0;
	v1 =	vadd.f32 v2, v1;
	v2 =	vcvt.f32.s32 v63  }
0x3fd: {  	v3 =	vshll.u32 v3, $0xB  }
0x3fe: {  	s22 =	simm.s32 $0x0;
	s23 =	simm.s32 $0x100C0;
	v0 =	vadd.f32 v1, v0;
	v1 =	vadd.s32 v2, v3  }
.LBB2_18:
0x3ff: {  	s22 =	sadd.s32 $0x8, s22;
	[tilespmem:s21+$0x30] =	vst v1;
	s20 =	sadd.s32 $0x80, s20;
	s19 =	sadd.s32 $0x80, s19  }
0x400: {  	s21 =	smov.u32 s23;
	v1 =	vld [tilespmem:s19+$0xFFFFFFC0];
	p0 =	slt.u32 s22, $0x1F8  }
0x401: {  	v2 =	vld [tilespmem:s20+$0xFFFFFFC0];
	_ =	sdelay $0x3  }
0x402: {  	v1 =	vtrunc.f32 v1  }
0x403: {  	v2 =	vtrunc.f32 v2;
	v1 =	vcvt.f32.s32 v1  }
0x404: {  	v2 =	vcvt.f32.s32 v2  }
0x405: {  	v1 =	vshll.u32 v1, $0xB  }
0x406: {  	v1 =	vadd.s32 v2, v1  }
0x407: {  	[tilespmem:s23+$0xFFFFFFC0] =	vst v1  }
0x408: {  	v1 =	vld [tilespmem:s19+$0xFFFFFFD0]  }
0x409: {  	v2 =	vld [tilespmem:s20+$0xFFFFFFD0];
	_ =	sdelay $0x3  }
0x40a: {  	v1 =	vtrunc.f32 v1  }
0x40b: {  	v2 =	vtrunc.f32 v2;
	v1 =	vcvt.f32.s32 v1  }
0x40c: {  	v2 =	vcvt.f32.s32 v2  }
0x40d: {  	v1 =	vshll.u32 v1, $0xB  }
0x40e: {  	v1 =	vadd.s32 v2, v1  }
0x40f: {  	[tilespmem:s23+$0xFFFFFFD0] =	vst v1  }
0x410: {  	v1 =	vld [tilespmem:s19+$0xFFFFFFE0]  }
0x411: {  	v2 =	vld [tilespmem:s20+$0xFFFFFFE0];
	_ =	sdelay $0x3  }
0x412: {  	v1 =	vtrunc.f32 v1  }
0x413: {  	v2 =	vtrunc.f32 v2;
	v1 =	vcvt.f32.s32 v1  }
0x414: {  	v2 =	vcvt.f32.s32 v2  }
0x415: {  	v1 =	vshll.u32 v1, $0xB  }
0x416: {  	v1 =	vadd.s32 v2, v1  }
0x417: {  	[tilespmem:s23+$0xFFFFFFE0] =	vst v1  }
0x418: {  	v1 =	vld [tilespmem:s19+$0xFFFFFFF0]  }
0x419: {  	v2 =	vld [tilespmem:s20+$0xFFFFFFF0];
	_ =	sdelay $0x3  }
0x41a: {  	v1 =	vtrunc.f32 v1  }
0x41b: {  	v2 =	vtrunc.f32 v2;
	v1 =	vcvt.f32.s32 v1  }
0x41c: {  	v2 =	vcvt.f32.s32 v2  }
0x41d: {  	v1 =	vshll.u32 v1, $0xB  }
0x41e: {  	v1 =	vadd.s32 v2, v1  }
0x41f: {  	[tilespmem:s23+$0xFFFFFFF0] =	vst v1  }
0x420: {  	v1 =	vld [tilespmem:s19+$0x0]  }
0x421: {  	v2 =	vld [tilespmem:s20+$0x0];
	_ =	sdelay $0x3  }
0x422: {  	v1 =	vtrunc.f32 v1  }
0x423: {  	v2 =	vtrunc.f32 v2;
	v1 =	vcvt.f32.s32 v1  }
0x424: {  	v2 =	vcvt.f32.s32 v2  }
0x425: {  	v1 =	vshll.u32 v1, $0xB  }
0x426: {  	v1 =	vadd.s32 v2, v1  }
0x427: {  	[tilespmem:s23+$0x0] =	vst v1  }
0x428: {  	v1 =	vld [tilespmem:s19+$0x10]  }
0x429: {  	v2 =	vld [tilespmem:s20+$0x10];
	_ =	sdelay $0x3  }
0x42a: {  	v1 =	vtrunc.f32 v1  }
0x42b: {  	v2 =	vtrunc.f32 v2;
	v1 =	vcvt.f32.s32 v1  }
0x42c: {  	v2 =	vcvt.f32.s32 v2  }
0x42d: {  	v1 =	vshll.u32 v1, $0xB  }
0x42e: {  	v1 =	vadd.s32 v2, v1  }
0x42f: {  	[tilespmem:s23+$0x10] =	vst v1  }
0x430: {  	v1 =	vld [tilespmem:s19+$0x20]  }
0x431: {  	v2 =	vld [tilespmem:s20+$0x20];
	_ =	sdelay $0x3  }
0x432: {  	v1 =	vtrunc.f32 v1  }
0x433: {  	v2 =	vtrunc.f32 v2;
	v1 =	vcvt.f32.s32 v1  }
0x434: {  	v2 =	vcvt.f32.s32 v2  }
0x435: {  	v1 =	vshll.u32 v1, $0xB  }
0x436: {  	v1 =	vadd.s32 v2, v1  }
0x437: {  	[tilespmem:s23+$0x20] =	vst v1  }
0x438: {  	v1 =	vld [tilespmem:s19+$0x30]  }
0x439: {  	v2 =	vld [tilespmem:s20+$0x30];
	_ =	sdelay $0x3  }
.Ltmp8:
0x43a: {  	v1 =	vtrunc.f32 v1;
	(pc) =	sbr.rel @p0 .LBB2_18-.Ltmp8, $4  }
0x43b: {  	v2 =	vtrunc.f32 v2;
	v1 =	vcvt.f32.s32 v1  }
0x43c: {  	v2 =	vcvt.f32.s32 v2  }
0x43d: {  	v1 =	vshll.u32 v1, $0xB  }
0x43e: {  	s23 =	sadd.s32 $0x80, s23;
	v1 =	vadd.s32 v2, v1  }
0x43f: {  	[tilespmem:s21+$0x30] =	vst v1;
	s19 =	simm.s32 $0x10000;
	s20 =	simm.s32 $0x16000  }
0x440: {  	[tilespmem:s20], [sflag:$0xB] =	stream.indirect.gather [hbm4b:s1+s30], $0x1, s19, s30, $0xb8;
	[tilespmem:$0x18080] =	vst v63  }
0x441: {  	s21 =	simm.s32 $0x11000;
	s22 =	simm.s32 $0x17000  }
0x442: {  	[tilespmem:s22], [sflag:$0xC] =	stream.indirect.gather [hbm4b:s1+s30], $0x1, s21, s30, $0xb8;
	[tilespmem:$0x18080] =	vst v63  }
0x443: {  	_ =	swait.ge [sflag:s11], $0x1000  }
0x444: {  	[sflag:s11] =	ssyncset.done $0x0  }
0x445: {  	[sflag:s11] =	ssyncadd.s32 $0xFFFFF000  }
0x446: {  	_ =	swait.ge [sflag:s12], $0x1000  }
0x447: {  	[sflag:s12] =	ssyncset.done $0x0  }
0x448: {  	s23 =	simm.s32 $0x12040;
	[sflag:s12] =	ssyncadd.s32 $0xFFFFF000  }
0x449: {  	v1 =	vld [tilespmem:s23+$0xFFFFFFC0];
	_ =	sdelay $0x3  }
0x44a: {  	v2 =	vld [tilespmem:s23+$0xFFFFFFD0]  }
0x44b: {  	s19 =	simm.s32 $0x40;
	v3 =	vld [tilespmem:s23+$0xFFFFFFE0];
	v1 =	vtrunc.f32 v1  }
0x44c: {  	v4 =	vld [tilespmem:s19+$0xFFFFFFC0];
	v1 =	vcvt.f32.s32 v1  }
0x44d: {  	s20 =	simm.s32 $0x6040  }
0x44e: {  	v6 =	vld [tilespmem:s20+$0xFFFFFFC0];
	v5 =	vshrl.u32 v1, $0xC  }
0x44f: {  	v7 =	vld [tilespmem:s23+$0xFFFFFFF0];
	v2 =	vtrunc.f32 v2;
	v5 =	vcvt.s32.f32 v5  }
0x450: {  	v8 =	vld [tilespmem:s19+$0xFFFFFFD0];
	v2 =	vcvt.f32.s32 v2;
	v1 =	vand.u32 $0xFFF, v1  }
0x451: {  	v3 =	vtrunc.f32 v3;
	v1 =	vcvt.s32.f32 v1;
	v4 =	vsub.f32 v4, v5  }
0x452: {  	v9 =	vld [tilespmem:s20+$0xFFFFFFD0];
	v3 =	vcvt.f32.s32 v3;
	v5 =	vshrl.u32 v2, $0xC;
	v2 =	vand.u32 $0xFFF, v2  }
0x453: {  	v1 =	vsub.f32 v6, v1;
	v6 =	vld [tilespmem:s23+$0x0];
	v5 =	vcvt.s32.f32 v5;
	v4 =	vmul.f32 v4, v4  }
0x454: {  	v11 =	vld [tilespmem:s19+$0xFFFFFFE0];
	v7 =	vtrunc.f32 v7;
	v10 =	vshrl.u32 v3, $0xC;
	v2 =	vcvt.s32.f32 v2  }
0x455: {  	v1 =	vmul.f32 v1, v1;
	v0 =	vadd.f32 v4, v0;
	v4 =	vsub.f32 v8, v5  }
0x456: {  	v7 =	vcvt.f32.s32 v7;
	v3 =	vand.u32 $0xFFF, v3;
	v5 =	vcvt.s32.f32 v10;
	v8 =	vld [tilespmem:s20+$0xFFFFFFE0]  }
0x457: {  	v10 =	vld [tilespmem:s19+$0xFFFFFFF0];
	v0 =	vadd.f32 v0, v1;
	v1 =	vsub.f32 v9, v2;
	v2 =	vmul.f32 v4, v4  }
0x458: {  	v3 =	vcvt.s32.f32 v3;
	v6 =	vtrunc.f32 v6;
	v4 =	vld [tilespmem:s23+$0x10];
	v9 =	vshrl.u32 v7, $0xC  }
0x459: {  	v0 =	vadd.f32 v2, v0;
	v1 =	vmul.f32 v1, v1;
	v2 =	vsub.f32 v11, v5  }
0x45a: {  	v6 =	vcvt.f32.s32 v6;
	v5 =	vand.u32 $0xFFF, v7;
	v7 =	vcvt.s32.f32 v9;
	v9 =	vld [tilespmem:s20+$0xFFFFFFF0]  }
0x45b: {  	v0 =	vadd.f32 v0, v1;
	v1 =	vsub.f32 v8, v3;
	v2 =	vmul.f32 v2, v2;
	v3 =	vld [tilespmem:s23+$0x20]  }
0x45c: {  	v11 =	vld [tilespmem:s19+$0x0];
	v5 =	vcvt.s32.f32 v5;
	v8 =	vshrl.u32 v6, $0xC;
	v7 =	vsub.f32 v10, v7  }
0x45d: {  	v4 =	vtrunc.f32 v4;
	v0 =	vadd.f32 v2, v0;
	v2 =	vmul.f32 v1, v1  }
0x45e: {  	v6 =	vand.u32 $0xFFF, v6;
	v12 =	vcvt.s32.f32 v8;
	v4 =	vcvt.f32.s32 v4;
	v1 =	vld [tilespmem:s20+$0x0]  }
0x45f: {  	v7 =	vmul.f32 v7, v7;
	v9 =	vsub.f32 v9, v5;
	v8 =	vadd.f32 v0, v2;
	v0 =	vld [tilespmem:s23+$0x30]  }
0x460: {  	v5 =	vcvt.s32.f32 v6;
	v6 =	vshrl.u32 v4, $0xC;
	v2 =	vld [tilespmem:s19+$0x10];
	v13 =	vtrunc.f32 v3  }
0x461: {  	v10 =	vmul.f32 v9, v9;
	v9 =	vsub.f32 v11, v12;
	v8 =	vadd.f32 v7, v8  }
0x462: {  	s21 =	simm.s32 $0x0;
	s22 =	simm.s32 $0x120C0;
	v6 =	vcvt.s32.f32 v6;
	v3 =	vld [tilespmem:s20+$0x10];
	v7 =	vand.u32 $0xFFF, v4;
	v4 =	vcvt.f32.s32 v13  }
.LBB2_20:
0x463: {  	v11 =	vld [tilespmem:s22+$0xFFFFFFC0];
	v8 =	vadd.f32 v8, v10;
	v1 =	vsub.f32 v1, v5;
	v5 =	vmul.f32 v9, v9  }
0x464: {  	v7 =	vcvt.s32.f32 v7;
	v9 =	vshrl.u32 v4, $0xC;
	v10 =	vld [tilespmem:s19+$0x20];
	v0 =	vtrunc.f32 v0  }
0x465: {  	v5 =	vadd.f32 v5, v8;
	v1 =	vmul.f32 v1, v1;
	v2 =	vsub.f32 v2, v6  }
0x466: {  	s21 =	sadd.s32 $0x8, s21;
	v4 =	vand.u32 $0xFFF, v4;
	v6 =	vcvt.s32.f32 v9;
	v0 =	vcvt.f32.s32 v0;
	v8 =	vld [tilespmem:s20+$0x20]  }
0x467: {  	p0 =	slt.u32 s21, $0x1F8;
	v9 =	vld [tilespmem:s22+$0xFFFFFFD0];
	v1 =	vadd.f32 v5, v1;
	v3 =	vsub.f32 v3, v7;
	v2 =	vmul.f32 v2, v2  }
0x468: {  	v4 =	vcvt.s32.f32 v4;
	v7 =	vshrl.u32 v0, $0xC;
	v5 =	vtrunc.f32 v11;
	v11 =	vld [tilespmem:s19+$0x30]  }
0x469: {  	v1 =	vadd.f32 v2, v1;
	v2 =	vmul.f32 v3, v3;
	v3 =	vsub.f32 v10, v6  }
0x46a: {  	v0 =	vand.u32 $0xFFF, v0;
	v5 =	vcvt.f32.s32 v5;
	v6 =	vcvt.s32.f32 v7;
	v7 =	vld [tilespmem:s20+$0x30]  }
0x46b: {  	s19 =	sadd.s32 $0x80, s19;
	v10 =	vld [tilespmem:s22+$0xFFFFFFE0];
	v1 =	vadd.f32 v1, v2;
	v2 =	vsub.f32 v8, v4;
	v3 =	vmul.f32 v3, v3  }
0x46c: {  	v0 =	vcvt.s32.f32 v0;
	v4 =	vshrl.u32 v5, $0xC;
	v8 =	vld [tilespmem:s19+$0xFFFFFFC0];
	v9 =	vtrunc.f32 v9  }
0x46d: {  	s20 =	sadd.s32 $0x80, s20;
	v1 =	vadd.f32 v3, v1;
	v2 =	vmul.f32 v2, v2;
	v3 =	vsub.f32 v11, v6  }
0x46e: {  	v5 =	vand.u32 $0xFFF, v5;
	v4 =	vcvt.s32.f32 v4;
	v9 =	vcvt.f32.s32 v9;
	v6 =	vld [tilespmem:s20+$0xFFFFFFC0]  }
0x46f: {  	v11 =	vld [tilespmem:s22+$0xFFFFFFF0];
	v1 =	vadd.f32 v1, v2;
	v0 =	vsub.f32 v7, v0;
	v2 =	vmul.f32 v3, v3  }
0x470: {  	v3 =	vcvt.s32.f32 v5;
	v5 =	vshrl.u32 v9, $0xC;
	v7 =	vld [tilespmem:s19+$0xFFFFFFD0];
	v10 =	vtrunc.f32 v10  }
0x471: {  	v4 =	vsub.f32 v8, v4;
	v1 =	vadd.f32 v2, v1;
	v0 =	vmul.f32 v0, v0  }
0x472: {  	v5 =	vcvt.s32.f32 v5;
	v2 =	vand.u32 $0xFFF, v9;
	v9 =	vcvt.f32.s32 v10;
	v8 =	vld [tilespmem:s20+$0xFFFFFFD0]  }
0x473: {  	v3 =	vsub.f32 v6, v3;
	v4 =	vmul.f32 v4, v4;
	v6 =	vld [tilespmem:s22+$0x0];
	v0 =	vadd.f32 v1, v0  }
0x474: {  	v1 =	vcvt.s32.f32 v2;
	v2 =	vshrl.u32 v9, $0xC;
	v10 =	vld [tilespmem:s19+$0xFFFFFFE0];
	v11 =	vtrunc.f32 v11  }
0x475: {  	v0 =	vadd.f32 v4, v0;
	v3 =	vmul.f32 v3, v3;
	v4 =	vsub.f32 v7, v5  }
0x476: {  	v2 =	vcvt.s32.f32 v2;
	v5 =	vand.u32 $0xFFF, v9;
	v9 =	vcvt.f32.s32 v11;
	v7 =	vld [tilespmem:s20+$0xFFFFFFE0]  }
0x477: {  	v0 =	vadd.f32 v0, v3;
	v1 =	vsub.f32 v8, v1;
	v3 =	vmul.f32 v4, v4;
	v4 =	vld [tilespmem:s22+$0x10]  }
0x478: {  	v5 =	vcvt.s32.f32 v5;
	v8 =	vshrl.u32 v9, $0xC;
	v11 =	vld [tilespmem:s19+$0xFFFFFFF0];
	v6 =	vtrunc.f32 v6  }
0x479: {  	v0 =	vadd.f32 v3, v0;
	v1 =	vmul.f32 v1, v1;
	v2 =	vsub.f32 v10, v2  }
0x47a: {  	v8 =	vcvt.s32.f32 v8;
	v3 =	vand.u32 $0xFFF, v9;
	v6 =	vcvt.f32.s32 v6;
	v9 =	vld [tilespmem:s20+$0xFFFFFFF0]  }
0x47b: {  	v0 =	vadd.f32 v0, v1;
	v1 =	vsub.f32 v7, v5;
	v2 =	vmul.f32 v2, v2;
	v7 =	vld [tilespmem:s22+$0x20]  }
0x47c: {  	v3 =	vcvt.s32.f32 v3;
	v5 =	vshrl.u32 v6, $0xC;
	v12 =	vld [tilespmem:s19+$0x0];
	v4 =	vtrunc.f32 v4  }
0x47d: {  	v0 =	vadd.f32 v2, v0;
	v2 =	vmul.f32 v1, v1;
	v8 =	vsub.f32 v11, v8  }
.Ltmp9:
0x47e: {  	v6 =	vand.u32 $0xFFF, v6;
	v11 =	vcvt.s32.f32 v5;
	v4 =	vcvt.f32.s32 v4;
	v1 =	vld [tilespmem:s20+$0x0];
	(pc) =	sbr.rel @p0 .LBB2_20-.Ltmp9, $4  }
0x47f: {  	v10 =	vadd.f32 v0, v2;
	v3 =	vsub.f32 v9, v3;
	v8 =	vmul.f32 v8, v8;
	v0 =	vld [tilespmem:s22+$0x30]  }
0x480: {  	v5 =	vcvt.s32.f32 v6;
	v6 =	vshrl.u32 v4, $0xC;
	v2 =	vld [tilespmem:s19+$0x10];
	v13 =	vtrunc.f32 v7  }
0x481: {  	v8 =	vadd.f32 v8, v10;
	v10 =	vmul.f32 v3, v3;
	v9 =	vsub.f32 v12, v11  }
0x482: {  	s22 =	sadd.s32 $0x80, s22;
	v7 =	vand.u32 $0xFFF, v4;
	v6 =	vcvt.s32.f32 v6;
	v4 =	vcvt.f32.s32 v13;
	v3 =	vld [tilespmem:s20+$0x10]  }
0x483: {  	v11 =	vld [tilespmem:s19+$0x20]  }
0x484: {  	v12 =	vld [tilespmem:s20+$0x20]  }
0x485: {  	v13 =	vld [tilespmem:s19+$0x30];
	s21 =	rddreg [dreg:$0x10]  }
0x486: {  	v14 =	vld [tilespmem:s20+$0x30];
	[tilespmem:s3], [sflag:$0x1] =	stream.linear.gather [hbm4b:s21+s3], $0x2000, $0x38  }
0x487: {  	s22 =	rddreg [dreg:$0x11];
	s23 =	simm.s32 $0x6000  }
0x488: {  	[tilespmem:s23], [sflag:$0x4] =	stream.linear.gather [hbm4b:s22+s3], $0x2000, $0x38;
	[tilespmem:$0x18080] =	vst v63  }
0x489: {  	_ =	swait.ge [sflag:s28], $0x2000  }
0x48a: {  	[sflag:s28] =	ssyncset.done $0x0  }
0x48b: {  	[sflag:s28] =	ssyncadd.s32 $0xFFFFE000  }
0x48c: {  	_ =	swait.ge [sflag:s29], $0x2000  }
0x48d: {  	[sflag:s29] =	ssyncset.done $0x0  }
0x48e: {  	s19 =	simm.s32 $0x6040;
	[sflag:s29] =	ssyncadd.s32 $0xFFFFE000  }
0x48f: {  	s20 =	simm.s32 $0x40;
	v15 =	vld [tilespmem:s19+$0xFFFFFFC0]  }
0x490: {  	v16 =	vld [tilespmem:s20+$0xFFFFFFC0];
	_ =	sdelay $0x3  }
0x491: {  	v15 =	vtrunc.f32 v15  }
0x492: {  	v16 =	vtrunc.f32 v16;
	v15 =	vcvt.f32.s32 v15  }
0x493: {  	v16 =	vcvt.f32.s32 v16  }
0x494: {  	v15 =	vshll.u32 v15, $0xB  }
0x495: {  	s21 =	simm.s32 $0xC040;
	v15 =	vadd.s32 v16, v15  }
0x496: {  	[tilespmem:s21+$0xFFFFFFC0] =	vst v15  }
0x497: {  	v15 =	vld [tilespmem:s19+$0xFFFFFFD0]  }
0x498: {  	v49 =	vld [tilespmem:s20+$0xFFFFFFD0];
	_ =	sdelay $0x3  }
0x499: {  	v15 =	vtrunc.f32 v15  }
0x49a: {  	v16 =	vtrunc.f32 v49;
	v15 =	vcvt.f32.s32 v15  }
0x49b: {  	v16 =	vcvt.f32.s32 v16  }
0x49c: {  	v15 =	vshll.u32 v15, $0xB  }
0x49d: {  	v15 =	vadd.s32 v16, v15  }
0x49e: {  	[tilespmem:s21+$0xFFFFFFD0] =	vst v15  }
0x49f: {  	v15 =	vld [tilespmem:s19+$0xFFFFFFE0]  }
0x4a0: {  	v50 =	vld [tilespmem:s20+$0xFFFFFFE0];
	_ =	sdelay $0x3  }
0x4a1: {  	v15 =	vtrunc.f32 v15  }
0x4a2: {  	v16 =	vtrunc.f32 v50;
	v15 =	vcvt.f32.s32 v15  }
0x4a3: {  	v16 =	vcvt.f32.s32 v16  }
0x4a4: {  	v15 =	vshll.u32 v15, $0xB  }
0x4a5: {  	v15 =	vadd.s32 v16, v15  }
0x4a6: {  	[tilespmem:s21+$0xFFFFFFE0] =	vst v15  }
0x4a7: {  	v15 =	vld [tilespmem:s19+$0xFFFFFFF0]  }
0x4a8: {  	v51 =	vld [tilespmem:s20+$0xFFFFFFF0];
	_ =	sdelay $0x3  }
0x4a9: {  	v15 =	vtrunc.f32 v15  }
0x4aa: {  	v16 =	vtrunc.f32 v51;
	v15 =	vcvt.f32.s32 v15  }
0x4ab: {  	v16 =	vcvt.f32.s32 v16  }
0x4ac: {  	v15 =	vshll.u32 v15, $0xB  }
0x4ad: {  	v15 =	vadd.s32 v16, v15  }
0x4ae: {  	[tilespmem:s21+$0xFFFFFFF0] =	vst v15  }
0x4af: {  	v15 =	vld [tilespmem:s19+$0x0]  }
0x4b0: {  	v52 =	vld [tilespmem:s20+$0x0];
	_ =	sdelay $0x3  }
0x4b1: {  	v15 =	vtrunc.f32 v15  }
0x4b2: {  	v16 =	vtrunc.f32 v52;
	v15 =	vcvt.f32.s32 v15  }
0x4b3: {  	v16 =	vcvt.f32.s32 v16  }
0x4b4: {  	v15 =	vshll.u32 v15, $0xB  }
0x4b5: {  	v15 =	vadd.s32 v16, v15  }
0x4b6: {  	[tilespmem:s21+$0x0] =	vst v15  }
0x4b7: {  	v15 =	vld [tilespmem:s19+$0x10]  }
0x4b8: {  	v53 =	vld [tilespmem:s20+$0x10];
	_ =	sdelay $0x3  }
0x4b9: {  	v15 =	vtrunc.f32 v15  }
0x4ba: {  	v16 =	vtrunc.f32 v53;
	v15 =	vcvt.f32.s32 v15  }
0x4bb: {  	v16 =	vcvt.f32.s32 v16  }
0x4bc: {  	v15 =	vshll.u32 v15, $0xB  }
0x4bd: {  	v15 =	vadd.s32 v16, v15  }
0x4be: {  	v8 =	vadd.f32 v8, v10;
	v1 =	vsub.f32 v1, v5;
	v54 =	vmul.f32 v9, v9;
	[tilespmem:s21+$0x10] =	vst v15  }
0x4bf: {  	v55 =	vld [tilespmem:s19+$0x20]  }
0x4c0: {  	v5 =	vadd.f32 v54, v8;
	v1 =	vmul.f32 v1, v1;
	v2 =	vsub.f32 v2, v6;
	v56 =	vld [tilespmem:s20+$0x20];
	_ =	sdelay $0x1  }
0x4c1: {  	v1 =	vadd.f32 v5, v1;
	v2 =	vmul.f32 v2, v2  }
0x4c2: {  	v7 =	vcvt.s32.f32 v7  }
0x4c3: {  	v0 =	vtrunc.f32 v0;
	v1 =	vadd.f32 v2, v1;
	v2 =	vtrunc.f32 v55  }
0x4c4: {  	v57 =	vshrl.u32 v4, $0xC;
	v6 =	vtrunc.f32 v56;
	v2 =	vcvt.f32.s32 v2  }
0x4c5: {  	v58 =	vand.u32 $0xFFF, v4;
	v0 =	vcvt.f32.s32 v0;
	v6 =	vcvt.f32.s32 v6  }
0x4c6: {  	v3 =	vsub.f32 v3, v7;
	v5 =	vcvt.s32.f32 v57;
	v2 =	vshll.u32 v2, $0xB  }
0x4c7: {  	v4 =	vcvt.s32.f32 v58;
	v2 =	vadd.s32 v6, v2  }
0x4c8: {  	v59 =	vshrl.u32 v0, $0xC;
	v3 =	vmul.f32 v3, v3;
	v5 =	vsub.f32 v11, v5;
	[tilespmem:s21+$0x20] =	vst v2  }
0x4c9: {  	v0 =	vand.u32 $0xFFF, v0;
	v61 =	vcvt.s32.f32 v59;
	v60 =	vld [tilespmem:s19+$0x30]  }
0x4ca: {  	v1 =	vadd.f32 v1, v3;
	v3 =	vmul.f32 v5, v5;
	v2 =	vsub.f32 v12, v4;
	v62 =	vld [tilespmem:s20+$0x30]  }
0x4cb: {  	v0 =	vcvt.s32.f32 v0  }
0x4cc: {  	v1 =	vadd.f32 v3, v1;
	v3 =	vsub.f32 v13, v61;
	v2 =	vmul.f32 v2, v2  }
0x4cd: {  	v0 =	vsub.f32 v14, v0  }
0x4ce: {  	v1 =	vadd.f32 v1, v2;
	v2 =	vmul.f32 v3, v3;
	v3 =	vtrunc.f32 v60  }
0x4cf: {  	v63 =	vtrunc.f32 v62;
	v3 =	vcvt.f32.s32 v3  }
0x4d0: {  	v0 =	vmul.f32 v0, v0;
	v1 =	vadd.f32 v2, v1;
	v2 =	vcvt.f32.s32 v63  }
0x4d1: {  	v3 =	vshll.u32 v3, $0xB  }
0x4d2: {  	s22 =	simm.s32 $0x0;
	s23 =	simm.s32 $0xC0C0;
	v0 =	vadd.f32 v1, v0;
	v1 =	vadd.s32 v2, v3  }
.LBB2_22:
0x4d3: {  	s22 =	sadd.s32 $0x8, s22;
	[tilespmem:s21+$0x30] =	vst v1;
	s20 =	sadd.s32 $0x80, s20;
	s19 =	sadd.s32 $0x80, s19  }
0x4d4: {  	s21 =	smov.u32 s23;
	v1 =	vld [tilespmem:s19+$0xFFFFFFC0];
	p0 =	slt.u32 s22, $0x1F8  }
0x4d5: {  	v2 =	vld [tilespmem:s20+$0xFFFFFFC0];
	_ =	sdelay $0x3  }
0x4d6: {  	v1 =	vtrunc.f32 v1  }
0x4d7: {  	v2 =	vtrunc.f32 v2;
	v1 =	vcvt.f32.s32 v1  }
0x4d8: {  	v2 =	vcvt.f32.s32 v2  }
0x4d9: {  	v1 =	vshll.u32 v1, $0xB  }
0x4da: {  	v1 =	vadd.s32 v2, v1  }
0x4db: {  	[tilespmem:s23+$0xFFFFFFC0] =	vst v1  }
0x4dc: {  	v1 =	vld [tilespmem:s19+$0xFFFFFFD0]  }
0x4dd: {  	v2 =	vld [tilespmem:s20+$0xFFFFFFD0];
	_ =	sdelay $0x3  }
0x4de: {  	v1 =	vtrunc.f32 v1  }
0x4df: {  	v2 =	vtrunc.f32 v2;
	v1 =	vcvt.f32.s32 v1  }
0x4e0: {  	v2 =	vcvt.f32.s32 v2  }
0x4e1: {  	v1 =	vshll.u32 v1, $0xB  }
0x4e2: {  	v1 =	vadd.s32 v2, v1  }
0x4e3: {  	[tilespmem:s23+$0xFFFFFFD0] =	vst v1  }
0x4e4: {  	v1 =	vld [tilespmem:s19+$0xFFFFFFE0]  }
0x4e5: {  	v2 =	vld [tilespmem:s20+$0xFFFFFFE0];
	_ =	sdelay $0x3  }
0x4e6: {  	v1 =	vtrunc.f32 v1  }
0x4e7: {  	v2 =	vtrunc.f32 v2;
	v1 =	vcvt.f32.s32 v1  }
0x4e8: {  	v2 =	vcvt.f32.s32 v2  }
0x4e9: {  	v1 =	vshll.u32 v1, $0xB  }
0x4ea: {  	v1 =	vadd.s32 v2, v1  }
0x4eb: {  	[tilespmem:s23+$0xFFFFFFE0] =	vst v1  }
0x4ec: {  	v1 =	vld [tilespmem:s19+$0xFFFFFFF0]  }
0x4ed: {  	v2 =	vld [tilespmem:s20+$0xFFFFFFF0];
	_ =	sdelay $0x3  }
0x4ee: {  	v1 =	vtrunc.f32 v1  }
0x4ef: {  	v2 =	vtrunc.f32 v2;
	v1 =	vcvt.f32.s32 v1  }
0x4f0: {  	v2 =	vcvt.f32.s32 v2  }
0x4f1: {  	v1 =	vshll.u32 v1, $0xB  }
0x4f2: {  	v1 =	vadd.s32 v2, v1  }
0x4f3: {  	[tilespmem:s23+$0xFFFFFFF0] =	vst v1  }
0x4f4: {  	v1 =	vld [tilespmem:s19+$0x0]  }
0x4f5: {  	v2 =	vld [tilespmem:s20+$0x0];
	_ =	sdelay $0x3  }
0x4f6: {  	v1 =	vtrunc.f32 v1  }
0x4f7: {  	v2 =	vtrunc.f32 v2;
	v1 =	vcvt.f32.s32 v1  }
0x4f8: {  	v2 =	vcvt.f32.s32 v2  }
0x4f9: {  	v1 =	vshll.u32 v1, $0xB  }
0x4fa: {  	v1 =	vadd.s32 v2, v1  }
0x4fb: {  	[tilespmem:s23+$0x0] =	vst v1  }
0x4fc: {  	v1 =	vld [tilespmem:s19+$0x10]  }
0x4fd: {  	v2 =	vld [tilespmem:s20+$0x10];
	_ =	sdelay $0x3  }
0x4fe: {  	v1 =	vtrunc.f32 v1  }
0x4ff: {  	v2 =	vtrunc.f32 v2;
	v1 =	vcvt.f32.s32 v1  }
0x500: {  	v2 =	vcvt.f32.s32 v2  }
0x501: {  	v1 =	vshll.u32 v1, $0xB  }
0x502: {  	v1 =	vadd.s32 v2, v1  }
0x503: {  	[tilespmem:s23+$0x10] =	vst v1  }
0x504: {  	v1 =	vld [tilespmem:s19+$0x20]  }
0x505: {  	v2 =	vld [tilespmem:s20+$0x20];
	_ =	sdelay $0x3  }
0x506: {  	v1 =	vtrunc.f32 v1  }
0x507: {  	v2 =	vtrunc.f32 v2;
	v1 =	vcvt.f32.s32 v1  }
0x508: {  	v2 =	vcvt.f32.s32 v2  }
0x509: {  	v1 =	vshll.u32 v1, $0xB  }
0x50a: {  	v1 =	vadd.s32 v2, v1  }
0x50b: {  	[tilespmem:s23+$0x20] =	vst v1  }
0x50c: {  	v1 =	vld [tilespmem:s19+$0x30]  }
0x50d: {  	v2 =	vld [tilespmem:s20+$0x30];
	_ =	sdelay $0x3  }
.Ltmp10:
0x50e: {  	v1 =	vtrunc.f32 v1;
	(pc) =	sbr.rel @p0 .LBB2_22-.Ltmp10, $4  }
0x50f: {  	v2 =	vtrunc.f32 v2;
	v1 =	vcvt.f32.s32 v1  }
0x510: {  	v2 =	vcvt.f32.s32 v2  }
0x511: {  	v1 =	vshll.u32 v1, $0xB  }
0x512: {  	s23 =	sadd.s32 $0x80, s23;
	v1 =	vadd.s32 v2, v1  }
0x513: {  	[tilespmem:s21+$0x30] =	vst v1  }
0x514: {  	[tilespmem:s0], [sflag:$0x7] =	stream.indirect.gather [hbm4b:s1+s30], $0x1, s31, s30, $0xb8;
	[tilespmem:$0x18080] =	vst v63  }
0x515: {  	_ = 	snop  }
0x516: {  	[tilespmem:s25], [sflag:$0x8] =	stream.indirect.gather [hbm4b:s1+s30], $0x1, s2, s30, $0xb8;
	[tilespmem:$0x18080] =	vst v63  }
0x517: {  	_ =	swait.ge [sflag:s13], $0x1000  }
0x518: {  	[sflag:s13] =	ssyncset.done $0x0  }
0x519: {  	[sflag:s13] =	ssyncadd.s32 $0xFFFFF000  }
0x51a: {  	_ =	swait.ge [sflag:s14], $0x1000  }
0x51b: {  	[sflag:s14] =	ssyncset.done $0x0  }
0x51c: {  	s23 =	simm.s32 $0x14040;
	[sflag:s14] =	ssyncadd.s32 $0xFFFFF000  }
0x51d: {  	v1 =	vld [tilespmem:s23+$0xFFFFFFC0];
	_ =	sdelay $0x3  }
0x51e: {  	v2 =	vld [tilespmem:s23+$0xFFFFFFD0]  }
0x51f: {  	s19 =	simm.s32 $0x2040;
	v3 =	vld [tilespmem:s23+$0xFFFFFFE0];
	v1 =	vtrunc.f32 v1  }
0x520: {  	v4 =	vld [tilespmem:s19+$0xFFFFFFC0];
	v1 =	vcvt.f32.s32 v1  }
0x521: {  	s20 =	simm.s32 $0x8040  }
0x522: {  	v6 =	vld [tilespmem:s20+$0xFFFFFFC0];
	v5 =	vshrl.u32 v1, $0xC  }
0x523: {  	v7 =	vld [tilespmem:s23+$0xFFFFFFF0];
	v2 =	vtrunc.f32 v2;
	v5 =	vcvt.s32.f32 v5  }
0x524: {  	v8 =	vld [tilespmem:s19+$0xFFFFFFD0];
	v2 =	vcvt.f32.s32 v2;
	v1 =	vand.u32 $0xFFF, v1  }
0x525: {  	v3 =	vtrunc.f32 v3;
	v1 =	vcvt.s32.f32 v1;
	v4 =	vsub.f32 v4, v5  }
0x526: {  	v9 =	vld [tilespmem:s20+$0xFFFFFFD0];
	v3 =	vcvt.f32.s32 v3;
	v5 =	vshrl.u32 v2, $0xC;
	v2 =	vand.u32 $0xFFF, v2  }
0x527: {  	v1 =	vsub.f32 v6, v1;
	v6 =	vld [tilespmem:s23+$0x0];
	v5 =	vcvt.s32.f32 v5;
	v4 =	vmul.f32 v4, v4  }
0x528: {  	v11 =	vld [tilespmem:s19+$0xFFFFFFE0];
	v7 =	vtrunc.f32 v7;
	v10 =	vshrl.u32 v3, $0xC;
	v2 =	vcvt.s32.f32 v2  }
0x529: {  	v1 =	vmul.f32 v1, v1;
	v0 =	vadd.f32 v4, v0;
	v4 =	vsub.f32 v8, v5  }
0x52a: {  	v7 =	vcvt.f32.s32 v7;
	v3 =	vand.u32 $0xFFF, v3;
	v5 =	vcvt.s32.f32 v10;
	v8 =	vld [tilespmem:s20+$0xFFFFFFE0]  }
0x52b: {  	v10 =	vld [tilespmem:s19+$0xFFFFFFF0];
	v0 =	vadd.f32 v0, v1;
	v1 =	vsub.f32 v9, v2;
	v2 =	vmul.f32 v4, v4  }
0x52c: {  	v3 =	vcvt.s32.f32 v3;
	v6 =	vtrunc.f32 v6;
	v4 =	vld [tilespmem:s23+$0x10];
	v9 =	vshrl.u32 v7, $0xC  }
0x52d: {  	v0 =	vadd.f32 v2, v0;
	v1 =	vmul.f32 v1, v1;
	v2 =	vsub.f32 v11, v5  }
0x52e: {  	v6 =	vcvt.f32.s32 v6;
	v5 =	vand.u32 $0xFFF, v7;
	v7 =	vcvt.s32.f32 v9;
	v9 =	vld [tilespmem:s20+$0xFFFFFFF0]  }
0x52f: {  	v0 =	vadd.f32 v0, v1;
	v1 =	vsub.f32 v8, v3;
	v2 =	vmul.f32 v2, v2;
	v3 =	vld [tilespmem:s23+$0x20]  }
0x530: {  	v11 =	vld [tilespmem:s19+$0x0];
	v5 =	vcvt.s32.f32 v5;
	v8 =	vshrl.u32 v6, $0xC;
	v7 =	vsub.f32 v10, v7  }
0x531: {  	v4 =	vtrunc.f32 v4;
	v0 =	vadd.f32 v2, v0;
	v2 =	vmul.f32 v1, v1  }
0x532: {  	v6 =	vand.u32 $0xFFF, v6;
	v12 =	vcvt.s32.f32 v8;
	v4 =	vcvt.f32.s32 v4;
	v1 =	vld [tilespmem:s20+$0x0]  }
0x533: {  	v7 =	vmul.f32 v7, v7;
	v9 =	vsub.f32 v9, v5;
	v8 =	vadd.f32 v0, v2;
	v0 =	vld [tilespmem:s23+$0x30]  }
0x534: {  	v5 =	vcvt.s32.f32 v6;
	v6 =	vshrl.u32 v4, $0xC;
	v2 =	vld [tilespmem:s19+$0x10];
	v13 =	vtrunc.f32 v3  }
0x535: {  	v10 =	vmul.f32 v9, v9;
	v9 =	vsub.f32 v11, v12;
	v8 =	vadd.f32 v7, v8  }
0x536: {  	s21 =	simm.s32 $0x0;
	s22 =	simm.s32 $0x140C0;
	v6 =	vcvt.s32.f32 v6;
	v3 =	vld [tilespmem:s20+$0x10];
	v7 =	vand.u32 $0xFFF, v4;
	v4 =	vcvt.f32.s32 v13  }
.LBB2_24:
0x537: {  	v11 =	vld [tilespmem:s22+$0xFFFFFFC0];
	v8 =	vadd.f32 v8, v10;
	v1 =	vsub.f32 v1, v5;
	v5 =	vmul.f32 v9, v9  }
0x538: {  	v7 =	vcvt.s32.f32 v7;
	v9 =	vshrl.u32 v4, $0xC;
	v10 =	vld [tilespmem:s19+$0x20];
	v0 =	vtrunc.f32 v0  }
0x539: {  	v5 =	vadd.f32 v5, v8;
	v1 =	vmul.f32 v1, v1;
	v2 =	vsub.f32 v2, v6  }
0x53a: {  	s21 =	sadd.s32 $0x8, s21;
	v4 =	vand.u32 $0xFFF, v4;
	v6 =	vcvt.s32.f32 v9;
	v0 =	vcvt.f32.s32 v0;
	v8 =	vld [tilespmem:s20+$0x20]  }
0x53b: {  	p0 =	slt.u32 s21, $0x1F8;
	v9 =	vld [tilespmem:s22+$0xFFFFFFD0];
	v1 =	vadd.f32 v5, v1;
	v3 =	vsub.f32 v3, v7;
	v2 =	vmul.f32 v2, v2  }
0x53c: {  	v4 =	vcvt.s32.f32 v4;
	v7 =	vshrl.u32 v0, $0xC;
	v5 =	vtrunc.f32 v11;
	v11 =	vld [tilespmem:s19+$0x30]  }
0x53d: {  	v1 =	vadd.f32 v2, v1;
	v2 =	vmul.f32 v3, v3;
	v3 =	vsub.f32 v10, v6  }
0x53e: {  	v0 =	vand.u32 $0xFFF, v0;
	v5 =	vcvt.f32.s32 v5;
	v6 =	vcvt.s32.f32 v7;
	v7 =	vld [tilespmem:s20+$0x30]  }
0x53f: {  	s19 =	sadd.s32 $0x80, s19;
	v10 =	vld [tilespmem:s22+$0xFFFFFFE0];
	v1 =	vadd.f32 v1, v2;
	v2 =	vsub.f32 v8, v4;
	v3 =	vmul.f32 v3, v3  }
0x540: {  	v0 =	vcvt.s32.f32 v0;
	v4 =	vshrl.u32 v5, $0xC;
	v8 =	vld [tilespmem:s19+$0xFFFFFFC0];
	v9 =	vtrunc.f32 v9  }
0x541: {  	s20 =	sadd.s32 $0x80, s20;
	v1 =	vadd.f32 v3, v1;
	v2 =	vmul.f32 v2, v2;
	v3 =	vsub.f32 v11, v6  }
0x542: {  	v5 =	vand.u32 $0xFFF, v5;
	v4 =	vcvt.s32.f32 v4;
	v9 =	vcvt.f32.s32 v9;
	v6 =	vld [tilespmem:s20+$0xFFFFFFC0]  }
0x543: {  	v11 =	vld [tilespmem:s22+$0xFFFFFFF0];
	v1 =	vadd.f32 v1, v2;
	v0 =	vsub.f32 v7, v0;
	v2 =	vmul.f32 v3, v3  }
0x544: {  	v3 =	vcvt.s32.f32 v5;
	v5 =	vshrl.u32 v9, $0xC;
	v7 =	vld [tilespmem:s19+$0xFFFFFFD0];
	v10 =	vtrunc.f32 v10  }
0x545: {  	v4 =	vsub.f32 v8, v4;
	v1 =	vadd.f32 v2, v1;
	v0 =	vmul.f32 v0, v0  }
0x546: {  	v5 =	vcvt.s32.f32 v5;
	v2 =	vand.u32 $0xFFF, v9;
	v9 =	vcvt.f32.s32 v10;
	v8 =	vld [tilespmem:s20+$0xFFFFFFD0]  }
0x547: {  	v3 =	vsub.f32 v6, v3;
	v4 =	vmul.f32 v4, v4;
	v6 =	vld [tilespmem:s22+$0x0];
	v0 =	vadd.f32 v1, v0  }
0x548: {  	v1 =	vcvt.s32.f32 v2;
	v2 =	vshrl.u32 v9, $0xC;
	v10 =	vld [tilespmem:s19+$0xFFFFFFE0];
	v11 =	vtrunc.f32 v11  }
0x549: {  	v0 =	vadd.f32 v4, v0;
	v3 =	vmul.f32 v3, v3;
	v4 =	vsub.f32 v7, v5  }
0x54a: {  	v2 =	vcvt.s32.f32 v2;
	v5 =	vand.u32 $0xFFF, v9;
	v9 =	vcvt.f32.s32 v11;
	v7 =	vld [tilespmem:s20+$0xFFFFFFE0]  }
0x54b: {  	v0 =	vadd.f32 v0, v3;
	v1 =	vsub.f32 v8, v1;
	v3 =	vmul.f32 v4, v4;
	v4 =	vld [tilespmem:s22+$0x10]  }
0x54c: {  	v5 =	vcvt.s32.f32 v5;
	v8 =	vshrl.u32 v9, $0xC;
	v11 =	vld [tilespmem:s19+$0xFFFFFFF0];
	v6 =	vtrunc.f32 v6  }
0x54d: {  	v0 =	vadd.f32 v3, v0;
	v1 =	vmul.f32 v1, v1;
	v2 =	vsub.f32 v10, v2  }
0x54e: {  	v8 =	vcvt.s32.f32 v8;
	v3 =	vand.u32 $0xFFF, v9;
	v6 =	vcvt.f32.s32 v6;
	v9 =	vld [tilespmem:s20+$0xFFFFFFF0]  }
0x54f: {  	v0 =	vadd.f32 v0, v1;
	v1 =	vsub.f32 v7, v5;
	v2 =	vmul.f32 v2, v2;
	v7 =	vld [tilespmem:s22+$0x20]  }
0x550: {  	v3 =	vcvt.s32.f32 v3;
	v5 =	vshrl.u32 v6, $0xC;
	v12 =	vld [tilespmem:s19+$0x0];
	v4 =	vtrunc.f32 v4  }
0x551: {  	v0 =	vadd.f32 v2, v0;
	v2 =	vmul.f32 v1, v1;
	v8 =	vsub.f32 v11, v8  }
.Ltmp11:
0x552: {  	v6 =	vand.u32 $0xFFF, v6;
	v11 =	vcvt.s32.f32 v5;
	v4 =	vcvt.f32.s32 v4;
	v1 =	vld [tilespmem:s20+$0x0];
	(pc) =	sbr.rel @p0 .LBB2_24-.Ltmp11, $4  }
0x553: {  	v10 =	vadd.f32 v0, v2;
	v3 =	vsub.f32 v9, v3;
	v8 =	vmul.f32 v8, v8;
	v0 =	vld [tilespmem:s22+$0x30]  }
0x554: {  	v5 =	vcvt.s32.f32 v6;
	v6 =	vshrl.u32 v4, $0xC;
	v2 =	vld [tilespmem:s19+$0x10];
	v13 =	vtrunc.f32 v7  }
0x555: {  	v8 =	vadd.f32 v8, v10;
	v10 =	vmul.f32 v3, v3;
	v9 =	vsub.f32 v12, v11  }
0x556: {  	s22 =	sadd.s32 $0x80, s22;
	v7 =	vand.u32 $0xFFF, v4;
	v6 =	vcvt.s32.f32 v6;
	v4 =	vcvt.f32.s32 v13;
	v3 =	vld [tilespmem:s20+$0x10]  }
0x557: {  	v11 =	vld [tilespmem:s19+$0x20]  }
0x558: {  	v12 =	vld [tilespmem:s20+$0x20]  }
0x559: {  	v13 =	vld [tilespmem:s19+$0x30];
	s21 =	rddreg [dreg:$0x12];
	s22 =	simm.s32 $0x2000  }
0x55a: {  	v14 =	vld [tilespmem:s20+$0x30];
	[tilespmem:s22], [sflag:$0x2] =	stream.linear.gather [hbm4b:s21+s3], $0x2000, $0x38  }
0x55b: {  	s23 =	rddreg [dreg:$0x13]  }
0x55c: {  	[tilespmem:s24], [sflag:$0x5] =	stream.linear.gather [hbm4b:s23+s3], $0x2000, $0x38;
	[tilespmem:$0x18080] =	vst v63  }
0x55d: {  	_ =	swait.ge [sflag:s26], $0x2000  }
0x55e: {  	[sflag:s26] =	ssyncset.done $0x0  }
0x55f: {  	[sflag:s26] =	ssyncadd.s32 $0xFFFFE000  }
0x560: {  	_ =	swait.ge [sflag:s4], $0x2000  }
0x561: {  	[sflag:s4] =	ssyncset.done $0x0  }
0x562: {  	s19 =	simm.s32 $0x8040;
	[sflag:s4] =	ssyncadd.s32 $0xFFFFE000  }
0x563: {  	s20 =	simm.s32 $0x2040;
	v15 =	vld [tilespmem:s19+$0xFFFFFFC0]  }
0x564: {  	v16 =	vld [tilespmem:s20+$0xFFFFFFC0];
	_ =	sdelay $0x3  }
0x565: {  	v15 =	vtrunc.f32 v15  }
0x566: {  	v16 =	vtrunc.f32 v16;
	v15 =	vcvt.f32.s32 v15  }
0x567: {  	v16 =	vcvt.f32.s32 v16  }
0x568: {  	v15 =	vshll.u32 v15, $0xB  }
0x569: {  	s21 =	simm.s32 $0xE040;
	v15 =	vadd.s32 v16, v15  }
0x56a: {  	[tilespmem:s21+$0xFFFFFFC0] =	vst v15  }
0x56b: {  	v15 =	vld [tilespmem:s19+$0xFFFFFFD0]  }
0x56c: {  	v49 =	vld [tilespmem:s20+$0xFFFFFFD0];
	_ =	sdelay $0x3  }
0x56d: {  	v15 =	vtrunc.f32 v15  }
0x56e: {  	v16 =	vtrunc.f32 v49;
	v15 =	vcvt.f32.s32 v15  }
0x56f: {  	v16 =	vcvt.f32.s32 v16  }
0x570: {  	v15 =	vshll.u32 v15, $0xB  }
0x571: {  	v15 =	vadd.s32 v16, v15  }
0x572: {  	[tilespmem:s21+$0xFFFFFFD0] =	vst v15  }
0x573: {  	v15 =	vld [tilespmem:s19+$0xFFFFFFE0]  }
0x574: {  	v50 =	vld [tilespmem:s20+$0xFFFFFFE0];
	_ =	sdelay $0x3  }
0x575: {  	v15 =	vtrunc.f32 v15  }
0x576: {  	v16 =	vtrunc.f32 v50;
	v15 =	vcvt.f32.s32 v15  }
0x577: {  	v16 =	vcvt.f32.s32 v16  }
0x578: {  	v15 =	vshll.u32 v15, $0xB  }
0x579: {  	v15 =	vadd.s32 v16, v15  }
0x57a: {  	[tilespmem:s21+$0xFFFFFFE0] =	vst v15  }
0x57b: {  	v15 =	vld [tilespmem:s19+$0xFFFFFFF0]  }
0x57c: {  	v51 =	vld [tilespmem:s20+$0xFFFFFFF0];
	_ =	sdelay $0x3  }
0x57d: {  	v15 =	vtrunc.f32 v15  }
0x57e: {  	v16 =	vtrunc.f32 v51;
	v15 =	vcvt.f32.s32 v15  }
0x57f: {  	v16 =	vcvt.f32.s32 v16  }
0x580: {  	v15 =	vshll.u32 v15, $0xB  }
0x581: {  	v15 =	vadd.s32 v16, v15  }
0x582: {  	[tilespmem:s21+$0xFFFFFFF0] =	vst v15  }
0x583: {  	v15 =	vld [tilespmem:s19+$0x0]  }
0x584: {  	v52 =	vld [tilespmem:s20+$0x0];
	_ =	sdelay $0x3  }
0x585: {  	v15 =	vtrunc.f32 v15  }
0x586: {  	v16 =	vtrunc.f32 v52;
	v15 =	vcvt.f32.s32 v15  }
0x587: {  	v16 =	vcvt.f32.s32 v16  }
0x588: {  	v15 =	vshll.u32 v15, $0xB  }
0x589: {  	v15 =	vadd.s32 v16, v15  }
0x58a: {  	[tilespmem:s21+$0x0] =	vst v15  }
0x58b: {  	v15 =	vld [tilespmem:s19+$0x10]  }
0x58c: {  	v53 =	vld [tilespmem:s20+$0x10];
	_ =	sdelay $0x3  }
0x58d: {  	v15 =	vtrunc.f32 v15  }
0x58e: {  	v16 =	vtrunc.f32 v53;
	v15 =	vcvt.f32.s32 v15  }
0x58f: {  	v16 =	vcvt.f32.s32 v16  }
0x590: {  	v15 =	vshll.u32 v15, $0xB  }
0x591: {  	v15 =	vadd.s32 v16, v15  }
0x592: {  	v8 =	vadd.f32 v8, v10;
	v1 =	vsub.f32 v1, v5;
	v54 =	vmul.f32 v9, v9;
	[tilespmem:s21+$0x10] =	vst v15  }
0x593: {  	v55 =	vld [tilespmem:s19+$0x20]  }
0x594: {  	v5 =	vadd.f32 v54, v8;
	v1 =	vmul.f32 v1, v1;
	v2 =	vsub.f32 v2, v6;
	v56 =	vld [tilespmem:s20+$0x20];
	_ =	sdelay $0x1  }
0x595: {  	v1 =	vadd.f32 v5, v1;
	v2 =	vmul.f32 v2, v2  }
0x596: {  	v7 =	vcvt.s32.f32 v7  }
0x597: {  	v0 =	vtrunc.f32 v0;
	v1 =	vadd.f32 v2, v1;
	v2 =	vtrunc.f32 v55  }
0x598: {  	v57 =	vshrl.u32 v4, $0xC;
	v6 =	vtrunc.f32 v56;
	v2 =	vcvt.f32.s32 v2  }
0x599: {  	v58 =	vand.u32 $0xFFF, v4;
	v0 =	vcvt.f32.s32 v0;
	v6 =	vcvt.f32.s32 v6  }
0x59a: {  	v3 =	vsub.f32 v3, v7;
	v5 =	vcvt.s32.f32 v57;
	v2 =	vshll.u32 v2, $0xB  }
0x59b: {  	v4 =	vcvt.s32.f32 v58;
	v2 =	vadd.s32 v6, v2  }
0x59c: {  	v59 =	vshrl.u32 v0, $0xC;
	v3 =	vmul.f32 v3, v3;
	v5 =	vsub.f32 v11, v5;
	[tilespmem:s21+$0x20] =	vst v2  }
0x59d: {  	v0 =	vand.u32 $0xFFF, v0;
	v61 =	vcvt.s32.f32 v59;
	v60 =	vld [tilespmem:s19+$0x30]  }
0x59e: {  	v1 =	vadd.f32 v1, v3;
	v3 =	vmul.f32 v5, v5;
	v2 =	vsub.f32 v12, v4;
	v62 =	vld [tilespmem:s20+$0x30]  }
0x59f: {  	v0 =	vcvt.s32.f32 v0  }
0x5a0: {  	v1 =	vadd.f32 v3, v1;
	v3 =	vsub.f32 v13, v61;
	v2 =	vmul.f32 v2, v2  }
0x5a1: {  	v0 =	vsub.f32 v14, v0  }
0x5a2: {  	v1 =	vadd.f32 v1, v2;
	v2 =	vmul.f32 v3, v3;
	v3 =	vtrunc.f32 v60  }
0x5a3: {  	v63 =	vtrunc.f32 v62;
	v3 =	vcvt.f32.s32 v3  }
0x5a4: {  	v0 =	vmul.f32 v0, v0;
	v1 =	vadd.f32 v2, v1;
	v2 =	vcvt.f32.s32 v63  }
0x5a5: {  	v3 =	vshll.u32 v3, $0xB  }
0x5a6: {  	s22 =	simm.s32 $0x0;
	s23 =	simm.s32 $0xE0C0;
	v0 =	vadd.f32 v1, v0;
	v1 =	vadd.s32 v2, v3  }
.LBB2_26:
0x5a7: {  	s22 =	sadd.s32 $0x8, s22;
	[tilespmem:s21+$0x30] =	vst v1;
	s20 =	sadd.s32 $0x80, s20;
	s19 =	sadd.s32 $0x80, s19  }
0x5a8: {  	s21 =	smov.u32 s23;
	v1 =	vld [tilespmem:s19+$0xFFFFFFC0];
	p0 =	slt.u32 s22, $0x1F8  }
0x5a9: {  	v2 =	vld [tilespmem:s20+$0xFFFFFFC0];
	_ =	sdelay $0x3  }
0x5aa: {  	v1 =	vtrunc.f32 v1  }
0x5ab: {  	v2 =	vtrunc.f32 v2;
	v1 =	vcvt.f32.s32 v1  }
0x5ac: {  	v2 =	vcvt.f32.s32 v2  }
0x5ad: {  	v1 =	vshll.u32 v1, $0xB  }
0x5ae: {  	v1 =	vadd.s32 v2, v1  }
0x5af: {  	[tilespmem:s23+$0xFFFFFFC0] =	vst v1  }
0x5b0: {  	v1 =	vld [tilespmem:s19+$0xFFFFFFD0]  }
0x5b1: {  	v2 =	vld [tilespmem:s20+$0xFFFFFFD0];
	_ =	sdelay $0x3  }
0x5b2: {  	v1 =	vtrunc.f32 v1  }
0x5b3: {  	v2 =	vtrunc.f32 v2;
	v1 =	vcvt.f32.s32 v1  }
0x5b4: {  	v2 =	vcvt.f32.s32 v2  }
0x5b5: {  	v1 =	vshll.u32 v1, $0xB  }
0x5b6: {  	v1 =	vadd.s32 v2, v1  }
0x5b7: {  	[tilespmem:s23+$0xFFFFFFD0] =	vst v1  }
0x5b8: {  	v1 =	vld [tilespmem:s19+$0xFFFFFFE0]  }
0x5b9: {  	v2 =	vld [tilespmem:s20+$0xFFFFFFE0];
	_ =	sdelay $0x3  }
0x5ba: {  	v1 =	vtrunc.f32 v1  }
0x5bb: {  	v2 =	vtrunc.f32 v2;
	v1 =	vcvt.f32.s32 v1  }
0x5bc: {  	v2 =	vcvt.f32.s32 v2  }
0x5bd: {  	v1 =	vshll.u32 v1, $0xB  }
0x5be: {  	v1 =	vadd.s32 v2, v1  }
0x5bf: {  	[tilespmem:s23+$0xFFFFFFE0] =	vst v1  }
0x5c0: {  	v1 =	vld [tilespmem:s19+$0xFFFFFFF0]  }
0x5c1: {  	v2 =	vld [tilespmem:s20+$0xFFFFFFF0];
	_ =	sdelay $0x3  }
0x5c2: {  	v1 =	vtrunc.f32 v1  }
0x5c3: {  	v2 =	vtrunc.f32 v2;
	v1 =	vcvt.f32.s32 v1  }
0x5c4: {  	v2 =	vcvt.f32.s32 v2  }
0x5c5: {  	v1 =	vshll.u32 v1, $0xB  }
0x5c6: {  	v1 =	vadd.s32 v2, v1  }
0x5c7: {  	[tilespmem:s23+$0xFFFFFFF0] =	vst v1  }
0x5c8: {  	v1 =	vld [tilespmem:s19+$0x0]  }
0x5c9: {  	v2 =	vld [tilespmem:s20+$0x0];
	_ =	sdelay $0x3  }
0x5ca: {  	v1 =	vtrunc.f32 v1  }
0x5cb: {  	v2 =	vtrunc.f32 v2;
	v1 =	vcvt.f32.s32 v1  }
0x5cc: {  	v2 =	vcvt.f32.s32 v2  }
0x5cd: {  	v1 =	vshll.u32 v1, $0xB  }
0x5ce: {  	v1 =	vadd.s32 v2, v1  }
0x5cf: {  	[tilespmem:s23+$0x0] =	vst v1  }
0x5d0: {  	v1 =	vld [tilespmem:s19+$0x10]  }
0x5d1: {  	v2 =	vld [tilespmem:s20+$0x10];
	_ =	sdelay $0x3  }
0x5d2: {  	v1 =	vtrunc.f32 v1  }
0x5d3: {  	v2 =	vtrunc.f32 v2;
	v1 =	vcvt.f32.s32 v1  }
0x5d4: {  	v2 =	vcvt.f32.s32 v2  }
0x5d5: {  	v1 =	vshll.u32 v1, $0xB  }
0x5d6: {  	v1 =	vadd.s32 v2, v1  }
0x5d7: {  	[tilespmem:s23+$0x10] =	vst v1  }
0x5d8: {  	v1 =	vld [tilespmem:s19+$0x20]  }
0x5d9: {  	v2 =	vld [tilespmem:s20+$0x20];
	_ =	sdelay $0x3  }
0x5da: {  	v1 =	vtrunc.f32 v1  }
0x5db: {  	v2 =	vtrunc.f32 v2;
	v1 =	vcvt.f32.s32 v1  }
0x5dc: {  	v2 =	vcvt.f32.s32 v2  }
0x5dd: {  	v1 =	vshll.u32 v1, $0xB  }
0x5de: {  	v1 =	vadd.s32 v2, v1  }
0x5df: {  	[tilespmem:s23+$0x20] =	vst v1  }
0x5e0: {  	v1 =	vld [tilespmem:s19+$0x30]  }
0x5e1: {  	v2 =	vld [tilespmem:s20+$0x30];
	_ =	sdelay $0x3  }
.Ltmp12:
0x5e2: {  	v1 =	vtrunc.f32 v1;
	(pc) =	sbr.rel @p0 .LBB2_26-.Ltmp12, $4  }
0x5e3: {  	v2 =	vtrunc.f32 v2;
	v1 =	vcvt.f32.s32 v1  }
0x5e4: {  	v2 =	vcvt.f32.s32 v2  }
0x5e5: {  	v1 =	vshll.u32 v1, $0xB  }
0x5e6: {  	s23 =	sadd.s32 $0x80, s23;
	v1 =	vadd.s32 v2, v1  }
0x5e7: {  	[tilespmem:s21+$0x30] =	vst v1  }
0x5e8: {  	[tilespmem:s6], [sflag:$0x9] =	stream.indirect.gather [hbm4b:s1+s30], $0x1, s5, s30, $0xb8;
	[tilespmem:$0x18080] =	vst v63  }
0x5e9: {  	_ = 	snop  }
0x5ea: {  	[tilespmem:s8], [sflag:$0xA] =	stream.indirect.gather [hbm4b:s1+s30], $0x1, s7, s30, $0xb8;
	[tilespmem:$0x18080] =	vst v63  }
0x5eb: {  	_ =	swait.ge [sflag:s15], $0x1000  }
0x5ec: {  	[sflag:s15] =	ssyncset.done $0x0  }
0x5ed: {  	[sflag:s15] =	ssyncadd.s32 $0xFFFFF000  }
0x5ee: {  	_ =	swait.ge [sflag:s16], $0x1000  }
0x5ef: {  	[sflag:s16] =	ssyncset.done $0x0  }
0x5f0: {  	s23 =	simm.s32 $0x16040;
	[sflag:s16] =	ssyncadd.s32 $0xFFFFF000  }
0x5f1: {  	v1 =	vld [tilespmem:s23+$0xFFFFFFC0];
	_ =	sdelay $0x2  }
0x5f2: {  	v2 =	vld [tilespmem:s23+$0xFFFFFFD0]  }
0x5f3: {  	s19 =	simm.s32 $0x4040;
	v3 =	vld [tilespmem:s23+$0xFFFFFFE0]  }
0x5f4: {  	v4 =	vld [tilespmem:s19+$0xFFFFFFC0];
	v1 =	vtrunc.f32 v1  }
0x5f5: {  	v7 =	vld [tilespmem:s23+$0xFFFFFFF0];
	v1 =	vcvt.f32.s32 v1  }
0x5f6: {  	s20 =	simm.s32 $0xA040  }
0x5f7: {  	v6 =	vld [tilespmem:s20+$0xFFFFFFC0];
	v5 =	vshrl.u32 v1, $0xC  }
0x5f8: {  	v2 =	vtrunc.f32 v2;
	v5 =	vcvt.s32.f32 v5  }
0x5f9: {  	v8 =	vld [tilespmem:s19+$0xFFFFFFD0];
	v3 =	vtrunc.f32 v3;
	v2 =	vcvt.f32.s32 v2;
	v1 =	vand.u32 $0xFFF, v1  }
0x5fa: {  	v7 =	vtrunc.f32 v7;
	v1 =	vcvt.s32.f32 v1;
	v4 =	vsub.f32 v4, v5  }
0x5fb: {  	v9 =	vld [tilespmem:s20+$0xFFFFFFD0];
	v3 =	vcvt.f32.s32 v3;
	v5 =	vshrl.u32 v2, $0xC;
	v2 =	vand.u32 $0xFFF, v2  }
0x5fc: {  	v1 =	vsub.f32 v6, v1;
	v6 =	vld [tilespmem:s23+$0x0];
	v5 =	vcvt.s32.f32 v5;
	v4 =	vmul.f32 v4, v4  }
0x5fd: {  	v10 =	vshrl.u32 v3, $0xC;
	v3 =	vand.u32 $0xFFF, v3;
	v2 =	vcvt.s32.f32 v2  }
0x5fe: {  	v11 =	vld [tilespmem:s19+$0xFFFFFFE0];
	v1 =	vmul.f32 v1, v1;
	v0 =	vadd.f32 v4, v0;
	v4 =	vsub.f32 v8, v5  }
0x5ff: {  	v7 =	vcvt.f32.s32 v7;
	v3 =	vcvt.s32.f32 v3  }
0x600: {  	v8 =	vld [tilespmem:s20+$0xFFFFFFE0];
	v0 =	vadd.f32 v0, v1;
	v1 =	vsub.f32 v9, v2;
	v2 =	vmul.f32 v4, v4  }
0x601: {  	v5 =	vcvt.s32.f32 v10;
	v10 =	vld [tilespmem:s19+$0xFFFFFFF0];
	v6 =	vtrunc.f32 v6  }
0x602: {  	v4 =	vld [tilespmem:s23+$0x10];
	v9 =	vshrl.u32 v7, $0xC;
	v0 =	vadd.f32 v2, v0;
	v1 =	vmul.f32 v1, v1  }
0x603: {  	v2 =	vsub.f32 v11, v5;
	v5 =	vand.u32 $0xFFF, v7;
	v7 =	vcvt.s32.f32 v9;
	v9 =	vld [tilespmem:s20+$0xFFFFFFF0]  }
0x604: {  	v6 =	vcvt.f32.s32 v6;
	v11 =	vld [tilespmem:s19+$0x0]  }
0x605: {  	v0 =	vadd.f32 v0, v1;
	v1 =	vsub.f32 v8, v3;
	v2 =	vmul.f32 v2, v2;
	v3 =	vld [tilespmem:s23+$0x20]  }
0x606: {  	v5 =	vcvt.s32.f32 v5;
	v8 =	vshrl.u32 v6, $0xC;
	v7 =	vsub.f32 v10, v7  }
0x607: {  	v4 =	vtrunc.f32 v4;
	v0 =	vadd.f32 v2, v0;
	v1 =	vmul.f32 v1, v1  }
0x608: {  	v6 =	vand.u32 $0xFFF, v6;
	v12 =	vcvt.s32.f32 v8;
	v13 =	vcvt.f32.s32 v4;
	v2 =	vld [tilespmem:s20+$0x0]  }
0x609: {  	v7 =	vmul.f32 v7, v7;
	v5 =	vsub.f32 v9, v5;
	v1 =	vadd.f32 v0, v1;
	v0 =	vld [tilespmem:s23+$0x30]  }
0x60a: {  	v4 =	vcvt.s32.f32 v6;
	v9 =	vsub.f32 v11, v12;
	v14 =	vtrunc.f32 v3;
	v3 =	vld [tilespmem:s19+$0x10]  }
0x60b: {  	v6 =	vshrl.u32 v13, $0xC;
	v10 =	vmul.f32 v5, v5;
	v8 =	vadd.f32 v7, v1  }
0x60c: {  	s21 =	simm.s32 $0x0;
	s22 =	simm.s32 $0x160C0;
	v6 =	vcvt.s32.f32 v6;
	v7 =	vand.u32 $0xFFF, v13;
	v1 =	vld [tilespmem:s20+$0x10];
	v5 =	vcvt.f32.s32 v14  }
.LBB2_28:
0x60d: {  	v11 =	vld [tilespmem:s22+$0xFFFFFFC0];
	v8 =	vadd.f32 v8, v10;
	v2 =	vsub.f32 v2, v4;
	v4 =	vmul.f32 v9, v9  }
0x60e: {  	v7 =	vcvt.s32.f32 v7;
	v9 =	vshrl.u32 v5, $0xC;
	v10 =	vld [tilespmem:s19+$0x20];
	v0 =	vtrunc.f32 v0  }
0x60f: {  	v4 =	vadd.f32 v4, v8;
	v2 =	vmul.f32 v2, v2;
	v3 =	vsub.f32 v3, v6  }
0x610: {  	s21 =	sadd.s32 $0x8, s21;
	v5 =	vand.u32 $0xFFF, v5;
	v6 =	vcvt.s32.f32 v9;
	v0 =	vcvt.f32.s32 v0;
	v8 =	vld [tilespmem:s20+$0x20]  }
0x611: {  	p0 =	slt.u32 s21, $0x1F8;
	v9 =	vld [tilespmem:s22+$0xFFFFFFD0];
	v2 =	vadd.f32 v4, v2;
	v1 =	vsub.f32 v1, v7;
	v3 =	vmul.f32 v3, v3  }
0x612: {  	v5 =	vcvt.s32.f32 v5;
	v7 =	vshrl.u32 v0, $0xC;
	v4 =	vtrunc.f32 v11;
	v11 =	vld [tilespmem:s19+$0x30]  }
0x613: {  	v2 =	vadd.f32 v3, v2;
	v1 =	vmul.f32 v1, v1;
	v3 =	vsub.f32 v10, v6  }
0x614: {  	v0 =	vand.u32 $0xFFF, v0;
	v4 =	vcvt.f32.s32 v4;
	v6 =	vcvt.s32.f32 v7;
	v7 =	vld [tilespmem:s20+$0x30]  }
0x615: {  	s19 =	sadd.s32 $0x80, s19;
	v10 =	vld [tilespmem:s22+$0xFFFFFFE0];
	v1 =	vadd.f32 v2, v1;
	v2 =	vsub.f32 v8, v5;
	v3 =	vmul.f32 v3, v3  }
0x616: {  	v0 =	vcvt.s32.f32 v0;
	v5 =	vshrl.u32 v4, $0xC;
	v8 =	vld [tilespmem:s19+$0xFFFFFFC0];
	v9 =	vtrunc.f32 v9  }
0x617: {  	s20 =	sadd.s32 $0x80, s20;
	v1 =	vadd.f32 v3, v1;
	v2 =	vmul.f32 v2, v2;
	v3 =	vsub.f32 v11, v6  }
0x618: {  	v4 =	vand.u32 $0xFFF, v4;
	v5 =	vcvt.s32.f32 v5;
	v9 =	vcvt.f32.s32 v9;
	v6 =	vld [tilespmem:s20+$0xFFFFFFC0]  }
0x619: {  	v11 =	vld [tilespmem:s22+$0xFFFFFFF0];
	v1 =	vadd.f32 v1, v2;
	v0 =	vsub.f32 v7, v0;
	v2 =	vmul.f32 v3, v3  }
0x61a: {  	v3 =	vcvt.s32.f32 v4;
	v4 =	vshrl.u32 v9, $0xC;
	v7 =	vld [tilespmem:s19+$0xFFFFFFD0];
	v10 =	vtrunc.f32 v10  }
0x61b: {  	v5 =	vsub.f32 v8, v5;
	v1 =	vadd.f32 v2, v1;
	v0 =	vmul.f32 v0, v0  }
0x61c: {  	v4 =	vcvt.s32.f32 v4;
	v2 =	vand.u32 $0xFFF, v9;
	v9 =	vcvt.f32.s32 v10;
	v8 =	vld [tilespmem:s20+$0xFFFFFFD0]  }
0x61d: {  	v3 =	vsub.f32 v6, v3;
	v5 =	vmul.f32 v5, v5;
	v6 =	vld [tilespmem:s22+$0x0];
	v0 =	vadd.f32 v1, v0  }
0x61e: {  	v1 =	vcvt.s32.f32 v2;
	v2 =	vshrl.u32 v9, $0xC;
	v10 =	vld [tilespmem:s19+$0xFFFFFFE0];
	v11 =	vtrunc.f32 v11  }
0x61f: {  	v0 =	vadd.f32 v5, v0;
	v3 =	vmul.f32 v3, v3;
	v4 =	vsub.f32 v7, v4  }
0x620: {  	v2 =	vcvt.s32.f32 v2;
	v5 =	vand.u32 $0xFFF, v9;
	v9 =	vcvt.f32.s32 v11;
	v7 =	vld [tilespmem:s20+$0xFFFFFFE0]  }
0x621: {  	v0 =	vadd.f32 v0, v3;
	v1 =	vsub.f32 v8, v1;
	v3 =	vmul.f32 v4, v4;
	v4 =	vld [tilespmem:s22+$0x10]  }
0x622: {  	v5 =	vcvt.s32.f32 v5;
	v8 =	vshrl.u32 v9, $0xC;
	v11 =	vld [tilespmem:s19+$0xFFFFFFF0];
	v6 =	vtrunc.f32 v6  }
0x623: {  	v0 =	vadd.f32 v3, v0;
	v1 =	vmul.f32 v1, v1;
	v2 =	vsub.f32 v10, v2  }
0x624: {  	v8 =	vcvt.s32.f32 v8;
	v3 =	vand.u32 $0xFFF, v9;
	v6 =	vcvt.f32.s32 v6;
	v9 =	vld [tilespmem:s20+$0xFFFFFFF0]  }
0x625: {  	v0 =	vadd.f32 v0, v1;
	v1 =	vsub.f32 v7, v5;
	v2 =	vmul.f32 v2, v2;
	v5 =	vld [tilespmem:s22+$0x20]  }
0x626: {  	v3 =	vcvt.s32.f32 v3;
	v7 =	vshrl.u32 v6, $0xC;
	v12 =	vld [tilespmem:s19+$0x0];
	v4 =	vtrunc.f32 v4  }
0x627: {  	v0 =	vadd.f32 v2, v0;
	v1 =	vmul.f32 v1, v1;
	v8 =	vsub.f32 v11, v8  }
.Ltmp13:
0x628: {  	v6 =	vand.u32 $0xFFF, v6;
	v7 =	vcvt.s32.f32 v7;
	v11 =	vcvt.f32.s32 v4;
	v2 =	vld [tilespmem:s20+$0x0];
	(pc) =	sbr.rel @p0 .LBB2_28-.Ltmp13, $4  }
0x629: {  	v1 =	vadd.f32 v0, v1;
	v9 =	vsub.f32 v9, v3;
	v8 =	vmul.f32 v8, v8;
	v0 =	vld [tilespmem:s22+$0x30]  }
0x62a: {  	v4 =	vcvt.s32.f32 v6;
	v6 =	vshrl.u32 v11, $0xC;
	v3 =	vld [tilespmem:s19+$0x10];
	v5 =	vtrunc.f32 v5  }
0x62b: {  	v8 =	vadd.f32 v8, v1;
	v10 =	vmul.f32 v9, v9;
	v9 =	vsub.f32 v12, v7  }
0x62c: {  	s22 =	sadd.s32 $0x80, s22;
	v6 =	vcvt.s32.f32 v6;
	v7 =	vand.u32 $0xFFF, v11;
	v5 =	vcvt.f32.s32 v5;
	v1 =	vld [tilespmem:s20+$0x10]  }
0x62d: {  	v11 =	vld [tilespmem:s19+$0x20]  }
0x62e: {  	v12 =	vld [tilespmem:s20+$0x20];
	v8 =	vadd.f32 v8, v10;
	v9 =	vmul.f32 v9, v9  }
0x62f: {  	v10 =	vld [tilespmem:s19+$0x30];
	v2 =	vsub.f32 v2, v4  }
0x630: {  	v4 =	vld [tilespmem:s20+$0x30];
	v7 =	vcvt.s32.f32 v7;
	_ =	swait.ge [sflag:s11], $0x1000;
	v8 =	vadd.f32 v9, v8  }
0x631: {  	[sflag:s11] =	ssyncset.done $0x0;
	v3 =	vsub.f32 v3, v6;
	v6 =	vshrl.u32 v5, $0xC;
	v2 =	vmul.f32 v2, v2  }
0x632: {  	v0 =	vtrunc.f32 v0;
	v5 =	vand.u32 $0xFFF, v5;
	[sflag:s11] =	ssyncadd.s32 $0xFFFFF000;
	v6 =	vcvt.s32.f32 v6  }
0x633: {  	_ =	swait.ge [sflag:s12], $0x1000;
	v2 =	vadd.f32 v8, v2;
	v1 =	vsub.f32 v1, v7;
	v3 =	vmul.f32 v3, v3  }
0x634: {  	v0 =	vcvt.f32.s32 v0;
	v5 =	vcvt.s32.f32 v5;
	[sflag:s12] =	ssyncset.done $0x0  }
0x635: {  	s21 =	simm.s32 $0x12040;
	[sflag:s12] =	ssyncadd.s32 $0xFFFFF000;
	v2 =	vadd.f32 v3, v2;
	v1 =	vmul.f32 v1, v1;
	v3 =	vsub.f32 v11, v6  }
0x636: {  	v6 =	vshrl.u32 v0, $0xC;
	v7 =	vld [tilespmem:s21+$0xFFFFFFC0]  }
0x637: {  	v1 =	vadd.f32 v2, v1;
	v2 =	vsub.f32 v12, v5;
	v3 =	vmul.f32 v3, v3  }
0x638: {  	v5 =	vcvt.s32.f32 v6  }
0x639: {  	v0 =	vand.u32 $0xFFF, v0;
	v1 =	vadd.f32 v3, v1;
	v2 =	vmul.f32 v2, v2  }
0x63a: {  	v0 =	vcvt.s32.f32 v0;
	v3 =	vsub.f32 v10, v5;
	v5 =	vld [tilespmem:s21+$0xFFFFFFD0]  }
0x63b: {  	s19 =	simm.s32 $0x40;
	v6 =	vld [tilespmem:s21+$0xFFFFFFE0];
	v1 =	vadd.f32 v1, v2;
	v2 =	vtrunc.f32 v7  }
0x63c: {  	v0 =	vsub.f32 v4, v0;
	v4 =	vld [tilespmem:s19+$0xFFFFFFC0];
	v3 =	vmul.f32 v3, v3;
	v2 =	vcvt.f32.s32 v2  }
0x63d: {  	s20 =	simm.s32 $0x6040  }
0x63e: {  	v0 =	vmul.f32 v0, v0;
	v7 =	vld [tilespmem:s20+$0xFFFFFFC0];
	v1 =	vadd.f32 v3, v1;
	v3 =	vshrl.u32 v2, $0xC  }
0x63f: {  	v8 =	vld [tilespmem:s21+$0xFFFFFFF0];
	v5 =	vtrunc.f32 v5;
	v3 =	vcvt.s32.f32 v3  }
0x640: {  	v0 =	vadd.f32 v1, v0;
	v1 =	vand.u32 $0xFFF, v2;
	v2 =	vcvt.f32.s32 v5;
	v5 =	vld [tilespmem:s19+$0xFFFFFFD0]  }
0x641: {  	v6 =	vtrunc.f32 v6;
	v1 =	vcvt.s32.f32 v1;
	v3 =	vsub.f32 v4, v3  }
0x642: {  	v9 =	vld [tilespmem:s20+$0xFFFFFFD0];
	v6 =	vcvt.f32.s32 v6;
	v4 =	vshrl.u32 v2, $0xC;
	v2 =	vand.u32 $0xFFF, v2  }
0x643: {  	v4 =	vcvt.s32.f32 v4;
	v1 =	vsub.f32 v7, v1;
	v7 =	vld [tilespmem:s21+$0x0];
	v3 =	vmul.f32 v3, v3  }
0x644: {  	v11 =	vld [tilespmem:s19+$0xFFFFFFE0];
	v8 =	vtrunc.f32 v8;
	v10 =	vshrl.u32 v6, $0xC;
	v2 =	vcvt.s32.f32 v2  }
0x645: {  	v1 =	vmul.f32 v1, v1;
	v0 =	vadd.f32 v3, v0;
	v3 =	vsub.f32 v5, v4  }
0x646: {  	v8 =	vcvt.f32.s32 v8;
	v4 =	vand.u32 $0xFFF, v6;
	v5 =	vcvt.s32.f32 v10;
	v6 =	vld [tilespmem:s20+$0xFFFFFFE0]  }
0x647: {  	v10 =	vld [tilespmem:s19+$0xFFFFFFF0];
	v0 =	vadd.f32 v0, v1;
	v1 =	vsub.f32 v9, v2;
	v2 =	vmul.f32 v3, v3  }
0x648: {  	v4 =	vcvt.s32.f32 v4;
	v3 =	vld [tilespmem:s21+$0x10];
	v9 =	vshrl.u32 v8, $0xC;
	v7 =	vtrunc.f32 v7  }
0x649: {  	v0 =	vadd.f32 v2, v0;
	v1 =	vmul.f32 v1, v1;
	v2 =	vsub.f32 v11, v5  }
0x64a: {  	v7 =	vcvt.f32.s32 v7;
	v5 =	vand.u32 $0xFFF, v8;
	v8 =	vcvt.s32.f32 v9;
	v9 =	vld [tilespmem:s20+$0xFFFFFFF0]  }
0x64b: {  	v0 =	vadd.f32 v0, v1;
	v1 =	vsub.f32 v6, v4;
	v2 =	vmul.f32 v2, v2;
	v6 =	vld [tilespmem:s21+$0x20]  }
0x64c: {  	v11 =	vld [tilespmem:s19+$0x0];
	v4 =	vcvt.s32.f32 v5;
	v5 =	vshrl.u32 v7, $0xC;
	v8 =	vsub.f32 v10, v8  }
0x64d: {  	v3 =	vtrunc.f32 v3;
	v0 =	vadd.f32 v2, v0;
	v1 =	vmul.f32 v1, v1  }
0x64e: {  	v7 =	vand.u32 $0xFFF, v7;
	v5 =	vcvt.s32.f32 v5;
	v63 =	vcvt.f32.s32 v3;
	v2 =	vld [tilespmem:s20+$0x0]  }
0x64f: {  	v8 =	vmul.f32 v8, v8;
	v9 =	vsub.f32 v9, v4;
	v1 =	vadd.f32 v0, v1;
	v0 =	vld [tilespmem:s21+$0x30]  }
0x650: {  	v3 =	vld [tilespmem:s19+$0x10];
	v4 =	vcvt.s32.f32 v7;
	v13 =	vshrl.u32 v63, $0xC;
	v14 =	vtrunc.f32 v6  }
0x651: {  	v10 =	vmul.f32 v9, v9;
	v9 =	vsub.f32 v11, v5;
	v8 =	vadd.f32 v8, v1  }
0x652: {  	s22 =	simm.s32 $0x120C0;
	s21 =	simm.s32 $0x0;
	v7 =	vand.u32 $0xFFF, v63;
	v6 =	vcvt.s32.f32 v13;
	v1 =	vld [tilespmem:s20+$0x10];
	v5 =	vcvt.f32.s32 v14  }
.LBB2_30:
0x653: {  	v11 =	vld [tilespmem:s22+$0xFFFFFFC0];
	v8 =	vadd.f32 v8, v10;
	v2 =	vsub.f32 v2, v4;
	v4 =	vmul.f32 v9, v9  }
0x654: {  	v7 =	vcvt.s32.f32 v7;
	v9 =	vshrl.u32 v5, $0xC;
	v10 =	vld [tilespmem:s19+$0x20];
	v0 =	vtrunc.f32 v0  }
0x655: {  	v4 =	vadd.f32 v4, v8;
	v2 =	vmul.f32 v2, v2;
	v3 =	vsub.f32 v3, v6  }
0x656: {  	s21 =	sadd.s32 $0x8, s21;
	v5 =	vand.u32 $0xFFF, v5;
	v6 =	vcvt.s32.f32 v9;
	v0 =	vcvt.f32.s32 v0;
	v8 =	vld [tilespmem:s20+$0x20]  }
0x657: {  	p0 =	slt.u32 s21, $0x1F8;
	v9 =	vld [tilespmem:s22+$0xFFFFFFD0];
	v2 =	vadd.f32 v4, v2;
	v1 =	vsub.f32 v1, v7;
	v3 =	vmul.f32 v3, v3  }
0x658: {  	v5 =	vcvt.s32.f32 v5;
	v7 =	vshrl.u32 v0, $0xC;
	v4 =	vtrunc.f32 v11;
	v11 =	vld [tilespmem:s19+$0x30]  }
0x659: {  	v2 =	vadd.f32 v3, v2;
	v1 =	vmul.f32 v1, v1;
	v3 =	vsub.f32 v10, v6  }
0x65a: {  	v0 =	vand.u32 $0xFFF, v0;
	v4 =	vcvt.f32.s32 v4;
	v6 =	vcvt.s32.f32 v7;
	v7 =	vld [tilespmem:s20+$0x30]  }
0x65b: {  	s19 =	sadd.s32 $0x80, s19;
	v10 =	vld [tilespmem:s22+$0xFFFFFFE0];
	v1 =	vadd.f32 v2, v1;
	v2 =	vsub.f32 v8, v5;
	v3 =	vmul.f32 v3, v3  }
0x65c: {  	v0 =	vcvt.s32.f32 v0;
	v5 =	vshrl.u32 v4, $0xC;
	v8 =	vld [tilespmem:s19+$0xFFFFFFC0];
	v9 =	vtrunc.f32 v9  }
0x65d: {  	s20 =	sadd.s32 $0x80, s20;
	v1 =	vadd.f32 v3, v1;
	v2 =	vmul.f32 v2, v2;
	v3 =	vsub.f32 v11, v6  }
0x65e: {  	v4 =	vand.u32 $0xFFF, v4;
	v5 =	vcvt.s32.f32 v5;
	v9 =	vcvt.f32.s32 v9;
	v6 =	vld [tilespmem:s20+$0xFFFFFFC0]  }
0x65f: {  	v11 =	vld [tilespmem:s22+$0xFFFFFFF0];
	v1 =	vadd.f32 v1, v2;
	v0 =	vsub.f32 v7, v0;
	v2 =	vmul.f32 v3, v3  }
0x660: {  	v3 =	vcvt.s32.f32 v4;
	v4 =	vshrl.u32 v9, $0xC;
	v7 =	vld [tilespmem:s19+$0xFFFFFFD0];
	v10 =	vtrunc.f32 v10  }
0x661: {  	v5 =	vsub.f32 v8, v5;
	v1 =	vadd.f32 v2, v1;
	v0 =	vmul.f32 v0, v0  }
0x662: {  	v4 =	vcvt.s32.f32 v4;
	v2 =	vand.u32 $0xFFF, v9;
	v9 =	vcvt.f32.s32 v10;
	v8 =	vld [tilespmem:s20+$0xFFFFFFD0]  }
0x663: {  	v3 =	vsub.f32 v6, v3;
	v5 =	vmul.f32 v5, v5;
	v6 =	vld [tilespmem:s22+$0x0];
	v0 =	vadd.f32 v1, v0  }
0x664: {  	v1 =	vcvt.s32.f32 v2;
	v2 =	vshrl.u32 v9, $0xC;
	v10 =	vld [tilespmem:s19+$0xFFFFFFE0];
	v11 =	vtrunc.f32 v11  }
0x665: {  	v0 =	vadd.f32 v5, v0;
	v3 =	vmul.f32 v3, v3;
	v4 =	vsub.f32 v7, v4  }
0x666: {  	v2 =	vcvt.s32.f32 v2;
	v5 =	vand.u32 $0xFFF, v9;
	v9 =	vcvt.f32.s32 v11;
	v7 =	vld [tilespmem:s20+$0xFFFFFFE0]  }
0x667: {  	v0 =	vadd.f32 v0, v3;
	v1 =	vsub.f32 v8, v1;
	v3 =	vmul.f32 v4, v4;
	v4 =	vld [tilespmem:s22+$0x10]  }
0x668: {  	v5 =	vcvt.s32.f32 v5;
	v8 =	vshrl.u32 v9, $0xC;
	v11 =	vld [tilespmem:s19+$0xFFFFFFF0];
	v6 =	vtrunc.f32 v6  }
0x669: {  	v0 =	vadd.f32 v3, v0;
	v1 =	vmul.f32 v1, v1;
	v2 =	vsub.f32 v10, v2  }
0x66a: {  	v8 =	vcvt.s32.f32 v8;
	v3 =	vand.u32 $0xFFF, v9;
	v6 =	vcvt.f32.s32 v6;
	v9 =	vld [tilespmem:s20+$0xFFFFFFF0]  }
0x66b: {  	v0 =	vadd.f32 v0, v1;
	v1 =	vsub.f32 v7, v5;
	v2 =	vmul.f32 v2, v2;
	v5 =	vld [tilespmem:s22+$0x20]  }
0x66c: {  	v3 =	vcvt.s32.f32 v3;
	v7 =	vshrl.u32 v6, $0xC;
	v12 =	vld [tilespmem:s19+$0x0];
	v4 =	vtrunc.f32 v4  }
0x66d: {  	v0 =	vadd.f32 v2, v0;
	v1 =	vmul.f32 v1, v1;
	v8 =	vsub.f32 v11, v8  }
.Ltmp14:
0x66e: {  	v6 =	vand.u32 $0xFFF, v6;
	v7 =	vcvt.s32.f32 v7;
	v11 =	vcvt.f32.s32 v4;
	v2 =	vld [tilespmem:s20+$0x0];
	(pc) =	sbr.rel @p0 .LBB2_30-.Ltmp14, $4  }
0x66f: {  	v1 =	vadd.f32 v0, v1;
	v9 =	vsub.f32 v9, v3;
	v8 =	vmul.f32 v8, v8;
	v0 =	vld [tilespmem:s22+$0x30]  }
0x670: {  	v4 =	vcvt.s32.f32 v6;
	v6 =	vshrl.u32 v11, $0xC;
	v3 =	vld [tilespmem:s19+$0x10];
	v5 =	vtrunc.f32 v5  }
0x671: {  	v8 =	vadd.f32 v8, v1;
	v10 =	vmul.f32 v9, v9;
	v9 =	vsub.f32 v12, v7  }
0x672: {  	s22 =	sadd.s32 $0x80, s22;
	v6 =	vcvt.s32.f32 v6;
	v7 =	vand.u32 $0xFFF, v11;
	v5 =	vcvt.f32.s32 v5;
	v1 =	vld [tilespmem:s20+$0x10]  }
0x673: {  	v11 =	vld [tilespmem:s19+$0x20]  }
0x674: {  	v12 =	vld [tilespmem:s20+$0x20];
	v8 =	vadd.f32 v8, v10;
	v9 =	vmul.f32 v9, v9  }
0x675: {  	v10 =	vld [tilespmem:s19+$0x30];
	v2 =	vsub.f32 v2, v4  }
0x676: {  	v4 =	vld [tilespmem:s20+$0x30];
	v7 =	vcvt.s32.f32 v7;
	_ =	swait.ge [sflag:s13], $0x1000;
	v8 =	vadd.f32 v9, v8  }
0x677: {  	[sflag:s13] =	ssyncset.done $0x0;
	v3 =	vsub.f32 v3, v6;
	v6 =	vshrl.u32 v5, $0xC;
	v2 =	vmul.f32 v2, v2  }
0x678: {  	v0 =	vtrunc.f32 v0;
	v5 =	vand.u32 $0xFFF, v5;
	[sflag:s13] =	ssyncadd.s32 $0xFFFFF000;
	v6 =	vcvt.s32.f32 v6  }
0x679: {  	_ =	swait.ge [sflag:s14], $0x1000;
	v2 =	vadd.f32 v8, v2;
	v1 =	vsub.f32 v1, v7;
	v3 =	vmul.f32 v3, v3  }
0x67a: {  	v0 =	vcvt.f32.s32 v0;
	v5 =	vcvt.s32.f32 v5;
	[sflag:s14] =	ssyncset.done $0x0  }
0x67b: {  	s21 =	simm.s32 $0x14040;
	[sflag:s14] =	ssyncadd.s32 $0xFFFFF000;
	v2 =	vadd.f32 v3, v2;
	v1 =	vmul.f32 v1, v1;
	v3 =	vsub.f32 v11, v6  }
0x67c: {  	v6 =	vshrl.u32 v0, $0xC;
	v7 =	vld [tilespmem:s21+$0xFFFFFFC0]  }
0x67d: {  	v1 =	vadd.f32 v2, v1;
	v2 =	vsub.f32 v12, v5;
	v3 =	vmul.f32 v3, v3  }
0x67e: {  	v5 =	vcvt.s32.f32 v6  }
0x67f: {  	v0 =	vand.u32 $0xFFF, v0;
	v1 =	vadd.f32 v3, v1;
	v2 =	vmul.f32 v2, v2  }
0x680: {  	v0 =	vcvt.s32.f32 v0;
	v3 =	vsub.f32 v10, v5;
	v5 =	vld [tilespmem:s21+$0xFFFFFFD0]  }
0x681: {  	s19 =	simm.s32 $0x2040;
	v6 =	vld [tilespmem:s21+$0xFFFFFFE0];
	v1 =	vadd.f32 v1, v2;
	v2 =	vtrunc.f32 v7  }
0x682: {  	v0 =	vsub.f32 v4, v0;
	v4 =	vld [tilespmem:s19+$0xFFFFFFC0];
	v3 =	vmul.f32 v3, v3;
	v2 =	vcvt.f32.s32 v2  }
0x683: {  	s20 =	simm.s32 $0x8040  }
0x684: {  	v0 =	vmul.f32 v0, v0;
	v7 =	vld [tilespmem:s20+$0xFFFFFFC0];
	v1 =	vadd.f32 v3, v1;
	v3 =	vshrl.u32 v2, $0xC  }
0x685: {  	v8 =	vld [tilespmem:s21+$0xFFFFFFF0];
	v5 =	vtrunc.f32 v5;
	v3 =	vcvt.s32.f32 v3  }
0x686: {  	v0 =	vadd.f32 v1, v0;
	v1 =	vand.u32 $0xFFF, v2;
	v2 =	vcvt.f32.s32 v5;
	v5 =	vld [tilespmem:s19+$0xFFFFFFD0]  }
0x687: {  	v6 =	vtrunc.f32 v6;
	v1 =	vcvt.s32.f32 v1;
	v3 =	vsub.f32 v4, v3  }
0x688: {  	v9 =	vld [tilespmem:s20+$0xFFFFFFD0];
	v6 =	vcvt.f32.s32 v6;
	v4 =	vshrl.u32 v2, $0xC;
	v2 =	vand.u32 $0xFFF, v2  }
0x689: {  	v4 =	vcvt.s32.f32 v4;
	v1 =	vsub.f32 v7, v1;
	v7 =	vld [tilespmem:s21+$0x0];
	v3 =	vmul.f32 v3, v3  }
0x68a: {  	v11 =	vld [tilespmem:s19+$0xFFFFFFE0];
	v8 =	vtrunc.f32 v8;
	v10 =	vshrl.u32 v6, $0xC;
	v2 =	vcvt.s32.f32 v2  }
0x68b: {  	v1 =	vmul.f32 v1, v1;
	v0 =	vadd.f32 v3, v0;
	v3 =	vsub.f32 v5, v4  }
0x68c: {  	v8 =	vcvt.f32.s32 v8;
	v4 =	vand.u32 $0xFFF, v6;
	v5 =	vcvt.s32.f32 v10;
	v6 =	vld [tilespmem:s20+$0xFFFFFFE0]  }
0x68d: {  	v10 =	vld [tilespmem:s19+$0xFFFFFFF0];
	v0 =	vadd.f32 v0, v1;
	v1 =	vsub.f32 v9, v2;
	v2 =	vmul.f32 v3, v3  }
0x68e: {  	v4 =	vcvt.s32.f32 v4;
	v3 =	vld [tilespmem:s21+$0x10];
	v9 =	vshrl.u32 v8, $0xC;
	v7 =	vtrunc.f32 v7  }
0x68f: {  	v0 =	vadd.f32 v2, v0;
	v1 =	vmul.f32 v1, v1;
	v2 =	vsub.f32 v11, v5  }
0x690: {  	v7 =	vcvt.f32.s32 v7;
	v5 =	vand.u32 $0xFFF, v8;
	v8 =	vcvt.s32.f32 v9;
	v9 =	vld [tilespmem:s20+$0xFFFFFFF0]  }
0x691: {  	v0 =	vadd.f32 v0, v1;
	v1 =	vsub.f32 v6, v4;
	v2 =	vmul.f32 v2, v2;
	v6 =	vld [tilespmem:s21+$0x20]  }
0x692: {  	v11 =	vld [tilespmem:s19+$0x0];
	v4 =	vcvt.s32.f32 v5;
	v5 =	vshrl.u32 v7, $0xC;
	v8 =	vsub.f32 v10, v8  }
0x693: {  	v3 =	vtrunc.f32 v3;
	v0 =	vadd.f32 v2, v0;
	v1 =	vmul.f32 v1, v1  }
0x694: {  	v7 =	vand.u32 $0xFFF, v7;
	v5 =	vcvt.s32.f32 v5;
	v63 =	vcvt.f32.s32 v3;
	v2 =	vld [tilespmem:s20+$0x0]  }
0x695: {  	v8 =	vmul.f32 v8, v8;
	v9 =	vsub.f32 v9, v4;
	v1 =	vadd.f32 v0, v1;
	v0 =	vld [tilespmem:s21+$0x30]  }
0x696: {  	v3 =	vld [tilespmem:s19+$0x10];
	v4 =	vcvt.s32.f32 v7;
	v13 =	vshrl.u32 v63, $0xC;
	v14 =	vtrunc.f32 v6  }
0x697: {  	v10 =	vmul.f32 v9, v9;
	v7 =	vadd.f32 v8, v1;
	v8 =	vsub.f32 v11, v5  }
0x698: {  	s22 =	simm.s32 $0x140C0;
	s21 =	simm.s32 $0x0;
	v9 =	vand.u32 $0xFFF, v63;
	v6 =	vcvt.s32.f32 v13;
	v1 =	vld [tilespmem:s20+$0x10];
	v5 =	vcvt.f32.s32 v14  }
.LBB2_32:
0x699: {  	v11 =	vld [tilespmem:s22+$0xFFFFFFC0];
	v7 =	vadd.f32 v7, v10;
	v2 =	vsub.f32 v2, v4;
	v4 =	vmul.f32 v8, v8  }
0x69a: {  	v8 =	vcvt.s32.f32 v9;
	v9 =	vshrl.u32 v5, $0xC;
	v10 =	vld [tilespmem:s19+$0x20];
	v0 =	vtrunc.f32 v0  }
0x69b: {  	v4 =	vadd.f32 v4, v7;
	v2 =	vmul.f32 v2, v2;
	v3 =	vsub.f32 v3, v6  }
0x69c: {  	s21 =	sadd.s32 $0x8, s21;
	v5 =	vand.u32 $0xFFF, v5;
	v6 =	vcvt.s32.f32 v9;
	v0 =	vcvt.f32.s32 v0;
	v7 =	vld [tilespmem:s20+$0x20]  }
0x69d: {  	p0 =	slt.u32 s21, $0x1F8;
	v9 =	vld [tilespmem:s22+$0xFFFFFFD0];
	v2 =	vadd.f32 v4, v2;
	v1 =	vsub.f32 v1, v8;
	v3 =	vmul.f32 v3, v3  }
0x69e: {  	v5 =	vcvt.s32.f32 v5;
	v8 =	vshrl.u32 v0, $0xC;
	v4 =	vtrunc.f32 v11;
	v11 =	vld [tilespmem:s19+$0x30]  }
0x69f: {  	v2 =	vadd.f32 v3, v2;
	v1 =	vmul.f32 v1, v1;
	v3 =	vsub.f32 v10, v6  }
0x6a0: {  	v0 =	vand.u32 $0xFFF, v0;
	v4 =	vcvt.f32.s32 v4;
	v6 =	vcvt.s32.f32 v8;
	v8 =	vld [tilespmem:s20+$0x30]  }
0x6a1: {  	s19 =	sadd.s32 $0x80, s19;
	v10 =	vld [tilespmem:s22+$0xFFFFFFE0];
	v1 =	vadd.f32 v2, v1;
	v2 =	vsub.f32 v7, v5;
	v3 =	vmul.f32 v3, v3  }
0x6a2: {  	v0 =	vcvt.s32.f32 v0;
	v5 =	vshrl.u32 v4, $0xC;
	v7 =	vld [tilespmem:s19+$0xFFFFFFC0];
	v9 =	vtrunc.f32 v9  }
0x6a3: {  	s20 =	sadd.s32 $0x80, s20;
	v1 =	vadd.f32 v3, v1;
	v2 =	vmul.f32 v2, v2;
	v3 =	vsub.f32 v11, v6  }
0x6a4: {  	v4 =	vand.u32 $0xFFF, v4;
	v5 =	vcvt.s32.f32 v5;
	v9 =	vcvt.f32.s32 v9;
	v6 =	vld [tilespmem:s20+$0xFFFFFFC0]  }
0x6a5: {  	v11 =	vld [tilespmem:s22+$0xFFFFFFF0];
	v1 =	vadd.f32 v1, v2;
	v0 =	vsub.f32 v8, v0;
	v2 =	vmul.f32 v3, v3  }
0x6a6: {  	v3 =	vcvt.s32.f32 v4;
	v4 =	vshrl.u32 v9, $0xC;
	v8 =	vld [tilespmem:s19+$0xFFFFFFD0];
	v10 =	vtrunc.f32 v10  }
0x6a7: {  	v5 =	vsub.f32 v7, v5;
	v1 =	vadd.f32 v2, v1;
	v0 =	vmul.f32 v0, v0  }
0x6a8: {  	v4 =	vcvt.s32.f32 v4;
	v2 =	vand.u32 $0xFFF, v9;
	v9 =	vcvt.f32.s32 v10;
	v7 =	vld [tilespmem:s20+$0xFFFFFFD0]  }
0x6a9: {  	v3 =	vsub.f32 v6, v3;
	v5 =	vmul.f32 v5, v5;
	v6 =	vld [tilespmem:s22+$0x0];
	v0 =	vadd.f32 v1, v0  }
0x6aa: {  	v1 =	vcvt.s32.f32 v2;
	v2 =	vshrl.u32 v9, $0xC;
	v10 =	vld [tilespmem:s19+$0xFFFFFFE0];
	v11 =	vtrunc.f32 v11  }
0x6ab: {  	v0 =	vadd.f32 v5, v0;
	v3 =	vmul.f32 v3, v3;
	v4 =	vsub.f32 v8, v4  }
0x6ac: {  	v2 =	vcvt.s32.f32 v2;
	v5 =	vand.u32 $0xFFF, v9;
	v9 =	vcvt.f32.s32 v11;
	v8 =	vld [tilespmem:s20+$0xFFFFFFE0]  }
0x6ad: {  	v0 =	vadd.f32 v0, v3;
	v1 =	vsub.f32 v7, v1;
	v3 =	vmul.f32 v4, v4;
	v4 =	vld [tilespmem:s22+$0x10]  }
0x6ae: {  	v5 =	vcvt.s32.f32 v5;
	v7 =	vshrl.u32 v9, $0xC;
	v11 =	vld [tilespmem:s19+$0xFFFFFFF0];
	v6 =	vtrunc.f32 v6  }
0x6af: {  	v0 =	vadd.f32 v3, v0;
	v1 =	vmul.f32 v1, v1;
	v2 =	vsub.f32 v10, v2  }
0x6b0: {  	v7 =	vcvt.s32.f32 v7;
	v3 =	vand.u32 $0xFFF, v9;
	v6 =	vcvt.f32.s32 v6;
	v9 =	vld [tilespmem:s20+$0xFFFFFFF0]  }
0x6b1: {  	v0 =	vadd.f32 v0, v1;
	v1 =	vsub.f32 v8, v5;
	v2 =	vmul.f32 v2, v2;
	v5 =	vld [tilespmem:s22+$0x20]  }
0x6b2: {  	v3 =	vcvt.s32.f32 v3;
	v8 =	vshrl.u32 v6, $0xC;
	v12 =	vld [tilespmem:s19+$0x0];
	v4 =	vtrunc.f32 v4  }
0x6b3: {  	v0 =	vadd.f32 v2, v0;
	v1 =	vmul.f32 v1, v1;
	v7 =	vsub.f32 v11, v7  }
.Ltmp15:
0x6b4: {  	v6 =	vand.u32 $0xFFF, v6;
	v8 =	vcvt.s32.f32 v8;
	v11 =	vcvt.f32.s32 v4;
	v2 =	vld [tilespmem:s20+$0x0];
	(pc) =	sbr.rel @p0 .LBB2_32-.Ltmp15, $4  }
0x6b5: {  	v1 =	vadd.f32 v0, v1;
	v9 =	vsub.f32 v9, v3;
	v7 =	vmul.f32 v7, v7;
	v0 =	vld [tilespmem:s22+$0x30]  }
0x6b6: {  	v4 =	vcvt.s32.f32 v6;
	v6 =	vshrl.u32 v11, $0xC;
	v3 =	vld [tilespmem:s19+$0x10];
	v5 =	vtrunc.f32 v5  }
0x6b7: {  	v7 =	vadd.f32 v7, v1;
	v10 =	vmul.f32 v9, v9;
	v8 =	vsub.f32 v12, v8  }
0x6b8: {  	s22 =	sadd.s32 $0x80, s22;
	v6 =	vcvt.s32.f32 v6;
	v9 =	vand.u32 $0xFFF, v11;
	v5 =	vcvt.f32.s32 v5;
	v1 =	vld [tilespmem:s20+$0x10]  }
0x6b9: {  	v7 =	vadd.f32 v7, v10;
	v2 =	vsub.f32 v2, v4;
	v49 =	vmul.f32 v8, v8  }
0x6ba: {  	v50 =	vcvt.s32.f32 v9;
	v52 =	vld [tilespmem:s19+$0x20];
	v51 =	vshrl.u32 v5, $0xC;
	v0 =	vtrunc.f32 v0  }
0x6bb: {  	v4 =	vadd.f32 v49, v7;
	v2 =	vmul.f32 v2, v2;
	v3 =	vsub.f32 v3, v6  }
0x6bc: {  	v55 =	vld [tilespmem:s20+$0x20];
	v53 =	vand.u32 $0xFFF, v5;
	v54 =	vcvt.s32.f32 v51;
	v0 =	vcvt.f32.s32 v0  }
0x6bd: {  	v2 =	vadd.f32 v4, v2;
	v1 =	vsub.f32 v1, v50;
	v3 =	vmul.f32 v3, v3  }
0x6be: {  	v58 =	vld [tilespmem:s19+$0x30];
	v56 =	vcvt.s32.f32 v53;
	v57 =	vshrl.u32 v0, $0xC  }
0x6bf: {  	v59 =	vsub.f32 v52, v54;
	v2 =	vadd.f32 v3, v2;
	v1 =	vmul.f32 v1, v1  }
0x6c0: {  	v60 =	vld [tilespmem:s20+$0x30];
	v0 =	vand.u32 $0xFFF, v0;
	v5 =	vcvt.s32.f32 v57  }
0x6c1: {  	v61 =	vsub.f32 v55, v56;
	v3 =	vmul.f32 v59, v59;
	v1 =	vadd.f32 v2, v1  }
0x6c2: {  	v0 =	vcvt.s32.f32 v0  }
0x6c3: {  	v62 =	vsub.f32 v58, v5;
	v2 =	vmul.f32 v61, v61;
	v1 =	vadd.f32 v3, v1;
	_ =	sdelay $0x1  }
0x6c4: {  	v0 =	vsub.f32 v60, v0;
	v63 =	vmul.f32 v62, v62;
	v1 =	vadd.f32 v1, v2;
	_ =	sdelay $0x1  }
0x6c5: {  	v0 =	vmul.f32 v0, v0;
	v1 =	vadd.f32 v63, v1;
	_ =	sdelay $0x1  }
0x6c6: {  	v0 =	vadd.f32 v1, v0;
	_ =	sdelay $0x1  }
0x6c7: {  	s21 =	rddreg [dreg:$0x14];
	s22 =	simm.s32 $0x18000;
	[tilespmem:$0x18000] =	vst v0  }
0x6c8: {  	[hbm4b:s21+s3] =	stream.linear.scatter [tilespmem:s22], [sflag:$0xD], $0x80, $0x38;
	[tilespmem:$0x18080] =	vst v63  }
0x6c9: {  	_ =	swait.ge [sflag:s17], $0x80  }
0x6ca: {  	s18 =	sadd.s32 $0x1, s18;
	s23 =	rddreg [dreg:$0x15]  }
0x6cb: {  	p0 =	sne.s32 s18, s23  }
.Ltmp16:
0x6cc: {  	_ = 	snop;
	(pc) =	sbr.rel @p0 .LBB2_1-.Ltmp16, $3  }
0x6cd: {  	_ =	sdelay $0x1  }
0x6ce: {  	[sflag:s17] =	ssyncset.done $0x0  }
0x6cf: {  	[sflag:s17] =	ssyncadd.s32 $0xFFFFFF80  }
0x6d0: {  	_ =	sfence.sel $0x180000  }
0x6d1: {  	[bflag:$0x0] =	sbarrier.arrive $0xFFFF  }
0x6d2: {  	_ =	strace $0x90000047  }
0x6d3: {  	s0 =	stileid.u32;
	[bflag:$0x2] =	sbarrier.arrive $0xFFFF  }
0x6d4: {  	p0 =	sne.s32 s0, $0x0;
	s0 =	rddreg [dreg:$0x3]  }
0x6d5: {  	s0 =	sadd.s32 @!p0 $0x100000, s0  }
0x6d6: {  	[sflag:s0] =	ssyncadd.tile.s32 @!p0 $0x1;
	_ =	shalt  }
.Lfunc_end2:
_tile_overlayer_lowered:
.L_overlay_start_2:
0x6d7: {  	(tag) =	ssettag $0x2  }
0x6d8: {  	s0 =	rddreg [dreg:$0x0];
	s2 =	stileid.u32  }
0x6d9: {  	s1 =	rddreg [dreg:$0x1];
	p0 =	sne.s32 s2, $0x0  }
0x6da: {  	s3 =	rddreg [dreg:$0x2];
	[bflag:$0x3] =	sbarrier.arrive $0xFFFF;
	s2 =	simm.s32 @!p0 $0x1C0D  }
0x6db: {  	[timem:s3], [sflag:s2] =	dma.local @!p0 [hbm:s0], s1  }
0x6dc: {  	s0 =	simm.s32 @!p0 $0xD  }
0x6dd: {  	_ =	swait.ge @!p0 [sflag:s0], s1  }
0x6de: {  	s1 =	ssub.s32 @!p0 $0x0, s1;
	[sflag:s0] =	ssyncset.done @!p0 $0x0  }
0x6df: {  	[sflag:s0] =	ssyncadd.s32 @!p0 s1  }
0x6e0: {  	[bflag:$0x3] =	sbarrier.arrive $0xFFFF  }
0x6e1: {  	_ =	shalt  }

</sc_bundles>
